<compile_context>
chip_gen: v7x
topology: tpu7x:2x2x1
jax: 0.10.2.dev20260603
libtpu: 0.0.44.dev20260713+nightly
codegen_flags: <defaults>
</compile_context>

<pallas_src>
import functools

import jax
import jax.numpy as jnp
from jax import lax
from jax.experimental import pallas as pl
from jax.experimental.pallas import tpu as pltpu
from jax.experimental.pallas import tpu_sc as plsc

B, L = 1024, 200
TOK = B * L
D = 64
NC, NS = 2, 16
NW = NC * NS
TPW = TOK // NW
ROWS_PW = TPW // L
SPLITS = ((0, 128), (128, 72))
NREP = NW


def _project_table(we_table, we_proj_w, we_proj_b):
    V, K = we_table.shape
    Dp = we_proj_w.shape[1]
    BM = 2048

    def mm(x_ref, w_ref, b_ref, o_ref):
        o_ref[...] = (
            jnp.dot(x_ref[...], w_ref[...], preferred_element_type=jnp.float32)
            + b_ref[...]
        )

    return pl.pallas_call(
        mm,
        grid=(pl.cdiv(V, BM),),
        in_specs=[
            pl.BlockSpec((BM, K), lambda i: (i, 0)),
            pl.BlockSpec((K, Dp), lambda i: (0, 0)),
            pl.BlockSpec((1, Dp), lambda i: (0, 0)),
        ],
        out_specs=pl.BlockSpec((BM, Dp), lambda i: (i, 0)),
        out_shape=jax.ShapeDtypeStruct((V, Dp), jnp.float32),
    )(we_table, we_proj_w, we_proj_b.reshape(1, Dp))


def _replicate(flat, n):
    m = flat.shape[0]

    def cp(x_ref, o_ref):
        o_ref[...] = x_ref[...]

    return pl.pallas_call(
        cp,
        grid=(n,),
        in_specs=[pl.BlockSpec((m,), lambda i: (0,))],
        out_specs=pl.BlockSpec((m,), lambda i: (i,)),
        out_shape=jax.ShapeDtypeStruct((n * m,), jnp.float32),
    )(flat)


def _gather_sum(idx_list, proj, rep):
    mesh = plsc.VectorSubcoreMesh(core_axis_name="c", subcore_axis_name="s")

    @functools.partial(
        pl.kernel,
        out_type=jax.ShapeDtypeStruct((B, L, D), jnp.float32),
        mesh=mesh,
        scratch_types=[
            pltpu.VMEM((2, 10, L), jnp.int32),
            pltpu.VMEM((2, L, D), jnp.float32),
            pltpu.SemaphoreType.DMA((2,)),
            pltpu.SemaphoreType.DMA((2,)),
            pltpu.SemaphoreType.DMA((2,)),
        ],
        compiler_params=pltpu.CompilerParams(use_tc_tiling_on_sc=False),
    )
    def sc(i0, i1, i2, i3, i4, i5, i6, i7, i8, i9, proj_hbm, rep_hbm, out_hbm,
           idx_v, acc_v, sem_idx, sem_g, sem_out):
        wid = lax.axis_index("c") * NS + lax.axis_index("s")
        base = wid * TPW
        idx_hbms = (i0, i1, i2, i3, i4, i5, i6, i7, i8, i9)
        my_rep = rep_hbm.at[wid]
        tables = (proj_hbm,) + (my_rep,) * 9

        def fire_idx(r, p):
            off = base + r * L
            for t, ih in enumerate(idx_hbms):
                pltpu.async_copy(ih.at[pl.ds(off, L)],
                                 idx_v.at[p, t], sem_idx.at[p])

        def wait_idx(p):
            for t, ih in enumerate(idx_hbms):
                pltpu.make_async_copy(ih.at[pl.ds(base, L)],
                                      idx_v.at[p, t], sem_idx.at[p]).wait()

        def zero_acc(p):
            z = jnp.zeros((16,), jnp.float32)

            @pl.loop(0, L, unroll=8)
            def _row(i):
                for j in range(D // 16):
                    acc_v[p, i, pl.ds(j * 16, 16)] = z

        def fire_gathers(p):
            for lo, n in SPLITS:
                for t, tab in enumerate(tables):
                    pltpu.async_copy(
                        tab.at[idx_v.at[p, t, pl.ds(lo, n)]],
                        acc_v.at[p, pl.ds(lo, n)],
                        sem_g.at[p], add=True)

        def drain_gathers(p):
            for lo, n in SPLITS:
                for t, tab in enumerate(tables):
                    pltpu.make_async_copy(
                        tab.at[idx_v.at[p, t, pl.ds(lo, n)]],
                        acc_v.at[p, pl.ds(lo, n)],
                        sem_g.at[p]).wait()

        def fire_wb(r, p):
            pltpu.async_copy(acc_v.at[p], out_hbm.at[wid * ROWS_PW + r],
                             sem_out.at[p])

        def drain_wb(p):
            pltpu.make_async_copy(acc_v.at[p], out_hbm.at[wid * ROWS_PW],
                                  sem_out.at[p]).wait()

        fire_idx(0, 0)

        @pl.loop(0, ROWS_PW, step=2)
        def _round(rbase):
            for p in (0, 1):
                r = rbase + p
                q = p ^ 1

                @pl.when(r >= 2)
                def _():
                    drain_wb(p)

                zero_acc(p)
                wait_idx(p)
                fire_gathers(p)

                @pl.when(r >= 1)
                def _():
                    drain_gathers(q)
                    fire_wb(r - 1, q)

                fire_idx(jnp.minimum(r + 1, ROWS_PW - 1), q)

        drain_gathers(1)
        fire_wb(ROWS_PW - 1, 1)
        wait_idx(0)
        drain_wb(0)
        drain_wb(1)

    return sc(*idx_list, proj, rep)


def kernel(input_ids, token_types, n_lower, n_upper, n_alpha, n_spaces,
           n_numeric, n_special, rx_ids, ry_ids,
           we_table, we_proj_w, we_proj_b,
           t_lower, t_upper, t_alpha, t_spaces, t_numeric, t_special,
           t_types, t_rx, t_ry):
    proj = _project_table(we_table, we_proj_w, we_proj_b)
    tt_spread = jnp.tile(t_types, (128, 1))
    stacked = jnp.concatenate(
        [tt_spread.reshape(-1), t_lower.reshape(-1), t_upper.reshape(-1),
         t_alpha.reshape(-1), t_spaces.reshape(-1), t_numeric.reshape(-1),
         t_special.reshape(-1), t_rx.reshape(-1), t_ry.reshape(-1)])
    rep = _replicate(stacked, NREP)
    rep = rep.reshape(NREP, stacked.shape[0] // D, D)
    pos = jnp.arange(TOK, dtype=jnp.int32)
    tt_idx = token_types.reshape(-1).astype(jnp.int32) + 4 * (pos % 128)
    offs = [512, 1512, 2512, 3512, 4512, 5512, 6512, 7512]
    idx_list = (
        [input_ids.reshape(-1).astype(jnp.int32), tt_idx]
        + [(i.reshape(-1) + o).astype(jnp.int32) for i, o in zip(
            [n_lower, n_upper, n_alpha, n_spaces, n_numeric,
             n_special, rx_ids, ry_ids], offs)])
    return _gather_sum(idx_list, proj, rep)

# --- scband reference (transcript-rebuilt; emitter-appended) ---
"""Pipeline reference for scband-node-embedding2-48747878810314 (READ-ONLY COPY).

The authoritative reference and input builder live on the scoring server;
editing this copy changes nothing except your own understanding.
"""

import jax, jax.numpy as jnp
import numpy as np

B, L = 1024, 200
D_EMBED = 64
U_TEXT = 1000
U_DIST = 1000
VOCAB = 64001
WE_DIM = 768


def setup_inputs(seed: int = 0) -> dict:
    key = jax.random.key(seed)
    ks = jax.random.split(key, 24)
    inp = {}
    inp['input_ids'] = jax.random.randint(ks[0], (B, L), 0, VOCAB)
    inp['token_types'] = jax.random.randint(ks[1], (B, L), 0, 4)
    inp['n_lower'] = jax.random.randint(ks[2], (B, L), 0, U_TEXT)
    inp['n_upper'] = jax.random.randint(ks[3], (B, L), 0, U_TEXT)
    inp['n_alpha'] = jax.random.randint(ks[4], (B, L), 0, U_TEXT)
    inp['n_spaces'] = jax.random.randint(ks[5], (B, L), 0, U_TEXT)
    inp['n_numeric'] = jax.random.randint(ks[6], (B, L), 0, U_TEXT)
    inp['n_special'] = jax.random.randint(ks[7], (B, L), 0, U_TEXT)
    inp['rx_ids'] = jax.random.randint(ks[8], (B, L), 0, U_DIST)
    inp['ry_ids'] = jax.random.randint(ks[9], (B, L), 0, U_DIST)
    # learned parameters
    inp['we_table'] = jax.random.normal(ks[10], (VOCAB, WE_DIM), dtype=jnp.float32) * 0.02
    inp['we_proj_w'] = jax.random.normal(ks[11], (WE_DIM, D_EMBED), dtype=jnp.float32) * 0.02
    inp['we_proj_b'] = jnp.zeros((D_EMBED,), dtype=jnp.float32)
    inp['t_lower'] = jax.random.normal(ks[12], (U_TEXT, D_EMBED), dtype=jnp.float32) * 0.02
    inp['t_upper'] = jax.random.normal(ks[13], (U_TEXT, D_EMBED), dtype=jnp.float32) * 0.02
    inp['t_alpha'] = jax.random.normal(ks[14], (U_TEXT, D_EMBED), dtype=jnp.float32) * 0.02
    inp['t_spaces'] = jax.random.normal(ks[15], (U_TEXT, D_EMBED), dtype=jnp.float32) * 0.02
    inp['t_numeric'] = jax.random.normal(ks[16], (U_TEXT, D_EMBED), dtype=jnp.float32) * 0.02
    inp['t_special'] = jax.random.normal(ks[17], (U_TEXT, D_EMBED), dtype=jnp.float32) * 0.02
    inp['t_types'] = jax.random.normal(ks[18], (4, D_EMBED), dtype=jnp.float32) * 0.02
    inp['t_rx'] = jax.random.normal(ks[19], (U_DIST, D_EMBED), dtype=jnp.float32) * 0.02
    inp['t_ry'] = jax.random.normal(ks[20], (U_DIST, D_EMBED), dtype=jnp.float32) * 0.02
    return inp


def reference(input_ids, token_types, n_lower, n_upper, n_alpha, n_spaces,
              n_numeric, n_special, rx_ids, ry_ids,
              we_table, we_proj_w, we_proj_b,
              t_lower, t_upper, t_alpha, t_spaces, t_numeric, t_special,
              t_types, t_rx, t_ry):
    we = jnp.take(we_table, input_ids, axis=0)
    we = we @ we_proj_w + we_proj_b

    def emb(tab, idx, hi):
        return jnp.take(tab, jnp.clip(idx, 0, hi), axis=0)

    out = we
    out = out + emb(t_lower, n_lower, U_TEXT - 1)
    out = out + emb(t_upper, n_upper, U_TEXT - 1)
    out = out + emb(t_alpha, n_alpha, U_TEXT - 1)
    out = out + emb(t_spaces, n_spaces, U_TEXT - 1)
    out = out + emb(t_numeric, n_numeric, U_TEXT - 1)
    out = out + emb(t_special, n_special, U_TEXT - 1)
    out = out + jnp.take(t_types, token_types, axis=0)
    out = out + emb(t_rx, rx_ids, U_DIST - 1)
    out = out + emb(t_ry, ry_ids, U_DIST - 1)
    return out

if __name__ == "__main__":
    import jax
    _d = setup_inputs()
    print(jax.jit(kernel)(*tuple(_d.values())))

</pallas_src>

<mosaic_0001>
#map = affine_map<(d0, d1) -> (0)>
#map1 = affine_map<(d0, d1) -> (0, 0)>
#map2 = affine_map<(d0, d1) -> (0, 0, 0)>
module attributes {stable_mosaic.version = 14 : i64} {
  func.func @sc(%arg0: i32, %arg1: i32, %arg2: memref<204800xi32, #tpu.memory_space<hbm>>, %arg3: memref<204800xi32, #tpu.memory_space<hbm>>, %arg4: memref<204800xi32, #tpu.memory_space<hbm>>, %arg5: memref<204800xi32, #tpu.memory_space<hbm>>, %arg6: memref<204800xi32, #tpu.memory_space<hbm>>, %arg7: memref<204800xi32, #tpu.memory_space<hbm>>, %arg8: memref<204800xi32, #tpu.memory_space<hbm>>, %arg9: memref<204800xi32, #tpu.memory_space<hbm>>, %arg10: memref<204800xi32, #tpu.memory_space<hbm>>, %arg11: memref<204800xi32, #tpu.memory_space<hbm>>, %arg12: memref<64001x64xf32, #tpu.memory_space<hbm>>, %arg13: memref<32x8512x64xf32, #tpu.memory_space<hbm>>, %arg14: memref<1024x200x64xf32, #tpu.memory_space<hbm>>, %arg15: memref<2x10x200xi32, #tpu.memory_space<vmem>>, %arg16: memref<2x200x64xf32, #tpu.memory_space<vmem>>, %arg17: memref<2x!tpu.dma_semaphore, #tpu.memory_space<semaphore_mem>>, %arg18: memref<2x!tpu.dma_semaphore, #tpu.memory_space<semaphore_mem>>, %arg19: memref<2x!tpu.dma_semaphore, #tpu.memory_space<semaphore_mem>>) attributes {dimension_semantics = [#tpu.dimension_semantics<core_parallel>, #tpu.dimension_semantics<subcore_parallel>], iteration_bounds = array<i64: 2, 16>, scalar_prefetch = 0 : i64, scratch_operands = 5 : i64, tpu.core_type = #tpu.core_type<sc_vector_subcore>, window_params = [{transform_indices = #map}, {transform_indices = #map}, {transform_indices = #map}, {transform_indices = #map}, {transform_indices = #map}, {transform_indices = #map}, {transform_indices = #map}, {transform_indices = #map}, {transform_indices = #map}, {transform_indices = #map}, {transform_indices = #map1}, {transform_indices = #map2}, {transform_indices = #map2}]} {
    %mul3A = arith.constant 16 : i32
    %mul3A_0 = arith.muli %arg0, %mul3A : i32
    %add3A = arith.addi %mul3A_0, %arg1 : i32
    %mul3A_1 = arith.constant 6400 : i32
    %mul3A_2 = arith.muli %add3A, %mul3A_1 : i32
    %add3A_3 = arith.constant 0 : i32
    %add3A_4 = arith.addi %mul3A_2, %add3A_3 : i32
    %dma_start3A = arith.constant 0 : i32
    %dma_start3A_5 = arith.constant 0 : i32
    %dma_start3A_6 = arith.constant 0 : i32
    %dma_start3A_7 = arith.constant 0 : i32
    %dma_start3A_8 = tpu.memref_slice %arg15[%dma_start3A, %dma_start3A_5, %dma_start3A_7] : memref<2x10x200xi32, #tpu.memory_space<vmem>> -> memref<1x1x200xi32, #tpu.memory_space<vmem>>
    %dma_start3A_9 = tpu.memref_squeeze %dma_start3A_8 : memref<1x1x200xi32, #tpu.memory_space<vmem>> -> memref<200xi32, #tpu.memory_space<vmem>>
    %dma_start3A_10 = tpu.memref_slice %arg2[%add3A_4] : memref<204800xi32, #tpu.memory_space<hbm>> -> memref<200xi32, #tpu.memory_space<hbm>>
    %dma_start3A_11 = tpu.memref_slice %arg17[%dma_start3A_6] : memref<2x!tpu.dma_semaphore, #tpu.memory_space<semaphore_mem>> -> memref<1x!tpu.dma_semaphore, #tpu.memory_space<semaphore_mem>>
    %dma_start3A_12 = tpu.memref_squeeze %dma_start3A_11 : memref<1x!tpu.dma_semaphore, #tpu.memory_space<semaphore_mem>> -> memref<!tpu.dma_semaphore, #tpu.memory_space<semaphore_mem>>
    %dma_start3A_13 = arith.constant 0 : i32
    %dma_start3A_14 = tpu.memref_slice %arg15[%dma_start3A, %dma_start3A_5, %dma_start3A_13] : memref<2x10x200xi32, #tpu.memory_space<vmem>> -> memref<1x1x200xi32, #tpu.memory_space<vmem>>
    %dma_start3A_15 = tpu.memref_squeeze %dma_start3A_14 : memref<1x1x200xi32, #tpu.memory_space<vmem>> -> memref<200xi32, #tpu.memory_space<vmem>>
    %dma_start3A_16 = tpu.memref_slice %arg2[%add3A_4] : memref<204800xi32, #tpu.memory_space<hbm>> -> memref<200xi32, #tpu.memory_space<hbm>>
    tpu.enqueue_dma source(%dma_start3A_16 : memref<200xi32, #tpu.memory_space<hbm>>) target(%dma_start3A_15 : memref<200xi32, #tpu.memory_space<vmem>>) target_semaphore(%dma_start3A_12 : memref<!tpu.dma_semaphore, #tpu.memory_space<semaphore_mem>>)
    %dma_start3A_17 = arith.constant 0 : i32
    %dma_start3A_18 = arith.constant 1 : i32
    %dma_start3A_19 = arith.constant 0 : i32
    %dma_start3A_20 = arith.constant 0 : i32
    %dma_start3A_21 = tpu.memref_slice %arg15[%dma_start3A_17, %dma_start3A_18, %dma_start3A_20] : memref<2x10x200xi32, #tpu.memory_space<vmem>> -> memref<1x1x200xi32, #tpu.memory_space<vmem>>
    %dma_start3A_22 = tpu.memref_squeeze %dma_start3A_21 : memref<1x1x200xi32, #tpu.memory_space<vmem>> -> memref<200xi32, #tpu.memory_space<vmem>>
    %dma_start3A_23 = tpu.memref_slice %arg3[%add3A_4] : memref<204800xi32, #tpu.memory_space<hbm>> -> memref<200xi32, #tpu.memory_space<hbm>>
    %dma_start3A_24 = tpu.memref_slice %arg17[%dma_start3A_19] : memref<2x!tpu.dma_semaphore, #tpu.memory_space<semaphore_mem>> -> memref<1x!tpu.dma_semaphore, #tpu.memory_space<semaphore_mem>>
    %dma_start3A_25 = tpu.memref_squeeze %dma_start3A_24 : memref<1x!tpu.dma_semaphore, #tpu.memory_space<semaphore_mem>> -> memref<!tpu.dma_semaphore, #tpu.memory_space<semaphore_mem>>
    %dma_start3A_26 = arith.constant 0 : i32
    %dma_start3A_27 = tpu.memref_slice %arg15[%dma_start3A_17, %dma_start3A_18, %dma_start3A_26] : memref<2x10x200xi32, #tpu.memory_space<vmem>> -> memref<1x1x200xi32, #tpu.memory_space<vmem>>
    %dma_start3A_28 = tpu.memref_squeeze %dma_start3A_27 : memref<1x1x200xi32, #tpu.memory_space<vmem>> -> memref<200xi32, #tpu.memory_space<vmem>>
    %dma_start3A_29 = tpu.memref_slice %arg3[%add3A_4] : memref<204800xi32, #tpu.memory_space<hbm>> -> memref<200xi32, #tpu.memory_space<hbm>>
    tpu.enqueue_dma source(%dma_start3A_29 : memref<200xi32, #tpu.memory_space<hbm>>) target(%dma_start3A_28 : memref<200xi32, #tpu.memory_space<vmem>>) target_semaphore(%dma_start3A_25 : memref<!tpu.dma_semaphore, #tpu.memory_space<semaphore_mem>>)
    %dma_start3A_30 = arith.constant 0 : i32
    %dma_start3A_31 = arith.constant 2 : i32
    %dma_start3A_32 = arith.constant 0 : i32
    %dma_start3A_33 = arith.constant 0 : i32
    %dma_start3A_34 = tpu.memref_slice %arg15[%dma_start3A_30, %dma_start3A_31, %dma_start3A_33] : memref<2x10x200xi32, #tpu.memory_space<vmem>> -> memref<1x1x200xi32, #tpu.memory_space<vmem>>
    %dma_start3A_35 = tpu.memref_squeeze %dma_start3A_34 : memref<1x1x200xi32, #tpu.memory_space<vmem>> -> memref<200xi32, #tpu.memory_space<vmem>>
    %dma_start3A_36 = tpu.memref_slice %arg4[%add3A_4] : memref<204800xi32, #tpu.memory_space<hbm>> -> memref<200xi32, #tpu.memory_space<hbm>>
    %dma_start3A_37 = tpu.memref_slice %arg17[%dma_start3A_32] : memref<2x!tpu.dma_semaphore, #tpu.memory_space<semaphore_mem>> -> memref<1x!tpu.dma_semaphore, #tpu.memory_space<semaphore_mem>>
    %dma_start3A_38 = tpu.memref_squeeze %dma_start3A_37 : memref<1x!tpu.dma_semaphore, #tpu.memory_space<semaphore_mem>> -> memref<!tpu.dma_semaphore, #tpu.memory_space<semaphore_mem>>
    %dma_start3A_39 = arith.constant 0 : i32
    %dma_start3A_40 = tpu.memref_slice %arg15[%dma_start3A_30, %dma_start3A_31, %dma_start3A_39] : memref<2x10x200xi32, #tpu.memory_space<vmem>> -> memref<1x1x200xi32, #tpu.memory_space<vmem>>
    %dma_start3A_41 = tpu.memref_squeeze %dma_start3A_40 : memref<1x1x200xi32, #tpu.memory_space<vmem>> -> memref<200xi32, #tpu.memory_space<vmem>>
    %dma_start3A_42 = tpu.memref_slice %arg4[%add3A_4] : memref<204800xi32, #tpu.memory_space<hbm>> -> memref<200xi32, #tpu.memory_space<hbm>>
    tpu.enqueue_dma source(%dma_start3A_42 : memref<200xi32, #tpu.memory_space<hbm>>) target(%dma_start3A_41 : memref<200xi32, #tpu.memory_space<vmem>>) target_semaphore(%dma_start3A_38 : memref<!tpu.dma_semaphore, #tpu.memory_space<semaphore_mem>>)
    %dma_start3A_43 = arith.constant 0 : i32
    %dma_start3A_44 = arith.constant 3 : i32
    %dma_start3A_45 = arith.constant 0 : i32
    %dma_start3A_46 = arith.constant 0 : i32
    %dma_start3A_47 = tpu.memref_slice %arg15[%dma_start3A_43, %dma_start3A_44, %dma_start3A_46] : memref<2x10x200xi32, #tpu.memory_space<vmem>> -> memref<1x1x200xi32, #tpu.memory_space<vmem>>
    %dma_start3A_48 = tpu.memref_squeeze %dma_start3A_47 : memref<1x1x200xi32, #tpu.memory_space<vmem>> -> memref<200xi32, #tpu.memory_space<vmem>>
    %dma_start3A_49 = tpu.memref_slice %arg5[%add3A_4] : memref<204800xi32, #tpu.memory_space<hbm>> -> memref<200xi32, #tpu.memory_space<hbm>>
    %dma_start3A_50 = tpu.memref_slice %arg17[%dma_start3A_45] : memref<2x!tpu.dma_semaphore, #tpu.memory_space<semaphore_mem>> -> memref<1x!tpu.dma_semaphore, #tpu.memory_space<semaphore_mem>>
    %dma_start3A_51 = tpu.memref_squeeze %dma_start3A_50 : memref<1x!tpu.dma_semaphore, #tpu.memory_space<semaphore_mem>> -> memref<!tpu.dma_semaphore, #tpu.memory_space<semaphore_mem>>
    %dma_start3A_52 = arith.constant 0 : i32
    %dma_start3A_53 = tpu.memref_slice %arg15[%dma_start3A_43, %dma_start3A_44, %dma_start3A_52] : memref<2x10x200xi32, #tpu.memory_space<vmem>> -> memref<1x1x200xi32, #tpu.memory_space<vmem>>
    %dma_start3A_54 = tpu.memref_squeeze %dma_start3A_53 : memref<1x1x200xi32, #tpu.memory_space<vmem>> -> memref<200xi32, #tpu.memory_space<vmem>>
    %dma_start3A_55 = tpu.memref_slice %arg5[%add3A_4] : memref<204800xi32, #tpu.memory_space<hbm>> -> memref<200xi32, #tpu.memory_space<hbm>>
    tpu.enqueue_dma source(%dma_start3A_55 : memref<200xi32, #tpu.memory_space<hbm>>) target(%dma_start3A_54 : memref<200xi32, #tpu.memory_space<vmem>>) target_semaphore(%dma_start3A_51 : memref<!tpu.dma_semaphore, #tpu.memory_space<semaphore_mem>>)
    %dma_start3A_56 = arith.constant 0 : i32
    %dma_start3A_57 = arith.constant 4 : i32
    %dma_start3A_58 = arith.constant 0 : i32
    %dma_start3A_59 = arith.constant 0 : i32
    %dma_start3A_60 = tpu.memref_slice %arg15[%dma_start3A_56, %dma_start3A_57, %dma_start3A_59] : memref<2x10x200xi32, #tpu.memory_space<vmem>> -> memref<1x1x200xi32, #tpu.memory_space<vmem>>
    %dma_start3A_61 = tpu.memref_squeeze %dma_start3A_60 : memref<1x1x200xi32, #tpu.memory_space<vmem>> -> memref<200xi32, #tpu.memory_space<vmem>>
    %dma_start3A_62 = tpu.memref_slice %arg6[%add3A_4] : memref<204800xi32, #tpu.memory_space<hbm>> -> memref<200xi32, #tpu.memory_space<hbm>>
    %dma_start3A_63 = tpu.memref_slice %arg17[%dma_start3A_58] : memref<2x!tpu.dma_semaphore, #tpu.memory_space<semaphore_mem>> -> memref<1x!tpu.dma_semaphore, #tpu.memory_space<semaphore_mem>>
    %dma_start3A_64 = tpu.memref_squeeze %dma_start3A_63 : memref<1x!tpu.dma_semaphore, #tpu.memory_space<semaphore_mem>> -> memref<!tpu.dma_semaphore, #tpu.memory_space<semaphore_mem>>
    %dma_start3A_65 = arith.constant 0 : i32
    %dma_start3A_66 = tpu.memref_slice %arg15[%dma_start3A_56, %dma_start3A_57, %dma_start3A_65] : memref<2x10x200xi32, #tpu.memory_space<vmem>> -> memref<1x1x200xi32, #tpu.memory_space<vmem>>
    %dma_start3A_67 = tpu.memref_squeeze %dma_start3A_66 : memref<1x1x200xi32, #tpu.memory_space<vmem>> -> memref<200xi32, #tpu.memory_space<vmem>>
    %dma_start3A_68 = tpu.memref_slice %arg6[%add3A_4] : memref<204800xi32, #tpu.memory_space<hbm>> -> memref<200xi32, #tpu.memory_space<hbm>>
    tpu.enqueue_dma source(%dma_start3A_68 : memref<200xi32, #tpu.memory_space<hbm>>) target(%dma_start3A_67 : memref<200xi32, #tpu.memory_space<vmem>>) target_semaphore(%dma_start3A_64 : memref<!tpu.dma_semaphore, #tpu.memory_space<semaphore_mem>>)
    %dma_start3A_69 = arith.constant 0 : i32
    %dma_start3A_70 = arith.constant 5 : i32
    %dma_start3A_71 = arith.constant 0 : i32
    %dma_start3A_72 = arith.constant 0 : i32
    %dma_start3A_73 = tpu.memref_slice %arg15[%dma_start3A_69, %dma_start3A_70, %dma_start3A_72] : memref<2x10x200xi32, #tpu.memory_space<vmem>> -> memref<1x1x200xi32, #tpu.memory_space<vmem>>
    %dma_start3A_74 = tpu.memref_squeeze %dma_start3A_73 : memref<1x1x200xi32, #tpu.memory_space<vmem>> -> memref<200xi32, #tpu.memory_space<vmem>>
    %dma_start3A_75 = tpu.memref_slice %arg7[%add3A_4] : memref<204800xi32, #tpu.memory_space<hbm>> -> memref<200xi32, #tpu.memory_space<hbm>>
    %dma_start3A_76 = tpu.memref_slice %arg17[%dma_start3A_71] : memref<2x!tpu.dma_semaphore, #tpu.memory_space<semaphore_mem>> -> memref<1x!tpu.dma_semaphore, #tpu.memory_space<semaphore_mem>>
    %dma_start3A_77 = tpu.memref_squeeze %dma_start3A_76 : memref<1x!tpu.dma_semaphore, #tpu.memory_space<semaphore_mem>> -> memref<!tpu.dma_semaphore, #tpu.memory_space<semaphore_mem>>
    %dma_start3A_78 = arith.constant 0 : i32
    %dma_start3A_79 = tpu.memref_slice %arg15[%dma_start3A_69, %dma_start3A_70, %dma_start3A_78] : memref<2x10x200xi32, #tpu.memory_space<vmem>> -> memref<1x1x200xi32, #tpu.memory_space<vmem>>
    %dma_start3A_80 = tpu.memref_squeeze %dma_start3A_79 : memref<1x1x200xi32, #tpu.memory_space<vmem>> -> memref<200xi32, #tpu.memory_space<vmem>>
    %dma_start3A_81 = tpu.memref_slice %arg7[%add3A_4] : memref<204800xi32, #tpu.memory_space<hbm>> -> memref<200xi32, #tpu.memory_space<hbm>>
    tpu.enqueue_dma source(%dma_start3A_81 : memref<200xi32, #tpu.memory_space<hbm>>) target(%dma_start3A_80 : memref<200xi32, #tpu.memory_space<vmem>>) target_semaphore(%dma_start3A_77 : memref<!tpu.dma_semaphore, #tpu.memory_space<semaphore_mem>>)
    %dma_start3A_82 = arith.constant 0 : i32
    %dma_start3A_83 = arith.constant 6 : i32
    %dma_start3A_84 = arith.constant 0 : i32
    %dma_start3A_85 = arith.constant 0 : i32
    %dma_start3A_86 = tpu.memref_slice %arg15[%dma_start3A_82, %dma_start3A_83, %dma_start3A_85] : memref<2x10x200xi32, #tpu.memory_space<vmem>> -> memref<1x1x200xi32, #tpu.memory_space<vmem>>
    %dma_start3A_87 = tpu.memref_squeeze %dma_start3A_86 : memref<1x1x200xi32, #tpu.memory_space<vmem>> -> memref<200xi32, #tpu.memory_space<vmem>>
    %dma_start3A_88 = tpu.memref_slice %arg8[%add3A_4] : memref<204800xi32, #tpu.memory_space<hbm>> -> memref<200xi32, #tpu.memory_space<hbm>>
    %dma_start3A_89 = tpu.memref_slice %arg17[%dma_start3A_84] : memref<2x!tpu.dma_semaphore, #tpu.memory_space<semaphore_mem>> -> memref<1x!tpu.dma_semaphore, #tpu.memory_space<semaphore_mem>>
    %dma_start3A_90 = tpu.memref_squeeze %dma_start3A_89 : memref<1x!tpu.dma_semaphore, #tpu.memory_space<semaphore_mem>> -> memref<!tpu.dma_semaphore, #tpu.memory_space<semaphore_mem>>
    %dma_start3A_91 = arith.constant 0 : i32
    %dma_start3A_92 = tpu.memref_slice %arg15[%dma_start3A_82, %dma_start3A_83, %dma_start3A_91] : memref<2x10x200xi32, #tpu.memory_space<vmem>> -> memref<1x1x200xi32, #tpu.memory_space<vmem>>
    %dma_start3A_93 = tpu.memref_squeeze %dma_start3A_92 : memref<1x1x200xi32, #tpu.memory_space<vmem>> -> memref<200xi32, #tpu.memory_space<vmem>>
    %dma_start3A_94 = tpu.memref_slice %arg8[%add3A_4] : memref<204800xi32, #tpu.memory_space<hbm>> -> memref<200xi32, #tpu.memory_space<hbm>>
    tpu.enqueue_dma source(%dma_start3A_94 : memref<200xi32, #tpu.memory_space<hbm>>) target(%dma_start3A_93 : memref<200xi32, #tpu.memory_space<vmem>>) target_semaphore(%dma_start3A_90 : memref<!tpu.dma_semaphore, #tpu.memory_space<semaphore_mem>>)
    %dma_start3A_95 = arith.constant 0 : i32
    %dma_start3A_96 = arith.constant 7 : i32
    %dma_start3A_97 = arith.constant 0 : i32
    %dma_start3A_98 = arith.constant 0 : i32
    %dma_start3A_99 = tpu.memref_slice %arg15[%dma_start3A_95, %dma_start3A_96, %dma_start3A_98] : memref<2x10x200xi32, #tpu.memory_space<vmem>> -> memref<1x1x200xi32, #tpu.memory_space<vmem>>
    %dma_start3A_100 = tpu.memref_squeeze %dma_start3A_99 : memref<1x1x200xi32, #tpu.memory_space<vmem>> -> memref<200xi32, #tpu.memory_space<vmem>>
    %dma_start3A_101 = tpu.memref_slice %arg9[%add3A_4] : memref<204800xi32, #tpu.memory_space<hbm>> -> memref<200xi32, #tpu.memory_space<hbm>>
    %dma_start3A_102 = tpu.memref_slice %arg17[%dma_start3A_97] : memref<2x!tpu.dma_semaphore, #tpu.memory_space<semaphore_mem>> -> memref<1x!tpu.dma_semaphore, #tpu.memory_space<semaphore_mem>>
    %dma_start3A_103 = tpu.memref_squeeze %dma_start3A_102 : memref<1x!tpu.dma_semaphore, #tpu.memory_space<semaphore_mem>> -> memref<!tpu.dma_semaphore, #tpu.memory_space<semaphore_mem>>
    %dma_start3A_104 = arith.constant 0 : i32
    %dma_start3A_105 = tpu.memref_slice %arg15[%dma_start3A_95, %dma_start3A_96, %dma_start3A_104] : memref<2x10x200xi32, #tpu.memory_space<vmem>> -> memref<1x1x200xi32, #tpu.memory_space<vmem>>
    %dma_start3A_106 = tpu.memref_squeeze %dma_start3A_105 : memref<1x1x200xi32, #tpu.memory_space<vmem>> -> memref<200xi32, #tpu.memory_space<vmem>>
    %dma_start3A_107 = tpu.memref_slice %arg9[%add3A_4] : memref<204800xi32, #tpu.memory_space<hbm>> -> memref<200xi32, #tpu.memory_space<hbm>>
    tpu.enqueue_dma source(%dma_start3A_107 : memref<200xi32, #tpu.memory_space<hbm>>) target(%dma_start3A_106 : memref<200xi32, #tpu.memory_space<vmem>>) target_semaphore(%dma_start3A_103 : memref<!tpu.dma_semaphore, #tpu.memory_space<semaphore_mem>>)
    %dma_start3A_108 = arith.constant 0 : i32
    %dma_start3A_109 = arith.constant 8 : i32
    %dma_start3A_110 = arith.constant 0 : i32
    %dma_start3A_111 = arith.constant 0 : i32
    %dma_start3A_112 = tpu.memref_slice %arg15[%dma_start3A_108, %dma_start3A_109, %dma_start3A_111] : memref<2x10x200xi32, #tpu.memory_space<vmem>> -> memref<1x1x200xi32, #tpu.memory_space<vmem>>
    %dma_start3A_113 = tpu.memref_squeeze %dma_start3A_112 : memref<1x1x200xi32, #tpu.memory_space<vmem>> -> memref<200xi32, #tpu.memory_space<vmem>>
    %dma_start3A_114 = tpu.memref_slice %arg10[%add3A_4] : memref<204800xi32, #tpu.memory_space<hbm>> -> memref<200xi32, #tpu.memory_space<hbm>>
    %dma_start3A_115 = tpu.memref_slice %arg17[%dma_start3A_110] : memref<2x!tpu.dma_semaphore, #tpu.memory_space<semaphore_mem>> -> memref<1x!tpu.dma_semaphore, #tpu.memory_space<semaphore_mem>>
    %dma_start3A_116 = tpu.memref_squeeze %dma_start3A_115 : memref<1x!tpu.dma_semaphore, #tpu.memory_space<semaphore_mem>> -> memref<!tpu.dma_semaphore, #tpu.memory_space<semaphore_mem>>
    %dma_start3A_117 = arith.constant 0 : i32
    %dma_start3A_118 = tpu.memref_slice %arg15[%dma_start3A_108, %dma_start3A_109, %dma_start3A_117] : memref<2x10x200xi32, #tpu.memory_space<vmem>> -> memref<1x1x200xi32, #tpu.memory_space<vmem>>
    %dma_start3A_119 = tpu.memref_squeeze %dma_start3A_118 : memref<1x1x200xi32, #tpu.memory_space<vmem>> -> memref<200xi32, #tpu.memory_space<vmem>>
    %dma_start3A_120 = tpu.memref_slice %arg10[%add3A_4] : memref<204800xi32, #tpu.memory_space<hbm>> -> memref<200xi32, #tpu.memory_space<hbm>>
    tpu.enqueue_dma source(%dma_start3A_120 : memref<200xi32, #tpu.memory_space<hbm>>) target(%dma_start3A_119 : memref<200xi32, #tpu.memory_space<vmem>>) target_semaphore(%dma_start3A_116 : memref<!tpu.dma_semaphore, #tpu.memory_space<semaphore_mem>>)
    %dma_start3A_121 = arith.constant 0 : i32
    %dma_start3A_122 = arith.constant 9 : i32
    %dma_start3A_123 = arith.constant 0 : i32
    %dma_start3A_124 = arith.constant 0 : i32
    %dma_start3A_125 = tpu.memref_slice %arg15[%dma_start3A_121, %dma_start3A_122, %dma_start3A_124] : memref<2x10x200xi32, #tpu.memory_space<vmem>> -> memref<1x1x200xi32, #tpu.memory_space<vmem>>
    %dma_start3A_126 = tpu.memref_squeeze %dma_start3A_125 : memref<1x1x200xi32, #tpu.memory_space<vmem>> -> memref<200xi32, #tpu.memory_space<vmem>>
    %dma_start3A_127 = tpu.memref_slice %arg11[%add3A_4] : memref<204800xi32, #tpu.memory_space<hbm>> -> memref<200xi32, #tpu.memory_space<hbm>>
    %dma_start3A_128 = tpu.memref_slice %arg17[%dma_start3A_123] : memref<2x!tpu.dma_semaphore, #tpu.memory_space<semaphore_mem>> -> memref<1x!tpu.dma_semaphore, #tpu.memory_space<semaphore_mem>>
    %dma_start3A_129 = tpu.memref_squeeze %dma_start3A_128 : memref<1x!tpu.dma_semaphore, #tpu.memory_space<semaphore_mem>> -> memref<!tpu.dma_semaphore, #tpu.memory_space<semaphore_mem>>
    %dma_start3A_130 = arith.constant 0 : i32
    %dma_start3A_131 = tpu.memref_slice %arg15[%dma_start3A_121, %dma_start3A_122, %dma_start3A_130] : memref<2x10x200xi32, #tpu.memory_space<vmem>> -> memref<1x1x200xi32, #tpu.memory_space<vmem>>
    %dma_start3A_132 = tpu.memref_squeeze %dma_start3A_131 : memref<1x1x200xi32, #tpu.memory_space<vmem>> -> memref<200xi32, #tpu.memory_space<vmem>>
    %dma_start3A_133 = tpu.memref_slice %arg11[%add3A_4] : memref<204800xi32, #tpu.memory_space<hbm>> -> memref<200xi32, #tpu.memory_space<hbm>>
    tpu.enqueue_dma source(%dma_start3A_133 : memref<200xi32, #tpu.memory_space<hbm>>) target(%dma_start3A_132 : memref<200xi32, #tpu.memory_space<vmem>>) target_semaphore(%dma_start3A_129 : memref<!tpu.dma_semaphore, #tpu.memory_space<semaphore_mem>>)
    %scan3A = arith.constant 0 : i32
    %scan3A_134 = arith.constant 16 : i32
    %scan3A_135 = arith.addi %scan3A, %scan3A_134 : i32
    %scan3A_136 = arith.constant 1 : i32
    scf.for %scan3A_727 = %scan3A to %scan3A_135 step %scan3A_136  : i32 {
      %mul3A_728 = arith.constant 2 : i32
      %mul3A_729 = arith.muli %scan3A_727, %mul3A_728 : i32
      %add3A_730 = arith.constant 0 : i32
      %add3A_731 = arith.addi %add3A_730, %mul3A_729 : i32
      %add3A_732 = arith.constant 0 : i32
      %add3A_733 = arith.addi %add3A_731, %add3A_732 : i32
      %ge3A = arith.constant 2 : i32
      %ge3A_734 = arith.cmpi sge, %add3A_733, %ge3A : i32
      %convert_element_type3A = arith.extui %ge3A_734 : i1 to i32
      %cond3A = arith.constant 0 : i32
      %cond3A_735 = arith.cmpi ne, %convert_element_type3A, %cond3A : i32
      scf.if %cond3A_735 {
        %mul3A_2083 = arith.constant 32 : i32
        %mul3A_2084 = arith.muli %add3A, %mul3A_2083 : i32
        %dma_wait3A_2085 = arith.constant 0 : i32
        %dma_wait3A_2086 = arith.constant 0 : i32
        %dma_wait3A_2087 = arith.constant 0 : i32
        %dma_wait3A_2088 = arith.constant 0 : i32
        %dma_wait3A_2089 = tpu.memref_slice %arg16[%dma_wait3A_2085, %dma_wait3A_2087, %dma_wait3A_2088] : memref<2x200x64xf32, #tpu.memory_space<vmem>> -> memref<1x200x64xf32, #tpu.memory_space<vmem>>
        %dma_wait3A_2090 = tpu.memref_squeeze %dma_wait3A_2089 : memref<1x200x64xf32, #tpu.memory_space<vmem>> -> memref<200x64xf32, #tpu.memory_space<vmem>>
        %dma_wait3A_2091 = arith.constant 0 : i32
        %dma_wait3A_2092 = arith.constant 0 : i32
        %dma_wait3A_2093 = tpu.memref_slice %arg14[%mul3A_2084, %dma_wait3A_2091, %dma_wait3A_2092] : memref<1024x200x64xf32, #tpu.memory_space<hbm>> -> memref<1x200x64xf32, #tpu.memory_space<hbm>>
        %dma_wait3A_2094 = tpu.memref_squeeze %dma_wait3A_2093 : memref<1x200x64xf32, #tpu.memory_space<hbm>> -> memref<200x64xf32, #tpu.memory_space<hbm>>
        %dma_wait3A_2095 = tpu.memref_slice %arg19[%dma_wait3A_2086] : memref<2x!tpu.dma_semaphore, #tpu.memory_space<semaphore_mem>> -> memref<1x!tpu.dma_semaphore, #tpu.memory_space<semaphore_mem>>
        %dma_wait3A_2096 = tpu.memref_squeeze %dma_wait3A_2095 : memref<1x!tpu.dma_semaphore, #tpu.memory_space<semaphore_mem>> -> memref<!tpu.dma_semaphore, #tpu.memory_space<semaphore_mem>>
        %dma_wait3A_2097 = arith.constant 0 : i32
        %dma_wait3A_2098 = arith.constant 0 : i32
        %dma_wait3A_2099 = tpu.memref_slice %arg14[%mul3A_2084, %dma_wait3A_2097, %dma_wait3A_2098] : memref<1024x200x64xf32, #tpu.memory_space<hbm>> -> memref<1x200x64xf32, #tpu.memory_space<hbm>>
        %dma_wait3A_2100 = tpu.memref_squeeze %dma_wait3A_2099 : memref<1x200x64xf32, #tpu.memory_space<hbm>> -> memref<200x64xf32, #tpu.memory_space<hbm>>
        %dma_wait3A_2101 = arith.constant 0 : i32
        %dma_wait3A_2102 = arith.constant 0 : i32
        %dma_wait3A_2103 = tpu.memref_slice %arg16[%dma_wait3A_2085, %dma_wait3A_2101, %dma_wait3A_2102] : memref<2x200x64xf32, #tpu.memory_space<vmem>> -> memref<1x200x64xf32, #tpu.memory_space<vmem>>
        %dma_wait3A_2104 = tpu.memref_squeeze %dma_wait3A_2103 : memref<1x200x64xf32, #tpu.memory_space<vmem>> -> memref<200x64xf32, #tpu.memory_space<vmem>>
        tpu.wait_dma2 semaphore(%dma_wait3A_2096 : memref<!tpu.dma_semaphore, #tpu.memory_space<semaphore_mem>>) src(%dma_wait3A_2104 : memref<200x64xf32, #tpu.memory_space<vmem>>) dst(%dma_wait3A_2100 : memref<200x64xf32, #tpu.memory_space<hbm>>)
      } else {
      }
      %broadcast_in_dim3A = arith.constant 0.000000e+00 : f32
      %broadcast_in_dim3A_736 = vector.broadcast %broadcast_in_dim3A : f32 to vector<16xf32>
      %scan3A_737 = arith.constant 0 : i32
      %scan3A_738 = arith.constant 200 : i32
      %scan3A_739 = arith.addi %scan3A_737, %scan3A_738 : i32
      %scan3A_740 = arith.constant 8 : i32
      scf.for %scan3A_2083 = %scan3A_737 to %scan3A_739 step %scan3A_740  : i32 {
        %mul3A_2084 = arith.constant 1 : i32
        %mul3A_2085 = arith.muli %scan3A_2083, %mul3A_2084 : i32
        %add3A_2086 = arith.constant 0 : i32
        %add3A_2087 = arith.addi %add3A_2086, %mul3A_2085 : i32
        %swap3A = arith.constant 0 : i32
        %swap3A_2088 = arith.index_cast %swap3A : i32 to index
        %swap3A_2089 = arith.index_cast %add3A_2087 : i32 to index
        %swap3A_2090 = arith.constant 0 : index
        %swap3A_2091 = tpu.vector_load %arg16[%swap3A_2088, %swap3A_2089, %swap3A_2090] {strides = array<i32>} : memref<2x200x64xf32, #tpu.memory_space<vmem>>, vector<1x1x16xf32>,
        %swap3A_2092 = vector.shape_cast %swap3A_2091 : vector<1x1x16xf32> to vector<16xf32>
        %swap3A_2093 = vector.shape_cast %broadcast_in_dim3A_736 : vector<16xf32> to vector<1x1x16xf32>
        tpu.vector_store %arg16[%swap3A_2088, %swap3A_2089, %swap3A_2090], %swap3A_2093 {strides = array<i32>} : memref<2x200x64xf32, #tpu.memory_space<vmem>>, vector<1x1x16xf32>,
        %swap3A_2094 = arith.constant 0 : i32
        %swap3A_2095 = arith.index_cast %swap3A_2094 : i32 to index
        %swap3A_2096 = arith.index_cast %add3A_2087 : i32 to index
        %swap3A_2097 = arith.constant 16 : index
        %swap3A_2098 = tpu.vector_load %arg16[%swap3A_2095, %swap3A_2096, %swap3A_2097] {strides = array<i32>} : memref<2x200x64xf32, #tpu.memory_space<vmem>>, vector<1x1x16xf32>,
        %swap3A_2099 = vector.shape_cast %swap3A_2098 : vector<1x1x16xf32> to vector<16xf32>
        %swap3A_2100 = vector.shape_cast %broadcast_in_dim3A_736 : vector<16xf32> to vector<1x1x16xf32>
        tpu.vector_store %arg16[%swap3A_2095, %swap3A_2096, %swap3A_2097], %swap3A_2100 {strides = array<i32>} : memref<2x200x64xf32, #tpu.memory_space<vmem>>, vector<1x1x16xf32>,
        %swap3A_2101 = arith.constant 0 : i32
        %swap3A_2102 = arith.index_cast %swap3A_2101 : i32 to index
        %swap3A_2103 = arith.index_cast %add3A_2087 : i32 to index
        %swap3A_2104 = arith.constant 32 : index
        %swap3A_2105 = tpu.vector_load %arg16[%swap3A_2102, %swap3A_2103, %swap3A_2104] {strides = array<i32>} : memref<2x200x64xf32, #tpu.memory_space<vmem>>, vector<1x1x16xf32>,
        %swap3A_2106 = vector.shape_cast %swap3A_2105 : vector<1x1x16xf32> to vector<16xf32>
        %swap3A_2107 = vector.shape_cast %broadcast_in_dim3A_736 : vector<16xf32> to vector<1x1x16xf32>
        tpu.vector_store %arg16[%swap3A_2102, %swap3A_2103, %swap3A_2104], %swap3A_2107 {strides = array<i32>} : memref<2x200x64xf32, #tpu.memory_space<vmem>>, vector<1x1x16xf32>,
        %swap3A_2108 = arith.constant 0 : i32
        %swap3A_2109 = arith.index_cast %swap3A_2108 : i32 to index
        %swap3A_2110 = arith.index_cast %add3A_2087 : i32 to index
        %swap3A_2111 = arith.constant 48 : index
        %swap3A_2112 = tpu.vector_load %arg16[%swap3A_2109, %swap3A_2110, %swap3A_2111] {strides = array<i32>} : memref<2x200x64xf32, #tpu.memory_space<vmem>>, vector<1x1x16xf32>,
        %swap3A_2113 = vector.shape_cast %swap3A_2112 : vector<1x1x16xf32> to vector<16xf32>
        %swap3A_2114 = vector.shape_cast %broadcast_in_dim3A_736 : vector<16xf32> to vector<1x1x16xf32>
        tpu.vector_store %arg16[%swap3A_2109, %swap3A_2110, %swap3A_2111], %swap3A_2114 {strides = array<i32>} : memref<2x200x64xf32, #tpu.memory_space<vmem>>, vector<1x1x16xf32>,
        %scan3A_2115 = arith.constant 1 : i32
        %scan3A_2116 = arith.addi %scan3A_2083, %scan3A_2115 : i32
        %mul3A_2117 = arith.constant 1 : i32
        %mul3A_2118 = arith.muli %scan3A_2116, %mul3A_2117 : i32
        %add3A_2119 = arith.constant 0 : i32
        %add3A_2120 = arith.addi %add3A_2119, %mul3A_2118 : i32
        %swap3A_2121 = arith.constant 0 : i32
        %swap3A_2122 = arith.index_cast %swap3A_2121 : i32 to index
        %swap3A_2123 = arith.index_cast %add3A_2120 : i32 to index
        %swap3A_2124 = arith.constant 0 : index
        %swap3A_2125 = tpu.vector_load %arg16[%swap3A_2122, %swap3A_2123, %swap3A_2124] {strides = array<i32>} : memref<2x200x64xf32, #tpu.memory_space<vmem>>, vector<1x1x16xf32>,
        %swap3A_2126 = vector.shape_cast %swap3A_2125 : vector<1x1x16xf32> to vector<16xf32>
        %swap3A_2127 = vector.shape_cast %broadcast_in_dim3A_736 : vector<16xf32> to vector<1x1x16xf32>
        tpu.vector_store %arg16[%swap3A_2122, %swap3A_2123, %swap3A_2124], %swap3A_2127 {strides = array<i32>} : memref<2x200x64xf32, #tpu.memory_space<vmem>>, vector<1x1x16xf32>,
        %swap3A_2128 = arith.constant 0 : i32
        %swap3A_2129 = arith.index_cast %swap3A_2128 : i32 to index
        %swap3A_2130 = arith.index_cast %add3A_2120 : i32 to index
        %swap3A_2131 = arith.constant 16 : index
        %swap3A_2132 = tpu.vector_load %arg16[%swap3A_2129, %swap3A_2130, %swap3A_2131] {strides = array<i32>} : memref<2x200x64xf32, #tpu.memory_space<vmem>>, vector<1x1x16xf32>,
        %swap3A_2133 = vector.shape_cast %swap3A_2132 : vector<1x1x16xf32> to vector<16xf32>
        %swap3A_2134 = vector.shape_cast %broadcast_in_dim3A_736 : vector<16xf32> to vector<1x1x16xf32>
        tpu.vector_store %arg16[%swap3A_2129, %swap3A_2130, %swap3A_2131], %swap3A_2134 {strides = array<i32>} : memref<2x200x64xf32, #tpu.memory_space<vmem>>, vector<1x1x16xf32>,
        %swap3A_2135 = arith.constant 0 : i32
        %swap3A_2136 = arith.index_cast %swap3A_2135 : i32 to index
        %swap3A_2137 = arith.index_cast %add3A_2120 : i32 to index
        %swap3A_2138 = arith.constant 32 : index
        %swap3A_2139 = tpu.vector_load %arg16[%swap3A_2136, %swap3A_2137, %swap3A_2138] {strides = array<i32>} : memref<2x200x64xf32, #tpu.memory_space<vmem>>, vector<1x1x16xf32>,
        %swap3A_2140 = vector.shape_cast %swap3A_2139 : vector<1x1x16xf32> to vector<16xf32>
        %swap3A_2141 = vector.shape_cast %broadcast_in_dim3A_736 : vector<16xf32> to vector<1x1x16xf32>
        tpu.vector_store %arg16[%swap3A_2136, %swap3A_2137, %swap3A_2138], %swap3A_2141 {strides = array<i32>} : memref<2x200x64xf32, #tpu.memory_space<vmem>>, vector<1x1x16xf32>,
        %swap3A_2142 = arith.constant 0 : i32
        %swap3A_2143 = arith.index_cast %swap3A_2142 : i32 to index
        %swap3A_2144 = arith.index_cast %add3A_2120 : i32 to index
        %swap3A_2145 = arith.constant 48 : index
        %swap3A_2146 = tpu.vector_load %arg16[%swap3A_2143, %swap3A_2144, %swap3A_2145] {strides = array<i32>} : memref<2x200x64xf32, #tpu.memory_space<vmem>>, vector<1x1x16xf32>,
        %swap3A_2147 = vector.shape_cast %swap3A_2146 : vector<1x1x16xf32> to vector<16xf32>
        %swap3A_2148 = vector.shape_cast %broadcast_in_dim3A_736 : vector<16xf32> to vector<1x1x16xf32>
        tpu.vector_store %arg16[%swap3A_2143, %swap3A_2144, %swap3A_2145], %swap3A_2148 {strides = array<i32>} : memref<2x200x64xf32, #tpu.memory_space<vmem>>, vector<1x1x16xf32>,
        %scan3A_2149 = arith.constant 2 : i32
        %scan3A_2150 = arith.addi %scan3A_2083, %scan3A_2149 : i32
        %mul3A_2151 = arith.constant 1 : i32
        %mul3A_2152 = arith.muli %scan3A_2150, %mul3A_2151 : i32
        %add3A_2153 = arith.constant 0 : i32
        %add3A_2154 = arith.addi %add3A_2153, %mul3A_2152 : i32
        %swap3A_2155 = arith.constant 0 : i32
        %swap3A_2156 = arith.index_cast %swap3A_2155 : i32 to index
        %swap3A_2157 = arith.index_cast %add3A_2154 : i32 to index
        %swap3A_2158 = arith.constant 0 : index
        %swap3A_2159 = tpu.vector_load %arg16[%swap3A_2156, %swap3A_2157, %swap3A_2158] {strides = array<i32>} : memref<2x200x64xf32, #tpu.memory_space<vmem>>, vector<1x1x16xf32>,
        %swap3A_2160 = vector.shape_cast %swap3A_2159 : vector<1x1x16xf32> to vector<16xf32>
        %swap3A_2161 = vector.shape_cast %broadcast_in_dim3A_736 : vector<16xf32> to vector<1x1x16xf32>
        tpu.vector_store %arg16[%swap3A_2156, %swap3A_2157, %swap3A_2158], %swap3A_2161 {strides = array<i32>} : memref<2x200x64xf32, #tpu.memory_space<vmem>>, vector<1x1x16xf32>,
        %swap3A_2162 = arith.constant 0 : i32
        %swap3A_2163 = arith.index_cast %swap3A_2162 : i32 to index
        %swap3A_2164 = arith.index_cast %add3A_2154 : i32 to index
        %swap3A_2165 = arith.constant 16 : index
        %swap3A_2166 = tpu.vector_load %arg16[%swap3A_2163, %swap3A_2164, %swap3A_2165] {strides = array<i32>} : memref<2x200x64xf32, #tpu.memory_space<vmem>>, vector<1x1x16xf32>,
        %swap3A_2167 = vector.shape_cast %swap3A_2166 : vector<1x1x16xf32> to vector<16xf32>
        %swap3A_2168 = vector.shape_cast %broadcast_in_dim3A_736 : vector<16xf32> to vector<1x1x16xf32>
        tpu.vector_store %arg16[%swap3A_2163, %swap3A_2164, %swap3A_2165], %swap3A_2168 {strides = array<i32>} : memref<2x200x64xf32, #tpu.memory_space<vmem>>, vector<1x1x16xf32>,
        %swap3A_2169 = arith.constant 0 : i32
        %swap3A_2170 = arith.index_cast %swap3A_2169 : i32 to index
        %swap3A_2171 = arith.index_cast %add3A_2154 : i32 to index
        %swap3A_2172 = arith.constant 32 : index
        %swap3A_2173 = tpu.vector_load %arg16[%swap3A_2170, %swap3A_2171, %swap3A_2172] {strides = array<i32>} : memref<2x200x64xf32, #tpu.memory_space<vmem>>, vector<1x1x16xf32>,
        %swap3A_2174 = vector.shape_cast %swap3A_2173 : vector<1x1x16xf32> to vector<16xf32>
        %swap3A_2175 = vector.shape_cast %broadcast_in_dim3A_736 : vector<16xf32> to vector<1x1x16xf32>
        tpu.vector_store %arg16[%swap3A_2170, %swap3A_2171, %swap3A_2172], %swap3A_2175 {strides = array<i32>} : memref<2x200x64xf32, #tpu.memory_space<vmem>>, vector<1x1x16xf32>,
        %swap3A_2176 = arith.constant 0 : i32
        %swap3A_2177 = arith.index_cast %swap3A_2176 : i32 to index
        %swap3A_2178 = arith.index_cast %add3A_2154 : i32 to index
        %swap3A_2179 = arith.constant 48 : index
        %swap3A_2180 = tpu.vector_load %arg16[%swap3A_2177, %swap3A_2178, %swap3A_2179] {strides = array<i32>} : memref<2x200x64xf32, #tpu.memory_space<vmem>>, vector<1x1x16xf32>,
        %swap3A_2181 = vector.shape_cast %swap3A_2180 : vector<1x1x16xf32> to vector<16xf32>
        %swap3A_2182 = vector.shape_cast %broadcast_in_dim3A_736 : vector<16xf32> to vector<1x1x16xf32>
        tpu.vector_store %arg16[%swap3A_2177, %swap3A_2178, %swap3A_2179], %swap3A_2182 {strides = array<i32>} : memref<2x200x64xf32, #tpu.memory_space<vmem>>, vector<1x1x16xf32>,
        %scan3A_2183 = arith.constant 3 : i32
        %scan3A_2184 = arith.addi %scan3A_2083, %scan3A_2183 : i32
        %mul3A_2185 = arith.constant 1 : i32
        %mul3A_2186 = arith.muli %scan3A_2184, %mul3A_2185 : i32
        %add3A_2187 = arith.constant 0 : i32
        %add3A_2188 = arith.addi %add3A_2187, %mul3A_2186 : i32
        %swap3A_2189 = arith.constant 0 : i32
        %swap3A_2190 = arith.index_cast %swap3A_2189 : i32 to index
        %swap3A_2191 = arith.index_cast %add3A_2188 : i32 to index
        %swap3A_2192 = arith.constant 0 : index
        %swap3A_2193 = tpu.vector_load %arg16[%swap3A_2190, %swap3A_2191, %swap3A_2192] {strides = array<i32>} : memref<2x200x64xf32, #tpu.memory_space<vmem>>, vector<1x1x16xf32>,
        %swap3A_2194 = vector.shape_cast %swap3A_2193 : vector<1x1x16xf32> to vector<16xf32>
        %swap3A_2195 = vector.shape_cast %broadcast_in_dim3A_736 : vector<16xf32> to vector<1x1x16xf32>
        tpu.vector_store %arg16[%swap3A_2190, %swap3A_2191, %swap3A_2192], %swap3A_2195 {strides = array<i32>} : memref<2x200x64xf32, #tpu.memory_space<vmem>>, vector<1x1x16xf32>,
        %swap3A_2196 = arith.constant 0 : i32
        %swap3A_2197 = arith.index_cast %swap3A_2196 : i32 to index
        %swap3A_2198 = arith.index_cast %add3A_2188 : i32 to index
        %swap3A_2199 = arith.constant 16 : index
        %swap3A_2200 = tpu.vector_load %arg16[%swap3A_2197, %swap3A_2198, %swap3A_2199] {strides = array<i32>} : memref<2x200x64xf32, #tpu.memory_space<vmem>>, vector<1x1x16xf32>,
        %swap3A_2201 = vector.shape_cast %swap3A_2200 : vector<1x1x16xf32> to vector<16xf32>
        %swap3A_2202 = vector.shape_cast %broadcast_in_dim3A_736 : vector<16xf32> to vector<1x1x16xf32>
        tpu.vector_store %arg16[%swap3A_2197, %swap3A_2198, %swap3A_2199], %swap3A_2202 {strides = array<i32>} : memref<2x200x64xf32, #tpu.memory_space<vmem>>, vector<1x1x16xf32>,
        %swap3A_2203 = arith.constant 0 : i32
        %swap3A_2204 = arith.index_cast %swap3A_2203 : i32 to index
        %swap3A_2205 = arith.index_cast %add3A_2188 : i32 to index
        %swap3A_2206 = arith.constant 32 : index
        %swap3A_2207 = tpu.vector_load %arg16[%swap3A_2204, %swap3A_2205, %swap3A_2206] {strides = array<i32>} : memref<2x200x64xf32, #tpu.memory_space<vmem>>, vector<1x1x16xf32>,
        %swap3A_2208 = vector.shape_cast %swap3A_2207 : vector<1x1x16xf32> to vector<16xf32>
        %swap3A_2209 = vector.shape_cast %broadcast_in_dim3A_736 : vector<16xf32> to vector<1x1x16xf32>
        tpu.vector_store %arg16[%swap3A_2204, %swap3A_2205, %swap3A_2206], %swap3A_2209 {strides = array<i32>} : memref<2x200x64xf32, #tpu.memory_space<vmem>>, vector<1x1x16xf32>,
        %swap3A_2210 = arith.constant 0 : i32
        %swap3A_2211 = arith.index_cast %swap3A_2210 : i32 to index
        %swap3A_2212 = arith.index_cast %add3A_2188 : i32 to index
        %swap3A_2213 = arith.constant 48 : index
        %swap3A_2214 = tpu.vector_load %arg16[%swap3A_2211, %swap3A_2212, %swap3A_2213] {strides = array<i32>} : memref<2x200x64xf32, #tpu.memory_space<vmem>>, vector<1x1x16xf32>,
        %swap3A_2215 = vector.shape_cast %swap3A_2214 : vector<1x1x16xf32> to vector<16xf32>
        %swap3A_2216 = vector.shape_cast %broadcast_in_dim3A_736 : vector<16xf32> to vector<1x1x16xf32>
        tpu.vector_store %arg16[%swap3A_2211, %swap3A_2212, %swap3A_2213], %swap3A_2216 {strides = array<i32>} : memref<2x200x64xf32, #tpu.memory_space<vmem>>, vector<1x1x16xf32>,
        %scan3A_2217 = arith.constant 4 : i32
        %scan3A_2218 = arith.addi %scan3A_2083, %scan3A_2217 : i32
        %mul3A_2219 = arith.constant 1 : i32
        %mul3A_2220 = arith.muli %scan3A_2218, %mul3A_2219 : i32
        %add3A_2221 = arith.constant 0 : i32
        %add3A_2222 = arith.addi %add3A_2221, %mul3A_2220 : i32
        %swap3A_2223 = arith.constant 0 : i32
        %swap3A_2224 = arith.index_cast %swap3A_2223 : i32 to index
        %swap3A_2225 = arith.index_cast %add3A_2222 : i32 to index
        %swap3A_2226 = arith.constant 0 : index
        %swap3A_2227 = tpu.vector_load %arg16[%swap3A_2224, %swap3A_2225, %swap3A_2226] {strides = array<i32>} : memref<2x200x64xf32, #tpu.memory_space<vmem>>, vector<1x1x16xf32>,
        %swap3A_2228 = vector.shape_cast %swap3A_2227 : vector<1x1x16xf32> to vector<16xf32>
        %swap3A_2229 = vector.shape_cast %broadcast_in_dim3A_736 : vector<16xf32> to vector<1x1x16xf32>
        tpu.vector_store %arg16[%swap3A_2224, %swap3A_2225, %swap3A_2226], %swap3A_2229 {strides = array<i32>} : memref<2x200x64xf32, #tpu.memory_space<vmem>>, vector<1x1x16xf32>,
        %swap3A_2230 = arith.constant 0 : i32
        %swap3A_2231 = arith.index_cast %swap3A_2230 : i32 to index
        %swap3A_2232 = arith.index_cast %add3A_2222 : i32 to index
        %swap3A_2233 = arith.constant 16 : index
        %swap3A_2234 = tpu.vector_load %arg16[%swap3A_2231, %swap3A_2232, %swap3A_2233] {strides = array<i32>} : memref<2x200x64xf32, #tpu.memory_space<vmem>>, vector<1x1x16xf32>,
        %swap3A_2235 = vector.shape_cast %swap3A_2234 : vector<1x1x16xf32> to vector<16xf32>
        %swap3A_2236 = vector.shape_cast %broadcast_in_dim3A_736 : vector<16xf32> to vector<1x1x16xf32>
        tpu.vector_store %arg16[%swap3A_2231, %swap3A_2232, %swap3A_2233], %swap3A_2236 {strides = array<i32>} : memref<2x200x64xf32, #tpu.memory_space<vmem>>, vector<1x1x16xf32>,
        %swap3A_2237 = arith.constant 0 : i32
        %swap3A_2238 = arith.index_cast %swap3A_2237 : i32 to index
        %swap3A_2239 = arith.index_cast %add3A_2222 : i32 to index
        %swap3A_2240 = arith.constant 32 : index
        %swap3A_2241 = tpu.vector_load %arg16[%swap3A_2238, %swap3A_2239, %swap3A_2240] {strides = array<i32>} : memref<2x200x64xf32, #tpu.memory_space<vmem>>, vector<1x1x16xf32>,
        %swap3A_2242 = vector.shape_cast %swap3A_2241 : vector<1x1x16xf32> to vector<16xf32>
        %swap3A_2243 = vector.shape_cast %broadcast_in_dim3A_736 : vector<16xf32> to vector<1x1x16xf32>
        tpu.vector_store %arg16[%swap3A_2238, %swap3A_2239, %swap3A_2240], %swap3A_2243 {strides = array<i32>} : memref<2x200x64xf32, #tpu.memory_space<vmem>>, vector<1x1x16xf32>,
        %swap3A_2244 = arith.constant 0 : i32
        %swap3A_2245 = arith.index_cast %swap3A_2244 : i32 to index
        %swap3A_2246 = arith.index_cast %add3A_2222 : i32 to index
        %swap3A_2247 = arith.constant 48 : index
        %swap3A_2248 = tpu.vector_load %arg16[%swap3A_2245, %swap3A_2246, %swap3A_2247] {strides = array<i32>} : memref<2x200x64xf32, #tpu.memory_space<vmem>>, vector<1x1x16xf32>,
        %swap3A_2249 = vector.shape_cast %swap3A_2248 : vector<1x1x16xf32> to vector<16xf32>
        %swap3A_2250 = vector.shape_cast %broadcast_in_dim3A_736 : vector<16xf32> to vector<1x1x16xf32>
        tpu.vector_store %arg16[%swap3A_2245, %swap3A_2246, %swap3A_2247], %swap3A_2250 {strides = array<i32>} : memref<2x200x64xf32, #tpu.memory_space<vmem>>, vector<1x1x16xf32>,
        %scan3A_2251 = arith.constant 5 : i32
        %scan3A_2252 = arith.addi %scan3A_2083, %scan3A_2251 : i32
        %mul3A_2253 = arith.constant 1 : i32
        %mul3A_2254 = arith.muli %scan3A_2252, %mul3A_2253 : i32
        %add3A_2255 = arith.constant 0 : i32
        %add3A_2256 = arith.addi %add3A_2255, %mul3A_2254 : i32
        %swap3A_2257 = arith.constant 0 : i32
        %swap3A_2258 = arith.index_cast %swap3A_2257 : i32 to index
        %swap3A_2259 = arith.index_cast %add3A_2256 : i32 to index
        %swap3A_2260 = arith.constant 0 : index
        %swap3A_2261 = tpu.vector_load %arg16[%swap3A_2258, %swap3A_2259, %swap3A_2260] {strides = array<i32>} : memref<2x200x64xf32, #tpu.memory_space<vmem>>, vector<1x1x16xf32>,
        %swap3A_2262 = vector.shape_cast %swap3A_2261 : vector<1x1x16xf32> to vector<16xf32>
        %swap3A_2263 = vector.shape_cast %broadcast_in_dim3A_736 : vector<16xf32> to vector<1x1x16xf32>
        tpu.vector_store %arg16[%swap3A_2258, %swap3A_2259, %swap3A_2260], %swap3A_2263 {strides = array<i32>} : memref<2x200x64xf32, #tpu.memory_space<vmem>>, vector<1x1x16xf32>,
        %swap3A_2264 = arith.constant 0 : i32
        %swap3A_2265 = arith.index_cast %swap3A_2264 : i32 to index
        %swap3A_2266 = arith.index_cast %add3A_2256 : i32 to index
        %swap3A_2267 = arith.constant 16 : index
        %swap3A_2268 = tpu.vector_load %arg16[%swap3A_2265, %swap3A_2266, %swap3A_2267] {strides = array<i32>} : memref<2x200x64xf32, #tpu.memory_space<vmem>>, vector<1x1x16xf32>,
        %swap3A_2269 = vector.shape_cast %swap3A_2268 : vector<1x1x16xf32> to vector<16xf32>
        %swap3A_2270 = vector.shape_cast %broadcast_in_dim3A_736 : vector<16xf32> to vector<1x1x16xf32>
        tpu.vector_store %arg16[%swap3A_2265, %swap3A_2266, %swap3A_2267], %swap3A_2270 {strides = array<i32>} : memref<2x200x64xf32, #tpu.memory_space<vmem>>, vector<1x1x16xf32>,
        %swap3A_2271 = arith.constant 0 : i32
        %swap3A_2272 = arith.index_cast %swap3A_2271 : i32 to index
        %swap3A_2273 = arith.index_cast %add3A_2256 : i32 to index
        %swap3A_2274 = arith.constant 32 : index
        %swap3A_2275 = tpu.vector_load %arg16[%swap3A_2272, %swap3A_2273, %swap3A_2274] {strides = array<i32>} : memref<2x200x64xf32, #tpu.memory_space<vmem>>, vector<1x1x16xf32>,
        %swap3A_2276 = vector.shape_cast %swap3A_2275 : vector<1x1x16xf32> to vector<16xf32>
        %swap3A_2277 = vector.shape_cast %broadcast_in_dim3A_736 : vector<16xf32> to vector<1x1x16xf32>
        tpu.vector_store %arg16[%swap3A_2272, %swap3A_2273, %swap3A_2274], %swap3A_2277 {strides = array<i32>} : memref<2x200x64xf32, #tpu.memory_space<vmem>>, vector<1x1x16xf32>,
        %swap3A_2278 = arith.constant 0 : i32
        %swap3A_2279 = arith.index_cast %swap3A_2278 : i32 to index
        %swap3A_2280 = arith.index_cast %add3A_2256 : i32 to index
        %swap3A_2281 = arith.constant 48 : index
        %swap3A_2282 = tpu.vector_load %arg16[%swap3A_2279, %swap3A_2280, %swap3A_2281] {strides = array<i32>} : memref<2x200x64xf32, #tpu.memory_space<vmem>>, vector<1x1x16xf32>,
        %swap3A_2283 = vector.shape_cast %swap3A_2282 : vector<1x1x16xf32> to vector<16xf32>
        %swap3A_2284 = vector.shape_cast %broadcast_in_dim3A_736 : vector<16xf32> to vector<1x1x16xf32>
        tpu.vector_store %arg16[%swap3A_2279, %swap3A_2280, %swap3A_2281], %swap3A_2284 {strides = array<i32>} : memref<2x200x64xf32, #tpu.memory_space<vmem>>, vector<1x1x16xf32>,
        %scan3A_2285 = arith.constant 6 : i32
        %scan3A_2286 = arith.addi %scan3A_2083, %scan3A_2285 : i32
        %mul3A_2287 = arith.constant 1 : i32
        %mul3A_2288 = arith.muli %scan3A_2286, %mul3A_2287 : i32
        %add3A_2289 = arith.constant 0 : i32
        %add3A_2290 = arith.addi %add3A_2289, %mul3A_2288 : i32
        %swap3A_2291 = arith.constant 0 : i32
        %swap3A_2292 = arith.index_cast %swap3A_2291 : i32 to index
        %swap3A_2293 = arith.index_cast %add3A_2290 : i32 to index
        %swap3A_2294 = arith.constant 0 : index
        %swap3A_2295 = tpu.vector_load %arg16[%swap3A_2292, %swap3A_2293, %swap3A_2294] {strides = array<i32>} : memref<2x200x64xf32, #tpu.memory_space<vmem>>, vector<1x1x16xf32>,
        %swap3A_2296 = vector.shape_cast %swap3A_2295 : vector<1x1x16xf32> to vector<16xf32>
        %swap3A_2297 = vector.shape_cast %broadcast_in_dim3A_736 : vector<16xf32> to vector<1x1x16xf32>
        tpu.vector_store %arg16[%swap3A_2292, %swap3A_2293, %swap3A_2294], %swap3A_2297 {strides = array<i32>} : memref<2x200x64xf32, #tpu.memory_space<vmem>>, vector<1x1x16xf32>,
        %swap3A_2298 = arith.constant 0 : i32
        %swap3A_2299 = arith.index_cast %swap3A_2298 : i32 to index
        %swap3A_2300 = arith.index_cast %add3A_2290 : i32 to index
        %swap3A_2301 = arith.constant 16 : index
        %swap3A_2302 = tpu.vector_load %arg16[%swap3A_2299, %swap3A_2300, %swap3A_2301] {strides = array<i32>} : memref<2x200x64xf32, #tpu.memory_space<vmem>>, vector<1x1x16xf32>,
        %swap3A_2303 = vector.shape_cast %swap3A_2302 : vector<1x1x16xf32> to vector<16xf32>
        %swap3A_2304 = vector.shape_cast %broadcast_in_dim3A_736 : vector<16xf32> to vector<1x1x16xf32>
        tpu.vector_store %arg16[%swap3A_2299, %swap3A_2300, %swap3A_2301], %swap3A_2304 {strides = array<i32>} : memref<2x200x64xf32, #tpu.memory_space<vmem>>, vector<1x1x16xf32>,
        %swap3A_2305 = arith.constant 0 : i32
        %swap3A_2306 = arith.index_cast %swap3A_2305 : i32 to index
        %swap3A_2307 = arith.index_cast %add3A_2290 : i32 to index
        %swap3A_2308 = arith.constant 32 : index
        %swap3A_2309 = tpu.vector_load %arg16[%swap3A_2306, %swap3A_2307, %swap3A_2308] {strides = array<i32>} : memref<2x200x64xf32, #tpu.memory_space<vmem>>, vector<1x1x16xf32>,
        %swap3A_2310 = vector.shape_cast %swap3A_2309 : vector<1x1x16xf32> to vector<16xf32>
        %swap3A_2311 = vector.shape_cast %broadcast_in_dim3A_736 : vector<16xf32> to vector<1x1x16xf32>
        tpu.vector_store %arg16[%swap3A_2306, %swap3A_2307, %swap3A_2308], %swap3A_2311 {strides = array<i32>} : memref<2x200x64xf32, #tpu.memory_space<vmem>>, vector<1x1x16xf32>,
        %swap3A_2312 = arith.constant 0 : i32
        %swap3A_2313 = arith.index_cast %swap3A_2312 : i32 to index
        %swap3A_2314 = arith.index_cast %add3A_2290 : i32 to index
        %swap3A_2315 = arith.constant 48 : index
        %swap3A_2316 = tpu.vector_load %arg16[%swap3A_2313, %swap3A_2314, %swap3A_2315] {strides = array<i32>} : memref<2x200x64xf32, #tpu.memory_space<vmem>>, vector<1x1x16xf32>,
        %swap3A_2317 = vector.shape_cast %swap3A_2316 : vector<1x1x16xf32> to vector<16xf32>
        %swap3A_2318 = vector.shape_cast %broadcast_in_dim3A_736 : vector<16xf32> to vector<1x1x16xf32>
        tpu.vector_store %arg16[%swap3A_2313, %swap3A_2314, %swap3A_2315], %swap3A_2318 {strides = array<i32>} : memref<2x200x64xf32, #tpu.memory_space<vmem>>, vector<1x1x16xf32>,
        %scan3A_2319 = arith.constant 7 : i32
        %scan3A_2320 = arith.addi %scan3A_2083, %scan3A_2319 : i32
        %mul3A_2321 = arith.constant 1 : i32
        %mul3A_2322 = arith.muli %scan3A_2320, %mul3A_2321 : i32
        %add3A_2323 = arith.constant 0 : i32
        %add3A_2324 = arith.addi %add3A_2323, %mul3A_2322 : i32
        %swap3A_2325 = arith.constant 0 : i32
        %swap3A_2326 = arith.index_cast %swap3A_2325 : i32 to index
        %swap3A_2327 = arith.index_cast %add3A_2324 : i32 to index
        %swap3A_2328 = arith.constant 0 : index
        %swap3A_2329 = tpu.vector_load %arg16[%swap3A_2326, %swap3A_2327, %swap3A_2328] {strides = array<i32>} : memref<2x200x64xf32, #tpu.memory_space<vmem>>, vector<1x1x16xf32>,
        %swap3A_2330 = vector.shape_cast %swap3A_2329 : vector<1x1x16xf32> to vector<16xf32>
        %swap3A_2331 = vector.shape_cast %broadcast_in_dim3A_736 : vector<16xf32> to vector<1x1x16xf32>
        tpu.vector_store %arg16[%swap3A_2326, %swap3A_2327, %swap3A_2328], %swap3A_2331 {strides = array<i32>} : memref<2x200x64xf32, #tpu.memory_space<vmem>>, vector<1x1x16xf32>,
        %swap3A_2332 = arith.constant 0 : i32
        %swap3A_2333 = arith.index_cast %swap3A_2332 : i32 to index
        %swap3A_2334 = arith.index_cast %add3A_2324 : i32 to index
        %swap3A_2335 = arith.constant 16 : index
        %swap3A_2336 = tpu.vector_load %arg16[%swap3A_2333, %swap3A_2334, %swap3A_2335] {strides = array<i32>} : memref<2x200x64xf32, #tpu.memory_space<vmem>>, vector<1x1x16xf32>,
        %swap3A_2337 = vector.shape_cast %swap3A_2336 : vector<1x1x16xf32> to vector<16xf32>
        %swap3A_2338 = vector.shape_cast %broadcast_in_dim3A_736 : vector<16xf32> to vector<1x1x16xf32>
        tpu.vector_store %arg16[%swap3A_2333, %swap3A_2334, %swap3A_2335], %swap3A_2338 {strides = array<i32>} : memref<2x200x64xf32, #tpu.memory_space<vmem>>, vector<1x1x16xf32>,
        %swap3A_2339 = arith.constant 0 : i32
        %swap3A_2340 = arith.index_cast %swap3A_2339 : i32 to index
        %swap3A_2341 = arith.index_cast %add3A_2324 : i32 to index
        %swap3A_2342 = arith.constant 32 : index
        %swap3A_2343 = tpu.vector_load %arg16[%swap3A_2340, %swap3A_2341, %swap3A_2342] {strides = array<i32>} : memref<2x200x64xf32, #tpu.memory_space<vmem>>, vector<1x1x16xf32>,
        %swap3A_2344 = vector.shape_cast %swap3A_2343 : vector<1x1x16xf32> to vector<16xf32>
        %swap3A_2345 = vector.shape_cast %broadcast_in_dim3A_736 : vector<16xf32> to vector<1x1x16xf32>
        tpu.vector_store %arg16[%swap3A_2340, %swap3A_2341, %swap3A_2342], %swap3A_2345 {strides = array<i32>} : memref<2x200x64xf32, #tpu.memory_space<vmem>>, vector<1x1x16xf32>,
        %swap3A_2346 = arith.constant 0 : i32
        %swap3A_2347 = arith.index_cast %swap3A_2346 : i32 to index
        %swap3A_2348 = arith.index_cast %add3A_2324 : i32 to index
        %swap3A_2349 = arith.constant 48 : index
        %swap3A_2350 = tpu.vector_load %arg16[%swap3A_2347, %swap3A_2348, %swap3A_2349] {strides = array<i32>} : memref<2x200x64xf32, #tpu.memory_space<vmem>>, vector<1x1x16xf32>,
        %swap3A_2351 = vector.shape_cast %swap3A_2350 : vector<1x1x16xf32> to vector<16xf32>
        %swap3A_2352 = vector.shape_cast %broadcast_in_dim3A_736 : vector<16xf32> to vector<1x1x16xf32>
        tpu.vector_store %arg16[%swap3A_2347, %swap3A_2348, %swap3A_2349], %swap3A_2352 {strides = array<i32>} : memref<2x200x64xf32, #tpu.memory_space<vmem>>, vector<1x1x16xf32>,
      }
      %scan3A_741 = arith.constant 200 : i32
      %dma_wait3A_742 = arith.constant 0 : i32
      %dma_wait3A_743 = arith.constant 0 : i32
      %dma_wait3A_744 = arith.constant 0 : i32
      %dma_wait3A_745 = arith.constant 0 : i32
      %dma_wait3A_746 = tpu.memref_slice %arg15[%dma_wait3A_742, %dma_wait3A_743, %dma_wait3A_745] : memref<2x10x200xi32, #tpu.memory_space<vmem>> -> memref<1x1x200xi32, #tpu.memory_space<vmem>>
      %dma_wait3A_747 = tpu.memref_squeeze %dma_wait3A_746 : memref<1x1x200xi32, #tpu.memory_space<vmem>> -> memref<200xi32, #tpu.memory_space<vmem>>
      %dma_wait3A_748 = tpu.memref_slice %arg2[%mul3A_2] : memref<204800xi32, #tpu.memory_space<hbm>> -> memref<200xi32, #tpu.memory_space<hbm>>
      %dma_wait3A_749 = tpu.memref_slice %arg17[%dma_wait3A_744] : memref<2x!tpu.dma_semaphore, #tpu.memory_space<semaphore_mem>> -> memref<1x!tpu.dma_semaphore, #tpu.memory_space<semaphore_mem>>
      %dma_wait3A_750 = tpu.memref_squeeze %dma_wait3A_749 : memref<1x!tpu.dma_semaphore, #tpu.memory_space<semaphore_mem>> -> memref<!tpu.dma_semaphore, #tpu.memory_space<semaphore_mem>>
      %dma_wait3A_751 = arith.constant 0 : i32
      %dma_wait3A_752 = tpu.memref_slice %arg15[%dma_wait3A_742, %dma_wait3A_743, %dma_wait3A_751] : memref<2x10x200xi32, #tpu.memory_space<vmem>> -> memref<1x1x200xi32, #tpu.memory_space<vmem>>
      %dma_wait3A_753 = tpu.memref_squeeze %dma_wait3A_752 : memref<1x1x200xi32, #tpu.memory_space<vmem>> -> memref<200xi32, #tpu.memory_space<vmem>>
      %dma_wait3A_754 = tpu.memref_slice %arg2[%mul3A_2] : memref<204800xi32, #tpu.memory_space<hbm>> -> memref<200xi32, #tpu.memory_space<hbm>>
      tpu.wait_dma2 semaphore(%dma_wait3A_750 : memref<!tpu.dma_semaphore, #tpu.memory_space<semaphore_mem>>) src(%dma_wait3A_754 : memref<200xi32, #tpu.memory_space<hbm>>) dst(%dma_wait3A_753 : memref<200xi32, #tpu.memory_space<vmem>>)
      %dma_wait3A_755 = arith.constant 0 : i32
      %dma_wait3A_756 = arith.constant 1 : i32
      %dma_wait3A_757 = arith.constant 0 : i32
      %dma_wait3A_758 = arith.constant 0 : i32
      %dma_wait3A_759 = tpu.memref_slice %arg15[%dma_wait3A_755, %dma_wait3A_756, %dma_wait3A_758] : memref<2x10x200xi32, #tpu.memory_space<vmem>> -> memref<1x1x200xi32, #tpu.memory_space<vmem>>
      %dma_wait3A_760 = tpu.memref_squeeze %dma_wait3A_759 : memref<1x1x200xi32, #tpu.memory_space<vmem>> -> memref<200xi32, #tpu.memory_space<vmem>>
      %dma_wait3A_761 = tpu.memref_slice %arg3[%mul3A_2] : memref<204800xi32, #tpu.memory_space<hbm>> -> memref<200xi32, #tpu.memory_space<hbm>>
      %dma_wait3A_762 = tpu.memref_slice %arg17[%dma_wait3A_757] : memref<2x!tpu.dma_semaphore, #tpu.memory_space<semaphore_mem>> -> memref<1x!tpu.dma_semaphore, #tpu.memory_space<semaphore_mem>>
      %dma_wait3A_763 = tpu.memref_squeeze %dma_wait3A_762 : memref<1x!tpu.dma_semaphore, #tpu.memory_space<semaphore_mem>> -> memref<!tpu.dma_semaphore, #tpu.memory_space<semaphore_mem>>
      %dma_wait3A_764 = arith.constant 0 : i32
      %dma_wait3A_765 = tpu.memref_slice %arg15[%dma_wait3A_755, %dma_wait3A_756, %dma_wait3A_764] : memref<2x10x200xi32, #tpu.memory_space<vmem>> -> memref<1x1x200xi32, #tpu.memory_space<vmem>>
      %dma_wait3A_766 = tpu.memref_squeeze %dma_wait3A_765 : memref<1x1x200xi32, #tpu.memory_space<vmem>> -> memref<200xi32, #tpu.memory_space<vmem>>
      %dma_wait3A_767 = tpu.memref_slice %arg3[%mul3A_2] : memref<204800xi32, #tpu.memory_space<hbm>> -> memref<200xi32, #tpu.memory_space<hbm>>
      tpu.wait_dma2 semaphore(%dma_wait3A_763 : memref<!tpu.dma_semaphore, #tpu.memory_space<semaphore_mem>>) src(%dma_wait3A_767 : memref<200xi32, #tpu.memory_space<hbm>>) dst(%dma_wait3A_766 : memref<200xi32, #tpu.memory_space<vmem>>)
      %dma_wait3A_768 = arith.constant 0 : i32
      %dma_wait3A_769 = arith.constant 2 : i32
      %dma_wait3A_770 = arith.constant 0 : i32
      %dma_wait3A_771 = arith.constant 0 : i32
      %dma_wait3A_772 = tpu.memref_slice %arg15[%dma_wait3A_768, %dma_wait3A_769, %dma_wait3A_771] : memref<2x10x200xi32, #tpu.memory_space<vmem>> -> memref<1x1x200xi32, #tpu.memory_space<vmem>>
      %dma_wait3A_773 = tpu.memref_squeeze %dma_wait3A_772 : memref<1x1x200xi32, #tpu.memory_space<vmem>> -> memref<200xi32, #tpu.memory_space<vmem>>
      %dma_wait3A_774 = tpu.memref_slice %arg4[%mul3A_2] : memref<204800xi32, #tpu.memory_space<hbm>> -> memref<200xi32, #tpu.memory_space<hbm>>
      %dma_wait3A_775 = tpu.memref_slice %arg17[%dma_wait3A_770] : memref<2x!tpu.dma_semaphore, #tpu.memory_space<semaphore_mem>> -> memref<1x!tpu.dma_semaphore, #tpu.memory_space<semaphore_mem>>
      %dma_wait3A_776 = tpu.memref_squeeze %dma_wait3A_775 : memref<1x!tpu.dma_semaphore, #tpu.memory_space<semaphore_mem>> -> memref<!tpu.dma_semaphore, #tpu.memory_space<semaphore_mem>>
      %dma_wait3A_777 = arith.constant 0 : i32
      %dma_wait3A_778 = tpu.memref_slice %arg15[%dma_wait3A_768, %dma_wait3A_769, %dma_wait3A_777] : memref<2x10x200xi32, #tpu.memory_space<vmem>> -> memref<1x1x200xi32, #tpu.memory_space<vmem>>
      %dma_wait3A_779 = tpu.memref_squeeze %dma_wait3A_778 : memref<1x1x200xi32, #tpu.memory_space<vmem>> -> memref<200xi32, #tpu.memory_space<vmem>>
      %dma_wait3A_780 = tpu.memref_slice %arg4[%mul3A_2] : memref<204800xi32, #tpu.memory_space<hbm>> -> memref<200xi32, #tpu.memory_space<hbm>>
      tpu.wait_dma2 semaphore(%dma_wait3A_776 : memref<!tpu.dma_semaphore, #tpu.memory_space<semaphore_mem>>) src(%dma_wait3A_780 : memref<200xi32, #tpu.memory_space<hbm>>) dst(%dma_wait3A_779 : memref<200xi32, #tpu.memory_space<vmem>>)
      %dma_wait3A_781 = arith.constant 0 : i32
      %dma_wait3A_782 = arith.constant 3 : i32
      %dma_wait3A_783 = arith.constant 0 : i32
      %dma_wait3A_784 = arith.constant 0 : i32
      %dma_wait3A_785 = tpu.memref_slice %arg15[%dma_wait3A_781, %dma_wait3A_782, %dma_wait3A_784] : memref<2x10x200xi32, #tpu.memory_space<vmem>> -> memref<1x1x200xi32, #tpu.memory_space<vmem>>
      %dma_wait3A_786 = tpu.memref_squeeze %dma_wait3A_785 : memref<1x1x200xi32, #tpu.memory_space<vmem>> -> memref<200xi32, #tpu.memory_space<vmem>>
      %dma_wait3A_787 = tpu.memref_slice %arg5[%mul3A_2] : memref<204800xi32, #tpu.memory_space<hbm>> -> memref<200xi32, #tpu.memory_space<hbm>>
      %dma_wait3A_788 = tpu.memref_slice %arg17[%dma_wait3A_783] : memref<2x!tpu.dma_semaphore, #tpu.memory_space<semaphore_mem>> -> memref<1x!tpu.dma_semaphore, #tpu.memory_space<semaphore_mem>>
      %dma_wait3A_789 = tpu.memref_squeeze %dma_wait3A_788 : memref<1x!tpu.dma_semaphore, #tpu.memory_space<semaphore_mem>> -> memref<!tpu.dma_semaphore, #tpu.memory_space<semaphore_mem>>
      %dma_wait3A_790 = arith.constant 0 : i32
      %dma_wait3A_791 = tpu.memref_slice %arg15[%dma_wait3A_781, %dma_wait3A_782, %dma_wait3A_790] : memref<2x10x200xi32, #tpu.memory_space<vmem>> -> memref<1x1x200xi32, #tpu.memory_space<vmem>>
      %dma_wait3A_792 = tpu.memref_squeeze %dma_wait3A_791 : memref<1x1x200xi32, #tpu.memory_space<vmem>> -> memref<200xi32, #tpu.memory_space<vmem>>
      %dma_wait3A_793 = tpu.memref_slice %arg5[%mul3A_2] : memref<204800xi32, #tpu.memory_space<hbm>> -> memref<200xi32, #tpu.memory_space<hbm>>
      tpu.wait_dma2 semaphore(%dma_wait3A_789 : memref<!tpu.dma_semaphore, #tpu.memory_space<semaphore_mem>>) src(%dma_wait3A_793 : memref<200xi32, #tpu.memory_space<hbm>>) dst(%dma_wait3A_792 : memref<200xi32, #tpu.memory_space<vmem>>)
      %dma_wait3A_794 = arith.constant 0 : i32
      %dma_wait3A_795 = arith.constant 4 : i32
      %dma_wait3A_796 = arith.constant 0 : i32
      %dma_wait3A_797 = arith.constant 0 : i32
      %dma_wait3A_798 = tpu.memref_slice %arg15[%dma_wait3A_794, %dma_wait3A_795, %dma_wait3A_797] : memref<2x10x200xi32, #tpu.memory_space<vmem>> -> memref<1x1x200xi32, #tpu.memory_space<vmem>>
      %dma_wait3A_799 = tpu.memref_squeeze %dma_wait3A_798 : memref<1x1x200xi32, #tpu.memory_space<vmem>> -> memref<200xi32, #tpu.memory_space<vmem>>
      %dma_wait3A_800 = tpu.memref_slice %arg6[%mul3A_2] : memref<204800xi32, #tpu.memory_space<hbm>> -> memref<200xi32, #tpu.memory_space<hbm>>
      %dma_wait3A_801 = tpu.memref_slice %arg17[%dma_wait3A_796] : memref<2x!tpu.dma_semaphore, #tpu.memory_space<semaphore_mem>> -> memref<1x!tpu.dma_semaphore, #tpu.memory_space<semaphore_mem>>
      %dma_wait3A_802 = tpu.memref_squeeze %dma_wait3A_801 : memref<1x!tpu.dma_semaphore, #tpu.memory_space<semaphore_mem>> -> memref<!tpu.dma_semaphore, #tpu.memory_space<semaphore_mem>>
      %dma_wait3A_803 = arith.constant 0 : i32
      %dma_wait3A_804 = tpu.memref_slice %arg15[%dma_wait3A_794, %dma_wait3A_795, %dma_wait3A_803] : memref<2x10x200xi32, #tpu.memory_space<vmem>> -> memref<1x1x200xi32, #tpu.memory_space<vmem>>
      %dma_wait3A_805 = tpu.memref_squeeze %dma_wait3A_804 : memref<1x1x200xi32, #tpu.memory_space<vmem>> -> memref<200xi32, #tpu.memory_space<vmem>>
      %dma_wait3A_806 = tpu.memref_slice %arg6[%mul3A_2] : memref<204800xi32, #tpu.memory_space<hbm>> -> memref<200xi32, #tpu.memory_space<hbm>>
      tpu.wait_dma2 semaphore(%dma_wait3A_802 : memref<!tpu.dma_semaphore, #tpu.memory_space<semaphore_mem>>) src(%dma_wait3A_806 : memref<200xi32, #tpu.memory_space<hbm>>) dst(%dma_wait3A_805 : memref<200xi32, #tpu.memory_space<vmem>>)
      %dma_wait3A_807 = arith.constant 0 : i32
      %dma_wait3A_808 = arith.constant 5 : i32
      %dma_wait3A_809 = arith.constant 0 : i32
      %dma_wait3A_810 = arith.constant 0 : i32
      %dma_wait3A_811 = tpu.memref_slice %arg15[%dma_wait3A_807, %dma_wait3A_808, %dma_wait3A_810] : memref<2x10x200xi32, #tpu.memory_space<vmem>> -> memref<1x1x200xi32, #tpu.memory_space<vmem>>
      %dma_wait3A_812 = tpu.memref_squeeze %dma_wait3A_811 : memref<1x1x200xi32, #tpu.memory_space<vmem>> -> memref<200xi32, #tpu.memory_space<vmem>>
      %dma_wait3A_813 = tpu.memref_slice %arg7[%mul3A_2] : memref<204800xi32, #tpu.memory_space<hbm>> -> memref<200xi32, #tpu.memory_space<hbm>>
      %dma_wait3A_814 = tpu.memref_slice %arg17[%dma_wait3A_809] : memref<2x!tpu.dma_semaphore, #tpu.memory_space<semaphore_mem>> -> memref<1x!tpu.dma_semaphore, #tpu.memory_space<semaphore_mem>>
      %dma_wait3A_815 = tpu.memref_squeeze %dma_wait3A_814 : memref<1x!tpu.dma_semaphore, #tpu.memory_space<semaphore_mem>> -> memref<!tpu.dma_semaphore, #tpu.memory_space<semaphore_mem>>
      %dma_wait3A_816 = arith.constant 0 : i32
      %dma_wait3A_817 = tpu.memref_slice %arg15[%dma_wait3A_807, %dma_wait3A_808, %dma_wait3A_816] : memref<2x10x200xi32, #tpu.memory_space<vmem>> -> memref<1x1x200xi32, #tpu.memory_space<vmem>>
      %dma_wait3A_818 = tpu.memref_squeeze %dma_wait3A_817 : memref<1x1x200xi32, #tpu.memory_space<vmem>> -> memref<200xi32, #tpu.memory_space<vmem>>
      %dma_wait3A_819 = tpu.memref_slice %arg7[%mul3A_2] : memref<204800xi32, #tpu.memory_space<hbm>> -> memref<200xi32, #tpu.memory_space<hbm>>
      tpu.wait_dma2 semaphore(%dma_wait3A_815 : memref<!tpu.dma_semaphore, #tpu.memory_space<semaphore_mem>>) src(%dma_wait3A_819 : memref<200xi32, #tpu.memory_space<hbm>>) dst(%dma_wait3A_818 : memref<200xi32, #tpu.memory_space<vmem>>)
      %dma_wait3A_820 = arith.constant 0 : i32
      %dma_wait3A_821 = arith.constant 6 : i32
      %dma_wait3A_822 = arith.constant 0 : i32
      %dma_wait3A_823 = arith.constant 0 : i32
      %dma_wait3A_824 = tpu.memref_slice %arg15[%dma_wait3A_820, %dma_wait3A_821, %dma_wait3A_823] : memref<2x10x200xi32, #tpu.memory_space<vmem>> -> memref<1x1x200xi32, #tpu.memory_space<vmem>>
      %dma_wait3A_825 = tpu.memref_squeeze %dma_wait3A_824 : memref<1x1x200xi32, #tpu.memory_space<vmem>> -> memref<200xi32, #tpu.memory_space<vmem>>
      %dma_wait3A_826 = tpu.memref_slice %arg8[%mul3A_2] : memref<204800xi32, #tpu.memory_space<hbm>> -> memref<200xi32, #tpu.memory_space<hbm>>
      %dma_wait3A_827 = tpu.memref_slice %arg17[%dma_wait3A_822] : memref<2x!tpu.dma_semaphore, #tpu.memory_space<semaphore_mem>> -> memref<1x!tpu.dma_semaphore, #tpu.memory_space<semaphore_mem>>
      %dma_wait3A_828 = tpu.memref_squeeze %dma_wait3A_827 : memref<1x!tpu.dma_semaphore, #tpu.memory_space<semaphore_mem>> -> memref<!tpu.dma_semaphore, #tpu.memory_space<semaphore_mem>>
      %dma_wait3A_829 = arith.constant 0 : i32
      %dma_wait3A_830 = tpu.memref_slice %arg15[%dma_wait3A_820, %dma_wait3A_821, %dma_wait3A_829] : memref<2x10x200xi32, #tpu.memory_space<vmem>> -> memref<1x1x200xi32, #tpu.memory_space<vmem>>
      %dma_wait3A_831 = tpu.memref_squeeze %dma_wait3A_830 : memref<1x1x200xi32, #tpu.memory_space<vmem>> -> memref<200xi32, #tpu.memory_space<vmem>>
      %dma_wait3A_832 = tpu.memref_slice %arg8[%mul3A_2] : memref<204800xi32, #tpu.memory_space<hbm>> -> memref<200xi32, #tpu.memory_space<hbm>>
      tpu.wait_dma2 semaphore(%dma_wait3A_828 : memref<!tpu.dma_semaphore, #tpu.memory_space<semaphore_mem>>) src(%dma_wait3A_832 : memref<200xi32, #tpu.memory_space<hbm>>) dst(%dma_wait3A_831 : memref<200xi32, #tpu.memory_space<vmem>>)
      %dma_wait3A_833 = arith.constant 0 : i32
      %dma_wait3A_834 = arith.constant 7 : i32
      %dma_wait3A_835 = arith.constant 0 : i32
      %dma_wait3A_836 = arith.constant 0 : i32
      %dma_wait3A_837 = tpu.memref_slice %arg15[%dma_wait3A_833, %dma_wait3A_834, %dma_wait3A_836] : memref<2x10x200xi32, #tpu.memory_space<vmem>> -> memref<1x1x200xi32, #tpu.memory_space<vmem>>
      %dma_wait3A_838 = tpu.memref_squeeze %dma_wait3A_837 : memref<1x1x200xi32, #tpu.memory_space<vmem>> -> memref<200xi32, #tpu.memory_space<vmem>>
      %dma_wait3A_839 = tpu.memref_slice %arg9[%mul3A_2] : memref<204800xi32, #tpu.memory_space<hbm>> -> memref<200xi32, #tpu.memory_space<hbm>>
      %dma_wait3A_840 = tpu.memref_slice %arg17[%dma_wait3A_835] : memref<2x!tpu.dma_semaphore, #tpu.memory_space<semaphore_mem>> -> memref<1x!tpu.dma_semaphore, #tpu.memory_space<semaphore_mem>>
      %dma_wait3A_841 = tpu.memref_squeeze %dma_wait3A_840 : memref<1x!tpu.dma_semaphore, #tpu.memory_space<semaphore_mem>> -> memref<!tpu.dma_semaphore, #tpu.memory_space<semaphore_mem>>
      %dma_wait3A_842 = arith.constant 0 : i32
      %dma_wait3A_843 = tpu.memref_slice %arg15[%dma_wait3A_833, %dma_wait3A_834, %dma_wait3A_842] : memref<2x10x200xi32, #tpu.memory_space<vmem>> -> memref<1x1x200xi32, #tpu.memory_space<vmem>>
      %dma_wait3A_844 = tpu.memref_squeeze %dma_wait3A_843 : memref<1x1x200xi32, #tpu.memory_space<vmem>> -> memref<200xi32, #tpu.memory_space<vmem>>
      %dma_wait3A_845 = tpu.memref_slice %arg9[%mul3A_2] : memref<204800xi32, #tpu.memory_space<hbm>> -> memref<200xi32, #tpu.memory_space<hbm>>
      tpu.wait_dma2 semaphore(%dma_wait3A_841 : memref<!tpu.dma_semaphore, #tpu.memory_space<semaphore_mem>>) src(%dma_wait3A_845 : memref<200xi32, #tpu.memory_space<hbm>>) dst(%dma_wait3A_844 : memref<200xi32, #tpu.memory_space<vmem>>)
      %dma_wait3A_846 = arith.constant 0 : i32
      %dma_wait3A_847 = arith.constant 8 : i32
      %dma_wait3A_848 = arith.constant 0 : i32
      %dma_wait3A_849 = arith.constant 0 : i32
      %dma_wait3A_850 = tpu.memref_slice %arg15[%dma_wait3A_846, %dma_wait3A_847, %dma_wait3A_849] : memref<2x10x200xi32, #tpu.memory_space<vmem>> -> memref<1x1x200xi32, #tpu.memory_space<vmem>>
      %dma_wait3A_851 = tpu.memref_squeeze %dma_wait3A_850 : memref<1x1x200xi32, #tpu.memory_space<vmem>> -> memref<200xi32, #tpu.memory_space<vmem>>
      %dma_wait3A_852 = tpu.memref_slice %arg10[%mul3A_2] : memref<204800xi32, #tpu.memory_space<hbm>> -> memref<200xi32, #tpu.memory_space<hbm>>
      %dma_wait3A_853 = tpu.memref_slice %arg17[%dma_wait3A_848] : memref<2x!tpu.dma_semaphore, #tpu.memory_space<semaphore_mem>> -> memref<1x!tpu.dma_semaphore, #tpu.memory_space<semaphore_mem>>
      %dma_wait3A_854 = tpu.memref_squeeze %dma_wait3A_853 : memref<1x!tpu.dma_semaphore, #tpu.memory_space<semaphore_mem>> -> memref<!tpu.dma_semaphore, #tpu.memory_space<semaphore_mem>>
      %dma_wait3A_855 = arith.constant 0 : i32
      %dma_wait3A_856 = tpu.memref_slice %arg15[%dma_wait3A_846, %dma_wait3A_847, %dma_wait3A_855] : memref<2x10x200xi32, #tpu.memory_space<vmem>> -> memref<1x1x200xi32, #tpu.memory_space<vmem>>
      %dma_wait3A_857 = tpu.memref_squeeze %dma_wait3A_856 : memref<1x1x200xi32, #tpu.memory_space<vmem>> -> memref<200xi32, #tpu.memory_space<vmem>>
      %dma_wait3A_858 = tpu.memref_slice %arg10[%mul3A_2] : memref<204800xi32, #tpu.memory_space<hbm>> -> memref<200xi32, #tpu.memory_space<hbm>>
      tpu.wait_dma2 semaphore(%dma_wait3A_854 : memref<!tpu.dma_semaphore, #tpu.memory_space<semaphore_mem>>) src(%dma_wait3A_858 : memref<200xi32, #tpu.memory_space<hbm>>) dst(%dma_wait3A_857 : memref<200xi32, #tpu.memory_space<vmem>>)
      %dma_wait3A_859 = arith.constant 0 : i32
      %dma_wait3A_860 = arith.constant 9 : i32
      %dma_wait3A_861 = arith.constant 0 : i32
      %dma_wait3A_862 = arith.constant 0 : i32
      %dma_wait3A_863 = tpu.memref_slice %arg15[%dma_wait3A_859, %dma_wait3A_860, %dma_wait3A_862] : memref<2x10x200xi32, #tpu.memory_space<vmem>> -> memref<1x1x200xi32, #tpu.memory_space<vmem>>
      %dma_wait3A_864 = tpu.memref_squeeze %dma_wait3A_863 : memref<1x1x200xi32, #tpu.memory_space<vmem>> -> memref<200xi32, #tpu.memory_space<vmem>>
      %dma_wait3A_865 = tpu.memref_slice %arg11[%mul3A_2] : memref<204800xi32, #tpu.memory_space<hbm>> -> memref<200xi32, #tpu.memory_space<hbm>>
      %dma_wait3A_866 = tpu.memref_slice %arg17[%dma_wait3A_861] : memref<2x!tpu.dma_semaphore, #tpu.memory_space<semaphore_mem>> -> memref<1x!tpu.dma_semaphore, #tpu.memory_space<semaphore_mem>>
      %dma_wait3A_867 = tpu.memref_squeeze %dma_wait3A_866 : memref<1x!tpu.dma_semaphore, #tpu.memory_space<semaphore_mem>> -> memref<!tpu.dma_semaphore, #tpu.memory_space<semaphore_mem>>
      %dma_wait3A_868 = arith.constant 0 : i32
      %dma_wait3A_869 = tpu.memref_slice %arg15[%dma_wait3A_859, %dma_wait3A_860, %dma_wait3A_868] : memref<2x10x200xi32, #tpu.memory_space<vmem>> -> memref<1x1x200xi32, #tpu.memory_space<vmem>>
      %dma_wait3A_870 = tpu.memref_squeeze %dma_wait3A_869 : memref<1x1x200xi32, #tpu.memory_space<vmem>> -> memref<200xi32, #tpu.memory_space<vmem>>
      %dma_wait3A_871 = tpu.memref_slice %arg11[%mul3A_2] : memref<204800xi32, #tpu.memory_space<hbm>> -> memref<200xi32, #tpu.memory_space<hbm>>
      tpu.wait_dma2 semaphore(%dma_wait3A_867 : memref<!tpu.dma_semaphore, #tpu.memory_space<semaphore_mem>>) src(%dma_wait3A_871 : memref<200xi32, #tpu.memory_space<hbm>>) dst(%dma_wait3A_870 : memref<200xi32, #tpu.memory_space<vmem>>)
      %dma_start3A_872 = arith.constant 0 : i32
      %dma_start3A_873 = arith.constant 0 : i32
      %dma_start3A_874 = arith.constant 0 : i32
      %dma_start3A_875 = arith.constant 0 : i32
      %dma_start3A_876 = arith.constant 0 : i32
      %dma_start3A_877 = arith.constant 0 : i32
      %dma_start3A_878 = tpu.memref_slice %arg16[%dma_start3A_874, %dma_start3A_876, %dma_start3A_877] : memref<2x200x64xf32, #tpu.memory_space<vmem>> -> memref<1x128x64xf32, #tpu.memory_space<vmem>>
      %dma_start3A_879 = tpu.memref_squeeze %dma_start3A_878 : memref<1x128x64xf32, #tpu.memory_space<vmem>> -> memref<128x64xf32, #tpu.memory_space<vmem>>
      %dma_start3A_880 = arith.constant 0 : i32
      %dma_start3A_881 = tpu.memref_slice %arg15[%dma_start3A_872, %dma_start3A_873, %dma_start3A_880] : memref<2x10x200xi32, #tpu.memory_space<vmem>> -> memref<1x1x128xi32, #tpu.memory_space<vmem>>
      %dma_start3A_882 = tpu.memref_squeeze %dma_start3A_881 : memref<1x1x128xi32, #tpu.memory_space<vmem>> -> memref<128xi32, #tpu.memory_space<vmem>>
      %dma_start3A_883 = arith.constant 0 : i32
      %dma_start3A_884 = arith.constant 0 : i32
      %dma_start3A_885 = tpu.memref_slice %arg12[%dma_start3A_883, %dma_start3A_884] : memref<64001x64xf32, #tpu.memory_space<hbm>> -> memref<64001x64xf32, #tpu.memory_space<hbm>>
      %dma_start3A_886 = tpu.memref_slice %arg18[%dma_start3A_875] : memref<2x!tpu.dma_semaphore, #tpu.memory_space<semaphore_mem>> -> memref<1x!tpu.dma_semaphore, #tpu.memory_space<semaphore_mem>>
      %dma_start3A_887 = tpu.memref_squeeze %dma_start3A_886 : memref<1x!tpu.dma_semaphore, #tpu.memory_space<semaphore_mem>> -> memref<!tpu.dma_semaphore, #tpu.memory_space<semaphore_mem>>
      tpu.enqueue_indirect_dma source(%dma_start3A_885 : memref<64001x64xf32, #tpu.memory_space<hbm>>) target(%dma_start3A_879 : memref<128x64xf32, #tpu.memory_space<vmem>>) offsets(%dma_start3A_882 : memref<128xi32, #tpu.memory_space<vmem>>) semaphore(%dma_start3A_887 : memref<!tpu.dma_semaphore, #tpu.memory_space<semaphore_mem>>) {add = true}
      %dma_start3A_888 = arith.constant 0 : i32
      %dma_start3A_889 = arith.constant 1 : i32
      %dma_start3A_890 = arith.constant 0 : i32
      %dma_start3A_891 = arith.constant 0 : i32
      %dma_start3A_892 = arith.constant 0 : i32
      %dma_start3A_893 = arith.constant 0 : i32
      %dma_start3A_894 = tpu.memref_slice %arg16[%dma_start3A_890, %dma_start3A_892, %dma_start3A_893] : memref<2x200x64xf32, #tpu.memory_space<vmem>> -> memref<1x128x64xf32, #tpu.memory_space<vmem>>
      %dma_start3A_895 = tpu.memref_squeeze %dma_start3A_894 : memref<1x128x64xf32, #tpu.memory_space<vmem>> -> memref<128x64xf32, #tpu.memory_space<vmem>>
      %dma_start3A_896 = arith.constant 0 : i32
      %dma_start3A_897 = tpu.memref_slice %arg15[%dma_start3A_888, %dma_start3A_889, %dma_start3A_896] : memref<2x10x200xi32, #tpu.memory_space<vmem>> -> memref<1x1x128xi32, #tpu.memory_space<vmem>>
      %dma_start3A_898 = tpu.memref_squeeze %dma_start3A_897 : memref<1x1x128xi32, #tpu.memory_space<vmem>> -> memref<128xi32, #tpu.memory_space<vmem>>
      %dma_start3A_899 = arith.constant 0 : i32
      %dma_start3A_900 = arith.constant 0 : i32
      %dma_start3A_901 = tpu.memref_slice %arg13[%add3A, %dma_start3A_899, %dma_start3A_900] : memref<32x8512x64xf32, #tpu.memory_space<hbm>> -> memref<1x8512x64xf32, #tpu.memory_space<hbm>>
      %dma_start3A_902 = tpu.memref_squeeze %dma_start3A_901 : memref<1x8512x64xf32, #tpu.memory_space<hbm>> -> memref<8512x64xf32, #tpu.memory_space<hbm>>
      %dma_start3A_903 = arith.constant 0 : i32
      %dma_start3A_904 = arith.constant 0 : i32
      %dma_start3A_905 = tpu.memref_slice %dma_start3A_902[%dma_start3A_903, %dma_start3A_904] : memref<8512x64xf32, #tpu.memory_space<hbm>> -> memref<8512x64xf32, #tpu.memory_space<hbm>>
      %dma_start3A_906 = tpu.memref_slice %arg18[%dma_start3A_891] : memref<2x!tpu.dma_semaphore, #tpu.memory_space<semaphore_mem>> -> memref<1x!tpu.dma_semaphore, #tpu.memory_space<semaphore_mem>>
      %dma_start3A_907 = tpu.memref_squeeze %dma_start3A_906 : memref<1x!tpu.dma_semaphore, #tpu.memory_space<semaphore_mem>> -> memref<!tpu.dma_semaphore, #tpu.memory_space<semaphore_mem>>
      tpu.enqueue_indirect_dma source(%dma_start3A_905 : memref<8512x64xf32, #tpu.memory_space<hbm>>) target(%dma_start3A_895 : memref<128x64xf32, #tpu.memory_space<vmem>>) offsets(%dma_start3A_898 : memref<128xi32, #tpu.memory_space<vmem>>) semaphore(%dma_start3A_907 : memref<!tpu.dma_semaphore, #tpu.memory_space<semaphore_mem>>) {add = true}
      %dma_start3A_908 = arith.constant 0 : i32
      %dma_start3A_909 = arith.constant 2 : i32
      %dma_start3A_910 = arith.constant 0 : i32
      %dma_start3A_911 = arith.constant 0 : i32
      %dma_start3A_912 = arith.constant 0 : i32
      %dma_start3A_913 = arith.constant 0 : i32
      %dma_start3A_914 = tpu.memref_slice %arg16[%dma_start3A_910, %dma_start3A_912, %dma_start3A_913] : memref<2x200x64xf32, #tpu.memory_space<vmem>> -> memref<1x128x64xf32, #tpu.memory_space<vmem>>
      %dma_start3A_915 = tpu.memref_squeeze %dma_start3A_914 : memref<1x128x64xf32, #tpu.memory_space<vmem>> -> memref<128x64xf32, #tpu.memory_space<vmem>>
      %dma_start3A_916 = arith.constant 0 : i32
      %dma_start3A_917 = tpu.memref_slice %arg15[%dma_start3A_908, %dma_start3A_909, %dma_start3A_916] : memref<2x10x200xi32, #tpu.memory_space<vmem>> -> memref<1x1x128xi32, #tpu.memory_space<vmem>>
      %dma_start3A_918 = tpu.memref_squeeze %dma_start3A_917 : memref<1x1x128xi32, #tpu.memory_space<vmem>> -> memref<128xi32, #tpu.memory_space<vmem>>
      %dma_start3A_919 = arith.constant 0 : i32
      %dma_start3A_920 = arith.constant 0 : i32
      %dma_start3A_921 = tpu.memref_slice %arg13[%add3A, %dma_start3A_919, %dma_start3A_920] : memref<32x8512x64xf32, #tpu.memory_space<hbm>> -> memref<1x8512x64xf32, #tpu.memory_space<hbm>>
      %dma_start3A_922 = tpu.memref_squeeze %dma_start3A_921 : memref<1x8512x64xf32, #tpu.memory_space<hbm>> -> memref<8512x64xf32, #tpu.memory_space<hbm>>
      %dma_start3A_923 = arith.constant 0 : i32
      %dma_start3A_924 = arith.constant 0 : i32
      %dma_start3A_925 = tpu.memref_slice %dma_start3A_922[%dma_start3A_923, %dma_start3A_924] : memref<8512x64xf32, #tpu.memory_space<hbm>> -> memref<8512x64xf32, #tpu.memory_space<hbm>>
      %dma_start3A_926 = tpu.memref_slice %arg18[%dma_start3A_911] : memref<2x!tpu.dma_semaphore, #tpu.memory_space<semaphore_mem>> -> memref<1x!tpu.dma_semaphore, #tpu.memory_space<semaphore_mem>>
      %dma_start3A_927 = tpu.memref_squeeze %dma_start3A_926 : memref<1x!tpu.dma_semaphore, #tpu.memory_space<semaphore_mem>> -> memref<!tpu.dma_semaphore, #tpu.memory_space<semaphore_mem>>
      tpu.enqueue_indirect_dma source(%dma_start3A_925 : memref<8512x64xf32, #tpu.memory_space<hbm>>) target(%dma_start3A_915 : memref<128x64xf32, #tpu.memory_space<vmem>>) offsets(%dma_start3A_918 : memref<128xi32, #tpu.memory_space<vmem>>) semaphore(%dma_start3A_927 : memref<!tpu.dma_semaphore, #tpu.memory_space<semaphore_mem>>) {add = true}
      %dma_start3A_928 = arith.constant 0 : i32
      %dma_start3A_929 = arith.constant 3 : i32
      %dma_start3A_930 = arith.constant 0 : i32
      %dma_start3A_931 = arith.constant 0 : i32
      %dma_start3A_932 = arith.constant 0 : i32
      %dma_start3A_933 = arith.constant 0 : i32
      %dma_start3A_934 = tpu.memref_slice %arg16[%dma_start3A_930, %dma_start3A_932, %dma_start3A_933] : memref<2x200x64xf32, #tpu.memory_space<vmem>> -> memref<1x128x64xf32, #tpu.memory_space<vmem>>
      %dma_start3A_935 = tpu.memref_squeeze %dma_start3A_934 : memref<1x128x64xf32, #tpu.memory_space<vmem>> -> memref<128x64xf32, #tpu.memory_space<vmem>>
      %dma_start3A_936 = arith.constant 0 : i32
      %dma_start3A_937 = tpu.memref_slice %arg15[%dma_start3A_928, %dma_start3A_929, %dma_start3A_936] : memref<2x10x200xi32, #tpu.memory_space<vmem>> -> memref<1x1x128xi32, #tpu.memory_space<vmem>>
      %dma_start3A_938 = tpu.memref_squeeze %dma_start3A_937 : memref<1x1x128xi32, #tpu.memory_space<vmem>> -> memref<128xi32, #tpu.memory_space<vmem>>
      %dma_start3A_939 = arith.constant 0 : i32
      %dma_start3A_940 = arith.constant 0 : i32
      %dma_start3A_941 = tpu.memref_slice %arg13[%add3A, %dma_start3A_939, %dma_start3A_940] : memref<32x8512x64xf32, #tpu.memory_space<hbm>> -> memref<1x8512x64xf32, #tpu.memory_space<hbm>>
      %dma_start3A_942 = tpu.memref_squeeze %dma_start3A_941 : memref<1x8512x64xf32, #tpu.memory_space<hbm>> -> memref<8512x64xf32, #tpu.memory_space<hbm>>
      %dma_start3A_943 = arith.constant 0 : i32
      %dma_start3A_944 = arith.constant 0 : i32
      %dma_start3A_945 = tpu.memref_slice %dma_start3A_942[%dma_start3A_943, %dma_start3A_944] : memref<8512x64xf32, #tpu.memory_space<hbm>> -> memref<8512x64xf32, #tpu.memory_space<hbm>>
      %dma_start3A_946 = tpu.memref_slice %arg18[%dma_start3A_931] : memref<2x!tpu.dma_semaphore, #tpu.memory_space<semaphore_mem>> -> memref<1x!tpu.dma_semaphore, #tpu.memory_space<semaphore_mem>>
      %dma_start3A_947 = tpu.memref_squeeze %dma_start3A_946 : memref<1x!tpu.dma_semaphore, #tpu.memory_space<semaphore_mem>> -> memref<!tpu.dma_semaphore, #tpu.memory_space<semaphore_mem>>
      tpu.enqueue_indirect_dma source(%dma_start3A_945 : memref<8512x64xf32, #tpu.memory_space<hbm>>) target(%dma_start3A_935 : memref<128x64xf32, #tpu.memory_space<vmem>>) offsets(%dma_start3A_938 : memref<128xi32, #tpu.memory_space<vmem>>) semaphore(%dma_start3A_947 : memref<!tpu.dma_semaphore, #tpu.memory_space<semaphore_mem>>) {add = true}
      %dma_start3A_948 = arith.constant 0 : i32
      %dma_start3A_949 = arith.constant 4 : i32
      %dma_start3A_950 = arith.constant 0 : i32
      %dma_start3A_951 = arith.constant 0 : i32
      %dma_start3A_952 = arith.constant 0 : i32
      %dma_start3A_953 = arith.constant 0 : i32
      %dma_start3A_954 = tpu.memref_slice %arg16[%dma_start3A_950, %dma_start3A_952, %dma_start3A_953] : memref<2x200x64xf32, #tpu.memory_space<vmem>> -> memref<1x128x64xf32, #tpu.memory_space<vmem>>
      %dma_start3A_955 = tpu.memref_squeeze %dma_start3A_954 : memref<1x128x64xf32, #tpu.memory_space<vmem>> -> memref<128x64xf32, #tpu.memory_space<vmem>>
      %dma_start3A_956 = arith.constant 0 : i32
      %dma_start3A_957 = tpu.memref_slice %arg15[%dma_start3A_948, %dma_start3A_949, %dma_start3A_956] : memref<2x10x200xi32, #tpu.memory_space<vmem>> -> memref<1x1x128xi32, #tpu.memory_space<vmem>>
      %dma_start3A_958 = tpu.memref_squeeze %dma_start3A_957 : memref<1x1x128xi32, #tpu.memory_space<vmem>> -> memref<128xi32, #tpu.memory_space<vmem>>
      %dma_start3A_959 = arith.constant 0 : i32
      %dma_start3A_960 = arith.constant 0 : i32
      %dma_start3A_961 = tpu.memref_slice %arg13[%add3A, %dma_start3A_959, %dma_start3A_960] : memref<32x8512x64xf32, #tpu.memory_space<hbm>> -> memref<1x8512x64xf32, #tpu.memory_space<hbm>>
      %dma_start3A_962 = tpu.memref_squeeze %dma_start3A_961 : memref<1x8512x64xf32, #tpu.memory_space<hbm>> -> memref<8512x64xf32, #tpu.memory_space<hbm>>
      %dma_start3A_963 = arith.constant 0 : i32
      %dma_start3A_964 = arith.constant 0 : i32
      %dma_start3A_965 = tpu.memref_slice %dma_start3A_962[%dma_start3A_963, %dma_start3A_964] : memref<8512x64xf32, #tpu.memory_space<hbm>> -> memref<8512x64xf32, #tpu.memory_space<hbm>>
      %dma_start3A_966 = tpu.memref_slice %arg18[%dma_start3A_951] : memref<2x!tpu.dma_semaphore, #tpu.memory_space<semaphore_mem>> -> memref<1x!tpu.dma_semaphore, #tpu.memory_space<semaphore_mem>>
      %dma_start3A_967 = tpu.memref_squeeze %dma_start3A_966 : memref<1x!tpu.dma_semaphore, #tpu.memory_space<semaphore_mem>> -> memref<!tpu.dma_semaphore, #tpu.memory_space<semaphore_mem>>
      tpu.enqueue_indirect_dma source(%dma_start3A_965 : memref<8512x64xf32, #tpu.memory_space<hbm>>) target(%dma_start3A_955 : memref<128x64xf32, #tpu.memory_space<vmem>>) offsets(%dma_start3A_958 : memref<128xi32, #tpu.memory_space<vmem>>) semaphore(%dma_start3A_967 : memref<!tpu.dma_semaphore, #tpu.memory_space<semaphore_mem>>) {add = true}
      %dma_start3A_968 = arith.constant 0 : i32
      %dma_start3A_969 = arith.constant 5 : i32
      %dma_start3A_970 = arith.constant 0 : i32
      %dma_start3A_971 = arith.constant 0 : i32
      %dma_start3A_972 = arith.constant 0 : i32
      %dma_start3A_973 = arith.constant 0 : i32
      %dma_start3A_974 = tpu.memref_slice %arg16[%dma_start3A_970, %dma_start3A_972, %dma_start3A_973] : memref<2x200x64xf32, #tpu.memory_space<vmem>> -> memref<1x128x64xf32, #tpu.memory_space<vmem>>
      %dma_start3A_975 = tpu.memref_squeeze %dma_start3A_974 : memref<1x128x64xf32, #tpu.memory_space<vmem>> -> memref<128x64xf32, #tpu.memory_space<vmem>>
      %dma_start3A_976 = arith.constant 0 : i32
      %dma_start3A_977 = tpu.memref_slice %arg15[%dma_start3A_968, %dma_start3A_969, %dma_start3A_976] : memref<2x10x200xi32, #tpu.memory_space<vmem>> -> memref<1x1x128xi32, #tpu.memory_space<vmem>>
      %dma_start3A_978 = tpu.memref_squeeze %dma_start3A_977 : memref<1x1x128xi32, #tpu.memory_space<vmem>> -> memref<128xi32, #tpu.memory_space<vmem>>
      %dma_start3A_979 = arith.constant 0 : i32
      %dma_start3A_980 = arith.constant 0 : i32
      %dma_start3A_981 = tpu.memref_slice %arg13[%add3A, %dma_start3A_979, %dma_start3A_980] : memref<32x8512x64xf32, #tpu.memory_space<hbm>> -> memref<1x8512x64xf32, #tpu.memory_space<hbm>>
      %dma_start3A_982 = tpu.memref_squeeze %dma_start3A_981 : memref<1x8512x64xf32, #tpu.memory_space<hbm>> -> memref<8512x64xf32, #tpu.memory_space<hbm>>
      %dma_start3A_983 = arith.constant 0 : i32
      %dma_start3A_984 = arith.constant 0 : i32
      %dma_start3A_985 = tpu.memref_slice %dma_start3A_982[%dma_start3A_983, %dma_start3A_984] : memref<8512x64xf32, #tpu.memory_space<hbm>> -> memref<8512x64xf32, #tpu.memory_space<hbm>>
      %dma_start3A_986 = tpu.memref_slice %arg18[%dma_start3A_971] : memref<2x!tpu.dma_semaphore, #tpu.memory_space<semaphore_mem>> -> memref<1x!tpu.dma_semaphore, #tpu.memory_space<semaphore_mem>>
      %dma_start3A_987 = tpu.memref_squeeze %dma_start3A_986 : memref<1x!tpu.dma_semaphore, #tpu.memory_space<semaphore_mem>> -> memref<!tpu.dma_semaphore, #tpu.memory_space<semaphore_mem>>
      tpu.enqueue_indirect_dma source(%dma_start3A_985 : memref<8512x64xf32, #tpu.memory_space<hbm>>) target(%dma_start3A_975 : memref<128x64xf32, #tpu.memory_space<vmem>>) offsets(%dma_start3A_978 : memref<128xi32, #tpu.memory_space<vmem>>) semaphore(%dma_start3A_987 : memref<!tpu.dma_semaphore, #tpu.memory_space<semaphore_mem>>) {add = true}
      %dma_start3A_988 = arith.constant 0 : i32
      %dma_start3A_989 = arith.constant 6 : i32
      %dma_start3A_990 = arith.constant 0 : i32
      %dma_start3A_991 = arith.constant 0 : i32
      %dma_start3A_992 = arith.constant 0 : i32
      %dma_start3A_993 = arith.constant 0 : i32
      %dma_start3A_994 = tpu.memref_slice %arg16[%dma_start3A_990, %dma_start3A_992, %dma_start3A_993] : memref<2x200x64xf32, #tpu.memory_space<vmem>> -> memref<1x128x64xf32, #tpu.memory_space<vmem>>
      %dma_start3A_995 = tpu.memref_squeeze %dma_start3A_994 : memref<1x128x64xf32, #tpu.memory_space<vmem>> -> memref<128x64xf32, #tpu.memory_space<vmem>>
      %dma_start3A_996 = arith.constant 0 : i32
      %dma_start3A_997 = tpu.memref_slice %arg15[%dma_start3A_988, %dma_start3A_989, %dma_start3A_996] : memref<2x10x200xi32, #tpu.memory_space<vmem>> -> memref<1x1x128xi32, #tpu.memory_space<vmem>>
      %dma_start3A_998 = tpu.memref_squeeze %dma_start3A_997 : memref<1x1x128xi32, #tpu.memory_space<vmem>> -> memref<128xi32, #tpu.memory_space<vmem>>
      %dma_start3A_999 = arith.constant 0 : i32
      %dma_start3A_1000 = arith.constant 0 : i32
      %dma_start3A_1001 = tpu.memref_slice %arg13[%add3A, %dma_start3A_999, %dma_start3A_1000] : memref<32x8512x64xf32, #tpu.memory_space<hbm>> -> memref<1x8512x64xf32, #tpu.memory_space<hbm>>
      %dma_start3A_1002 = tpu.memref_squeeze %dma_start3A_1001 : memref<1x8512x64xf32, #tpu.memory_space<hbm>> -> memref<8512x64xf32, #tpu.memory_space<hbm>>
      %dma_start3A_1003 = arith.constant 0 : i32
      %dma_start3A_1004 = arith.constant 0 : i32
      %dma_start3A_1005 = tpu.memref_slice %dma_start3A_1002[%dma_start3A_1003, %dma_start3A_1004] : memref<8512x64xf32, #tpu.memory_space<hbm>> -> memref<8512x64xf32, #tpu.memory_space<hbm>>
      %dma_start3A_1006 = tpu.memref_slice %arg18[%dma_start3A_991] : memref<2x!tpu.dma_semaphore, #tpu.memory_space<semaphore_mem>> -> memref<1x!tpu.dma_semaphore, #tpu.memory_space<semaphore_mem>>
      %dma_start3A_1007 = tpu.memref_squeeze %dma_start3A_1006 : memref<1x!tpu.dma_semaphore, #tpu.memory_space<semaphore_mem>> -> memref<!tpu.dma_semaphore, #tpu.memory_space<semaphore_mem>>
      tpu.enqueue_indirect_dma source(%dma_start3A_1005 : memref<8512x64xf32, #tpu.memory_space<hbm>>) target(%dma_start3A_995 : memref<128x64xf32, #tpu.memory_space<vmem>>) offsets(%dma_start3A_998 : memref<128xi32, #tpu.memory_space<vmem>>) semaphore(%dma_start3A_1007 : memref<!tpu.dma_semaphore, #tpu.memory_space<semaphore_mem>>) {add = true}
      %dma_start3A_1008 = arith.constant 0 : i32
      %dma_start3A_1009 = arith.constant 7 : i32
      %dma_start3A_1010 = arith.constant 0 : i32
      %dma_start3A_1011 = arith.constant 0 : i32
      %dma_start3A_1012 = arith.constant 0 : i32
      %dma_start3A_1013 = arith.constant 0 : i32
      %dma_start3A_1014 = tpu.memref_slice %arg16[%dma_start3A_1010, %dma_start3A_1012, %dma_start3A_1013] : memref<2x200x64xf32, #tpu.memory_space<vmem>> -> memref<1x128x64xf32, #tpu.memory_space<vmem>>
      %dma_start3A_1015 = tpu.memref_squeeze %dma_start3A_1014 : memref<1x128x64xf32, #tpu.memory_space<vmem>> -> memref<128x64xf32, #tpu.memory_space<vmem>>
      %dma_start3A_1016 = arith.constant 0 : i32
      %dma_start3A_1017 = tpu.memref_slice %arg15[%dma_start3A_1008, %dma_start3A_1009, %dma_start3A_1016] : memref<2x10x200xi32, #tpu.memory_space<vmem>> -> memref<1x1x128xi32, #tpu.memory_space<vmem>>
      %dma_start3A_1018 = tpu.memref_squeeze %dma_start3A_1017 : memref<1x1x128xi32, #tpu.memory_space<vmem>> -> memref<128xi32, #tpu.memory_space<vmem>>
      %dma_start3A_1019 = arith.constant 0 : i32
      %dma_start3A_1020 = arith.constant 0 : i32
      %dma_start3A_1021 = tpu.memref_slice %arg13[%add3A, %dma_start3A_1019, %dma_start3A_1020] : memref<32x8512x64xf32, #tpu.memory_space<hbm>> -> memref<1x8512x64xf32, #tpu.memory_space<hbm>>
      %dma_start3A_1022 = tpu.memref_squeeze %dma_start3A_1021 : memref<1x8512x64xf32, #tpu.memory_space<hbm>> -> memref<8512x64xf32, #tpu.memory_space<hbm>>
      %dma_start3A_1023 = arith.constant 0 : i32
      %dma_start3A_1024 = arith.constant 0 : i32
      %dma_start3A_1025 = tpu.memref_slice %dma_start3A_1022[%dma_start3A_1023, %dma_start3A_1024] : memref<8512x64xf32, #tpu.memory_space<hbm>> -> memref<8512x64xf32, #tpu.memory_space<hbm>>
      %dma_start3A_1026 = tpu.memref_slice %arg18[%dma_start3A_1011] : memref<2x!tpu.dma_semaphore, #tpu.memory_space<semaphore_mem>> -> memref<1x!tpu.dma_semaphore, #tpu.memory_space<semaphore_mem>>
      %dma_start3A_1027 = tpu.memref_squeeze %dma_start3A_1026 : memref<1x!tpu.dma_semaphore, #tpu.memory_space<semaphore_mem>> -> memref<!tpu.dma_semaphore, #tpu.memory_space<semaphore_mem>>
      tpu.enqueue_indirect_dma source(%dma_start3A_1025 : memref<8512x64xf32, #tpu.memory_space<hbm>>) target(%dma_start3A_1015 : memref<128x64xf32, #tpu.memory_space<vmem>>) offsets(%dma_start3A_1018 : memref<128xi32, #tpu.memory_space<vmem>>) semaphore(%dma_start3A_1027 : memref<!tpu.dma_semaphore, #tpu.memory_space<semaphore_mem>>) {add = true}
      %dma_start3A_1028 = arith.constant 0 : i32
      %dma_start3A_1029 = arith.constant 8 : i32
      %dma_start3A_1030 = arith.constant 0 : i32
      %dma_start3A_1031 = arith.constant 0 : i32
      %dma_start3A_1032 = arith.constant 0 : i32
      %dma_start3A_1033 = arith.constant 0 : i32
      %dma_start3A_1034 = tpu.memref_slice %arg16[%dma_start3A_1030, %dma_start3A_1032, %dma_start3A_1033] : memref<2x200x64xf32, #tpu.memory_space<vmem>> -> memref<1x128x64xf32, #tpu.memory_space<vmem>>
      %dma_start3A_1035 = tpu.memref_squeeze %dma_start3A_1034 : memref<1x128x64xf32, #tpu.memory_space<vmem>> -> memref<128x64xf32, #tpu.memory_space<vmem>>
      %dma_start3A_1036 = arith.constant 0 : i32
      %dma_start3A_1037 = tpu.memref_slice %arg15[%dma_start3A_1028, %dma_start3A_1029, %dma_start3A_1036] : memref<2x10x200xi32, #tpu.memory_space<vmem>> -> memref<1x1x128xi32, #tpu.memory_space<vmem>>
      %dma_start3A_1038 = tpu.memref_squeeze %dma_start3A_1037 : memref<1x1x128xi32, #tpu.memory_space<vmem>> -> memref<128xi32, #tpu.memory_space<vmem>>
      %dma_start3A_1039 = arith.constant 0 : i32
      %dma_start3A_1040 = arith.constant 0 : i32
      %dma_start3A_1041 = tpu.memref_slice %arg13[%add3A, %dma_start3A_1039, %dma_start3A_1040] : memref<32x8512x64xf32, #tpu.memory_space<hbm>> -> memref<1x8512x64xf32, #tpu.memory_space<hbm>>
      %dma_start3A_1042 = tpu.memref_squeeze %dma_start3A_1041 : memref<1x8512x64xf32, #tpu.memory_space<hbm>> -> memref<8512x64xf32, #tpu.memory_space<hbm>>
      %dma_start3A_1043 = arith.constant 0 : i32
      %dma_start3A_1044 = arith.constant 0 : i32
      %dma_start3A_1045 = tpu.memref_slice %dma_start3A_1042[%dma_start3A_1043, %dma_start3A_1044] : memref<8512x64xf32, #tpu.memory_space<hbm>> -> memref<8512x64xf32, #tpu.memory_space<hbm>>
      %dma_start3A_1046 = tpu.memref_slice %arg18[%dma_start3A_1031] : memref<2x!tpu.dma_semaphore, #tpu.memory_space<semaphore_mem>> -> memref<1x!tpu.dma_semaphore, #tpu.memory_space<semaphore_mem>>
      %dma_start3A_1047 = tpu.memref_squeeze %dma_start3A_1046 : memref<1x!tpu.dma_semaphore, #tpu.memory_space<semaphore_mem>> -> memref<!tpu.dma_semaphore, #tpu.memory_space<semaphore_mem>>
      tpu.enqueue_indirect_dma source(%dma_start3A_1045 : memref<8512x64xf32, #tpu.memory_space<hbm>>) target(%dma_start3A_1035 : memref<128x64xf32, #tpu.memory_space<vmem>>) offsets(%dma_start3A_1038 : memref<128xi32, #tpu.memory_space<vmem>>) semaphore(%dma_start3A_1047 : memref<!tpu.dma_semaphore, #tpu.memory_space<semaphore_mem>>) {add = true}
      %dma_start3A_1048 = arith.constant 0 : i32
      %dma_start3A_1049 = arith.constant 9 : i32
      %dma_start3A_1050 = arith.constant 0 : i32
      %dma_start3A_1051 = arith.constant 0 : i32
      %dma_start3A_1052 = arith.constant 0 : i32
      %dma_start3A_1053 = arith.constant 0 : i32
      %dma_start3A_1054 = tpu.memref_slice %arg16[%dma_start3A_1050, %dma_start3A_1052, %dma_start3A_1053] : memref<2x200x64xf32, #tpu.memory_space<vmem>> -> memref<1x128x64xf32, #tpu.memory_space<vmem>>
      %dma_start3A_1055 = tpu.memref_squeeze %dma_start3A_1054 : memref<1x128x64xf32, #tpu.memory_space<vmem>> -> memref<128x64xf32, #tpu.memory_space<vmem>>
      %dma_start3A_1056 = arith.constant 0 : i32
      %dma_start3A_1057 = tpu.memref_slice %arg15[%dma_start3A_1048, %dma_start3A_1049, %dma_start3A_1056] : memref<2x10x200xi32, #tpu.memory_space<vmem>> -> memref<1x1x128xi32, #tpu.memory_space<vmem>>
      %dma_start3A_1058 = tpu.memref_squeeze %dma_start3A_1057 : memref<1x1x128xi32, #tpu.memory_space<vmem>> -> memref<128xi32, #tpu.memory_space<vmem>>
      %dma_start3A_1059 = arith.constant 0 : i32
      %dma_start3A_1060 = arith.constant 0 : i32
      %dma_start3A_1061 = tpu.memref_slice %arg13[%add3A, %dma_start3A_1059, %dma_start3A_1060] : memref<32x8512x64xf32, #tpu.memory_space<hbm>> -> memref<1x8512x64xf32, #tpu.memory_space<hbm>>
      %dma_start3A_1062 = tpu.memref_squeeze %dma_start3A_1061 : memref<1x8512x64xf32, #tpu.memory_space<hbm>> -> memref<8512x64xf32, #tpu.memory_space<hbm>>
      %dma_start3A_1063 = arith.constant 0 : i32
      %dma_start3A_1064 = arith.constant 0 : i32
      %dma_start3A_1065 = tpu.memref_slice %dma_start3A_1062[%dma_start3A_1063, %dma_start3A_1064] : memref<8512x64xf32, #tpu.memory_space<hbm>> -> memref<8512x64xf32, #tpu.memory_space<hbm>>
      %dma_start3A_1066 = tpu.memref_slice %arg18[%dma_start3A_1051] : memref<2x!tpu.dma_semaphore, #tpu.memory_space<semaphore_mem>> -> memref<1x!tpu.dma_semaphore, #tpu.memory_space<semaphore_mem>>
      %dma_start3A_1067 = tpu.memref_squeeze %dma_start3A_1066 : memref<1x!tpu.dma_semaphore, #tpu.memory_space<semaphore_mem>> -> memref<!tpu.dma_semaphore, #tpu.memory_space<semaphore_mem>>
      tpu.enqueue_indirect_dma source(%dma_start3A_1065 : memref<8512x64xf32, #tpu.memory_space<hbm>>) target(%dma_start3A_1055 : memref<128x64xf32, #tpu.memory_space<vmem>>) offsets(%dma_start3A_1058 : memref<128xi32, #tpu.memory_space<vmem>>) semaphore(%dma_start3A_1067 : memref<!tpu.dma_semaphore, #tpu.memory_space<semaphore_mem>>) {add = true}
      %dma_start3A_1068 = arith.constant 0 : i32
      %dma_start3A_1069 = arith.constant 0 : i32
      %dma_start3A_1070 = arith.constant 0 : i32
      %dma_start3A_1071 = arith.constant 0 : i32
      %dma_start3A_1072 = arith.constant 128 : i32
      %dma_start3A_1073 = arith.constant 0 : i32
      %dma_start3A_1074 = tpu.memref_slice %arg16[%dma_start3A_1070, %dma_start3A_1072, %dma_start3A_1073] : memref<2x200x64xf32, #tpu.memory_space<vmem>> -> memref<1x72x64xf32, #tpu.memory_space<vmem>>
      %dma_start3A_1075 = tpu.memref_squeeze %dma_start3A_1074 : memref<1x72x64xf32, #tpu.memory_space<vmem>> -> memref<72x64xf32, #tpu.memory_space<vmem>>
      %dma_start3A_1076 = arith.constant 128 : i32
      %dma_start3A_1077 = tpu.memref_slice %arg15[%dma_start3A_1068, %dma_start3A_1069, %dma_start3A_1076] : memref<2x10x200xi32, #tpu.memory_space<vmem>> -> memref<1x1x72xi32, #tpu.memory_space<vmem>>
      %dma_start3A_1078 = tpu.memref_squeeze %dma_start3A_1077 : memref<1x1x72xi32, #tpu.memory_space<vmem>> -> memref<72xi32, #tpu.memory_space<vmem>>
      %dma_start3A_1079 = arith.constant 0 : i32
      %dma_start3A_1080 = arith.constant 0 : i32
      %dma_start3A_1081 = tpu.memref_slice %arg12[%dma_start3A_1079, %dma_start3A_1080] : memref<64001x64xf32, #tpu.memory_space<hbm>> -> memref<64001x64xf32, #tpu.memory_space<hbm>>
      %dma_start3A_1082 = tpu.memref_slice %arg18[%dma_start3A_1071] : memref<2x!tpu.dma_semaphore, #tpu.memory_space<semaphore_mem>> -> memref<1x!tpu.dma_semaphore, #tpu.memory_space<semaphore_mem>>
      %dma_start3A_1083 = tpu.memref_squeeze %dma_start3A_1082 : memref<1x!tpu.dma_semaphore, #tpu.memory_space<semaphore_mem>> -> memref<!tpu.dma_semaphore, #tpu.memory_space<semaphore_mem>>
      tpu.enqueue_indirect_dma source(%dma_start3A_1081 : memref<64001x64xf32, #tpu.memory_space<hbm>>) target(%dma_start3A_1075 : memref<72x64xf32, #tpu.memory_space<vmem>>) offsets(%dma_start3A_1078 : memref<72xi32, #tpu.memory_space<vmem>>) semaphore(%dma_start3A_1083 : memref<!tpu.dma_semaphore, #tpu.memory_space<semaphore_mem>>) {add = true}
      %dma_start3A_1084 = arith.constant 0 : i32
      %dma_start3A_1085 = arith.constant 1 : i32
      %dma_start3A_1086 = arith.constant 0 : i32
      %dma_start3A_1087 = arith.constant 0 : i32
      %dma_start3A_1088 = arith.constant 128 : i32
      %dma_start3A_1089 = arith.constant 0 : i32
      %dma_start3A_1090 = tpu.memref_slice %arg16[%dma_start3A_1086, %dma_start3A_1088, %dma_start3A_1089] : memref<2x200x64xf32, #tpu.memory_space<vmem>> -> memref<1x72x64xf32, #tpu.memory_space<vmem>>
      %dma_start3A_1091 = tpu.memref_squeeze %dma_start3A_1090 : memref<1x72x64xf32, #tpu.memory_space<vmem>> -> memref<72x64xf32, #tpu.memory_space<vmem>>
      %dma_start3A_1092 = arith.constant 128 : i32
      %dma_start3A_1093 = tpu.memref_slice %arg15[%dma_start3A_1084, %dma_start3A_1085, %dma_start3A_1092] : memref<2x10x200xi32, #tpu.memory_space<vmem>> -> memref<1x1x72xi32, #tpu.memory_space<vmem>>
      %dma_start3A_1094 = tpu.memref_squeeze %dma_start3A_1093 : memref<1x1x72xi32, #tpu.memory_space<vmem>> -> memref<72xi32, #tpu.memory_space<vmem>>
      %dma_start3A_1095 = arith.constant 0 : i32
      %dma_start3A_1096 = arith.constant 0 : i32
      %dma_start3A_1097 = tpu.memref_slice %arg13[%add3A, %dma_start3A_1095, %dma_start3A_1096] : memref<32x8512x64xf32, #tpu.memory_space<hbm>> -> memref<1x8512x64xf32, #tpu.memory_space<hbm>>
      %dma_start3A_1098 = tpu.memref_squeeze %dma_start3A_1097 : memref<1x8512x64xf32, #tpu.memory_space<hbm>> -> memref<8512x64xf32, #tpu.memory_space<hbm>>
      %dma_start3A_1099 = arith.constant 0 : i32
      %dma_start3A_1100 = arith.constant 0 : i32
      %dma_start3A_1101 = tpu.memref_slice %dma_start3A_1098[%dma_start3A_1099, %dma_start3A_1100] : memref<8512x64xf32, #tpu.memory_space<hbm>> -> memref<8512x64xf32, #tpu.memory_space<hbm>>
      %dma_start3A_1102 = tpu.memref_slice %arg18[%dma_start3A_1087] : memref<2x!tpu.dma_semaphore, #tpu.memory_space<semaphore_mem>> -> memref<1x!tpu.dma_semaphore, #tpu.memory_space<semaphore_mem>>
      %dma_start3A_1103 = tpu.memref_squeeze %dma_start3A_1102 : memref<1x!tpu.dma_semaphore, #tpu.memory_space<semaphore_mem>> -> memref<!tpu.dma_semaphore, #tpu.memory_space<semaphore_mem>>
      tpu.enqueue_indirect_dma source(%dma_start3A_1101 : memref<8512x64xf32, #tpu.memory_space<hbm>>) target(%dma_start3A_1091 : memref<72x64xf32, #tpu.memory_space<vmem>>) offsets(%dma_start3A_1094 : memref<72xi32, #tpu.memory_space<vmem>>) semaphore(%dma_start3A_1103 : memref<!tpu.dma_semaphore, #tpu.memory_space<semaphore_mem>>) {add = true}
      %dma_start3A_1104 = arith.constant 0 : i32
      %dma_start3A_1105 = arith.constant 2 : i32
      %dma_start3A_1106 = arith.constant 0 : i32
      %dma_start3A_1107 = arith.constant 0 : i32
      %dma_start3A_1108 = arith.constant 128 : i32
      %dma_start3A_1109 = arith.constant 0 : i32
      %dma_start3A_1110 = tpu.memref_slice %arg16[%dma_start3A_1106, %dma_start3A_1108, %dma_start3A_1109] : memref<2x200x64xf32, #tpu.memory_space<vmem>> -> memref<1x72x64xf32, #tpu.memory_space<vmem>>
      %dma_start3A_1111 = tpu.memref_squeeze %dma_start3A_1110 : memref<1x72x64xf32, #tpu.memory_space<vmem>> -> memref<72x64xf32, #tpu.memory_space<vmem>>
      %dma_start3A_1112 = arith.constant 128 : i32
      %dma_start3A_1113 = tpu.memref_slice %arg15[%dma_start3A_1104, %dma_start3A_1105, %dma_start3A_1112] : memref<2x10x200xi32, #tpu.memory_space<vmem>> -> memref<1x1x72xi32, #tpu.memory_space<vmem>>
      %dma_start3A_1114 = tpu.memref_squeeze %dma_start3A_1113 : memref<1x1x72xi32, #tpu.memory_space<vmem>> -> memref<72xi32, #tpu.memory_space<vmem>>
      %dma_start3A_1115 = arith.constant 0 : i32
      %dma_start3A_1116 = arith.constant 0 : i32
      %dma_start3A_1117 = tpu.memref_slice %arg13[%add3A, %dma_start3A_1115, %dma_start3A_1116] : memref<32x8512x64xf32, #tpu.memory_space<hbm>> -> memref<1x8512x64xf32, #tpu.memory_space<hbm>>
      %dma_start3A_1118 = tpu.memref_squeeze %dma_start3A_1117 : memref<1x8512x64xf32, #tpu.memory_space<hbm>> -> memref<8512x64xf32, #tpu.memory_space<hbm>>
      %dma_start3A_1119 = arith.constant 0 : i32
      %dma_start3A_1120 = arith.constant 0 : i32
      %dma_start3A_1121 = tpu.memref_slice %dma_start3A_1118[%dma_start3A_1119, %dma_start3A_1120] : memref<8512x64xf32, #tpu.memory_space<hbm>> -> memref<8512x64xf32, #tpu.memory_space<hbm>>
      %dma_start3A_1122 = tpu.memref_slice %arg18[%dma_start3A_1107] : memref<2x!tpu.dma_semaphore, #tpu.memory_space<semaphore_mem>> -> memref<1x!tpu.dma_semaphore, #tpu.memory_space<semaphore_mem>>
      %dma_start3A_1123 = tpu.memref_squeeze %dma_start3A_1122 : memref<1x!tpu.dma_semaphore, #tpu.memory_space<semaphore_mem>> -> memref<!tpu.dma_semaphore, #tpu.memory_space<semaphore_mem>>
      tpu.enqueue_indirect_dma source(%dma_start3A_1121 : memref<8512x64xf32, #tpu.memory_space<hbm>>) target(%dma_start3A_1111 : memref<72x64xf32, #tpu.memory_space<vmem>>) offsets(%dma_start3A_1114 : memref<72xi32, #tpu.memory_space<vmem>>) semaphore(%dma_start3A_1123 : memref<!tpu.dma_semaphore, #tpu.memory_space<semaphore_mem>>) {add = true}
      %dma_start3A_1124 = arith.constant 0 : i32
      %dma_start3A_1125 = arith.constant 3 : i32
      %dma_start3A_1126 = arith.constant 0 : i32
      %dma_start3A_1127 = arith.constant 0 : i32
      %dma_start3A_1128 = arith.constant 128 : i32
      %dma_start3A_1129 = arith.constant 0 : i32
      %dma_start3A_1130 = tpu.memref_slice %arg16[%dma_start3A_1126, %dma_start3A_1128, %dma_start3A_1129] : memref<2x200x64xf32, #tpu.memory_space<vmem>> -> memref<1x72x64xf32, #tpu.memory_space<vmem>>
      %dma_start3A_1131 = tpu.memref_squeeze %dma_start3A_1130 : memref<1x72x64xf32, #tpu.memory_space<vmem>> -> memref<72x64xf32, #tpu.memory_space<vmem>>
      %dma_start3A_1132 = arith.constant 128 : i32
      %dma_start3A_1133 = tpu.memref_slice %arg15[%dma_start3A_1124, %dma_start3A_1125, %dma_start3A_1132] : memref<2x10x200xi32, #tpu.memory_space<vmem>> -> memref<1x1x72xi32, #tpu.memory_space<vmem>>
      %dma_start3A_1134 = tpu.memref_squeeze %dma_start3A_1133 : memref<1x1x72xi32, #tpu.memory_space<vmem>> -> memref<72xi32, #tpu.memory_space<vmem>>
      %dma_start3A_1135 = arith.constant 0 : i32
      %dma_start3A_1136 = arith.constant 0 : i32
      %dma_start3A_1137 = tpu.memref_slice %arg13[%add3A, %dma_start3A_1135, %dma_start3A_1136] : memref<32x8512x64xf32, #tpu.memory_space<hbm>> -> memref<1x8512x64xf32, #tpu.memory_space<hbm>>
      %dma_start3A_1138 = tpu.memref_squeeze %dma_start3A_1137 : memref<1x8512x64xf32, #tpu.memory_space<hbm>> -> memref<8512x64xf32, #tpu.memory_space<hbm>>
      %dma_start3A_1139 = arith.constant 0 : i32
      %dma_start3A_1140 = arith.constant 0 : i32
      %dma_start3A_1141 = tpu.memref_slice %dma_start3A_1138[%dma_start3A_1139, %dma_start3A_1140] : memref<8512x64xf32, #tpu.memory_space<hbm>> -> memref<8512x64xf32, #tpu.memory_space<hbm>>
      %dma_start3A_1142 = tpu.memref_slice %arg18[%dma_start3A_1127] : memref<2x!tpu.dma_semaphore, #tpu.memory_space<semaphore_mem>> -> memref<1x!tpu.dma_semaphore, #tpu.memory_space<semaphore_mem>>
      %dma_start3A_1143 = tpu.memref_squeeze %dma_start3A_1142 : memref<1x!tpu.dma_semaphore, #tpu.memory_space<semaphore_mem>> -> memref<!tpu.dma_semaphore, #tpu.memory_space<semaphore_mem>>
      tpu.enqueue_indirect_dma source(%dma_start3A_1141 : memref<8512x64xf32, #tpu.memory_space<hbm>>) target(%dma_start3A_1131 : memref<72x64xf32, #tpu.memory_space<vmem>>) offsets(%dma_start3A_1134 : memref<72xi32, #tpu.memory_space<vmem>>) semaphore(%dma_start3A_1143 : memref<!tpu.dma_semaphore, #tpu.memory_space<semaphore_mem>>) {add = true}
      %dma_start3A_1144 = arith.constant 0 : i32
      %dma_start3A_1145 = arith.constant 4 : i32
      %dma_start3A_1146 = arith.constant 0 : i32
      %dma_start3A_1147 = arith.constant 0 : i32
      %dma_start3A_1148 = arith.constant 128 : i32
      %dma_start3A_1149 = arith.constant 0 : i32
      %dma_start3A_1150 = tpu.memref_slice %arg16[%dma_start3A_1146, %dma_start3A_1148, %dma_start3A_1149] : memref<2x200x64xf32, #tpu.memory_space<vmem>> -> memref<1x72x64xf32, #tpu.memory_space<vmem>>
      %dma_start3A_1151 = tpu.memref_squeeze %dma_start3A_1150 : memref<1x72x64xf32, #tpu.memory_space<vmem>> -> memref<72x64xf32, #tpu.memory_space<vmem>>
      %dma_start3A_1152 = arith.constant 128 : i32
      %dma_start3A_1153 = tpu.memref_slice %arg15[%dma_start3A_1144, %dma_start3A_1145, %dma_start3A_1152] : memref<2x10x200xi32, #tpu.memory_space<vmem>> -> memref<1x1x72xi32, #tpu.memory_space<vmem>>
      %dma_start3A_1154 = tpu.memref_squeeze %dma_start3A_1153 : memref<1x1x72xi32, #tpu.memory_space<vmem>> -> memref<72xi32, #tpu.memory_space<vmem>>
      %dma_start3A_1155 = arith.constant 0 : i32
      %dma_start3A_1156 = arith.constant 0 : i32
      %dma_start3A_1157 = tpu.memref_slice %arg13[%add3A, %dma_start3A_1155, %dma_start3A_1156] : memref<32x8512x64xf32, #tpu.memory_space<hbm>> -> memref<1x8512x64xf32, #tpu.memory_space<hbm>>
      %dma_start3A_1158 = tpu.memref_squeeze %dma_start3A_1157 : memref<1x8512x64xf32, #tpu.memory_space<hbm>> -> memref<8512x64xf32, #tpu.memory_space<hbm>>
      %dma_start3A_1159 = arith.constant 0 : i32
      %dma_start3A_1160 = arith.constant 0 : i32
      %dma_start3A_1161 = tpu.memref_slice %dma_start3A_1158[%dma_start3A_1159, %dma_start3A_1160] : memref<8512x64xf32, #tpu.memory_space<hbm>> -> memref<8512x64xf32, #tpu.memory_space<hbm>>
      %dma_start3A_1162 = tpu.memref_slice %arg18[%dma_start3A_1147] : memref<2x!tpu.dma_semaphore, #tpu.memory_space<semaphore_mem>> -> memref<1x!tpu.dma_semaphore, #tpu.memory_space<semaphore_mem>>
      %dma_start3A_1163 = tpu.memref_squeeze %dma_start3A_1162 : memref<1x!tpu.dma_semaphore, #tpu.memory_space<semaphore_mem>> -> memref<!tpu.dma_semaphore, #tpu.memory_space<semaphore_mem>>
      tpu.enqueue_indirect_dma source(%dma_start3A_1161 : memref<8512x64xf32, #tpu.memory_space<hbm>>) target(%dma_start3A_1151 : memref<72x64xf32, #tpu.memory_space<vmem>>) offsets(%dma_start3A_1154 : memref<72xi32, #tpu.memory_space<vmem>>) semaphore(%dma_start3A_1163 : memref<!tpu.dma_semaphore, #tpu.memory_space<semaphore_mem>>) {add = true}
      %dma_start3A_1164 = arith.constant 0 : i32
      %dma_start3A_1165 = arith.constant 5 : i32
      %dma_start3A_1166 = arith.constant 0 : i32
      %dma_start3A_1167 = arith.constant 0 : i32
      %dma_start3A_1168 = arith.constant 128 : i32
      %dma_start3A_1169 = arith.constant 0 : i32
      %dma_start3A_1170 = tpu.memref_slice %arg16[%dma_start3A_1166, %dma_start3A_1168, %dma_start3A_1169] : memref<2x200x64xf32, #tpu.memory_space<vmem>> -> memref<1x72x64xf32, #tpu.memory_space<vmem>>
      %dma_start3A_1171 = tpu.memref_squeeze %dma_start3A_1170 : memref<1x72x64xf32, #tpu.memory_space<vmem>> -> memref<72x64xf32, #tpu.memory_space<vmem>>
      %dma_start3A_1172 = arith.constant 128 : i32
      %dma_start3A_1173 = tpu.memref_slice %arg15[%dma_start3A_1164, %dma_start3A_1165, %dma_start3A_1172] : memref<2x10x200xi32, #tpu.memory_space<vmem>> -> memref<1x1x72xi32, #tpu.memory_space<vmem>>
      %dma_start3A_1174 = tpu.memref_squeeze %dma_start3A_1173 : memref<1x1x72xi32, #tpu.memory_space<vmem>> -> memref<72xi32, #tpu.memory_space<vmem>>
      %dma_start3A_1175 = arith.constant 0 : i32
      %dma_start3A_1176 = arith.constant 0 : i32
      %dma_start3A_1177 = tpu.memref_slice %arg13[%add3A, %dma_start3A_1175, %dma_start3A_1176] : memref<32x8512x64xf32, #tpu.memory_space<hbm>> -> memref<1x8512x64xf32, #tpu.memory_space<hbm>>
      %dma_start3A_1178 = tpu.memref_squeeze %dma_start3A_1177 : memref<1x8512x64xf32, #tpu.memory_space<hbm>> -> memref<8512x64xf32, #tpu.memory_space<hbm>>
      %dma_start3A_1179 = arith.constant 0 : i32
      %dma_start3A_1180 = arith.constant 0 : i32
      %dma_start3A_1181 = tpu.memref_slice %dma_start3A_1178[%dma_start3A_1179, %dma_start3A_1180] : memref<8512x64xf32, #tpu.memory_space<hbm>> -> memref<8512x64xf32, #tpu.memory_space<hbm>>
      %dma_start3A_1182 = tpu.memref_slice %arg18[%dma_start3A_1167] : memref<2x!tpu.dma_semaphore, #tpu.memory_space<semaphore_mem>> -> memref<1x!tpu.dma_semaphore, #tpu.memory_space<semaphore_mem>>
      %dma_start3A_1183 = tpu.memref_squeeze %dma_start3A_1182 : memref<1x!tpu.dma_semaphore, #tpu.memory_space<semaphore_mem>> -> memref<!tpu.dma_semaphore, #tpu.memory_space<semaphore_mem>>
      tpu.enqueue_indirect_dma source(%dma_start3A_1181 : memref<8512x64xf32, #tpu.memory_space<hbm>>) target(%dma_start3A_1171 : memref<72x64xf32, #tpu.memory_space<vmem>>) offsets(%dma_start3A_1174 : memref<72xi32, #tpu.memory_space<vmem>>) semaphore(%dma_start3A_1183 : memref<!tpu.dma_semaphore, #tpu.memory_space<semaphore_mem>>) {add = true}
      %dma_start3A_1184 = arith.constant 0 : i32
      %dma_start3A_1185 = arith.constant 6 : i32
      %dma_start3A_1186 = arith.constant 0 : i32
      %dma_start3A_1187 = arith.constant 0 : i32
      %dma_start3A_1188 = arith.constant 128 : i32
      %dma_start3A_1189 = arith.constant 0 : i32
      %dma_start3A_1190 = tpu.memref_slice %arg16[%dma_start3A_1186, %dma_start3A_1188, %dma_start3A_1189] : memref<2x200x64xf32, #tpu.memory_space<vmem>> -> memref<1x72x64xf32, #tpu.memory_space<vmem>>
      %dma_start3A_1191 = tpu.memref_squeeze %dma_start3A_1190 : memref<1x72x64xf32, #tpu.memory_space<vmem>> -> memref<72x64xf32, #tpu.memory_space<vmem>>
      %dma_start3A_1192 = arith.constant 128 : i32
      %dma_start3A_1193 = tpu.memref_slice %arg15[%dma_start3A_1184, %dma_start3A_1185, %dma_start3A_1192] : memref<2x10x200xi32, #tpu.memory_space<vmem>> -> memref<1x1x72xi32, #tpu.memory_space<vmem>>
      %dma_start3A_1194 = tpu.memref_squeeze %dma_start3A_1193 : memref<1x1x72xi32, #tpu.memory_space<vmem>> -> memref<72xi32, #tpu.memory_space<vmem>>
      %dma_start3A_1195 = arith.constant 0 : i32
      %dma_start3A_1196 = arith.constant 0 : i32
      %dma_start3A_1197 = tpu.memref_slice %arg13[%add3A, %dma_start3A_1195, %dma_start3A_1196] : memref<32x8512x64xf32, #tpu.memory_space<hbm>> -> memref<1x8512x64xf32, #tpu.memory_space<hbm>>
      %dma_start3A_1198 = tpu.memref_squeeze %dma_start3A_1197 : memref<1x8512x64xf32, #tpu.memory_space<hbm>> -> memref<8512x64xf32, #tpu.memory_space<hbm>>
      %dma_start3A_1199 = arith.constant 0 : i32
      %dma_start3A_1200 = arith.constant 0 : i32
      %dma_start3A_1201 = tpu.memref_slice %dma_start3A_1198[%dma_start3A_1199, %dma_start3A_1200] : memref<8512x64xf32, #tpu.memory_space<hbm>> -> memref<8512x64xf32, #tpu.memory_space<hbm>>
      %dma_start3A_1202 = tpu.memref_slice %arg18[%dma_start3A_1187] : memref<2x!tpu.dma_semaphore, #tpu.memory_space<semaphore_mem>> -> memref<1x!tpu.dma_semaphore, #tpu.memory_space<semaphore_mem>>
      %dma_start3A_1203 = tpu.memref_squeeze %dma_start3A_1202 : memref<1x!tpu.dma_semaphore, #tpu.memory_space<semaphore_mem>> -> memref<!tpu.dma_semaphore, #tpu.memory_space<semaphore_mem>>
      tpu.enqueue_indirect_dma source(%dma_start3A_1201 : memref<8512x64xf32, #tpu.memory_space<hbm>>) target(%dma_start3A_1191 : memref<72x64xf32, #tpu.memory_space<vmem>>) offsets(%dma_start3A_1194 : memref<72xi32, #tpu.memory_space<vmem>>) semaphore(%dma_start3A_1203 : memref<!tpu.dma_semaphore, #tpu.memory_space<semaphore_mem>>) {add = true}
      %dma_start3A_1204 = arith.constant 0 : i32
      %dma_start3A_1205 = arith.constant 7 : i32
      %dma_start3A_1206 = arith.constant 0 : i32
      %dma_start3A_1207 = arith.constant 0 : i32
      %dma_start3A_1208 = arith.constant 128 : i32
      %dma_start3A_1209 = arith.constant 0 : i32
      %dma_start3A_1210 = tpu.memref_slice %arg16[%dma_start3A_1206, %dma_start3A_1208, %dma_start3A_1209] : memref<2x200x64xf32, #tpu.memory_space<vmem>> -> memref<1x72x64xf32, #tpu.memory_space<vmem>>
      %dma_start3A_1211 = tpu.memref_squeeze %dma_start3A_1210 : memref<1x72x64xf32, #tpu.memory_space<vmem>> -> memref<72x64xf32, #tpu.memory_space<vmem>>
      %dma_start3A_1212 = arith.constant 128 : i32
      %dma_start3A_1213 = tpu.memref_slice %arg15[%dma_start3A_1204, %dma_start3A_1205, %dma_start3A_1212] : memref<2x10x200xi32, #tpu.memory_space<vmem>> -> memref<1x1x72xi32, #tpu.memory_space<vmem>>
      %dma_start3A_1214 = tpu.memref_squeeze %dma_start3A_1213 : memref<1x1x72xi32, #tpu.memory_space<vmem>> -> memref<72xi32, #tpu.memory_space<vmem>>
      %dma_start3A_1215 = arith.constant 0 : i32
      %dma_start3A_1216 = arith.constant 0 : i32
      %dma_start3A_1217 = tpu.memref_slice %arg13[%add3A, %dma_start3A_1215, %dma_start3A_1216] : memref<32x8512x64xf32, #tpu.memory_space<hbm>> -> memref<1x8512x64xf32, #tpu.memory_space<hbm>>
      %dma_start3A_1218 = tpu.memref_squeeze %dma_start3A_1217 : memref<1x8512x64xf32, #tpu.memory_space<hbm>> -> memref<8512x64xf32, #tpu.memory_space<hbm>>
      %dma_start3A_1219 = arith.constant 0 : i32
      %dma_start3A_1220 = arith.constant 0 : i32
      %dma_start3A_1221 = tpu.memref_slice %dma_start3A_1218[%dma_start3A_1219, %dma_start3A_1220] : memref<8512x64xf32, #tpu.memory_space<hbm>> -> memref<8512x64xf32, #tpu.memory_space<hbm>>
      %dma_start3A_1222 = tpu.memref_slice %arg18[%dma_start3A_1207] : memref<2x!tpu.dma_semaphore, #tpu.memory_space<semaphore_mem>> -> memref<1x!tpu.dma_semaphore, #tpu.memory_space<semaphore_mem>>
      %dma_start3A_1223 = tpu.memref_squeeze %dma_start3A_1222 : memref<1x!tpu.dma_semaphore, #tpu.memory_space<semaphore_mem>> -> memref<!tpu.dma_semaphore, #tpu.memory_space<semaphore_mem>>
      tpu.enqueue_indirect_dma source(%dma_start3A_1221 : memref<8512x64xf32, #tpu.memory_space<hbm>>) target(%dma_start3A_1211 : memref<72x64xf32, #tpu.memory_space<vmem>>) offsets(%dma_start3A_1214 : memref<72xi32, #tpu.memory_space<vmem>>) semaphore(%dma_start3A_1223 : memref<!tpu.dma_semaphore, #tpu.memory_space<semaphore_mem>>) {add = true}
      %dma_start3A_1224 = arith.constant 0 : i32
      %dma_start3A_1225 = arith.constant 8 : i32
      %dma_start3A_1226 = arith.constant 0 : i32
      %dma_start3A_1227 = arith.constant 0 : i32
      %dma_start3A_1228 = arith.constant 128 : i32
      %dma_start3A_1229 = arith.constant 0 : i32
      %dma_start3A_1230 = tpu.memref_slice %arg16[%dma_start3A_1226, %dma_start3A_1228, %dma_start3A_1229] : memref<2x200x64xf32, #tpu.memory_space<vmem>> -> memref<1x72x64xf32, #tpu.memory_space<vmem>>
      %dma_start3A_1231 = tpu.memref_squeeze %dma_start3A_1230 : memref<1x72x64xf32, #tpu.memory_space<vmem>> -> memref<72x64xf32, #tpu.memory_space<vmem>>
      %dma_start3A_1232 = arith.constant 128 : i32
      %dma_start3A_1233 = tpu.memref_slice %arg15[%dma_start3A_1224, %dma_start3A_1225, %dma_start3A_1232] : memref<2x10x200xi32, #tpu.memory_space<vmem>> -> memref<1x1x72xi32, #tpu.memory_space<vmem>>
      %dma_start3A_1234 = tpu.memref_squeeze %dma_start3A_1233 : memref<1x1x72xi32, #tpu.memory_space<vmem>> -> memref<72xi32, #tpu.memory_space<vmem>>
      %dma_start3A_1235 = arith.constant 0 : i32
      %dma_start3A_1236 = arith.constant 0 : i32
      %dma_start3A_1237 = tpu.memref_slice %arg13[%add3A, %dma_start3A_1235, %dma_start3A_1236] : memref<32x8512x64xf32, #tpu.memory_space<hbm>> -> memref<1x8512x64xf32, #tpu.memory_space<hbm>>
      %dma_start3A_1238 = tpu.memref_squeeze %dma_start3A_1237 : memref<1x8512x64xf32, #tpu.memory_space<hbm>> -> memref<8512x64xf32, #tpu.memory_space<hbm>>
      %dma_start3A_1239 = arith.constant 0 : i32
      %dma_start3A_1240 = arith.constant 0 : i32
      %dma_start3A_1241 = tpu.memref_slice %dma_start3A_1238[%dma_start3A_1239, %dma_start3A_1240] : memref<8512x64xf32, #tpu.memory_space<hbm>> -> memref<8512x64xf32, #tpu.memory_space<hbm>>
      %dma_start3A_1242 = tpu.memref_slice %arg18[%dma_start3A_1227] : memref<2x!tpu.dma_semaphore, #tpu.memory_space<semaphore_mem>> -> memref<1x!tpu.dma_semaphore, #tpu.memory_space<semaphore_mem>>
      %dma_start3A_1243 = tpu.memref_squeeze %dma_start3A_1242 : memref<1x!tpu.dma_semaphore, #tpu.memory_space<semaphore_mem>> -> memref<!tpu.dma_semaphore, #tpu.memory_space<semaphore_mem>>
      tpu.enqueue_indirect_dma source(%dma_start3A_1241 : memref<8512x64xf32, #tpu.memory_space<hbm>>) target(%dma_start3A_1231 : memref<72x64xf32, #tpu.memory_space<vmem>>) offsets(%dma_start3A_1234 : memref<72xi32, #tpu.memory_space<vmem>>) semaphore(%dma_start3A_1243 : memref<!tpu.dma_semaphore, #tpu.memory_space<semaphore_mem>>) {add = true}
      %dma_start3A_1244 = arith.constant 0 : i32
      %dma_start3A_1245 = arith.constant 9 : i32
      %dma_start3A_1246 = arith.constant 0 : i32
      %dma_start3A_1247 = arith.constant 0 : i32
      %dma_start3A_1248 = arith.constant 128 : i32
      %dma_start3A_1249 = arith.constant 0 : i32
      %dma_start3A_1250 = tpu.memref_slice %arg16[%dma_start3A_1246, %dma_start3A_1248, %dma_start3A_1249] : memref<2x200x64xf32, #tpu.memory_space<vmem>> -> memref<1x72x64xf32, #tpu.memory_space<vmem>>
      %dma_start3A_1251 = tpu.memref_squeeze %dma_start3A_1250 : memref<1x72x64xf32, #tpu.memory_space<vmem>> -> memref<72x64xf32, #tpu.memory_space<vmem>>
      %dma_start3A_1252 = arith.constant 128 : i32
      %dma_start3A_1253 = tpu.memref_slice %arg15[%dma_start3A_1244, %dma_start3A_1245, %dma_start3A_1252] : memref<2x10x200xi32, #tpu.memory_space<vmem>> -> memref<1x1x72xi32, #tpu.memory_space<vmem>>
      %dma_start3A_1254 = tpu.memref_squeeze %dma_start3A_1253 : memref<1x1x72xi32, #tpu.memory_space<vmem>> -> memref<72xi32, #tpu.memory_space<vmem>>
      %dma_start3A_1255 = arith.constant 0 : i32
      %dma_start3A_1256 = arith.constant 0 : i32
      %dma_start3A_1257 = tpu.memref_slice %arg13[%add3A, %dma_start3A_1255, %dma_start3A_1256] : memref<32x8512x64xf32, #tpu.memory_space<hbm>> -> memref<1x8512x64xf32, #tpu.memory_space<hbm>>
      %dma_start3A_1258 = tpu.memref_squeeze %dma_start3A_1257 : memref<1x8512x64xf32, #tpu.memory_space<hbm>> -> memref<8512x64xf32, #tpu.memory_space<hbm>>
      %dma_start3A_1259 = arith.constant 0 : i32
      %dma_start3A_1260 = arith.constant 0 : i32
      %dma_start3A_1261 = tpu.memref_slice %dma_start3A_1258[%dma_start3A_1259, %dma_start3A_1260] : memref<8512x64xf32, #tpu.memory_space<hbm>> -> memref<8512x64xf32, #tpu.memory_space<hbm>>
      %dma_start3A_1262 = tpu.memref_slice %arg18[%dma_start3A_1247] : memref<2x!tpu.dma_semaphore, #tpu.memory_space<semaphore_mem>> -> memref<1x!tpu.dma_semaphore, #tpu.memory_space<semaphore_mem>>
      %dma_start3A_1263 = tpu.memref_squeeze %dma_start3A_1262 : memref<1x!tpu.dma_semaphore, #tpu.memory_space<semaphore_mem>> -> memref<!tpu.dma_semaphore, #tpu.memory_space<semaphore_mem>>
      tpu.enqueue_indirect_dma source(%dma_start3A_1261 : memref<8512x64xf32, #tpu.memory_space<hbm>>) target(%dma_start3A_1251 : memref<72x64xf32, #tpu.memory_space<vmem>>) offsets(%dma_start3A_1254 : memref<72xi32, #tpu.memory_space<vmem>>) semaphore(%dma_start3A_1263 : memref<!tpu.dma_semaphore, #tpu.memory_space<semaphore_mem>>) {add = true}
      %ge3A_1264 = arith.constant 1 : i32
      %ge3A_1265 = arith.cmpi sge, %add3A_733, %ge3A_1264 : i32
      %convert_element_type3A_1266 = arith.extui %ge3A_1265 : i1 to i32
      %cond3A_1267 = arith.constant 0 : i32
      %cond3A_1268 = arith.cmpi ne, %convert_element_type3A_1266, %cond3A_1267 : i32
      scf.if %cond3A_1268 {
        %dma_wait3A_2083 = arith.constant 1 : i32
        %dma_wait3A_2084 = arith.constant 0 : i32
        %dma_wait3A_2085 = arith.constant 1 : i32
        %dma_wait3A_2086 = arith.constant 1 : i32
        %dma_wait3A_2087 = arith.constant 0 : i32
        %dma_wait3A_2088 = arith.constant 0 : i32
        %dma_wait3A_2089 = tpu.memref_slice %arg16[%dma_wait3A_2085, %dma_wait3A_2087, %dma_wait3A_2088] : memref<2x200x64xf32, #tpu.memory_space<vmem>> -> memref<1x128x64xf32, #tpu.memory_space<vmem>>
        %dma_wait3A_2090 = tpu.memref_squeeze %dma_wait3A_2089 : memref<1x128x64xf32, #tpu.memory_space<vmem>> -> memref<128x64xf32, #tpu.memory_space<vmem>>
        %dma_wait3A_2091 = arith.constant 0 : i32
        %dma_wait3A_2092 = tpu.memref_slice %arg15[%dma_wait3A_2083, %dma_wait3A_2084, %dma_wait3A_2091] : memref<2x10x200xi32, #tpu.memory_space<vmem>> -> memref<1x1x128xi32, #tpu.memory_space<vmem>>
        %dma_wait3A_2093 = tpu.memref_squeeze %dma_wait3A_2092 : memref<1x1x128xi32, #tpu.memory_space<vmem>> -> memref<128xi32, #tpu.memory_space<vmem>>
        %dma_wait3A_2094 = arith.constant 0 : i32
        %dma_wait3A_2095 = arith.constant 0 : i32
        %dma_wait3A_2096 = tpu.memref_slice %arg12[%dma_wait3A_2094, %dma_wait3A_2095] : memref<64001x64xf32, #tpu.memory_space<hbm>> -> memref<64001x64xf32, #tpu.memory_space<hbm>>
        %dma_wait3A_2097 = tpu.memref_slice %arg18[%dma_wait3A_2086] : memref<2x!tpu.dma_semaphore, #tpu.memory_space<semaphore_mem>> -> memref<1x!tpu.dma_semaphore, #tpu.memory_space<semaphore_mem>>
        %dma_wait3A_2098 = tpu.memref_squeeze %dma_wait3A_2097 : memref<1x!tpu.dma_semaphore, #tpu.memory_space<semaphore_mem>> -> memref<!tpu.dma_semaphore, #tpu.memory_space<semaphore_mem>>
        tpu.wait_indirect_dma semaphore(%dma_wait3A_2098 : memref<!tpu.dma_semaphore, #tpu.memory_space<semaphore_mem>>) src(%dma_wait3A_2096 : memref<64001x64xf32, #tpu.memory_space<hbm>>) dst(%dma_wait3A_2090 : memref<128x64xf32, #tpu.memory_space<vmem>>)
        %dma_wait3A_2099 = arith.constant 1 : i32
        %dma_wait3A_2100 = arith.constant 1 : i32
        %dma_wait3A_2101 = arith.constant 1 : i32
        %dma_wait3A_2102 = arith.constant 1 : i32
        %dma_wait3A_2103 = arith.constant 0 : i32
        %dma_wait3A_2104 = arith.constant 0 : i32
        %dma_wait3A_2105 = tpu.memref_slice %arg16[%dma_wait3A_2101, %dma_wait3A_2103, %dma_wait3A_2104] : memref<2x200x64xf32, #tpu.memory_space<vmem>> -> memref<1x128x64xf32, #tpu.memory_space<vmem>>
        %dma_wait3A_2106 = tpu.memref_squeeze %dma_wait3A_2105 : memref<1x128x64xf32, #tpu.memory_space<vmem>> -> memref<128x64xf32, #tpu.memory_space<vmem>>
        %dma_wait3A_2107 = arith.constant 0 : i32
        %dma_wait3A_2108 = tpu.memref_slice %arg15[%dma_wait3A_2099, %dma_wait3A_2100, %dma_wait3A_2107] : memref<2x10x200xi32, #tpu.memory_space<vmem>> -> memref<1x1x128xi32, #tpu.memory_space<vmem>>
        %dma_wait3A_2109 = tpu.memref_squeeze %dma_wait3A_2108 : memref<1x1x128xi32, #tpu.memory_space<vmem>> -> memref<128xi32, #tpu.memory_space<vmem>>
        %dma_wait3A_2110 = arith.constant 0 : i32
        %dma_wait3A_2111 = arith.constant 0 : i32
        %dma_wait3A_2112 = tpu.memref_slice %arg13[%add3A, %dma_wait3A_2110, %dma_wait3A_2111] : memref<32x8512x64xf32, #tpu.memory_space<hbm>> -> memref<1x8512x64xf32, #tpu.memory_space<hbm>>
        %dma_wait3A_2113 = tpu.memref_squeeze %dma_wait3A_2112 : memref<1x8512x64xf32, #tpu.memory_space<hbm>> -> memref<8512x64xf32, #tpu.memory_space<hbm>>
        %dma_wait3A_2114 = arith.constant 0 : i32
        %dma_wait3A_2115 = arith.constant 0 : i32
        %dma_wait3A_2116 = tpu.memref_slice %dma_wait3A_2113[%dma_wait3A_2114, %dma_wait3A_2115] : memref<8512x64xf32, #tpu.memory_space<hbm>> -> memref<8512x64xf32, #tpu.memory_space<hbm>>
        %dma_wait3A_2117 = tpu.memref_slice %arg18[%dma_wait3A_2102] : memref<2x!tpu.dma_semaphore, #tpu.memory_space<semaphore_mem>> -> memref<1x!tpu.dma_semaphore, #tpu.memory_space<semaphore_mem>>
        %dma_wait3A_2118 = tpu.memref_squeeze %dma_wait3A_2117 : memref<1x!tpu.dma_semaphore, #tpu.memory_space<semaphore_mem>> -> memref<!tpu.dma_semaphore, #tpu.memory_space<semaphore_mem>>
        tpu.wait_indirect_dma semaphore(%dma_wait3A_2118 : memref<!tpu.dma_semaphore, #tpu.memory_space<semaphore_mem>>) src(%dma_wait3A_2116 : memref<8512x64xf32, #tpu.memory_space<hbm>>) dst(%dma_wait3A_2106 : memref<128x64xf32, #tpu.memory_space<vmem>>)
        %dma_wait3A_2119 = arith.constant 1 : i32
        %dma_wait3A_2120 = arith.constant 2 : i32
        %dma_wait3A_2121 = arith.constant 1 : i32
        %dma_wait3A_2122 = arith.constant 1 : i32
        %dma_wait3A_2123 = arith.constant 0 : i32
        %dma_wait3A_2124 = arith.constant 0 : i32
        %dma_wait3A_2125 = tpu.memref_slice %arg16[%dma_wait3A_2121, %dma_wait3A_2123, %dma_wait3A_2124] : memref<2x200x64xf32, #tpu.memory_space<vmem>> -> memref<1x128x64xf32, #tpu.memory_space<vmem>>
        %dma_wait3A_2126 = tpu.memref_squeeze %dma_wait3A_2125 : memref<1x128x64xf32, #tpu.memory_space<vmem>> -> memref<128x64xf32, #tpu.memory_space<vmem>>
        %dma_wait3A_2127 = arith.constant 0 : i32
        %dma_wait3A_2128 = tpu.memref_slice %arg15[%dma_wait3A_2119, %dma_wait3A_2120, %dma_wait3A_2127] : memref<2x10x200xi32, #tpu.memory_space<vmem>> -> memref<1x1x128xi32, #tpu.memory_space<vmem>>
        %dma_wait3A_2129 = tpu.memref_squeeze %dma_wait3A_2128 : memref<1x1x128xi32, #tpu.memory_space<vmem>> -> memref<128xi32, #tpu.memory_space<vmem>>
        %dma_wait3A_2130 = arith.constant 0 : i32
        %dma_wait3A_2131 = arith.constant 0 : i32
        %dma_wait3A_2132 = tpu.memref_slice %arg13[%add3A, %dma_wait3A_2130, %dma_wait3A_2131] : memref<32x8512x64xf32, #tpu.memory_space<hbm>> -> memref<1x8512x64xf32, #tpu.memory_space<hbm>>
        %dma_wait3A_2133 = tpu.memref_squeeze %dma_wait3A_2132 : memref<1x8512x64xf32, #tpu.memory_space<hbm>> -> memref<8512x64xf32, #tpu.memory_space<hbm>>
        %dma_wait3A_2134 = arith.constant 0 : i32
        %dma_wait3A_2135 = arith.constant 0 : i32
        %dma_wait3A_2136 = tpu.memref_slice %dma_wait3A_2133[%dma_wait3A_2134, %dma_wait3A_2135] : memref<8512x64xf32, #tpu.memory_space<hbm>> -> memref<8512x64xf32, #tpu.memory_space<hbm>>
        %dma_wait3A_2137 = tpu.memref_slice %arg18[%dma_wait3A_2122] : memref<2x!tpu.dma_semaphore, #tpu.memory_space<semaphore_mem>> -> memref<1x!tpu.dma_semaphore, #tpu.memory_space<semaphore_mem>>
        %dma_wait3A_2138 = tpu.memref_squeeze %dma_wait3A_2137 : memref<1x!tpu.dma_semaphore, #tpu.memory_space<semaphore_mem>> -> memref<!tpu.dma_semaphore, #tpu.memory_space<semaphore_mem>>
        tpu.wait_indirect_dma semaphore(%dma_wait3A_2138 : memref<!tpu.dma_semaphore, #tpu.memory_space<semaphore_mem>>) src(%dma_wait3A_2136 : memref<8512x64xf32, #tpu.memory_space<hbm>>) dst(%dma_wait3A_2126 : memref<128x64xf32, #tpu.memory_space<vmem>>)
        %dma_wait3A_2139 = arith.constant 1 : i32
        %dma_wait3A_2140 = arith.constant 3 : i32
        %dma_wait3A_2141 = arith.constant 1 : i32
        %dma_wait3A_2142 = arith.constant 1 : i32
        %dma_wait3A_2143 = arith.constant 0 : i32
        %dma_wait3A_2144 = arith.constant 0 : i32
        %dma_wait3A_2145 = tpu.memref_slice %arg16[%dma_wait3A_2141, %dma_wait3A_2143, %dma_wait3A_2144] : memref<2x200x64xf32, #tpu.memory_space<vmem>> -> memref<1x128x64xf32, #tpu.memory_space<vmem>>
        %dma_wait3A_2146 = tpu.memref_squeeze %dma_wait3A_2145 : memref<1x128x64xf32, #tpu.memory_space<vmem>> -> memref<128x64xf32, #tpu.memory_space<vmem>>
        %dma_wait3A_2147 = arith.constant 0 : i32
        %dma_wait3A_2148 = tpu.memref_slice %arg15[%dma_wait3A_2139, %dma_wait3A_2140, %dma_wait3A_2147] : memref<2x10x200xi32, #tpu.memory_space<vmem>> -> memref<1x1x128xi32, #tpu.memory_space<vmem>>
        %dma_wait3A_2149 = tpu.memref_squeeze %dma_wait3A_2148 : memref<1x1x128xi32, #tpu.memory_space<vmem>> -> memref<128xi32, #tpu.memory_space<vmem>>
        %dma_wait3A_2150 = arith.constant 0 : i32
        %dma_wait3A_2151 = arith.constant 0 : i32
        %dma_wait3A_2152 = tpu.memref_slice %arg13[%add3A, %dma_wait3A_2150, %dma_wait3A_2151] : memref<32x8512x64xf32, #tpu.memory_space<hbm>> -> memref<1x8512x64xf32, #tpu.memory_space<hbm>>
        %dma_wait3A_2153 = tpu.memref_squeeze %dma_wait3A_2152 : memref<1x8512x64xf32, #tpu.memory_space<hbm>> -> memref<8512x64xf32, #tpu.memory_space<hbm>>
        %dma_wait3A_2154 = arith.constant 0 : i32
        %dma_wait3A_2155 = arith.constant 0 : i32
        %dma_wait3A_2156 = tpu.memref_slice %dma_wait3A_2153[%dma_wait3A_2154, %dma_wait3A_2155] : memref<8512x64xf32, #tpu.memory_space<hbm>> -> memref<8512x64xf32, #tpu.memory_space<hbm>>
        %dma_wait3A_2157 = tpu.memref_slice %arg18[%dma_wait3A_2142] : memref<2x!tpu.dma_semaphore, #tpu.memory_space<semaphore_mem>> -> memref<1x!tpu.dma_semaphore, #tpu.memory_space<semaphore_mem>>
        %dma_wait3A_2158 = tpu.memref_squeeze %dma_wait3A_2157 : memref<1x!tpu.dma_semaphore, #tpu.memory_space<semaphore_mem>> -> memref<!tpu.dma_semaphore, #tpu.memory_space<semaphore_mem>>
        tpu.wait_indirect_dma semaphore(%dma_wait3A_2158 : memref<!tpu.dma_semaphore, #tpu.memory_space<semaphore_mem>>) src(%dma_wait3A_2156 : memref<8512x64xf32, #tpu.memory_space<hbm>>) dst(%dma_wait3A_2146 : memref<128x64xf32, #tpu.memory_space<vmem>>)
        %dma_wait3A_2159 = arith.constant 1 : i32
        %dma_wait3A_2160 = arith.constant 4 : i32
        %dma_wait3A_2161 = arith.constant 1 : i32
        %dma_wait3A_2162 = arith.constant 1 : i32
        %dma_wait3A_2163 = arith.constant 0 : i32
        %dma_wait3A_2164 = arith.constant 0 : i32
        %dma_wait3A_2165 = tpu.memref_slice %arg16[%dma_wait3A_2161, %dma_wait3A_2163, %dma_wait3A_2164] : memref<2x200x64xf32, #tpu.memory_space<vmem>> -> memref<1x128x64xf32, #tpu.memory_space<vmem>>
        %dma_wait3A_2166 = tpu.memref_squeeze %dma_wait3A_2165 : memref<1x128x64xf32, #tpu.memory_space<vmem>> -> memref<128x64xf32, #tpu.memory_space<vmem>>
        %dma_wait3A_2167 = arith.constant 0 : i32
        %dma_wait3A_2168 = tpu.memref_slice %arg15[%dma_wait3A_2159, %dma_wait3A_2160, %dma_wait3A_2167] : memref<2x10x200xi32, #tpu.memory_space<vmem>> -> memref<1x1x128xi32, #tpu.memory_space<vmem>>
        %dma_wait3A_2169 = tpu.memref_squeeze %dma_wait3A_2168 : memref<1x1x128xi32, #tpu.memory_space<vmem>> -> memref<128xi32, #tpu.memory_space<vmem>>
        %dma_wait3A_2170 = arith.constant 0 : i32
        %dma_wait3A_2171 = arith.constant 0 : i32
        %dma_wait3A_2172 = tpu.memref_slice %arg13[%add3A, %dma_wait3A_2170, %dma_wait3A_2171] : memref<32x8512x64xf32, #tpu.memory_space<hbm>> -> memref<1x8512x64xf32, #tpu.memory_space<hbm>>
        %dma_wait3A_2173 = tpu.memref_squeeze %dma_wait3A_2172 : memref<1x8512x64xf32, #tpu.memory_space<hbm>> -> memref<8512x64xf32, #tpu.memory_space<hbm>>
        %dma_wait3A_2174 = arith.constant 0 : i32
        %dma_wait3A_2175 = arith.constant 0 : i32
        %dma_wait3A_2176 = tpu.memref_slice %dma_wait3A_2173[%dma_wait3A_2174, %dma_wait3A_2175] : memref<8512x64xf32, #tpu.memory_space<hbm>> -> memref<8512x64xf32, #tpu.memory_space<hbm>>
        %dma_wait3A_2177 = tpu.memref_slice %arg18[%dma_wait3A_2162] : memref<2x!tpu.dma_semaphore, #tpu.memory_space<semaphore_mem>> -> memref<1x!tpu.dma_semaphore, #tpu.memory_space<semaphore_mem>>
        %dma_wait3A_2178 = tpu.memref_squeeze %dma_wait3A_2177 : memref<1x!tpu.dma_semaphore, #tpu.memory_space<semaphore_mem>> -> memref<!tpu.dma_semaphore, #tpu.memory_space<semaphore_mem>>
        tpu.wait_indirect_dma semaphore(%dma_wait3A_2178 : memref<!tpu.dma_semaphore, #tpu.memory_space<semaphore_mem>>) src(%dma_wait3A_2176 : memref<8512x64xf32, #tpu.memory_space<hbm>>) dst(%dma_wait3A_2166 : memref<128x64xf32, #tpu.memory_space<vmem>>)
        %dma_wait3A_2179 = arith.constant 1 : i32
        %dma_wait3A_2180 = arith.constant 5 : i32
        %dma_wait3A_2181 = arith.constant 1 : i32
        %dma_wait3A_2182 = arith.constant 1 : i32
        %dma_wait3A_2183 = arith.constant 0 : i32
        %dma_wait3A_2184 = arith.constant 0 : i32
        %dma_wait3A_2185 = tpu.memref_slice %arg16[%dma_wait3A_2181, %dma_wait3A_2183, %dma_wait3A_2184] : memref<2x200x64xf32, #tpu.memory_space<vmem>> -> memref<1x128x64xf32, #tpu.memory_space<vmem>>
        %dma_wait3A_2186 = tpu.memref_squeeze %dma_wait3A_2185 : memref<1x128x64xf32, #tpu.memory_space<vmem>> -> memref<128x64xf32, #tpu.memory_space<vmem>>
        %dma_wait3A_2187 = arith.constant 0 : i32
        %dma_wait3A_2188 = tpu.memref_slice %arg15[%dma_wait3A_2179, %dma_wait3A_2180, %dma_wait3A_2187] : memref<2x10x200xi32, #tpu.memory_space<vmem>> -> memref<1x1x128xi32, #tpu.memory_space<vmem>>
        %dma_wait3A_2189 = tpu.memref_squeeze %dma_wait3A_2188 : memref<1x1x128xi32, #tpu.memory_space<vmem>> -> memref<128xi32, #tpu.memory_space<vmem>>
        %dma_wait3A_2190 = arith.constant 0 : i32
        %dma_wait3A_2191 = arith.constant 0 : i32
        %dma_wait3A_2192 = tpu.memref_slice %arg13[%add3A, %dma_wait3A_2190, %dma_wait3A_2191] : memref<32x8512x64xf32, #tpu.memory_space<hbm>> -> memref<1x8512x64xf32, #tpu.memory_space<hbm>>
        %dma_wait3A_2193 = tpu.memref_squeeze %dma_wait3A_2192 : memref<1x8512x64xf32, #tpu.memory_space<hbm>> -> memref<8512x64xf32, #tpu.memory_space<hbm>>
        %dma_wait3A_2194 = arith.constant 0 : i32
        %dma_wait3A_2195 = arith.constant 0 : i32
        %dma_wait3A_2196 = tpu.memref_slice %dma_wait3A_2193[%dma_wait3A_2194, %dma_wait3A_2195] : memref<8512x64xf32, #tpu.memory_space<hbm>> -> memref<8512x64xf32, #tpu.memory_space<hbm>>
        %dma_wait3A_2197 = tpu.memref_slice %arg18[%dma_wait3A_2182] : memref<2x!tpu.dma_semaphore, #tpu.memory_space<semaphore_mem>> -> memref<1x!tpu.dma_semaphore, #tpu.memory_space<semaphore_mem>>
        %dma_wait3A_2198 = tpu.memref_squeeze %dma_wait3A_2197 : memref<1x!tpu.dma_semaphore, #tpu.memory_space<semaphore_mem>> -> memref<!tpu.dma_semaphore, #tpu.memory_space<semaphore_mem>>
        tpu.wait_indirect_dma semaphore(%dma_wait3A_2198 : memref<!tpu.dma_semaphore, #tpu.memory_space<semaphore_mem>>) src(%dma_wait3A_2196 : memref<8512x64xf32, #tpu.memory_space<hbm>>) dst(%dma_wait3A_2186 : memref<128x64xf32, #tpu.memory_space<vmem>>)
        %dma_wait3A_2199 = arith.constant 1 : i32
        %dma_wait3A_2200 = arith.constant 6 : i32
        %dma_wait3A_2201 = arith.constant 1 : i32
        %dma_wait3A_2202 = arith.constant 1 : i32
        %dma_wait3A_2203 = arith.constant 0 : i32
        %dma_wait3A_2204 = arith.constant 0 : i32
        %dma_wait3A_2205 = tpu.memref_slice %arg16[%dma_wait3A_2201, %dma_wait3A_2203, %dma_wait3A_2204] : memref<2x200x64xf32, #tpu.memory_space<vmem>> -> memref<1x128x64xf32, #tpu.memory_space<vmem>>
        %dma_wait3A_2206 = tpu.memref_squeeze %dma_wait3A_2205 : memref<1x128x64xf32, #tpu.memory_space<vmem>> -> memref<128x64xf32, #tpu.memory_space<vmem>>
        %dma_wait3A_2207 = arith.constant 0 : i32
        %dma_wait3A_2208 = tpu.memref_slice %arg15[%dma_wait3A_2199, %dma_wait3A_2200, %dma_wait3A_2207] : memref<2x10x200xi32, #tpu.memory_space<vmem>> -> memref<1x1x128xi32, #tpu.memory_space<vmem>>
        %dma_wait3A_2209 = tpu.memref_squeeze %dma_wait3A_2208 : memref<1x1x128xi32, #tpu.memory_space<vmem>> -> memref<128xi32, #tpu.memory_space<vmem>>
        %dma_wait3A_2210 = arith.constant 0 : i32
        %dma_wait3A_2211 = arith.constant 0 : i32
        %dma_wait3A_2212 = tpu.memref_slice %arg13[%add3A, %dma_wait3A_2210, %dma_wait3A_2211] : memref<32x8512x64xf32, #tpu.memory_space<hbm>> -> memref<1x8512x64xf32, #tpu.memory_space<hbm>>
        %dma_wait3A_2213 = tpu.memref_squeeze %dma_wait3A_2212 : memref<1x8512x64xf32, #tpu.memory_space<hbm>> -> memref<8512x64xf32, #tpu.memory_space<hbm>>
        %dma_wait3A_2214 = arith.constant 0 : i32
        %dma_wait3A_2215 = arith.constant 0 : i32
        %dma_wait3A_2216 = tpu.memref_slice %dma_wait3A_2213[%dma_wait3A_2214, %dma_wait3A_2215] : memref<8512x64xf32, #tpu.memory_space<hbm>> -> memref<8512x64xf32, #tpu.memory_space<hbm>>
        %dma_wait3A_2217 = tpu.memref_slice %arg18[%dma_wait3A_2202] : memref<2x!tpu.dma_semaphore, #tpu.memory_space<semaphore_mem>> -> memref<1x!tpu.dma_semaphore, #tpu.memory_space<semaphore_mem>>
        %dma_wait3A_2218 = tpu.memref_squeeze %dma_wait3A_2217 : memref<1x!tpu.dma_semaphore, #tpu.memory_space<semaphore_mem>> -> memref<!tpu.dma_semaphore, #tpu.memory_space<semaphore_mem>>
        tpu.wait_indirect_dma semaphore(%dma_wait3A_2218 : memref<!tpu.dma_semaphore, #tpu.memory_space<semaphore_mem>>) src(%dma_wait3A_2216 : memref<8512x64xf32, #tpu.memory_space<hbm>>) dst(%dma_wait3A_2206 : memref<128x64xf32, #tpu.memory_space<vmem>>)
        %dma_wait3A_2219 = arith.constant 1 : i32
        %dma_wait3A_2220 = arith.constant 7 : i32
        %dma_wait3A_2221 = arith.constant 1 : i32
        %dma_wait3A_2222 = arith.constant 1 : i32
        %dma_wait3A_2223 = arith.constant 0 : i32
        %dma_wait3A_2224 = arith.constant 0 : i32
        %dma_wait3A_2225 = tpu.memref_slice %arg16[%dma_wait3A_2221, %dma_wait3A_2223, %dma_wait3A_2224] : memref<2x200x64xf32, #tpu.memory_space<vmem>> -> memref<1x128x64xf32, #tpu.memory_space<vmem>>
        %dma_wait3A_2226 = tpu.memref_squeeze %dma_wait3A_2225 : memref<1x128x64xf32, #tpu.memory_space<vmem>> -> memref<128x64xf32, #tpu.memory_space<vmem>>
        %dma_wait3A_2227 = arith.constant 0 : i32
        %dma_wait3A_2228 = tpu.memref_slice %arg15[%dma_wait3A_2219, %dma_wait3A_2220, %dma_wait3A_2227] : memref<2x10x200xi32, #tpu.memory_space<vmem>> -> memref<1x1x128xi32, #tpu.memory_space<vmem>>
        %dma_wait3A_2229 = tpu.memref_squeeze %dma_wait3A_2228 : memref<1x1x128xi32, #tpu.memory_space<vmem>> -> memref<128xi32, #tpu.memory_space<vmem>>
        %dma_wait3A_2230 = arith.constant 0 : i32
        %dma_wait3A_2231 = arith.constant 0 : i32
        %dma_wait3A_2232 = tpu.memref_slice %arg13[%add3A, %dma_wait3A_2230, %dma_wait3A_2231] : memref<32x8512x64xf32, #tpu.memory_space<hbm>> -> memref<1x8512x64xf32, #tpu.memory_space<hbm>>
        %dma_wait3A_2233 = tpu.memref_squeeze %dma_wait3A_2232 : memref<1x8512x64xf32, #tpu.memory_space<hbm>> -> memref<8512x64xf32, #tpu.memory_space<hbm>>
        %dma_wait3A_2234 = arith.constant 0 : i32
        %dma_wait3A_2235 = arith.constant 0 : i32
        %dma_wait3A_2236 = tpu.memref_slice %dma_wait3A_2233[%dma_wait3A_2234, %dma_wait3A_2235] : memref<8512x64xf32, #tpu.memory_space<hbm>> -> memref<8512x64xf32, #tpu.memory_space<hbm>>
        %dma_wait3A_2237 = tpu.memref_slice %arg18[%dma_wait3A_2222] : memref<2x!tpu.dma_semaphore, #tpu.memory_space<semaphore_mem>> -> memref<1x!tpu.dma_semaphore, #tpu.memory_space<semaphore_mem>>
        %dma_wait3A_2238 = tpu.memref_squeeze %dma_wait3A_2237 : memref<1x!tpu.dma_semaphore, #tpu.memory_space<semaphore_mem>> -> memref<!tpu.dma_semaphore, #tpu.memory_space<semaphore_mem>>
        tpu.wait_indirect_dma semaphore(%dma_wait3A_2238 : memref<!tpu.dma_semaphore, #tpu.memory_space<semaphore_mem>>) src(%dma_wait3A_2236 : memref<8512x64xf32, #tpu.memory_space<hbm>>) dst(%dma_wait3A_2226 : memref<128x64xf32, #tpu.memory_space<vmem>>)
        %dma_wait3A_2239 = arith.constant 1 : i32
        %dma_wait3A_2240 = arith.constant 8 : i32
        %dma_wait3A_2241 = arith.constant 1 : i32
        %dma_wait3A_2242 = arith.constant 1 : i32
        %dma_wait3A_2243 = arith.constant 0 : i32
        %dma_wait3A_2244 = arith.constant 0 : i32
        %dma_wait3A_2245 = tpu.memref_slice %arg16[%dma_wait3A_2241, %dma_wait3A_2243, %dma_wait3A_2244] : memref<2x200x64xf32, #tpu.memory_space<vmem>> -> memref<1x128x64xf32, #tpu.memory_space<vmem>>
        %dma_wait3A_2246 = tpu.memref_squeeze %dma_wait3A_2245 : memref<1x128x64xf32, #tpu.memory_space<vmem>> -> memref<128x64xf32, #tpu.memory_space<vmem>>
        %dma_wait3A_2247 = arith.constant 0 : i32
        %dma_wait3A_2248 = tpu.memref_slice %arg15[%dma_wait3A_2239, %dma_wait3A_2240, %dma_wait3A_2247] : memref<2x10x200xi32, #tpu.memory_space<vmem>> -> memref<1x1x128xi32, #tpu.memory_space<vmem>>
        %dma_wait3A_2249 = tpu.memref_squeeze %dma_wait3A_2248 : memref<1x1x128xi32, #tpu.memory_space<vmem>> -> memref<128xi32, #tpu.memory_space<vmem>>
        %dma_wait3A_2250 = arith.constant 0 : i32
        %dma_wait3A_2251 = arith.constant 0 : i32
        %dma_wait3A_2252 = tpu.memref_slice %arg13[%add3A, %dma_wait3A_2250, %dma_wait3A_2251] : memref<32x8512x64xf32, #tpu.memory_space<hbm>> -> memref<1x8512x64xf32, #tpu.memory_space<hbm>>
        %dma_wait3A_2253 = tpu.memref_squeeze %dma_wait3A_2252 : memref<1x8512x64xf32, #tpu.memory_space<hbm>> -> memref<8512x64xf32, #tpu.memory_space<hbm>>
        %dma_wait3A_2254 = arith.constant 0 : i32
        %dma_wait3A_2255 = arith.constant 0 : i32
        %dma_wait3A_2256 = tpu.memref_slice %dma_wait3A_2253[%dma_wait3A_2254, %dma_wait3A_2255] : memref<8512x64xf32, #tpu.memory_space<hbm>> -> memref<8512x64xf32, #tpu.memory_space<hbm>>
        %dma_wait3A_2257 = tpu.memref_slice %arg18[%dma_wait3A_2242] : memref<2x!tpu.dma_semaphore, #tpu.memory_space<semaphore_mem>> -> memref<1x!tpu.dma_semaphore, #tpu.memory_space<semaphore_mem>>
        %dma_wait3A_2258 = tpu.memref_squeeze %dma_wait3A_2257 : memref<1x!tpu.dma_semaphore, #tpu.memory_space<semaphore_mem>> -> memref<!tpu.dma_semaphore, #tpu.memory_space<semaphore_mem>>
        tpu.wait_indirect_dma semaphore(%dma_wait3A_2258 : memref<!tpu.dma_semaphore, #tpu.memory_space<semaphore_mem>>) src(%dma_wait3A_2256 : memref<8512x64xf32, #tpu.memory_space<hbm>>) dst(%dma_wait3A_2246 : memref<128x64xf32, #tpu.memory_space<vmem>>)
        %dma_wait3A_2259 = arith.constant 1 : i32
        %dma_wait3A_2260 = arith.constant 9 : i32
        %dma_wait3A_2261 = arith.constant 1 : i32
        %dma_wait3A_2262 = arith.constant 1 : i32
        %dma_wait3A_2263 = arith.constant 0 : i32
        %dma_wait3A_2264 = arith.constant 0 : i32
        %dma_wait3A_2265 = tpu.memref_slice %arg16[%dma_wait3A_2261, %dma_wait3A_2263, %dma_wait3A_2264] : memref<2x200x64xf32, #tpu.memory_space<vmem>> -> memref<1x128x64xf32, #tpu.memory_space<vmem>>
        %dma_wait3A_2266 = tpu.memref_squeeze %dma_wait3A_2265 : memref<1x128x64xf32, #tpu.memory_space<vmem>> -> memref<128x64xf32, #tpu.memory_space<vmem>>
        %dma_wait3A_2267 = arith.constant 0 : i32
        %dma_wait3A_2268 = tpu.memref_slice %arg15[%dma_wait3A_2259, %dma_wait3A_2260, %dma_wait3A_2267] : memref<2x10x200xi32, #tpu.memory_space<vmem>> -> memref<1x1x128xi32, #tpu.memory_space<vmem>>
        %dma_wait3A_2269 = tpu.memref_squeeze %dma_wait3A_2268 : memref<1x1x128xi32, #tpu.memory_space<vmem>> -> memref<128xi32, #tpu.memory_space<vmem>>
        %dma_wait3A_2270 = arith.constant 0 : i32
        %dma_wait3A_2271 = arith.constant 0 : i32
        %dma_wait3A_2272 = tpu.memref_slice %arg13[%add3A, %dma_wait3A_2270, %dma_wait3A_2271] : memref<32x8512x64xf32, #tpu.memory_space<hbm>> -> memref<1x8512x64xf32, #tpu.memory_space<hbm>>
        %dma_wait3A_2273 = tpu.memref_squeeze %dma_wait3A_2272 : memref<1x8512x64xf32, #tpu.memory_space<hbm>> -> memref<8512x64xf32, #tpu.memory_space<hbm>>
        %dma_wait3A_2274 = arith.constant 0 : i32
        %dma_wait3A_2275 = arith.constant 0 : i32
        %dma_wait3A_2276 = tpu.memref_slice %dma_wait3A_2273[%dma_wait3A_2274, %dma_wait3A_2275] : memref<8512x64xf32, #tpu.memory_space<hbm>> -> memref<8512x64xf32, #tpu.memory_space<hbm>>
        %dma_wait3A_2277 = tpu.memref_slice %arg18[%dma_wait3A_2262] : memref<2x!tpu.dma_semaphore, #tpu.memory_space<semaphore_mem>> -> memref<1x!tpu.dma_semaphore, #tpu.memory_space<semaphore_mem>>
        %dma_wait3A_2278 = tpu.memref_squeeze %dma_wait3A_2277 : memref<1x!tpu.dma_semaphore, #tpu.memory_space<semaphore_mem>> -> memref<!tpu.dma_semaphore, #tpu.memory_space<semaphore_mem>>
        tpu.wait_indirect_dma semaphore(%dma_wait3A_2278 : memref<!tpu.dma_semaphore, #tpu.memory_space<semaphore_mem>>) src(%dma_wait3A_2276 : memref<8512x64xf32, #tpu.memory_space<hbm>>) dst(%dma_wait3A_2266 : memref<128x64xf32, #tpu.memory_space<vmem>>)
        %dma_wait3A_2279 = arith.constant 1 : i32
        %dma_wait3A_2280 = arith.constant 0 : i32
        %dma_wait3A_2281 = arith.constant 1 : i32
        %dma_wait3A_2282 = arith.constant 1 : i32
        %dma_wait3A_2283 = arith.constant 128 : i32
        %dma_wait3A_2284 = arith.constant 0 : i32
        %dma_wait3A_2285 = tpu.memref_slice %arg16[%dma_wait3A_2281, %dma_wait3A_2283, %dma_wait3A_2284] : memref<2x200x64xf32, #tpu.memory_space<vmem>> -> memref<1x72x64xf32, #tpu.memory_space<vmem>>
        %dma_wait3A_2286 = tpu.memref_squeeze %dma_wait3A_2285 : memref<1x72x64xf32, #tpu.memory_space<vmem>> -> memref<72x64xf32, #tpu.memory_space<vmem>>
        %dma_wait3A_2287 = arith.constant 128 : i32
        %dma_wait3A_2288 = tpu.memref_slice %arg15[%dma_wait3A_2279, %dma_wait3A_2280, %dma_wait3A_2287] : memref<2x10x200xi32, #tpu.memory_space<vmem>> -> memref<1x1x72xi32, #tpu.memory_space<vmem>>
        %dma_wait3A_2289 = tpu.memref_squeeze %dma_wait3A_2288 : memref<1x1x72xi32, #tpu.memory_space<vmem>> -> memref<72xi32, #tpu.memory_space<vmem>>
        %dma_wait3A_2290 = arith.constant 0 : i32
        %dma_wait3A_2291 = arith.constant 0 : i32
        %dma_wait3A_2292 = tpu.memref_slice %arg12[%dma_wait3A_2290, %dma_wait3A_2291] : memref<64001x64xf32, #tpu.memory_space<hbm>> -> memref<64001x64xf32, #tpu.memory_space<hbm>>
        %dma_wait3A_2293 = tpu.memref_slice %arg18[%dma_wait3A_2282] : memref<2x!tpu.dma_semaphore, #tpu.memory_space<semaphore_mem>> -> memref<1x!tpu.dma_semaphore, #tpu.memory_space<semaphore_mem>>
        %dma_wait3A_2294 = tpu.memref_squeeze %dma_wait3A_2293 : memref<1x!tpu.dma_semaphore, #tpu.memory_space<semaphore_mem>> -> memref<!tpu.dma_semaphore, #tpu.memory_space<semaphore_mem>>
        tpu.wait_indirect_dma semaphore(%dma_wait3A_2294 : memref<!tpu.dma_semaphore, #tpu.memory_space<semaphore_mem>>) src(%dma_wait3A_2292 : memref<64001x64xf32, #tpu.memory_space<hbm>>) dst(%dma_wait3A_2286 : memref<72x64xf32, #tpu.memory_space<vmem>>)
        %dma_wait3A_2295 = arith.constant 1 : i32
        %dma_wait3A_2296 = arith.constant 1 : i32
        %dma_wait3A_2297 = arith.constant 1 : i32
        %dma_wait3A_2298 = arith.constant 1 : i32
        %dma_wait3A_2299 = arith.constant 128 : i32
        %dma_wait3A_2300 = arith.constant 0 : i32
        %dma_wait3A_2301 = tpu.memref_slice %arg16[%dma_wait3A_2297, %dma_wait3A_2299, %dma_wait3A_2300] : memref<2x200x64xf32, #tpu.memory_space<vmem>> -> memref<1x72x64xf32, #tpu.memory_space<vmem>>
        %dma_wait3A_2302 = tpu.memref_squeeze %dma_wait3A_2301 : memref<1x72x64xf32, #tpu.memory_space<vmem>> -> memref<72x64xf32, #tpu.memory_space<vmem>>
        %dma_wait3A_2303 = arith.constant 128 : i32
        %dma_wait3A_2304 = tpu.memref_slice %arg15[%dma_wait3A_2295, %dma_wait3A_2296, %dma_wait3A_2303] : memref<2x10x200xi32, #tpu.memory_space<vmem>> -> memref<1x1x72xi32, #tpu.memory_space<vmem>>
        %dma_wait3A_2305 = tpu.memref_squeeze %dma_wait3A_2304 : memref<1x1x72xi32, #tpu.memory_space<vmem>> -> memref<72xi32, #tpu.memory_space<vmem>>
        %dma_wait3A_2306 = arith.constant 0 : i32
        %dma_wait3A_2307 = arith.constant 0 : i32
        %dma_wait3A_2308 = tpu.memref_slice %arg13[%add3A, %dma_wait3A_2306, %dma_wait3A_2307] : memref<32x8512x64xf32, #tpu.memory_space<hbm>> -> memref<1x8512x64xf32, #tpu.memory_space<hbm>>
        %dma_wait3A_2309 = tpu.memref_squeeze %dma_wait3A_2308 : memref<1x8512x64xf32, #tpu.memory_space<hbm>> -> memref<8512x64xf32, #tpu.memory_space<hbm>>
        %dma_wait3A_2310 = arith.constant 0 : i32
        %dma_wait3A_2311 = arith.constant 0 : i32
        %dma_wait3A_2312 = tpu.memref_slice %dma_wait3A_2309[%dma_wait3A_2310, %dma_wait3A_2311] : memref<8512x64xf32, #tpu.memory_space<hbm>> -> memref<8512x64xf32, #tpu.memory_space<hbm>>
        %dma_wait3A_2313 = tpu.memref_slice %arg18[%dma_wait3A_2298] : memref<2x!tpu.dma_semaphore, #tpu.memory_space<semaphore_mem>> -> memref<1x!tpu.dma_semaphore, #tpu.memory_space<semaphore_mem>>
        %dma_wait3A_2314 = tpu.memref_squeeze %dma_wait3A_2313 : memref<1x!tpu.dma_semaphore, #tpu.memory_space<semaphore_mem>> -> memref<!tpu.dma_semaphore, #tpu.memory_space<semaphore_mem>>
        tpu.wait_indirect_dma semaphore(%dma_wait3A_2314 : memref<!tpu.dma_semaphore, #tpu.memory_space<semaphore_mem>>) src(%dma_wait3A_2312 : memref<8512x64xf32, #tpu.memory_space<hbm>>) dst(%dma_wait3A_2302 : memref<72x64xf32, #tpu.memory_space<vmem>>)
        %dma_wait3A_2315 = arith.constant 1 : i32
        %dma_wait3A_2316 = arith.constant 2 : i32
        %dma_wait3A_2317 = arith.constant 1 : i32
        %dma_wait3A_2318 = arith.constant 1 : i32
        %dma_wait3A_2319 = arith.constant 128 : i32
        %dma_wait3A_2320 = arith.constant 0 : i32
        %dma_wait3A_2321 = tpu.memref_slice %arg16[%dma_wait3A_2317, %dma_wait3A_2319, %dma_wait3A_2320] : memref<2x200x64xf32, #tpu.memory_space<vmem>> -> memref<1x72x64xf32, #tpu.memory_space<vmem>>
        %dma_wait3A_2322 = tpu.memref_squeeze %dma_wait3A_2321 : memref<1x72x64xf32, #tpu.memory_space<vmem>> -> memref<72x64xf32, #tpu.memory_space<vmem>>
        %dma_wait3A_2323 = arith.constant 128 : i32
        %dma_wait3A_2324 = tpu.memref_slice %arg15[%dma_wait3A_2315, %dma_wait3A_2316, %dma_wait3A_2323] : memref<2x10x200xi32, #tpu.memory_space<vmem>> -> memref<1x1x72xi32, #tpu.memory_space<vmem>>
        %dma_wait3A_2325 = tpu.memref_squeeze %dma_wait3A_2324 : memref<1x1x72xi32, #tpu.memory_space<vmem>> -> memref<72xi32, #tpu.memory_space<vmem>>
        %dma_wait3A_2326 = arith.constant 0 : i32
        %dma_wait3A_2327 = arith.constant 0 : i32
        %dma_wait3A_2328 = tpu.memref_slice %arg13[%add3A, %dma_wait3A_2326, %dma_wait3A_2327] : memref<32x8512x64xf32, #tpu.memory_space<hbm>> -> memref<1x8512x64xf32, #tpu.memory_space<hbm>>
        %dma_wait3A_2329 = tpu.memref_squeeze %dma_wait3A_2328 : memref<1x8512x64xf32, #tpu.memory_space<hbm>> -> memref<8512x64xf32, #tpu.memory_space<hbm>>
        %dma_wait3A_2330 = arith.constant 0 : i32
        %dma_wait3A_2331 = arith.constant 0 : i32
        %dma_wait3A_2332 = tpu.memref_slice %dma_wait3A_2329[%dma_wait3A_2330, %dma_wait3A_2331] : memref<8512x64xf32, #tpu.memory_space<hbm>> -> memref<8512x64xf32, #tpu.memory_space<hbm>>
        %dma_wait3A_2333 = tpu.memref_slice %arg18[%dma_wait3A_2318] : memref<2x!tpu.dma_semaphore, #tpu.memory_space<semaphore_mem>> -> memref<1x!tpu.dma_semaphore, #tpu.memory_space<semaphore_mem>>
        %dma_wait3A_2334 = tpu.memref_squeeze %dma_wait3A_2333 : memref<1x!tpu.dma_semaphore, #tpu.memory_space<semaphore_mem>> -> memref<!tpu.dma_semaphore, #tpu.memory_space<semaphore_mem>>
        tpu.wait_indirect_dma semaphore(%dma_wait3A_2334 : memref<!tpu.dma_semaphore, #tpu.memory_space<semaphore_mem>>) src(%dma_wait3A_2332 : memref<8512x64xf32, #tpu.memory_space<hbm>>) dst(%dma_wait3A_2322 : memref<72x64xf32, #tpu.memory_space<vmem>>)
        %dma_wait3A_2335 = arith.constant 1 : i32
        %dma_wait3A_2336 = arith.constant 3 : i32
        %dma_wait3A_2337 = arith.constant 1 : i32
        %dma_wait3A_2338 = arith.constant 1 : i32
        %dma_wait3A_2339 = arith.constant 128 : i32
        %dma_wait3A_2340 = arith.constant 0 : i32
        %dma_wait3A_2341 = tpu.memref_slice %arg16[%dma_wait3A_2337, %dma_wait3A_2339, %dma_wait3A_2340] : memref<2x200x64xf32, #tpu.memory_space<vmem>> -> memref<1x72x64xf32, #tpu.memory_space<vmem>>
        %dma_wait3A_2342 = tpu.memref_squeeze %dma_wait3A_2341 : memref<1x72x64xf32, #tpu.memory_space<vmem>> -> memref<72x64xf32, #tpu.memory_space<vmem>>
        %dma_wait3A_2343 = arith.constant 128 : i32
        %dma_wait3A_2344 = tpu.memref_slice %arg15[%dma_wait3A_2335, %dma_wait3A_2336, %dma_wait3A_2343] : memref<2x10x200xi32, #tpu.memory_space<vmem>> -> memref<1x1x72xi32, #tpu.memory_space<vmem>>
        %dma_wait3A_2345 = tpu.memref_squeeze %dma_wait3A_2344 : memref<1x1x72xi32, #tpu.memory_space<vmem>> -> memref<72xi32, #tpu.memory_space<vmem>>
        %dma_wait3A_2346 = arith.constant 0 : i32
        %dma_wait3A_2347 = arith.constant 0 : i32
        %dma_wait3A_2348 = tpu.memref_slice %arg13[%add3A, %dma_wait3A_2346, %dma_wait3A_2347] : memref<32x8512x64xf32, #tpu.memory_space<hbm>> -> memref<1x8512x64xf32, #tpu.memory_space<hbm>>
        %dma_wait3A_2349 = tpu.memref_squeeze %dma_wait3A_2348 : memref<1x8512x64xf32, #tpu.memory_space<hbm>> -> memref<8512x64xf32, #tpu.memory_space<hbm>>
        %dma_wait3A_2350 = arith.constant 0 : i32
        %dma_wait3A_2351 = arith.constant 0 : i32
        %dma_wait3A_2352 = tpu.memref_slice %dma_wait3A_2349[%dma_wait3A_2350, %dma_wait3A_2351] : memref<8512x64xf32, #tpu.memory_space<hbm>> -> memref<8512x64xf32, #tpu.memory_space<hbm>>
        %dma_wait3A_2353 = tpu.memref_slice %arg18[%dma_wait3A_2338] : memref<2x!tpu.dma_semaphore, #tpu.memory_space<semaphore_mem>> -> memref<1x!tpu.dma_semaphore, #tpu.memory_space<semaphore_mem>>
        %dma_wait3A_2354 = tpu.memref_squeeze %dma_wait3A_2353 : memref<1x!tpu.dma_semaphore, #tpu.memory_space<semaphore_mem>> -> memref<!tpu.dma_semaphore, #tpu.memory_space<semaphore_mem>>
        tpu.wait_indirect_dma semaphore(%dma_wait3A_2354 : memref<!tpu.dma_semaphore, #tpu.memory_space<semaphore_mem>>) src(%dma_wait3A_2352 : memref<8512x64xf32, #tpu.memory_space<hbm>>) dst(%dma_wait3A_2342 : memref<72x64xf32, #tpu.memory_space<vmem>>)
        %dma_wait3A_2355 = arith.constant 1 : i32
        %dma_wait3A_2356 = arith.constant 4 : i32
        %dma_wait3A_2357 = arith.constant 1 : i32
        %dma_wait3A_2358 = arith.constant 1 : i32
        %dma_wait3A_2359 = arith.constant 128 : i32
        %dma_wait3A_2360 = arith.constant 0 : i32
        %dma_wait3A_2361 = tpu.memref_slice %arg16[%dma_wait3A_2357, %dma_wait3A_2359, %dma_wait3A_2360] : memref<2x200x64xf32, #tpu.memory_space<vmem>> -> memref<1x72x64xf32, #tpu.memory_space<vmem>>
        %dma_wait3A_2362 = tpu.memref_squeeze %dma_wait3A_2361 : memref<1x72x64xf32, #tpu.memory_space<vmem>> -> memref<72x64xf32, #tpu.memory_space<vmem>>
        %dma_wait3A_2363 = arith.constant 128 : i32
        %dma_wait3A_2364 = tpu.memref_slice %arg15[%dma_wait3A_2355, %dma_wait3A_2356, %dma_wait3A_2363] : memref<2x10x200xi32, #tpu.memory_space<vmem>> -> memref<1x1x72xi32, #tpu.memory_space<vmem>>
        %dma_wait3A_2365 = tpu.memref_squeeze %dma_wait3A_2364 : memref<1x1x72xi32, #tpu.memory_space<vmem>> -> memref<72xi32, #tpu.memory_space<vmem>>
        %dma_wait3A_2366 = arith.constant 0 : i32
        %dma_wait3A_2367 = arith.constant 0 : i32
        %dma_wait3A_2368 = tpu.memref_slice %arg13[%add3A, %dma_wait3A_2366, %dma_wait3A_2367] : memref<32x8512x64xf32, #tpu.memory_space<hbm>> -> memref<1x8512x64xf32, #tpu.memory_space<hbm>>
        %dma_wait3A_2369 = tpu.memref_squeeze %dma_wait3A_2368 : memref<1x8512x64xf32, #tpu.memory_space<hbm>> -> memref<8512x64xf32, #tpu.memory_space<hbm>>
        %dma_wait3A_2370 = arith.constant 0 : i32
        %dma_wait3A_2371 = arith.constant 0 : i32
        %dma_wait3A_2372 = tpu.memref_slice %dma_wait3A_2369[%dma_wait3A_2370, %dma_wait3A_2371] : memref<8512x64xf32, #tpu.memory_space<hbm>> -> memref<8512x64xf32, #tpu.memory_space<hbm>>
        %dma_wait3A_2373 = tpu.memref_slice %arg18[%dma_wait3A_2358] : memref<2x!tpu.dma_semaphore, #tpu.memory_space<semaphore_mem>> -> memref<1x!tpu.dma_semaphore, #tpu.memory_space<semaphore_mem>>
        %dma_wait3A_2374 = tpu.memref_squeeze %dma_wait3A_2373 : memref<1x!tpu.dma_semaphore, #tpu.memory_space<semaphore_mem>> -> memref<!tpu.dma_semaphore, #tpu.memory_space<semaphore_mem>>
        tpu.wait_indirect_dma semaphore(%dma_wait3A_2374 : memref<!tpu.dma_semaphore, #tpu.memory_space<semaphore_mem>>) src(%dma_wait3A_2372 : memref<8512x64xf32, #tpu.memory_space<hbm>>) dst(%dma_wait3A_2362 : memref<72x64xf32, #tpu.memory_space<vmem>>)
        %dma_wait3A_2375 = arith.constant 1 : i32
        %dma_wait3A_2376 = arith.constant 5 : i32
        %dma_wait3A_2377 = arith.constant 1 : i32
        %dma_wait3A_2378 = arith.constant 1 : i32
        %dma_wait3A_2379 = arith.constant 128 : i32
        %dma_wait3A_2380 = arith.constant 0 : i32
        %dma_wait3A_2381 = tpu.memref_slice %arg16[%dma_wait3A_2377, %dma_wait3A_2379, %dma_wait3A_2380] : memref<2x200x64xf32, #tpu.memory_space<vmem>> -> memref<1x72x64xf32, #tpu.memory_space<vmem>>
        %dma_wait3A_2382 = tpu.memref_squeeze %dma_wait3A_2381 : memref<1x72x64xf32, #tpu.memory_space<vmem>> -> memref<72x64xf32, #tpu.memory_space<vmem>>
        %dma_wait3A_2383 = arith.constant 128 : i32
        %dma_wait3A_2384 = tpu.memref_slice %arg15[%dma_wait3A_2375, %dma_wait3A_2376, %dma_wait3A_2383] : memref<2x10x200xi32, #tpu.memory_space<vmem>> -> memref<1x1x72xi32, #tpu.memory_space<vmem>>
        %dma_wait3A_2385 = tpu.memref_squeeze %dma_wait3A_2384 : memref<1x1x72xi32, #tpu.memory_space<vmem>> -> memref<72xi32, #tpu.memory_space<vmem>>
        %dma_wait3A_2386 = arith.constant 0 : i32
        %dma_wait3A_2387 = arith.constant 0 : i32
        %dma_wait3A_2388 = tpu.memref_slice %arg13[%add3A, %dma_wait3A_2386, %dma_wait3A_2387] : memref<32x8512x64xf32, #tpu.memory_space<hbm>> -> memref<1x8512x64xf32, #tpu.memory_space<hbm>>
        %dma_wait3A_2389 = tpu.memref_squeeze %dma_wait3A_2388 : memref<1x8512x64xf32, #tpu.memory_space<hbm>> -> memref<8512x64xf32, #tpu.memory_space<hbm>>
        %dma_wait3A_2390 = arith.constant 0 : i32
        %dma_wait3A_2391 = arith.constant 0 : i32
        %dma_wait3A_2392 = tpu.memref_slice %dma_wait3A_2389[%dma_wait3A_2390, %dma_wait3A_2391] : memref<8512x64xf32, #tpu.memory_space<hbm>> -> memref<8512x64xf32, #tpu.memory_space<hbm>>
        %dma_wait3A_2393 = tpu.memref_slice %arg18[%dma_wait3A_2378] : memref<2x!tpu.dma_semaphore, #tpu.memory_space<semaphore_mem>> -> memref<1x!tpu.dma_semaphore, #tpu.memory_space<semaphore_mem>>
        %dma_wait3A_2394 = tpu.memref_squeeze %dma_wait3A_2393 : memref<1x!tpu.dma_semaphore, #tpu.memory_space<semaphore_mem>> -> memref<!tpu.dma_semaphore, #tpu.memory_space<semaphore_mem>>
        tpu.wait_indirect_dma semaphore(%dma_wait3A_2394 : memref<!tpu.dma_semaphore, #tpu.memory_space<semaphore_mem>>) src(%dma_wait3A_2392 : memref<8512x64xf32, #tpu.memory_space<hbm>>) dst(%dma_wait3A_2382 : memref<72x64xf32, #tpu.memory_space<vmem>>)
        %dma_wait3A_2395 = arith.constant 1 : i32
        %dma_wait3A_2396 = arith.constant 6 : i32
        %dma_wait3A_2397 = arith.constant 1 : i32
        %dma_wait3A_2398 = arith.constant 1 : i32
        %dma_wait3A_2399 = arith.constant 128 : i32
        %dma_wait3A_2400 = arith.constant 0 : i32
        %dma_wait3A_2401 = tpu.memref_slice %arg16[%dma_wait3A_2397, %dma_wait3A_2399, %dma_wait3A_2400] : memref<2x200x64xf32, #tpu.memory_space<vmem>> -> memref<1x72x64xf32, #tpu.memory_space<vmem>>
        %dma_wait3A_2402 = tpu.memref_squeeze %dma_wait3A_2401 : memref<1x72x64xf32, #tpu.memory_space<vmem>> -> memref<72x64xf32, #tpu.memory_space<vmem>>
        %dma_wait3A_2403 = arith.constant 128 : i32
        %dma_wait3A_2404 = tpu.memref_slice %arg15[%dma_wait3A_2395, %dma_wait3A_2396, %dma_wait3A_2403] : memref<2x10x200xi32, #tpu.memory_space<vmem>> -> memref<1x1x72xi32, #tpu.memory_space<vmem>>
        %dma_wait3A_2405 = tpu.memref_squeeze %dma_wait3A_2404 : memref<1x1x72xi32, #tpu.memory_space<vmem>> -> memref<72xi32, #tpu.memory_space<vmem>>
        %dma_wait3A_2406 = arith.constant 0 : i32
        %dma_wait3A_2407 = arith.constant 0 : i32
        %dma_wait3A_2408 = tpu.memref_slice %arg13[%add3A, %dma_wait3A_2406, %dma_wait3A_2407] : memref<32x8512x64xf32, #tpu.memory_space<hbm>> -> memref<1x8512x64xf32, #tpu.memory_space<hbm>>
        %dma_wait3A_2409 = tpu.memref_squeeze %dma_wait3A_2408 : memref<1x8512x64xf32, #tpu.memory_space<hbm>> -> memref<8512x64xf32, #tpu.memory_space<hbm>>
        %dma_wait3A_2410 = arith.constant 0 : i32
        %dma_wait3A_2411 = arith.constant 0 : i32
        %dma_wait3A_2412 = tpu.memref_slice %dma_wait3A_2409[%dma_wait3A_2410, %dma_wait3A_2411] : memref<8512x64xf32, #tpu.memory_space<hbm>> -> memref<8512x64xf32, #tpu.memory_space<hbm>>
        %dma_wait3A_2413 = tpu.memref_slice %arg18[%dma_wait3A_2398] : memref<2x!tpu.dma_semaphore, #tpu.memory_space<semaphore_mem>> -> memref<1x!tpu.dma_semaphore, #tpu.memory_space<semaphore_mem>>
        %dma_wait3A_2414 = tpu.memref_squeeze %dma_wait3A_2413 : memref<1x!tpu.dma_semaphore, #tpu.memory_space<semaphore_mem>> -> memref<!tpu.dma_semaphore, #tpu.memory_space<semaphore_mem>>
        tpu.wait_indirect_dma semaphore(%dma_wait3A_2414 : memref<!tpu.dma_semaphore, #tpu.memory_space<semaphore_mem>>) src(%dma_wait3A_2412 : memref<8512x64xf32, #tpu.memory_space<hbm>>) dst(%dma_wait3A_2402 : memref<72x64xf32, #tpu.memory_space<vmem>>)
        %dma_wait3A_2415 = arith.constant 1 : i32
        %dma_wait3A_2416 = arith.constant 7 : i32
        %dma_wait3A_2417 = arith.constant 1 : i32
        %dma_wait3A_2418 = arith.constant 1 : i32
        %dma_wait3A_2419 = arith.constant 128 : i32
        %dma_wait3A_2420 = arith.constant 0 : i32
        %dma_wait3A_2421 = tpu.memref_slice %arg16[%dma_wait3A_2417, %dma_wait3A_2419, %dma_wait3A_2420] : memref<2x200x64xf32, #tpu.memory_space<vmem>> -> memref<1x72x64xf32, #tpu.memory_space<vmem>>
        %dma_wait3A_2422 = tpu.memref_squeeze %dma_wait3A_2421 : memref<1x72x64xf32, #tpu.memory_space<vmem>> -> memref<72x64xf32, #tpu.memory_space<vmem>>
        %dma_wait3A_2423 = arith.constant 128 : i32
        %dma_wait3A_2424 = tpu.memref_slice %arg15[%dma_wait3A_2415, %dma_wait3A_2416, %dma_wait3A_2423] : memref<2x10x200xi32, #tpu.memory_space<vmem>> -> memref<1x1x72xi32, #tpu.memory_space<vmem>>
        %dma_wait3A_2425 = tpu.memref_squeeze %dma_wait3A_2424 : memref<1x1x72xi32, #tpu.memory_space<vmem>> -> memref<72xi32, #tpu.memory_space<vmem>>
        %dma_wait3A_2426 = arith.constant 0 : i32
        %dma_wait3A_2427 = arith.constant 0 : i32
        %dma_wait3A_2428 = tpu.memref_slice %arg13[%add3A, %dma_wait3A_2426, %dma_wait3A_2427] : memref<32x8512x64xf32, #tpu.memory_space<hbm>> -> memref<1x8512x64xf32, #tpu.memory_space<hbm>>
        %dma_wait3A_2429 = tpu.memref_squeeze %dma_wait3A_2428 : memref<1x8512x64xf32, #tpu.memory_space<hbm>> -> memref<8512x64xf32, #tpu.memory_space<hbm>>
        %dma_wait3A_2430 = arith.constant 0 : i32
        %dma_wait3A_2431 = arith.constant 0 : i32
        %dma_wait3A_2432 = tpu.memref_slice %dma_wait3A_2429[%dma_wait3A_2430, %dma_wait3A_2431] : memref<8512x64xf32, #tpu.memory_space<hbm>> -> memref<8512x64xf32, #tpu.memory_space<hbm>>
        %dma_wait3A_2433 = tpu.memref_slice %arg18[%dma_wait3A_2418] : memref<2x!tpu.dma_semaphore, #tpu.memory_space<semaphore_mem>> -> memref<1x!tpu.dma_semaphore, #tpu.memory_space<semaphore_mem>>
        %dma_wait3A_2434 = tpu.memref_squeeze %dma_wait3A_2433 : memref<1x!tpu.dma_semaphore, #tpu.memory_space<semaphore_mem>> -> memref<!tpu.dma_semaphore, #tpu.memory_space<semaphore_mem>>
        tpu.wait_indirect_dma semaphore(%dma_wait3A_2434 : memref<!tpu.dma_semaphore, #tpu.memory_space<semaphore_mem>>) src(%dma_wait3A_2432 : memref<8512x64xf32, #tpu.memory_space<hbm>>) dst(%dma_wait3A_2422 : memref<72x64xf32, #tpu.memory_space<vmem>>)
        %dma_wait3A_2435 = arith.constant 1 : i32
        %dma_wait3A_2436 = arith.constant 8 : i32
        %dma_wait3A_2437 = arith.constant 1 : i32
        %dma_wait3A_2438 = arith.constant 1 : i32
        %dma_wait3A_2439 = arith.constant 128 : i32
        %dma_wait3A_2440 = arith.constant 0 : i32
        %dma_wait3A_2441 = tpu.memref_slice %arg16[%dma_wait3A_2437, %dma_wait3A_2439, %dma_wait3A_2440] : memref<2x200x64xf32, #tpu.memory_space<vmem>> -> memref<1x72x64xf32, #tpu.memory_space<vmem>>
        %dma_wait3A_2442 = tpu.memref_squeeze %dma_wait3A_2441 : memref<1x72x64xf32, #tpu.memory_space<vmem>> -> memref<72x64xf32, #tpu.memory_space<vmem>>
        %dma_wait3A_2443 = arith.constant 128 : i32
        %dma_wait3A_2444 = tpu.memref_slice %arg15[%dma_wait3A_2435, %dma_wait3A_2436, %dma_wait3A_2443] : memref<2x10x200xi32, #tpu.memory_space<vmem>> -> memref<1x1x72xi32, #tpu.memory_space<vmem>>
        %dma_wait3A_2445 = tpu.memref_squeeze %dma_wait3A_2444 : memref<1x1x72xi32, #tpu.memory_space<vmem>> -> memref<72xi32, #tpu.memory_space<vmem>>
        %dma_wait3A_2446 = arith.constant 0 : i32
        %dma_wait3A_2447 = arith.constant 0 : i32
        %dma_wait3A_2448 = tpu.memref_slice %arg13[%add3A, %dma_wait3A_2446, %dma_wait3A_2447] : memref<32x8512x64xf32, #tpu.memory_space<hbm>> -> memref<1x8512x64xf32, #tpu.memory_space<hbm>>
        %dma_wait3A_2449 = tpu.memref_squeeze %dma_wait3A_2448 : memref<1x8512x64xf32, #tpu.memory_space<hbm>> -> memref<8512x64xf32, #tpu.memory_space<hbm>>
        %dma_wait3A_2450 = arith.constant 0 : i32
        %dma_wait3A_2451 = arith.constant 0 : i32
        %dma_wait3A_2452 = tpu.memref_slice %dma_wait3A_2449[%dma_wait3A_2450, %dma_wait3A_2451] : memref<8512x64xf32, #tpu.memory_space<hbm>> -> memref<8512x64xf32, #tpu.memory_space<hbm>>
        %dma_wait3A_2453 = tpu.memref_slice %arg18[%dma_wait3A_2438] : memref<2x!tpu.dma_semaphore, #tpu.memory_space<semaphore_mem>> -> memref<1x!tpu.dma_semaphore, #tpu.memory_space<semaphore_mem>>
        %dma_wait3A_2454 = tpu.memref_squeeze %dma_wait3A_2453 : memref<1x!tpu.dma_semaphore, #tpu.memory_space<semaphore_mem>> -> memref<!tpu.dma_semaphore, #tpu.memory_space<semaphore_mem>>
        tpu.wait_indirect_dma semaphore(%dma_wait3A_2454 : memref<!tpu.dma_semaphore, #tpu.memory_space<semaphore_mem>>) src(%dma_wait3A_2452 : memref<8512x64xf32, #tpu.memory_space<hbm>>) dst(%dma_wait3A_2442 : memref<72x64xf32, #tpu.memory_space<vmem>>)
        %dma_wait3A_2455 = arith.constant 1 : i32
        %dma_wait3A_2456 = arith.constant 9 : i32
        %dma_wait3A_2457 = arith.constant 1 : i32
        %dma_wait3A_2458 = arith.constant 1 : i32
        %dma_wait3A_2459 = arith.constant 128 : i32
        %dma_wait3A_2460 = arith.constant 0 : i32
        %dma_wait3A_2461 = tpu.memref_slice %arg16[%dma_wait3A_2457, %dma_wait3A_2459, %dma_wait3A_2460] : memref<2x200x64xf32, #tpu.memory_space<vmem>> -> memref<1x72x64xf32, #tpu.memory_space<vmem>>
        %dma_wait3A_2462 = tpu.memref_squeeze %dma_wait3A_2461 : memref<1x72x64xf32, #tpu.memory_space<vmem>> -> memref<72x64xf32, #tpu.memory_space<vmem>>
        %dma_wait3A_2463 = arith.constant 128 : i32
        %dma_wait3A_2464 = tpu.memref_slice %arg15[%dma_wait3A_2455, %dma_wait3A_2456, %dma_wait3A_2463] : memref<2x10x200xi32, #tpu.memory_space<vmem>> -> memref<1x1x72xi32, #tpu.memory_space<vmem>>
        %dma_wait3A_2465 = tpu.memref_squeeze %dma_wait3A_2464 : memref<1x1x72xi32, #tpu.memory_space<vmem>> -> memref<72xi32, #tpu.memory_space<vmem>>
        %dma_wait3A_2466 = arith.constant 0 : i32
        %dma_wait3A_2467 = arith.constant 0 : i32
        %dma_wait3A_2468 = tpu.memref_slice %arg13[%add3A, %dma_wait3A_2466, %dma_wait3A_2467] : memref<32x8512x64xf32, #tpu.memory_space<hbm>> -> memref<1x8512x64xf32, #tpu.memory_space<hbm>>
        %dma_wait3A_2469 = tpu.memref_squeeze %dma_wait3A_2468 : memref<1x8512x64xf32, #tpu.memory_space<hbm>> -> memref<8512x64xf32, #tpu.memory_space<hbm>>
        %dma_wait3A_2470 = arith.constant 0 : i32
        %dma_wait3A_2471 = arith.constant 0 : i32
        %dma_wait3A_2472 = tpu.memref_slice %dma_wait3A_2469[%dma_wait3A_2470, %dma_wait3A_2471] : memref<8512x64xf32, #tpu.memory_space<hbm>> -> memref<8512x64xf32, #tpu.memory_space<hbm>>
        %dma_wait3A_2473 = tpu.memref_slice %arg18[%dma_wait3A_2458] : memref<2x!tpu.dma_semaphore, #tpu.memory_space<semaphore_mem>> -> memref<1x!tpu.dma_semaphore, #tpu.memory_space<semaphore_mem>>
        %dma_wait3A_2474 = tpu.memref_squeeze %dma_wait3A_2473 : memref<1x!tpu.dma_semaphore, #tpu.memory_space<semaphore_mem>> -> memref<!tpu.dma_semaphore, #tpu.memory_space<semaphore_mem>>
        tpu.wait_indirect_dma semaphore(%dma_wait3A_2474 : memref<!tpu.dma_semaphore, #tpu.memory_space<semaphore_mem>>) src(%dma_wait3A_2472 : memref<8512x64xf32, #tpu.memory_space<hbm>>) dst(%dma_wait3A_2462 : memref<72x64xf32, #tpu.memory_space<vmem>>)
        %sub3A = arith.constant 1 : i32
        %sub3A_2475 = arith.subi %add3A_733, %sub3A : i32
        %mul3A_2476 = arith.constant 32 : i32
        %mul3A_2477 = arith.muli %add3A, %mul3A_2476 : i32
        %add3A_2478 = arith.addi %mul3A_2477, %sub3A_2475 : i32
        %dma_start3A_2479 = arith.constant 1 : i32
        %dma_start3A_2480 = arith.constant 1 : i32
        %dma_start3A_2481 = arith.constant 0 : i32
        %dma_start3A_2482 = arith.constant 0 : i32
        %dma_start3A_2483 = tpu.memref_slice %arg16[%dma_start3A_2479, %dma_start3A_2481, %dma_start3A_2482] : memref<2x200x64xf32, #tpu.memory_space<vmem>> -> memref<1x200x64xf32, #tpu.memory_space<vmem>>
        %dma_start3A_2484 = tpu.memref_squeeze %dma_start3A_2483 : memref<1x200x64xf32, #tpu.memory_space<vmem>> -> memref<200x64xf32, #tpu.memory_space<vmem>>
        %dma_start3A_2485 = arith.constant 0 : i32
        %dma_start3A_2486 = arith.constant 0 : i32
        %dma_start3A_2487 = tpu.memref_slice %arg14[%add3A_2478, %dma_start3A_2485, %dma_start3A_2486] : memref<1024x200x64xf32, #tpu.memory_space<hbm>> -> memref<1x200x64xf32, #tpu.memory_space<hbm>>
        %dma_start3A_2488 = tpu.memref_squeeze %dma_start3A_2487 : memref<1x200x64xf32, #tpu.memory_space<hbm>> -> memref<200x64xf32, #tpu.memory_space<hbm>>
        %dma_start3A_2489 = tpu.memref_slice %arg19[%dma_start3A_2480] : memref<2x!tpu.dma_semaphore, #tpu.memory_space<semaphore_mem>> -> memref<1x!tpu.dma_semaphore, #tpu.memory_space<semaphore_mem>>
        %dma_start3A_2490 = tpu.memref_squeeze %dma_start3A_2489 : memref<1x!tpu.dma_semaphore, #tpu.memory_space<semaphore_mem>> -> memref<!tpu.dma_semaphore, #tpu.memory_space<semaphore_mem>>
        %dma_start3A_2491 = arith.constant 0 : i32
        %dma_start3A_2492 = arith.constant 0 : i32
        %dma_start3A_2493 = tpu.memref_slice %arg14[%add3A_2478, %dma_start3A_2491, %dma_start3A_2492] : memref<1024x200x64xf32, #tpu.memory_space<hbm>> -> memref<1x200x64xf32, #tpu.memory_space<hbm>>
        %dma_start3A_2494 = tpu.memref_squeeze %dma_start3A_2493 : memref<1x200x64xf32, #tpu.memory_space<hbm>> -> memref<200x64xf32, #tpu.memory_space<hbm>>
        %dma_start3A_2495 = arith.constant 0 : i32
        %dma_start3A_2496 = arith.constant 0 : i32
        %dma_start3A_2497 = tpu.memref_slice %arg16[%dma_start3A_2479, %dma_start3A_2495, %dma_start3A_2496] : memref<2x200x64xf32, #tpu.memory_space<vmem>> -> memref<1x200x64xf32, #tpu.memory_space<vmem>>
        %dma_start3A_2498 = tpu.memref_squeeze %dma_start3A_2497 : memref<1x200x64xf32, #tpu.memory_space<vmem>> -> memref<200x64xf32, #tpu.memory_space<vmem>>
        tpu.enqueue_dma source(%dma_start3A_2498 : memref<200x64xf32, #tpu.memory_space<vmem>>) target(%dma_start3A_2494 : memref<200x64xf32, #tpu.memory_space<hbm>>) target_semaphore(%dma_start3A_2490 : memref<!tpu.dma_semaphore, #tpu.memory_space<semaphore_mem>>)
      } else {
      }
      %add3A_1269 = arith.constant 1 : i32
      %add3A_1270 = arith.addi %add3A_733, %add3A_1269 : i32
      %min3A = arith.constant 31 : i32
      %min3A_1271 = arith.minsi %add3A_1270, %min3A : i32
      %mul3A_1272 = arith.constant 200 : i32
      %mul3A_1273 = arith.muli %min3A_1271, %mul3A_1272 : i32
      %add3A_1274 = arith.addi %mul3A_2, %mul3A_1273 : i32
      %dma_start3A_1275 = arith.constant 1 : i32
      %dma_start3A_1276 = arith.constant 0 : i32
      %dma_start3A_1277 = arith.constant 1 : i32
      %dma_start3A_1278 = arith.constant 0 : i32
      %dma_start3A_1279 = tpu.memref_slice %arg15[%dma_start3A_1275, %dma_start3A_1276, %dma_start3A_1278] : memref<2x10x200xi32, #tpu.memory_space<vmem>> -> memref<1x1x200xi32, #tpu.memory_space<vmem>>
      %dma_start3A_1280 = tpu.memref_squeeze %dma_start3A_1279 : memref<1x1x200xi32, #tpu.memory_space<vmem>> -> memref<200xi32, #tpu.memory_space<vmem>>
      %dma_start3A_1281 = tpu.memref_slice %arg2[%add3A_1274] : memref<204800xi32, #tpu.memory_space<hbm>> -> memref<200xi32, #tpu.memory_space<hbm>>
      %dma_start3A_1282 = tpu.memref_slice %arg17[%dma_start3A_1277] : memref<2x!tpu.dma_semaphore, #tpu.memory_space<semaphore_mem>> -> memref<1x!tpu.dma_semaphore, #tpu.memory_space<semaphore_mem>>
      %dma_start3A_1283 = tpu.memref_squeeze %dma_start3A_1282 : memref<1x!tpu.dma_semaphore, #tpu.memory_space<semaphore_mem>> -> memref<!tpu.dma_semaphore, #tpu.memory_space<semaphore_mem>>
      %dma_start3A_1284 = arith.constant 0 : i32
      %dma_start3A_1285 = tpu.memref_slice %arg15[%dma_start3A_1275, %dma_start3A_1276, %dma_start3A_1284] : memref<2x10x200xi32, #tpu.memory_space<vmem>> -> memref<1x1x200xi32, #tpu.memory_space<vmem>>
      %dma_start3A_1286 = tpu.memref_squeeze %dma_start3A_1285 : memref<1x1x200xi32, #tpu.memory_space<vmem>> -> memref<200xi32, #tpu.memory_space<vmem>>
      %dma_start3A_1287 = tpu.memref_slice %arg2[%add3A_1274] : memref<204800xi32, #tpu.memory_space<hbm>> -> memref<200xi32, #tpu.memory_space<hbm>>
      tpu.enqueue_dma source(%dma_start3A_1287 : memref<200xi32, #tpu.memory_space<hbm>>) target(%dma_start3A_1286 : memref<200xi32, #tpu.memory_space<vmem>>) target_semaphore(%dma_start3A_1283 : memref<!tpu.dma_semaphore, #tpu.memory_space<semaphore_mem>>)
      %dma_start3A_1288 = arith.constant 1 : i32
      %dma_start3A_1289 = arith.constant 1 : i32
      %dma_start3A_1290 = arith.constant 1 : i32
      %dma_start3A_1291 = arith.constant 0 : i32
      %dma_start3A_1292 = tpu.memref_slice %arg15[%dma_start3A_1288, %dma_start3A_1289, %dma_start3A_1291] : memref<2x10x200xi32, #tpu.memory_space<vmem>> -> memref<1x1x200xi32, #tpu.memory_space<vmem>>
      %dma_start3A_1293 = tpu.memref_squeeze %dma_start3A_1292 : memref<1x1x200xi32, #tpu.memory_space<vmem>> -> memref<200xi32, #tpu.memory_space<vmem>>
      %dma_start3A_1294 = tpu.memref_slice %arg3[%add3A_1274] : memref<204800xi32, #tpu.memory_space<hbm>> -> memref<200xi32, #tpu.memory_space<hbm>>
      %dma_start3A_1295 = tpu.memref_slice %arg17[%dma_start3A_1290] : memref<2x!tpu.dma_semaphore, #tpu.memory_space<semaphore_mem>> -> memref<1x!tpu.dma_semaphore, #tpu.memory_space<semaphore_mem>>
      %dma_start3A_1296 = tpu.memref_squeeze %dma_start3A_1295 : memref<1x!tpu.dma_semaphore, #tpu.memory_space<semaphore_mem>> -> memref<!tpu.dma_semaphore, #tpu.memory_space<semaphore_mem>>
      %dma_start3A_1297 = arith.constant 0 : i32
      %dma_start3A_1298 = tpu.memref_slice %arg15[%dma_start3A_1288, %dma_start3A_1289, %dma_start3A_1297] : memref<2x10x200xi32, #tpu.memory_space<vmem>> -> memref<1x1x200xi32, #tpu.memory_space<vmem>>
      %dma_start3A_1299 = tpu.memref_squeeze %dma_start3A_1298 : memref<1x1x200xi32, #tpu.memory_space<vmem>> -> memref<200xi32, #tpu.memory_space<vmem>>
      %dma_start3A_1300 = tpu.memref_slice %arg3[%add3A_1274] : memref<204800xi32, #tpu.memory_space<hbm>> -> memref<200xi32, #tpu.memory_space<hbm>>
      tpu.enqueue_dma source(%dma_start3A_1300 : memref<200xi32, #tpu.memory_space<hbm>>) target(%dma_start3A_1299 : memref<200xi32, #tpu.memory_space<vmem>>) target_semaphore(%dma_start3A_1296 : memref<!tpu.dma_semaphore, #tpu.memory_space<semaphore_mem>>)
      %dma_start3A_1301 = arith.constant 1 : i32
      %dma_start3A_1302 = arith.constant 2 : i32
      %dma_start3A_1303 = arith.constant 1 : i32
      %dma_start3A_1304 = arith.constant 0 : i32
      %dma_start3A_1305 = tpu.memref_slice %arg15[%dma_start3A_1301, %dma_start3A_1302, %dma_start3A_1304] : memref<2x10x200xi32, #tpu.memory_space<vmem>> -> memref<1x1x200xi32, #tpu.memory_space<vmem>>
      %dma_start3A_1306 = tpu.memref_squeeze %dma_start3A_1305 : memref<1x1x200xi32, #tpu.memory_space<vmem>> -> memref<200xi32, #tpu.memory_space<vmem>>
      %dma_start3A_1307 = tpu.memref_slice %arg4[%add3A_1274] : memref<204800xi32, #tpu.memory_space<hbm>> -> memref<200xi32, #tpu.memory_space<hbm>>
      %dma_start3A_1308 = tpu.memref_slice %arg17[%dma_start3A_1303] : memref<2x!tpu.dma_semaphore, #tpu.memory_space<semaphore_mem>> -> memref<1x!tpu.dma_semaphore, #tpu.memory_space<semaphore_mem>>
      %dma_start3A_1309 = tpu.memref_squeeze %dma_start3A_1308 : memref<1x!tpu.dma_semaphore, #tpu.memory_space<semaphore_mem>> -> memref<!tpu.dma_semaphore, #tpu.memory_space<semaphore_mem>>
      %dma_start3A_1310 = arith.constant 0 : i32
      %dma_start3A_1311 = tpu.memref_slice %arg15[%dma_start3A_1301, %dma_start3A_1302, %dma_start3A_1310] : memref<2x10x200xi32, #tpu.memory_space<vmem>> -> memref<1x1x200xi32, #tpu.memory_space<vmem>>
      %dma_start3A_1312 = tpu.memref_squeeze %dma_start3A_1311 : memref<1x1x200xi32, #tpu.memory_space<vmem>> -> memref<200xi32, #tpu.memory_space<vmem>>
      %dma_start3A_1313 = tpu.memref_slice %arg4[%add3A_1274] : memref<204800xi32, #tpu.memory_space<hbm>> -> memref<200xi32, #tpu.memory_space<hbm>>
      tpu.enqueue_dma source(%dma_start3A_1313 : memref<200xi32, #tpu.memory_space<hbm>>) target(%dma_start3A_1312 : memref<200xi32, #tpu.memory_space<vmem>>) target_semaphore(%dma_start3A_1309 : memref<!tpu.dma_semaphore, #tpu.memory_space<semaphore_mem>>)
      %dma_start3A_1314 = arith.constant 1 : i32
      %dma_start3A_1315 = arith.constant 3 : i32
      %dma_start3A_1316 = arith.constant 1 : i32
      %dma_start3A_1317 = arith.constant 0 : i32
      %dma_start3A_1318 = tpu.memref_slice %arg15[%dma_start3A_1314, %dma_start3A_1315, %dma_start3A_1317] : memref<2x10x200xi32, #tpu.memory_space<vmem>> -> memref<1x1x200xi32, #tpu.memory_space<vmem>>
      %dma_start3A_1319 = tpu.memref_squeeze %dma_start3A_1318 : memref<1x1x200xi32, #tpu.memory_space<vmem>> -> memref<200xi32, #tpu.memory_space<vmem>>
      %dma_start3A_1320 = tpu.memref_slice %arg5[%add3A_1274] : memref<204800xi32, #tpu.memory_space<hbm>> -> memref<200xi32, #tpu.memory_space<hbm>>
      %dma_start3A_1321 = tpu.memref_slice %arg17[%dma_start3A_1316] : memref<2x!tpu.dma_semaphore, #tpu.memory_space<semaphore_mem>> -> memref<1x!tpu.dma_semaphore, #tpu.memory_space<semaphore_mem>>
      %dma_start3A_1322 = tpu.memref_squeeze %dma_start3A_1321 : memref<1x!tpu.dma_semaphore, #tpu.memory_space<semaphore_mem>> -> memref<!tpu.dma_semaphore, #tpu.memory_space<semaphore_mem>>
      %dma_start3A_1323 = arith.constant 0 : i32
      %dma_start3A_1324 = tpu.memref_slice %arg15[%dma_start3A_1314, %dma_start3A_1315, %dma_start3A_1323] : memref<2x10x200xi32, #tpu.memory_space<vmem>> -> memref<1x1x200xi32, #tpu.memory_space<vmem>>
      %dma_start3A_1325 = tpu.memref_squeeze %dma_start3A_1324 : memref<1x1x200xi32, #tpu.memory_space<vmem>> -> memref<200xi32, #tpu.memory_space<vmem>>
      %dma_start3A_1326 = tpu.memref_slice %arg5[%add3A_1274] : memref<204800xi32, #tpu.memory_space<hbm>> -> memref<200xi32, #tpu.memory_space<hbm>>
      tpu.enqueue_dma source(%dma_start3A_1326 : memref<200xi32, #tpu.memory_space<hbm>>) target(%dma_start3A_1325 : memref<200xi32, #tpu.memory_space<vmem>>) target_semaphore(%dma_start3A_1322 : memref<!tpu.dma_semaphore, #tpu.memory_space<semaphore_mem>>)
      %dma_start3A_1327 = arith.constant 1 : i32
      %dma_start3A_1328 = arith.constant 4 : i32
      %dma_start3A_1329 = arith.constant 1 : i32
      %dma_start3A_1330 = arith.constant 0 : i32
      %dma_start3A_1331 = tpu.memref_slice %arg15[%dma_start3A_1327, %dma_start3A_1328, %dma_start3A_1330] : memref<2x10x200xi32, #tpu.memory_space<vmem>> -> memref<1x1x200xi32, #tpu.memory_space<vmem>>
      %dma_start3A_1332 = tpu.memref_squeeze %dma_start3A_1331 : memref<1x1x200xi32, #tpu.memory_space<vmem>> -> memref<200xi32, #tpu.memory_space<vmem>>
      %dma_start3A_1333 = tpu.memref_slice %arg6[%add3A_1274] : memref<204800xi32, #tpu.memory_space<hbm>> -> memref<200xi32, #tpu.memory_space<hbm>>
      %dma_start3A_1334 = tpu.memref_slice %arg17[%dma_start3A_1329] : memref<2x!tpu.dma_semaphore, #tpu.memory_space<semaphore_mem>> -> memref<1x!tpu.dma_semaphore, #tpu.memory_space<semaphore_mem>>
      %dma_start3A_1335 = tpu.memref_squeeze %dma_start3A_1334 : memref<1x!tpu.dma_semaphore, #tpu.memory_space<semaphore_mem>> -> memref<!tpu.dma_semaphore, #tpu.memory_space<semaphore_mem>>
      %dma_start3A_1336 = arith.constant 0 : i32
      %dma_start3A_1337 = tpu.memref_slice %arg15[%dma_start3A_1327, %dma_start3A_1328, %dma_start3A_1336] : memref<2x10x200xi32, #tpu.memory_space<vmem>> -> memref<1x1x200xi32, #tpu.memory_space<vmem>>
      %dma_start3A_1338 = tpu.memref_squeeze %dma_start3A_1337 : memref<1x1x200xi32, #tpu.memory_space<vmem>> -> memref<200xi32, #tpu.memory_space<vmem>>
      %dma_start3A_1339 = tpu.memref_slice %arg6[%add3A_1274] : memref<204800xi32, #tpu.memory_space<hbm>> -> memref<200xi32, #tpu.memory_space<hbm>>
      tpu.enqueue_dma source(%dma_start3A_1339 : memref<200xi32, #tpu.memory_space<hbm>>) target(%dma_start3A_1338 : memref<200xi32, #tpu.memory_space<vmem>>) target_semaphore(%dma_start3A_1335 : memref<!tpu.dma_semaphore, #tpu.memory_space<semaphore_mem>>)
      %dma_start3A_1340 = arith.constant 1 : i32
      %dma_start3A_1341 = arith.constant 5 : i32
      %dma_start3A_1342 = arith.constant 1 : i32
      %dma_start3A_1343 = arith.constant 0 : i32
      %dma_start3A_1344 = tpu.memref_slice %arg15[%dma_start3A_1340, %dma_start3A_1341, %dma_start3A_1343] : memref<2x10x200xi32, #tpu.memory_space<vmem>> -> memref<1x1x200xi32, #tpu.memory_space<vmem>>
      %dma_start3A_1345 = tpu.memref_squeeze %dma_start3A_1344 : memref<1x1x200xi32, #tpu.memory_space<vmem>> -> memref<200xi32, #tpu.memory_space<vmem>>
      %dma_start3A_1346 = tpu.memref_slice %arg7[%add3A_1274] : memref<204800xi32, #tpu.memory_space<hbm>> -> memref<200xi32, #tpu.memory_space<hbm>>
      %dma_start3A_1347 = tpu.memref_slice %arg17[%dma_start3A_1342] : memref<2x!tpu.dma_semaphore, #tpu.memory_space<semaphore_mem>> -> memref<1x!tpu.dma_semaphore, #tpu.memory_space<semaphore_mem>>
      %dma_start3A_1348 = tpu.memref_squeeze %dma_start3A_1347 : memref<1x!tpu.dma_semaphore, #tpu.memory_space<semaphore_mem>> -> memref<!tpu.dma_semaphore, #tpu.memory_space<semaphore_mem>>
      %dma_start3A_1349 = arith.constant 0 : i32
      %dma_start3A_1350 = tpu.memref_slice %arg15[%dma_start3A_1340, %dma_start3A_1341, %dma_start3A_1349] : memref<2x10x200xi32, #tpu.memory_space<vmem>> -> memref<1x1x200xi32, #tpu.memory_space<vmem>>
      %dma_start3A_1351 = tpu.memref_squeeze %dma_start3A_1350 : memref<1x1x200xi32, #tpu.memory_space<vmem>> -> memref<200xi32, #tpu.memory_space<vmem>>
      %dma_start3A_1352 = tpu.memref_slice %arg7[%add3A_1274] : memref<204800xi32, #tpu.memory_space<hbm>> -> memref<200xi32, #tpu.memory_space<hbm>>
      tpu.enqueue_dma source(%dma_start3A_1352 : memref<200xi32, #tpu.memory_space<hbm>>) target(%dma_start3A_1351 : memref<200xi32, #tpu.memory_space<vmem>>) target_semaphore(%dma_start3A_1348 : memref<!tpu.dma_semaphore, #tpu.memory_space<semaphore_mem>>)
      %dma_start3A_1353 = arith.constant 1 : i32
      %dma_start3A_1354 = arith.constant 6 : i32
      %dma_start3A_1355 = arith.constant 1 : i32
      %dma_start3A_1356 = arith.constant 0 : i32
      %dma_start3A_1357 = tpu.memref_slice %arg15[%dma_start3A_1353, %dma_start3A_1354, %dma_start3A_1356] : memref<2x10x200xi32, #tpu.memory_space<vmem>> -> memref<1x1x200xi32, #tpu.memory_space<vmem>>
      %dma_start3A_1358 = tpu.memref_squeeze %dma_start3A_1357 : memref<1x1x200xi32, #tpu.memory_space<vmem>> -> memref<200xi32, #tpu.memory_space<vmem>>
      %dma_start3A_1359 = tpu.memref_slice %arg8[%add3A_1274] : memref<204800xi32, #tpu.memory_space<hbm>> -> memref<200xi32, #tpu.memory_space<hbm>>
      %dma_start3A_1360 = tpu.memref_slice %arg17[%dma_start3A_1355] : memref<2x!tpu.dma_semaphore, #tpu.memory_space<semaphore_mem>> -> memref<1x!tpu.dma_semaphore, #tpu.memory_space<semaphore_mem>>
      %dma_start3A_1361 = tpu.memref_squeeze %dma_start3A_1360 : memref<1x!tpu.dma_semaphore, #tpu.memory_space<semaphore_mem>> -> memref<!tpu.dma_semaphore, #tpu.memory_space<semaphore_mem>>
      %dma_start3A_1362 = arith.constant 0 : i32
      %dma_start3A_1363 = tpu.memref_slice %arg15[%dma_start3A_1353, %dma_start3A_1354, %dma_start3A_1362] : memref<2x10x200xi32, #tpu.memory_space<vmem>> -> memref<1x1x200xi32, #tpu.memory_space<vmem>>
      %dma_start3A_1364 = tpu.memref_squeeze %dma_start3A_1363 : memref<1x1x200xi32, #tpu.memory_space<vmem>> -> memref<200xi32, #tpu.memory_space<vmem>>
      %dma_start3A_1365 = tpu.memref_slice %arg8[%add3A_1274] : memref<204800xi32, #tpu.memory_space<hbm>> -> memref<200xi32, #tpu.memory_space<hbm>>
      tpu.enqueue_dma source(%dma_start3A_1365 : memref<200xi32, #tpu.memory_space<hbm>>) target(%dma_start3A_1364 : memref<200xi32, #tpu.memory_space<vmem>>) target_semaphore(%dma_start3A_1361 : memref<!tpu.dma_semaphore, #tpu.memory_space<semaphore_mem>>)
      %dma_start3A_1366 = arith.constant 1 : i32
      %dma_start3A_1367 = arith.constant 7 : i32
      %dma_start3A_1368 = arith.constant 1 : i32
      %dma_start3A_1369 = arith.constant 0 : i32
      %dma_start3A_1370 = tpu.memref_slice %arg15[%dma_start3A_1366, %dma_start3A_1367, %dma_start3A_1369] : memref<2x10x200xi32, #tpu.memory_space<vmem>> -> memref<1x1x200xi32, #tpu.memory_space<vmem>>
      %dma_start3A_1371 = tpu.memref_squeeze %dma_start3A_1370 : memref<1x1x200xi32, #tpu.memory_space<vmem>> -> memref<200xi32, #tpu.memory_space<vmem>>
      %dma_start3A_1372 = tpu.memref_slice %arg9[%add3A_1274] : memref<204800xi32, #tpu.memory_space<hbm>> -> memref<200xi32, #tpu.memory_space<hbm>>
      %dma_start3A_1373 = tpu.memref_slice %arg17[%dma_start3A_1368] : memref<2x!tpu.dma_semaphore, #tpu.memory_space<semaphore_mem>> -> memref<1x!tpu.dma_semaphore, #tpu.memory_space<semaphore_mem>>
      %dma_start3A_1374 = tpu.memref_squeeze %dma_start3A_1373 : memref<1x!tpu.dma_semaphore, #tpu.memory_space<semaphore_mem>> -> memref<!tpu.dma_semaphore, #tpu.memory_space<semaphore_mem>>
      %dma_start3A_1375 = arith.constant 0 : i32
      %dma_start3A_1376 = tpu.memref_slice %arg15[%dma_start3A_1366, %dma_start3A_1367, %dma_start3A_1375] : memref<2x10x200xi32, #tpu.memory_space<vmem>> -> memref<1x1x200xi32, #tpu.memory_space<vmem>>
      %dma_start3A_1377 = tpu.memref_squeeze %dma_start3A_1376 : memref<1x1x200xi32, #tpu.memory_space<vmem>> -> memref<200xi32, #tpu.memory_space<vmem>>
      %dma_start3A_1378 = tpu.memref_slice %arg9[%add3A_1274] : memref<204800xi32, #tpu.memory_space<hbm>> -> memref<200xi32, #tpu.memory_space<hbm>>
      tpu.enqueue_dma source(%dma_start3A_1378 : memref<200xi32, #tpu.memory_space<hbm>>) target(%dma_start3A_1377 : memref<200xi32, #tpu.memory_space<vmem>>) target_semaphore(%dma_start3A_1374 : memref<!tpu.dma_semaphore, #tpu.memory_space<semaphore_mem>>)
      %dma_start3A_1379 = arith.constant 1 : i32
      %dma_start3A_1380 = arith.constant 8 : i32
      %dma_start3A_1381 = arith.constant 1 : i32
      %dma_start3A_1382 = arith.constant 0 : i32
      %dma_start3A_1383 = tpu.memref_slice %arg15[%dma_start3A_1379, %dma_start3A_1380, %dma_start3A_1382] : memref<2x10x200xi32, #tpu.memory_space<vmem>> -> memref<1x1x200xi32, #tpu.memory_space<vmem>>
      %dma_start3A_1384 = tpu.memref_squeeze %dma_start3A_1383 : memref<1x1x200xi32, #tpu.memory_space<vmem>> -> memref<200xi32, #tpu.memory_space<vmem>>
      %dma_start3A_1385 = tpu.memref_slice %arg10[%add3A_1274] : memref<204800xi32, #tpu.memory_space<hbm>> -> memref<200xi32, #tpu.memory_space<hbm>>
      %dma_start3A_1386 = tpu.memref_slice %arg17[%dma_start3A_1381] : memref<2x!tpu.dma_semaphore, #tpu.memory_space<semaphore_mem>> -> memref<1x!tpu.dma_semaphore, #tpu.memory_space<semaphore_mem>>
      %dma_start3A_1387 = tpu.memref_squeeze %dma_start3A_1386 : memref<1x!tpu.dma_semaphore, #tpu.memory_space<semaphore_mem>> -> memref<!tpu.dma_semaphore, #tpu.memory_space<semaphore_mem>>
      %dma_start3A_1388 = arith.constant 0 : i32
      %dma_start3A_1389 = tpu.memref_slice %arg15[%dma_start3A_1379, %dma_start3A_1380, %dma_start3A_1388] : memref<2x10x200xi32, #tpu.memory_space<vmem>> -> memref<1x1x200xi32, #tpu.memory_space<vmem>>
      %dma_start3A_1390 = tpu.memref_squeeze %dma_start3A_1389 : memref<1x1x200xi32, #tpu.memory_space<vmem>> -> memref<200xi32, #tpu.memory_space<vmem>>
      %dma_start3A_1391 = tpu.memref_slice %arg10[%add3A_1274] : memref<204800xi32, #tpu.memory_space<hbm>> -> memref<200xi32, #tpu.memory_space<hbm>>
      tpu.enqueue_dma source(%dma_start3A_1391 : memref<200xi32, #tpu.memory_space<hbm>>) target(%dma_start3A_1390 : memref<200xi32, #tpu.memory_space<vmem>>) target_semaphore(%dma_start3A_1387 : memref<!tpu.dma_semaphore, #tpu.memory_space<semaphore_mem>>)
      %dma_start3A_1392 = arith.constant 1 : i32
      %dma_start3A_1393 = arith.constant 9 : i32
      %dma_start3A_1394 = arith.constant 1 : i32
      %dma_start3A_1395 = arith.constant 0 : i32
      %dma_start3A_1396 = tpu.memref_slice %arg15[%dma_start3A_1392, %dma_start3A_1393, %dma_start3A_1395] : memref<2x10x200xi32, #tpu.memory_space<vmem>> -> memref<1x1x200xi32, #tpu.memory_space<vmem>>
      %dma_start3A_1397 = tpu.memref_squeeze %dma_start3A_1396 : memref<1x1x200xi32, #tpu.memory_space<vmem>> -> memref<200xi32, #tpu.memory_space<vmem>>
      %dma_start3A_1398 = tpu.memref_slice %arg11[%add3A_1274] : memref<204800xi32, #tpu.memory_space<hbm>> -> memref<200xi32, #tpu.memory_space<hbm>>
      %dma_start3A_1399 = tpu.memref_slice %arg17[%dma_start3A_1394] : memref<2x!tpu.dma_semaphore, #tpu.memory_space<semaphore_mem>> -> memref<1x!tpu.dma_semaphore, #tpu.memory_space<semaphore_mem>>
      %dma_start3A_1400 = tpu.memref_squeeze %dma_start3A_1399 : memref<1x!tpu.dma_semaphore, #tpu.memory_space<semaphore_mem>> -> memref<!tpu.dma_semaphore, #tpu.memory_space<semaphore_mem>>
      %dma_start3A_1401 = arith.constant 0 : i32
      %dma_start3A_1402 = tpu.memref_slice %arg15[%dma_start3A_1392, %dma_start3A_1393, %dma_start3A_1401] : memref<2x10x200xi32, #tpu.memory_space<vmem>> -> memref<1x1x200xi32, #tpu.memory_space<vmem>>
      %dma_start3A_1403 = tpu.memref_squeeze %dma_start3A_1402 : memref<1x1x200xi32, #tpu.memory_space<vmem>> -> memref<200xi32, #tpu.memory_space<vmem>>
      %dma_start3A_1404 = tpu.memref_slice %arg11[%add3A_1274] : memref<204800xi32, #tpu.memory_space<hbm>> -> memref<200xi32, #tpu.memory_space<hbm>>
      tpu.enqueue_dma source(%dma_start3A_1404 : memref<200xi32, #tpu.memory_space<hbm>>) target(%dma_start3A_1403 : memref<200xi32, #tpu.memory_space<vmem>>) target_semaphore(%dma_start3A_1400 : memref<!tpu.dma_semaphore, #tpu.memory_space<semaphore_mem>>)
      %add3A_1405 = arith.constant 1 : i32
      %add3A_1406 = arith.addi %add3A_731, %add3A_1405 : i32
      %ge3A_1407 = arith.constant 2 : i32
      %ge3A_1408 = arith.cmpi sge, %add3A_1406, %ge3A_1407 : i32
      %convert_element_type3A_1409 = arith.extui %ge3A_1408 : i1 to i32
      %cond3A_1410 = arith.constant 0 : i32
      %cond3A_1411 = arith.cmpi ne, %convert_element_type3A_1409, %cond3A_1410 : i32
      scf.if %cond3A_1411 {
        %mul3A_2083 = arith.constant 32 : i32
        %mul3A_2084 = arith.muli %add3A, %mul3A_2083 : i32
        %dma_wait3A_2085 = arith.constant 1 : i32
        %dma_wait3A_2086 = arith.constant 1 : i32
        %dma_wait3A_2087 = arith.constant 0 : i32
        %dma_wait3A_2088 = arith.constant 0 : i32
        %dma_wait3A_2089 = tpu.memref_slice %arg16[%dma_wait3A_2085, %dma_wait3A_2087, %dma_wait3A_2088] : memref<2x200x64xf32, #tpu.memory_space<vmem>> -> memref<1x200x64xf32, #tpu.memory_space<vmem>>
        %dma_wait3A_2090 = tpu.memref_squeeze %dma_wait3A_2089 : memref<1x200x64xf32, #tpu.memory_space<vmem>> -> memref<200x64xf32, #tpu.memory_space<vmem>>
        %dma_wait3A_2091 = arith.constant 0 : i32
        %dma_wait3A_2092 = arith.constant 0 : i32
        %dma_wait3A_2093 = tpu.memref_slice %arg14[%mul3A_2084, %dma_wait3A_2091, %dma_wait3A_2092] : memref<1024x200x64xf32, #tpu.memory_space<hbm>> -> memref<1x200x64xf32, #tpu.memory_space<hbm>>
        %dma_wait3A_2094 = tpu.memref_squeeze %dma_wait3A_2093 : memref<1x200x64xf32, #tpu.memory_space<hbm>> -> memref<200x64xf32, #tpu.memory_space<hbm>>
        %dma_wait3A_2095 = tpu.memref_slice %arg19[%dma_wait3A_2086] : memref<2x!tpu.dma_semaphore, #tpu.memory_space<semaphore_mem>> -> memref<1x!tpu.dma_semaphore, #tpu.memory_space<semaphore_mem>>
        %dma_wait3A_2096 = tpu.memref_squeeze %dma_wait3A_2095 : memref<1x!tpu.dma_semaphore, #tpu.memory_space<semaphore_mem>> -> memref<!tpu.dma_semaphore, #tpu.memory_space<semaphore_mem>>
        %dma_wait3A_2097 = arith.constant 0 : i32
        %dma_wait3A_2098 = arith.constant 0 : i32
        %dma_wait3A_2099 = tpu.memref_slice %arg14[%mul3A_2084, %dma_wait3A_2097, %dma_wait3A_2098] : memref<1024x200x64xf32, #tpu.memory_space<hbm>> -> memref<1x200x64xf32, #tpu.memory_space<hbm>>
        %dma_wait3A_2100 = tpu.memref_squeeze %dma_wait3A_2099 : memref<1x200x64xf32, #tpu.memory_space<hbm>> -> memref<200x64xf32, #tpu.memory_space<hbm>>
        %dma_wait3A_2101 = arith.constant 0 : i32
        %dma_wait3A_2102 = arith.constant 0 : i32
        %dma_wait3A_2103 = tpu.memref_slice %arg16[%dma_wait3A_2085, %dma_wait3A_2101, %dma_wait3A_2102] : memref<2x200x64xf32, #tpu.memory_space<vmem>> -> memref<1x200x64xf32, #tpu.memory_space<vmem>>
        %dma_wait3A_2104 = tpu.memref_squeeze %dma_wait3A_2103 : memref<1x200x64xf32, #tpu.memory_space<vmem>> -> memref<200x64xf32, #tpu.memory_space<vmem>>
        tpu.wait_dma2 semaphore(%dma_wait3A_2096 : memref<!tpu.dma_semaphore, #tpu.memory_space<semaphore_mem>>) src(%dma_wait3A_2104 : memref<200x64xf32, #tpu.memory_space<vmem>>) dst(%dma_wait3A_2100 : memref<200x64xf32, #tpu.memory_space<hbm>>)
      } else {
      }
      %broadcast_in_dim3A_1412 = arith.constant 0.000000e+00 : f32
      %broadcast_in_dim3A_1413 = vector.broadcast %broadcast_in_dim3A_1412 : f32 to vector<16xf32>
      %scan3A_1414 = arith.constant 0 : i32
      %scan3A_1415 = arith.constant 200 : i32
      %scan3A_1416 = arith.addi %scan3A_1414, %scan3A_1415 : i32
      %scan3A_1417 = arith.constant 8 : i32
      scf.for %scan3A_2083 = %scan3A_1414 to %scan3A_1416 step %scan3A_1417  : i32 {
        %mul3A_2084 = arith.constant 1 : i32
        %mul3A_2085 = arith.muli %scan3A_2083, %mul3A_2084 : i32
        %add3A_2086 = arith.constant 0 : i32
        %add3A_2087 = arith.addi %add3A_2086, %mul3A_2085 : i32
        %swap3A = arith.constant 1 : i32
        %swap3A_2088 = arith.index_cast %swap3A : i32 to index
        %swap3A_2089 = arith.index_cast %add3A_2087 : i32 to index
        %swap3A_2090 = arith.constant 0 : index
        %swap3A_2091 = tpu.vector_load %arg16[%swap3A_2088, %swap3A_2089, %swap3A_2090] {strides = array<i32>} : memref<2x200x64xf32, #tpu.memory_space<vmem>>, vector<1x1x16xf32>,
        %swap3A_2092 = vector.shape_cast %swap3A_2091 : vector<1x1x16xf32> to vector<16xf32>
        %swap3A_2093 = vector.shape_cast %broadcast_in_dim3A_1413 : vector<16xf32> to vector<1x1x16xf32>
        tpu.vector_store %arg16[%swap3A_2088, %swap3A_2089, %swap3A_2090], %swap3A_2093 {strides = array<i32>} : memref<2x200x64xf32, #tpu.memory_space<vmem>>, vector<1x1x16xf32>,
        %swap3A_2094 = arith.constant 1 : i32
        %swap3A_2095 = arith.index_cast %swap3A_2094 : i32 to index
        %swap3A_2096 = arith.index_cast %add3A_2087 : i32 to index
        %swap3A_2097 = arith.constant 16 : index
        %swap3A_2098 = tpu.vector_load %arg16[%swap3A_2095, %swap3A_2096, %swap3A_2097] {strides = array<i32>} : memref<2x200x64xf32, #tpu.memory_space<vmem>>, vector<1x1x16xf32>,
        %swap3A_2099 = vector.shape_cast %swap3A_2098 : vector<1x1x16xf32> to vector<16xf32>
        %swap3A_2100 = vector.shape_cast %broadcast_in_dim3A_1413 : vector<16xf32> to vector<1x1x16xf32>
        tpu.vector_store %arg16[%swap3A_2095, %swap3A_2096, %swap3A_2097], %swap3A_2100 {strides = array<i32>} : memref<2x200x64xf32, #tpu.memory_space<vmem>>, vector<1x1x16xf32>,
        %swap3A_2101 = arith.constant 1 : i32
        %swap3A_2102 = arith.index_cast %swap3A_2101 : i32 to index
        %swap3A_2103 = arith.index_cast %add3A_2087 : i32 to index
        %swap3A_2104 = arith.constant 32 : index
        %swap3A_2105 = tpu.vector_load %arg16[%swap3A_2102, %swap3A_2103, %swap3A_2104] {strides = array<i32>} : memref<2x200x64xf32, #tpu.memory_space<vmem>>, vector<1x1x16xf32>,
        %swap3A_2106 = vector.shape_cast %swap3A_2105 : vector<1x1x16xf32> to vector<16xf32>
        %swap3A_2107 = vector.shape_cast %broadcast_in_dim3A_1413 : vector<16xf32> to vector<1x1x16xf32>
        tpu.vector_store %arg16[%swap3A_2102, %swap3A_2103, %swap3A_2104], %swap3A_2107 {strides = array<i32>} : memref<2x200x64xf32, #tpu.memory_space<vmem>>, vector<1x1x16xf32>,
        %swap3A_2108 = arith.constant 1 : i32
        %swap3A_2109 = arith.index_cast %swap3A_2108 : i32 to index
        %swap3A_2110 = arith.index_cast %add3A_2087 : i32 to index
        %swap3A_2111 = arith.constant 48 : index
        %swap3A_2112 = tpu.vector_load %arg16[%swap3A_2109, %swap3A_2110, %swap3A_2111] {strides = array<i32>} : memref<2x200x64xf32, #tpu.memory_space<vmem>>, vector<1x1x16xf32>,
        %swap3A_2113 = vector.shape_cast %swap3A_2112 : vector<1x1x16xf32> to vector<16xf32>
        %swap3A_2114 = vector.shape_cast %broadcast_in_dim3A_1413 : vector<16xf32> to vector<1x1x16xf32>
        tpu.vector_store %arg16[%swap3A_2109, %swap3A_2110, %swap3A_2111], %swap3A_2114 {strides = array<i32>} : memref<2x200x64xf32, #tpu.memory_space<vmem>>, vector<1x1x16xf32>,
        %scan3A_2115 = arith.constant 1 : i32
        %scan3A_2116 = arith.addi %scan3A_2083, %scan3A_2115 : i32
        %mul3A_2117 = arith.constant 1 : i32
        %mul3A_2118 = arith.muli %scan3A_2116, %mul3A_2117 : i32
        %add3A_2119 = arith.constant 0 : i32
        %add3A_2120 = arith.addi %add3A_2119, %mul3A_2118 : i32
        %swap3A_2121 = arith.constant 1 : i32
        %swap3A_2122 = arith.index_cast %swap3A_2121 : i32 to index
        %swap3A_2123 = arith.index_cast %add3A_2120 : i32 to index
        %swap3A_2124 = arith.constant 0 : index
        %swap3A_2125 = tpu.vector_load %arg16[%swap3A_2122, %swap3A_2123, %swap3A_2124] {strides = array<i32>} : memref<2x200x64xf32, #tpu.memory_space<vmem>>, vector<1x1x16xf32>,
        %swap3A_2126 = vector.shape_cast %swap3A_2125 : vector<1x1x16xf32> to vector<16xf32>
        %swap3A_2127 = vector.shape_cast %broadcast_in_dim3A_1413 : vector<16xf32> to vector<1x1x16xf32>
        tpu.vector_store %arg16[%swap3A_2122, %swap3A_2123, %swap3A_2124], %swap3A_2127 {strides = array<i32>} : memref<2x200x64xf32, #tpu.memory_space<vmem>>, vector<1x1x16xf32>,
        %swap3A_2128 = arith.constant 1 : i32
        %swap3A_2129 = arith.index_cast %swap3A_2128 : i32 to index
        %swap3A_2130 = arith.index_cast %add3A_2120 : i32 to index
        %swap3A_2131 = arith.constant 16 : index
        %swap3A_2132 = tpu.vector_load %arg16[%swap3A_2129, %swap3A_2130, %swap3A_2131] {strides = array<i32>} : memref<2x200x64xf32, #tpu.memory_space<vmem>>, vector<1x1x16xf32>,
        %swap3A_2133 = vector.shape_cast %swap3A_2132 : vector<1x1x16xf32> to vector<16xf32>
        %swap3A_2134 = vector.shape_cast %broadcast_in_dim3A_1413 : vector<16xf32> to vector<1x1x16xf32>
        tpu.vector_store %arg16[%swap3A_2129, %swap3A_2130, %swap3A_2131], %swap3A_2134 {strides = array<i32>} : memref<2x200x64xf32, #tpu.memory_space<vmem>>, vector<1x1x16xf32>,
        %swap3A_2135 = arith.constant 1 : i32
        %swap3A_2136 = arith.index_cast %swap3A_2135 : i32 to index
        %swap3A_2137 = arith.index_cast %add3A_2120 : i32 to index
        %swap3A_2138 = arith.constant 32 : index
        %swap3A_2139 = tpu.vector_load %arg16[%swap3A_2136, %swap3A_2137, %swap3A_2138] {strides = array<i32>} : memref<2x200x64xf32, #tpu.memory_space<vmem>>, vector<1x1x16xf32>,
        %swap3A_2140 = vector.shape_cast %swap3A_2139 : vector<1x1x16xf32> to vector<16xf32>
        %swap3A_2141 = vector.shape_cast %broadcast_in_dim3A_1413 : vector<16xf32> to vector<1x1x16xf32>
        tpu.vector_store %arg16[%swap3A_2136, %swap3A_2137, %swap3A_2138], %swap3A_2141 {strides = array<i32>} : memref<2x200x64xf32, #tpu.memory_space<vmem>>, vector<1x1x16xf32>,
        %swap3A_2142 = arith.constant 1 : i32
        %swap3A_2143 = arith.index_cast %swap3A_2142 : i32 to index
        %swap3A_2144 = arith.index_cast %add3A_2120 : i32 to index
        %swap3A_2145 = arith.constant 48 : index
        %swap3A_2146 = tpu.vector_load %arg16[%swap3A_2143, %swap3A_2144, %swap3A_2145] {strides = array<i32>} : memref<2x200x64xf32, #tpu.memory_space<vmem>>, vector<1x1x16xf32>,
        %swap3A_2147 = vector.shape_cast %swap3A_2146 : vector<1x1x16xf32> to vector<16xf32>
        %swap3A_2148 = vector.shape_cast %broadcast_in_dim3A_1413 : vector<16xf32> to vector<1x1x16xf32>
        tpu.vector_store %arg16[%swap3A_2143, %swap3A_2144, %swap3A_2145], %swap3A_2148 {strides = array<i32>} : memref<2x200x64xf32, #tpu.memory_space<vmem>>, vector<1x1x16xf32>,
        %scan3A_2149 = arith.constant 2 : i32
        %scan3A_2150 = arith.addi %scan3A_2083, %scan3A_2149 : i32
        %mul3A_2151 = arith.constant 1 : i32
        %mul3A_2152 = arith.muli %scan3A_2150, %mul3A_2151 : i32
        %add3A_2153 = arith.constant 0 : i32
        %add3A_2154 = arith.addi %add3A_2153, %mul3A_2152 : i32
        %swap3A_2155 = arith.constant 1 : i32
        %swap3A_2156 = arith.index_cast %swap3A_2155 : i32 to index
        %swap3A_2157 = arith.index_cast %add3A_2154 : i32 to index
        %swap3A_2158 = arith.constant 0 : index
        %swap3A_2159 = tpu.vector_load %arg16[%swap3A_2156, %swap3A_2157, %swap3A_2158] {strides = array<i32>} : memref<2x200x64xf32, #tpu.memory_space<vmem>>, vector<1x1x16xf32>,
        %swap3A_2160 = vector.shape_cast %swap3A_2159 : vector<1x1x16xf32> to vector<16xf32>
        %swap3A_2161 = vector.shape_cast %broadcast_in_dim3A_1413 : vector<16xf32> to vector<1x1x16xf32>
        tpu.vector_store %arg16[%swap3A_2156, %swap3A_2157, %swap3A_2158], %swap3A_2161 {strides = array<i32>} : memref<2x200x64xf32, #tpu.memory_space<vmem>>, vector<1x1x16xf32>,
        %swap3A_2162 = arith.constant 1 : i32
        %swap3A_2163 = arith.index_cast %swap3A_2162 : i32 to index
        %swap3A_2164 = arith.index_cast %add3A_2154 : i32 to index
        %swap3A_2165 = arith.constant 16 : index
        %swap3A_2166 = tpu.vector_load %arg16[%swap3A_2163, %swap3A_2164, %swap3A_2165] {strides = array<i32>} : memref<2x200x64xf32, #tpu.memory_space<vmem>>, vector<1x1x16xf32>,
        %swap3A_2167 = vector.shape_cast %swap3A_2166 : vector<1x1x16xf32> to vector<16xf32>
        %swap3A_2168 = vector.shape_cast %broadcast_in_dim3A_1413 : vector<16xf32> to vector<1x1x16xf32>
        tpu.vector_store %arg16[%swap3A_2163, %swap3A_2164, %swap3A_2165], %swap3A_2168 {strides = array<i32>} : memref<2x200x64xf32, #tpu.memory_space<vmem>>, vector<1x1x16xf32>,
        %swap3A_2169 = arith.constant 1 : i32
        %swap3A_2170 = arith.index_cast %swap3A_2169 : i32 to index
        %swap3A_2171 = arith.index_cast %add3A_2154 : i32 to index
        %swap3A_2172 = arith.constant 32 : index
        %swap3A_2173 = tpu.vector_load %arg16[%swap3A_2170, %swap3A_2171, %swap3A_2172] {strides = array<i32>} : memref<2x200x64xf32, #tpu.memory_space<vmem>>, vector<1x1x16xf32>,
        %swap3A_2174 = vector.shape_cast %swap3A_2173 : vector<1x1x16xf32> to vector<16xf32>
        %swap3A_2175 = vector.shape_cast %broadcast_in_dim3A_1413 : vector<16xf32> to vector<1x1x16xf32>
        tpu.vector_store %arg16[%swap3A_2170, %swap3A_2171, %swap3A_2172], %swap3A_2175 {strides = array<i32>} : memref<2x200x64xf32, #tpu.memory_space<vmem>>, vector<1x1x16xf32>,
        %swap3A_2176 = arith.constant 1 : i32
        %swap3A_2177 = arith.index_cast %swap3A_2176 : i32 to index
        %swap3A_2178 = arith.index_cast %add3A_2154 : i32 to index
        %swap3A_2179 = arith.constant 48 : index
        %swap3A_2180 = tpu.vector_load %arg16[%swap3A_2177, %swap3A_2178, %swap3A_2179] {strides = array<i32>} : memref<2x200x64xf32, #tpu.memory_space<vmem>>, vector<1x1x16xf32>,
        %swap3A_2181 = vector.shape_cast %swap3A_2180 : vector<1x1x16xf32> to vector<16xf32>
        %swap3A_2182 = vector.shape_cast %broadcast_in_dim3A_1413 : vector<16xf32> to vector<1x1x16xf32>
        tpu.vector_store %arg16[%swap3A_2177, %swap3A_2178, %swap3A_2179], %swap3A_2182 {strides = array<i32>} : memref<2x200x64xf32, #tpu.memory_space<vmem>>, vector<1x1x16xf32>,
        %scan3A_2183 = arith.constant 3 : i32
        %scan3A_2184 = arith.addi %scan3A_2083, %scan3A_2183 : i32
        %mul3A_2185 = arith.constant 1 : i32
        %mul3A_2186 = arith.muli %scan3A_2184, %mul3A_2185 : i32
        %add3A_2187 = arith.constant 0 : i32
        %add3A_2188 = arith.addi %add3A_2187, %mul3A_2186 : i32
        %swap3A_2189 = arith.constant 1 : i32
        %swap3A_2190 = arith.index_cast %swap3A_2189 : i32 to index
        %swap3A_2191 = arith.index_cast %add3A_2188 : i32 to index
        %swap3A_2192 = arith.constant 0 : index
        %swap3A_2193 = tpu.vector_load %arg16[%swap3A_2190, %swap3A_2191, %swap3A_2192] {strides = array<i32>} : memref<2x200x64xf32, #tpu.memory_space<vmem>>, vector<1x1x16xf32>,
        %swap3A_2194 = vector.shape_cast %swap3A_2193 : vector<1x1x16xf32> to vector<16xf32>
        %swap3A_2195 = vector.shape_cast %broadcast_in_dim3A_1413 : vector<16xf32> to vector<1x1x16xf32>
        tpu.vector_store %arg16[%swap3A_2190, %swap3A_2191, %swap3A_2192], %swap3A_2195 {strides = array<i32>} : memref<2x200x64xf32, #tpu.memory_space<vmem>>, vector<1x1x16xf32>,
        %swap3A_2196 = arith.constant 1 : i32
        %swap3A_2197 = arith.index_cast %swap3A_2196 : i32 to index
        %swap3A_2198 = arith.index_cast %add3A_2188 : i32 to index
        %swap3A_2199 = arith.constant 16 : index
        %swap3A_2200 = tpu.vector_load %arg16[%swap3A_2197, %swap3A_2198, %swap3A_2199] {strides = array<i32>} : memref<2x200x64xf32, #tpu.memory_space<vmem>>, vector<1x1x16xf32>,
        %swap3A_2201 = vector.shape_cast %swap3A_2200 : vector<1x1x16xf32> to vector<16xf32>
        %swap3A_2202 = vector.shape_cast %broadcast_in_dim3A_1413 : vector<16xf32> to vector<1x1x16xf32>
        tpu.vector_store %arg16[%swap3A_2197, %swap3A_2198, %swap3A_2199], %swap3A_2202 {strides = array<i32>} : memref<2x200x64xf32, #tpu.memory_space<vmem>>, vector<1x1x16xf32>,
        %swap3A_2203 = arith.constant 1 : i32
        %swap3A_2204 = arith.index_cast %swap3A_2203 : i32 to index
        %swap3A_2205 = arith.index_cast %add3A_2188 : i32 to index
        %swap3A_2206 = arith.constant 32 : index
        %swap3A_2207 = tpu.vector_load %arg16[%swap3A_2204, %swap3A_2205, %swap3A_2206] {strides = array<i32>} : memref<2x200x64xf32, #tpu.memory_space<vmem>>, vector<1x1x16xf32>,
        %swap3A_2208 = vector.shape_cast %swap3A_2207 : vector<1x1x16xf32> to vector<16xf32>
        %swap3A_2209 = vector.shape_cast %broadcast_in_dim3A_1413 : vector<16xf32> to vector<1x1x16xf32>
        tpu.vector_store %arg16[%swap3A_2204, %swap3A_2205, %swap3A_2206], %swap3A_2209 {strides = array<i32>} : memref<2x200x64xf32, #tpu.memory_space<vmem>>, vector<1x1x16xf32>,
        %swap3A_2210 = arith.constant 1 : i32
        %swap3A_2211 = arith.index_cast %swap3A_2210 : i32 to index
        %swap3A_2212 = arith.index_cast %add3A_2188 : i32 to index
        %swap3A_2213 = arith.constant 48 : index
        %swap3A_2214 = tpu.vector_load %arg16[%swap3A_2211, %swap3A_2212, %swap3A_2213] {strides = array<i32>} : memref<2x200x64xf32, #tpu.memory_space<vmem>>, vector<1x1x16xf32>,
        %swap3A_2215 = vector.shape_cast %swap3A_2214 : vector<1x1x16xf32> to vector<16xf32>
        %swap3A_2216 = vector.shape_cast %broadcast_in_dim3A_1413 : vector<16xf32> to vector<1x1x16xf32>
        tpu.vector_store %arg16[%swap3A_2211, %swap3A_2212, %swap3A_2213], %swap3A_2216 {strides = array<i32>} : memref<2x200x64xf32, #tpu.memory_space<vmem>>, vector<1x1x16xf32>,
        %scan3A_2217 = arith.constant 4 : i32
        %scan3A_2218 = arith.addi %scan3A_2083, %scan3A_2217 : i32
        %mul3A_2219 = arith.constant 1 : i32
        %mul3A_2220 = arith.muli %scan3A_2218, %mul3A_2219 : i32
        %add3A_2221 = arith.constant 0 : i32
        %add3A_2222 = arith.addi %add3A_2221, %mul3A_2220 : i32
        %swap3A_2223 = arith.constant 1 : i32
        %swap3A_2224 = arith.index_cast %swap3A_2223 : i32 to index
        %swap3A_2225 = arith.index_cast %add3A_2222 : i32 to index
        %swap3A_2226 = arith.constant 0 : index
        %swap3A_2227 = tpu.vector_load %arg16[%swap3A_2224, %swap3A_2225, %swap3A_2226] {strides = array<i32>} : memref<2x200x64xf32, #tpu.memory_space<vmem>>, vector<1x1x16xf32>,
        %swap3A_2228 = vector.shape_cast %swap3A_2227 : vector<1x1x16xf32> to vector<16xf32>
        %swap3A_2229 = vector.shape_cast %broadcast_in_dim3A_1413 : vector<16xf32> to vector<1x1x16xf32>
        tpu.vector_store %arg16[%swap3A_2224, %swap3A_2225, %swap3A_2226], %swap3A_2229 {strides = array<i32>} : memref<2x200x64xf32, #tpu.memory_space<vmem>>, vector<1x1x16xf32>,
        %swap3A_2230 = arith.constant 1 : i32
        %swap3A_2231 = arith.index_cast %swap3A_2230 : i32 to index
        %swap3A_2232 = arith.index_cast %add3A_2222 : i32 to index
        %swap3A_2233 = arith.constant 16 : index
        %swap3A_2234 = tpu.vector_load %arg16[%swap3A_2231, %swap3A_2232, %swap3A_2233] {strides = array<i32>} : memref<2x200x64xf32, #tpu.memory_space<vmem>>, vector<1x1x16xf32>,
        %swap3A_2235 = vector.shape_cast %swap3A_2234 : vector<1x1x16xf32> to vector<16xf32>
        %swap3A_2236 = vector.shape_cast %broadcast_in_dim3A_1413 : vector<16xf32> to vector<1x1x16xf32>
        tpu.vector_store %arg16[%swap3A_2231, %swap3A_2232, %swap3A_2233], %swap3A_2236 {strides = array<i32>} : memref<2x200x64xf32, #tpu.memory_space<vmem>>, vector<1x1x16xf32>,
        %swap3A_2237 = arith.constant 1 : i32
        %swap3A_2238 = arith.index_cast %swap3A_2237 : i32 to index
        %swap3A_2239 = arith.index_cast %add3A_2222 : i32 to index
        %swap3A_2240 = arith.constant 32 : index
        %swap3A_2241 = tpu.vector_load %arg16[%swap3A_2238, %swap3A_2239, %swap3A_2240] {strides = array<i32>} : memref<2x200x64xf32, #tpu.memory_space<vmem>>, vector<1x1x16xf32>,
        %swap3A_2242 = vector.shape_cast %swap3A_2241 : vector<1x1x16xf32> to vector<16xf32>
        %swap3A_2243 = vector.shape_cast %broadcast_in_dim3A_1413 : vector<16xf32> to vector<1x1x16xf32>
        tpu.vector_store %arg16[%swap3A_2238, %swap3A_2239, %swap3A_2240], %swap3A_2243 {strides = array<i32>} : memref<2x200x64xf32, #tpu.memory_space<vmem>>, vector<1x1x16xf32>,
        %swap3A_2244 = arith.constant 1 : i32
        %swap3A_2245 = arith.index_cast %swap3A_2244 : i32 to index
        %swap3A_2246 = arith.index_cast %add3A_2222 : i32 to index
        %swap3A_2247 = arith.constant 48 : index
        %swap3A_2248 = tpu.vector_load %arg16[%swap3A_2245, %swap3A_2246, %swap3A_2247] {strides = array<i32>} : memref<2x200x64xf32, #tpu.memory_space<vmem>>, vector<1x1x16xf32>,
        %swap3A_2249 = vector.shape_cast %swap3A_2248 : vector<1x1x16xf32> to vector<16xf32>
        %swap3A_2250 = vector.shape_cast %broadcast_in_dim3A_1413 : vector<16xf32> to vector<1x1x16xf32>
        tpu.vector_store %arg16[%swap3A_2245, %swap3A_2246, %swap3A_2247], %swap3A_2250 {strides = array<i32>} : memref<2x200x64xf32, #tpu.memory_space<vmem>>, vector<1x1x16xf32>,
        %scan3A_2251 = arith.constant 5 : i32
        %scan3A_2252 = arith.addi %scan3A_2083, %scan3A_2251 : i32
        %mul3A_2253 = arith.constant 1 : i32
        %mul3A_2254 = arith.muli %scan3A_2252, %mul3A_2253 : i32
        %add3A_2255 = arith.constant 0 : i32
        %add3A_2256 = arith.addi %add3A_2255, %mul3A_2254 : i32
        %swap3A_2257 = arith.constant 1 : i32
        %swap3A_2258 = arith.index_cast %swap3A_2257 : i32 to index
        %swap3A_2259 = arith.index_cast %add3A_2256 : i32 to index
        %swap3A_2260 = arith.constant 0 : index
        %swap3A_2261 = tpu.vector_load %arg16[%swap3A_2258, %swap3A_2259, %swap3A_2260] {strides = array<i32>} : memref<2x200x64xf32, #tpu.memory_space<vmem>>, vector<1x1x16xf32>,
        %swap3A_2262 = vector.shape_cast %swap3A_2261 : vector<1x1x16xf32> to vector<16xf32>
        %swap3A_2263 = vector.shape_cast %broadcast_in_dim3A_1413 : vector<16xf32> to vector<1x1x16xf32>
        tpu.vector_store %arg16[%swap3A_2258, %swap3A_2259, %swap3A_2260], %swap3A_2263 {strides = array<i32>} : memref<2x200x64xf32, #tpu.memory_space<vmem>>, vector<1x1x16xf32>,
        %swap3A_2264 = arith.constant 1 : i32
        %swap3A_2265 = arith.index_cast %swap3A_2264 : i32 to index
        %swap3A_2266 = arith.index_cast %add3A_2256 : i32 to index
        %swap3A_2267 = arith.constant 16 : index
        %swap3A_2268 = tpu.vector_load %arg16[%swap3A_2265, %swap3A_2266, %swap3A_2267] {strides = array<i32>} : memref<2x200x64xf32, #tpu.memory_space<vmem>>, vector<1x1x16xf32>,
        %swap3A_2269 = vector.shape_cast %swap3A_2268 : vector<1x1x16xf32> to vector<16xf32>
        %swap3A_2270 = vector.shape_cast %broadcast_in_dim3A_1413 : vector<16xf32> to vector<1x1x16xf32>
        tpu.vector_store %arg16[%swap3A_2265, %swap3A_2266, %swap3A_2267], %swap3A_2270 {strides = array<i32>} : memref<2x200x64xf32, #tpu.memory_space<vmem>>, vector<1x1x16xf32>,
        %swap3A_2271 = arith.constant 1 : i32
        %swap3A_2272 = arith.index_cast %swap3A_2271 : i32 to index
        %swap3A_2273 = arith.index_cast %add3A_2256 : i32 to index
        %swap3A_2274 = arith.constant 32 : index
        %swap3A_2275 = tpu.vector_load %arg16[%swap3A_2272, %swap3A_2273, %swap3A_2274] {strides = array<i32>} : memref<2x200x64xf32, #tpu.memory_space<vmem>>, vector<1x1x16xf32>,
        %swap3A_2276 = vector.shape_cast %swap3A_2275 : vector<1x1x16xf32> to vector<16xf32>
        %swap3A_2277 = vector.shape_cast %broadcast_in_dim3A_1413 : vector<16xf32> to vector<1x1x16xf32>
        tpu.vector_store %arg16[%swap3A_2272, %swap3A_2273, %swap3A_2274], %swap3A_2277 {strides = array<i32>} : memref<2x200x64xf32, #tpu.memory_space<vmem>>, vector<1x1x16xf32>,
        %swap3A_2278 = arith.constant 1 : i32
        %swap3A_2279 = arith.index_cast %swap3A_2278 : i32 to index
        %swap3A_2280 = arith.index_cast %add3A_2256 : i32 to index
        %swap3A_2281 = arith.constant 48 : index
        %swap3A_2282 = tpu.vector_load %arg16[%swap3A_2279, %swap3A_2280, %swap3A_2281] {strides = array<i32>} : memref<2x200x64xf32, #tpu.memory_space<vmem>>, vector<1x1x16xf32>,
        %swap3A_2283 = vector.shape_cast %swap3A_2282 : vector<1x1x16xf32> to vector<16xf32>
        %swap3A_2284 = vector.shape_cast %broadcast_in_dim3A_1413 : vector<16xf32> to vector<1x1x16xf32>
        tpu.vector_store %arg16[%swap3A_2279, %swap3A_2280, %swap3A_2281], %swap3A_2284 {strides = array<i32>} : memref<2x200x64xf32, #tpu.memory_space<vmem>>, vector<1x1x16xf32>,
        %scan3A_2285 = arith.constant 6 : i32
        %scan3A_2286 = arith.addi %scan3A_2083, %scan3A_2285 : i32
        %mul3A_2287 = arith.constant 1 : i32
        %mul3A_2288 = arith.muli %scan3A_2286, %mul3A_2287 : i32
        %add3A_2289 = arith.constant 0 : i32
        %add3A_2290 = arith.addi %add3A_2289, %mul3A_2288 : i32
        %swap3A_2291 = arith.constant 1 : i32
        %swap3A_2292 = arith.index_cast %swap3A_2291 : i32 to index
        %swap3A_2293 = arith.index_cast %add3A_2290 : i32 to index
        %swap3A_2294 = arith.constant 0 : index
        %swap3A_2295 = tpu.vector_load %arg16[%swap3A_2292, %swap3A_2293, %swap3A_2294] {strides = array<i32>} : memref<2x200x64xf32, #tpu.memory_space<vmem>>, vector<1x1x16xf32>,
        %swap3A_2296 = vector.shape_cast %swap3A_2295 : vector<1x1x16xf32> to vector<16xf32>
        %swap3A_2297 = vector.shape_cast %broadcast_in_dim3A_1413 : vector<16xf32> to vector<1x1x16xf32>
        tpu.vector_store %arg16[%swap3A_2292, %swap3A_2293, %swap3A_2294], %swap3A_2297 {strides = array<i32>} : memref<2x200x64xf32, #tpu.memory_space<vmem>>, vector<1x1x16xf32>,
        %swap3A_2298 = arith.constant 1 : i32
        %swap3A_2299 = arith.index_cast %swap3A_2298 : i32 to index
        %swap3A_2300 = arith.index_cast %add3A_2290 : i32 to index
        %swap3A_2301 = arith.constant 16 : index
        %swap3A_2302 = tpu.vector_load %arg16[%swap3A_2299, %swap3A_2300, %swap3A_2301] {strides = array<i32>} : memref<2x200x64xf32, #tpu.memory_space<vmem>>, vector<1x1x16xf32>,
        %swap3A_2303 = vector.shape_cast %swap3A_2302 : vector<1x1x16xf32> to vector<16xf32>
        %swap3A_2304 = vector.shape_cast %broadcast_in_dim3A_1413 : vector<16xf32> to vector<1x1x16xf32>
        tpu.vector_store %arg16[%swap3A_2299, %swap3A_2300, %swap3A_2301], %swap3A_2304 {strides = array<i32>} : memref<2x200x64xf32, #tpu.memory_space<vmem>>, vector<1x1x16xf32>,
        %swap3A_2305 = arith.constant 1 : i32
        %swap3A_2306 = arith.index_cast %swap3A_2305 : i32 to index
        %swap3A_2307 = arith.index_cast %add3A_2290 : i32 to index
        %swap3A_2308 = arith.constant 32 : index
        %swap3A_2309 = tpu.vector_load %arg16[%swap3A_2306, %swap3A_2307, %swap3A_2308] {strides = array<i32>} : memref<2x200x64xf32, #tpu.memory_space<vmem>>, vector<1x1x16xf32>,
        %swap3A_2310 = vector.shape_cast %swap3A_2309 : vector<1x1x16xf32> to vector<16xf32>
        %swap3A_2311 = vector.shape_cast %broadcast_in_dim3A_1413 : vector<16xf32> to vector<1x1x16xf32>
        tpu.vector_store %arg16[%swap3A_2306, %swap3A_2307, %swap3A_2308], %swap3A_2311 {strides = array<i32>} : memref<2x200x64xf32, #tpu.memory_space<vmem>>, vector<1x1x16xf32>,
        %swap3A_2312 = arith.constant 1 : i32
        %swap3A_2313 = arith.index_cast %swap3A_2312 : i32 to index
        %swap3A_2314 = arith.index_cast %add3A_2290 : i32 to index
        %swap3A_2315 = arith.constant 48 : index
        %swap3A_2316 = tpu.vector_load %arg16[%swap3A_2313, %swap3A_2314, %swap3A_2315] {strides = array<i32>} : memref<2x200x64xf32, #tpu.memory_space<vmem>>, vector<1x1x16xf32>,
        %swap3A_2317 = vector.shape_cast %swap3A_2316 : vector<1x1x16xf32> to vector<16xf32>
        %swap3A_2318 = vector.shape_cast %broadcast_in_dim3A_1413 : vector<16xf32> to vector<1x1x16xf32>
        tpu.vector_store %arg16[%swap3A_2313, %swap3A_2314, %swap3A_2315], %swap3A_2318 {strides = array<i32>} : memref<2x200x64xf32, #tpu.memory_space<vmem>>, vector<1x1x16xf32>,
        %scan3A_2319 = arith.constant 7 : i32
        %scan3A_2320 = arith.addi %scan3A_2083, %scan3A_2319 : i32
        %mul3A_2321 = arith.constant 1 : i32
        %mul3A_2322 = arith.muli %scan3A_2320, %mul3A_2321 : i32
        %add3A_2323 = arith.constant 0 : i32
        %add3A_2324 = arith.addi %add3A_2323, %mul3A_2322 : i32
        %swap3A_2325 = arith.constant 1 : i32
        %swap3A_2326 = arith.index_cast %swap3A_2325 : i32 to index
        %swap3A_2327 = arith.index_cast %add3A_2324 : i32 to index
        %swap3A_2328 = arith.constant 0 : index
        %swap3A_2329 = tpu.vector_load %arg16[%swap3A_2326, %swap3A_2327, %swap3A_2328] {strides = array<i32>} : memref<2x200x64xf32, #tpu.memory_space<vmem>>, vector<1x1x16xf32>,
        %swap3A_2330 = vector.shape_cast %swap3A_2329 : vector<1x1x16xf32> to vector<16xf32>
        %swap3A_2331 = vector.shape_cast %broadcast_in_dim3A_1413 : vector<16xf32> to vector<1x1x16xf32>
        tpu.vector_store %arg16[%swap3A_2326, %swap3A_2327, %swap3A_2328], %swap3A_2331 {strides = array<i32>} : memref<2x200x64xf32, #tpu.memory_space<vmem>>, vector<1x1x16xf32>,
        %swap3A_2332 = arith.constant 1 : i32
        %swap3A_2333 = arith.index_cast %swap3A_2332 : i32 to index
        %swap3A_2334 = arith.index_cast %add3A_2324 : i32 to index
        %swap3A_2335 = arith.constant 16 : index
        %swap3A_2336 = tpu.vector_load %arg16[%swap3A_2333, %swap3A_2334, %swap3A_2335] {strides = array<i32>} : memref<2x200x64xf32, #tpu.memory_space<vmem>>, vector<1x1x16xf32>,
        %swap3A_2337 = vector.shape_cast %swap3A_2336 : vector<1x1x16xf32> to vector<16xf32>
        %swap3A_2338 = vector.shape_cast %broadcast_in_dim3A_1413 : vector<16xf32> to vector<1x1x16xf32>
        tpu.vector_store %arg16[%swap3A_2333, %swap3A_2334, %swap3A_2335], %swap3A_2338 {strides = array<i32>} : memref<2x200x64xf32, #tpu.memory_space<vmem>>, vector<1x1x16xf32>,
        %swap3A_2339 = arith.constant 1 : i32
        %swap3A_2340 = arith.index_cast %swap3A_2339 : i32 to index
        %swap3A_2341 = arith.index_cast %add3A_2324 : i32 to index
        %swap3A_2342 = arith.constant 32 : index
        %swap3A_2343 = tpu.vector_load %arg16[%swap3A_2340, %swap3A_2341, %swap3A_2342] {strides = array<i32>} : memref<2x200x64xf32, #tpu.memory_space<vmem>>, vector<1x1x16xf32>,
        %swap3A_2344 = vector.shape_cast %swap3A_2343 : vector<1x1x16xf32> to vector<16xf32>
        %swap3A_2345 = vector.shape_cast %broadcast_in_dim3A_1413 : vector<16xf32> to vector<1x1x16xf32>
        tpu.vector_store %arg16[%swap3A_2340, %swap3A_2341, %swap3A_2342], %swap3A_2345 {strides = array<i32>} : memref<2x200x64xf32, #tpu.memory_space<vmem>>, vector<1x1x16xf32>,
        %swap3A_2346 = arith.constant 1 : i32
        %swap3A_2347 = arith.index_cast %swap3A_2346 : i32 to index
        %swap3A_2348 = arith.index_cast %add3A_2324 : i32 to index
        %swap3A_2349 = arith.constant 48 : index
        %swap3A_2350 = tpu.vector_load %arg16[%swap3A_2347, %swap3A_2348, %swap3A_2349] {strides = array<i32>} : memref<2x200x64xf32, #tpu.memory_space<vmem>>, vector<1x1x16xf32>,
        %swap3A_2351 = vector.shape_cast %swap3A_2350 : vector<1x1x16xf32> to vector<16xf32>
        %swap3A_2352 = vector.shape_cast %broadcast_in_dim3A_1413 : vector<16xf32> to vector<1x1x16xf32>
        tpu.vector_store %arg16[%swap3A_2347, %swap3A_2348, %swap3A_2349], %swap3A_2352 {strides = array<i32>} : memref<2x200x64xf32, #tpu.memory_space<vmem>>, vector<1x1x16xf32>,
      }
      %scan3A_1418 = arith.constant 200 : i32
      %dma_wait3A_1419 = arith.constant 1 : i32
      %dma_wait3A_1420 = arith.constant 0 : i32
      %dma_wait3A_1421 = arith.constant 1 : i32
      %dma_wait3A_1422 = arith.constant 0 : i32
      %dma_wait3A_1423 = tpu.memref_slice %arg15[%dma_wait3A_1419, %dma_wait3A_1420, %dma_wait3A_1422] : memref<2x10x200xi32, #tpu.memory_space<vmem>> -> memref<1x1x200xi32, #tpu.memory_space<vmem>>
      %dma_wait3A_1424 = tpu.memref_squeeze %dma_wait3A_1423 : memref<1x1x200xi32, #tpu.memory_space<vmem>> -> memref<200xi32, #tpu.memory_space<vmem>>
      %dma_wait3A_1425 = tpu.memref_slice %arg2[%mul3A_2] : memref<204800xi32, #tpu.memory_space<hbm>> -> memref<200xi32, #tpu.memory_space<hbm>>
      %dma_wait3A_1426 = tpu.memref_slice %arg17[%dma_wait3A_1421] : memref<2x!tpu.dma_semaphore, #tpu.memory_space<semaphore_mem>> -> memref<1x!tpu.dma_semaphore, #tpu.memory_space<semaphore_mem>>
      %dma_wait3A_1427 = tpu.memref_squeeze %dma_wait3A_1426 : memref<1x!tpu.dma_semaphore, #tpu.memory_space<semaphore_mem>> -> memref<!tpu.dma_semaphore, #tpu.memory_space<semaphore_mem>>
      %dma_wait3A_1428 = arith.constant 0 : i32
      %dma_wait3A_1429 = tpu.memref_slice %arg15[%dma_wait3A_1419, %dma_wait3A_1420, %dma_wait3A_1428] : memref<2x10x200xi32, #tpu.memory_space<vmem>> -> memref<1x1x200xi32, #tpu.memory_space<vmem>>
      %dma_wait3A_1430 = tpu.memref_squeeze %dma_wait3A_1429 : memref<1x1x200xi32, #tpu.memory_space<vmem>> -> memref<200xi32, #tpu.memory_space<vmem>>
      %dma_wait3A_1431 = tpu.memref_slice %arg2[%mul3A_2] : memref<204800xi32, #tpu.memory_space<hbm>> -> memref<200xi32, #tpu.memory_space<hbm>>
      tpu.wait_dma2 semaphore(%dma_wait3A_1427 : memref<!tpu.dma_semaphore, #tpu.memory_space<semaphore_mem>>) src(%dma_wait3A_1431 : memref<200xi32, #tpu.memory_space<hbm>>) dst(%dma_wait3A_1430 : memref<200xi32, #tpu.memory_space<vmem>>)
      %dma_wait3A_1432 = arith.constant 1 : i32
      %dma_wait3A_1433 = arith.constant 1 : i32
      %dma_wait3A_1434 = arith.constant 1 : i32
      %dma_wait3A_1435 = arith.constant 0 : i32
      %dma_wait3A_1436 = tpu.memref_slice %arg15[%dma_wait3A_1432, %dma_wait3A_1433, %dma_wait3A_1435] : memref<2x10x200xi32, #tpu.memory_space<vmem>> -> memref<1x1x200xi32, #tpu.memory_space<vmem>>
      %dma_wait3A_1437 = tpu.memref_squeeze %dma_wait3A_1436 : memref<1x1x200xi32, #tpu.memory_space<vmem>> -> memref<200xi32, #tpu.memory_space<vmem>>
      %dma_wait3A_1438 = tpu.memref_slice %arg3[%mul3A_2] : memref<204800xi32, #tpu.memory_space<hbm>> -> memref<200xi32, #tpu.memory_space<hbm>>
      %dma_wait3A_1439 = tpu.memref_slice %arg17[%dma_wait3A_1434] : memref<2x!tpu.dma_semaphore, #tpu.memory_space<semaphore_mem>> -> memref<1x!tpu.dma_semaphore, #tpu.memory_space<semaphore_mem>>
      %dma_wait3A_1440 = tpu.memref_squeeze %dma_wait3A_1439 : memref<1x!tpu.dma_semaphore, #tpu.memory_space<semaphore_mem>> -> memref<!tpu.dma_semaphore, #tpu.memory_space<semaphore_mem>>
      %dma_wait3A_1441 = arith.constant 0 : i32
      %dma_wait3A_1442 = tpu.memref_slice %arg15[%dma_wait3A_1432, %dma_wait3A_1433, %dma_wait3A_1441] : memref<2x10x200xi32, #tpu.memory_space<vmem>> -> memref<1x1x200xi32, #tpu.memory_space<vmem>>
      %dma_wait3A_1443 = tpu.memref_squeeze %dma_wait3A_1442 : memref<1x1x200xi32, #tpu.memory_space<vmem>> -> memref<200xi32, #tpu.memory_space<vmem>>
      %dma_wait3A_1444 = tpu.memref_slice %arg3[%mul3A_2] : memref<204800xi32, #tpu.memory_space<hbm>> -> memref<200xi32, #tpu.memory_space<hbm>>
      tpu.wait_dma2 semaphore(%dma_wait3A_1440 : memref<!tpu.dma_semaphore, #tpu.memory_space<semaphore_mem>>) src(%dma_wait3A_1444 : memref<200xi32, #tpu.memory_space<hbm>>) dst(%dma_wait3A_1443 : memref<200xi32, #tpu.memory_space<vmem>>)
      %dma_wait3A_1445 = arith.constant 1 : i32
      %dma_wait3A_1446 = arith.constant 2 : i32
      %dma_wait3A_1447 = arith.constant 1 : i32
      %dma_wait3A_1448 = arith.constant 0 : i32
      %dma_wait3A_1449 = tpu.memref_slice %arg15[%dma_wait3A_1445, %dma_wait3A_1446, %dma_wait3A_1448] : memref<2x10x200xi32, #tpu.memory_space<vmem>> -> memref<1x1x200xi32, #tpu.memory_space<vmem>>
      %dma_wait3A_1450 = tpu.memref_squeeze %dma_wait3A_1449 : memref<1x1x200xi32, #tpu.memory_space<vmem>> -> memref<200xi32, #tpu.memory_space<vmem>>
      %dma_wait3A_1451 = tpu.memref_slice %arg4[%mul3A_2] : memref<204800xi32, #tpu.memory_space<hbm>> -> memref<200xi32, #tpu.memory_space<hbm>>
      %dma_wait3A_1452 = tpu.memref_slice %arg17[%dma_wait3A_1447] : memref<2x!tpu.dma_semaphore, #tpu.memory_space<semaphore_mem>> -> memref<1x!tpu.dma_semaphore, #tpu.memory_space<semaphore_mem>>
      %dma_wait3A_1453 = tpu.memref_squeeze %dma_wait3A_1452 : memref<1x!tpu.dma_semaphore, #tpu.memory_space<semaphore_mem>> -> memref<!tpu.dma_semaphore, #tpu.memory_space<semaphore_mem>>
      %dma_wait3A_1454 = arith.constant 0 : i32
      %dma_wait3A_1455 = tpu.memref_slice %arg15[%dma_wait3A_1445, %dma_wait3A_1446, %dma_wait3A_1454] : memref<2x10x200xi32, #tpu.memory_space<vmem>> -> memref<1x1x200xi32, #tpu.memory_space<vmem>>
      %dma_wait3A_1456 = tpu.memref_squeeze %dma_wait3A_1455 : memref<1x1x200xi32, #tpu.memory_space<vmem>> -> memref<200xi32, #tpu.memory_space<vmem>>
      %dma_wait3A_1457 = tpu.memref_slice %arg4[%mul3A_2] : memref<204800xi32, #tpu.memory_space<hbm>> -> memref<200xi32, #tpu.memory_space<hbm>>
      tpu.wait_dma2 semaphore(%dma_wait3A_1453 : memref<!tpu.dma_semaphore, #tpu.memory_space<semaphore_mem>>) src(%dma_wait3A_1457 : memref<200xi32, #tpu.memory_space<hbm>>) dst(%dma_wait3A_1456 : memref<200xi32, #tpu.memory_space<vmem>>)
      %dma_wait3A_1458 = arith.constant 1 : i32
      %dma_wait3A_1459 = arith.constant 3 : i32
      %dma_wait3A_1460 = arith.constant 1 : i32
      %dma_wait3A_1461 = arith.constant 0 : i32
      %dma_wait3A_1462 = tpu.memref_slice %arg15[%dma_wait3A_1458, %dma_wait3A_1459, %dma_wait3A_1461] : memref<2x10x200xi32, #tpu.memory_space<vmem>> -> memref<1x1x200xi32, #tpu.memory_space<vmem>>
      %dma_wait3A_1463 = tpu.memref_squeeze %dma_wait3A_1462 : memref<1x1x200xi32, #tpu.memory_space<vmem>> -> memref<200xi32, #tpu.memory_space<vmem>>
      %dma_wait3A_1464 = tpu.memref_slice %arg5[%mul3A_2] : memref<204800xi32, #tpu.memory_space<hbm>> -> memref<200xi32, #tpu.memory_space<hbm>>
      %dma_wait3A_1465 = tpu.memref_slice %arg17[%dma_wait3A_1460] : memref<2x!tpu.dma_semaphore, #tpu.memory_space<semaphore_mem>> -> memref<1x!tpu.dma_semaphore, #tpu.memory_space<semaphore_mem>>
      %dma_wait3A_1466 = tpu.memref_squeeze %dma_wait3A_1465 : memref<1x!tpu.dma_semaphore, #tpu.memory_space<semaphore_mem>> -> memref<!tpu.dma_semaphore, #tpu.memory_space<semaphore_mem>>
      %dma_wait3A_1467 = arith.constant 0 : i32
      %dma_wait3A_1468 = tpu.memref_slice %arg15[%dma_wait3A_1458, %dma_wait3A_1459, %dma_wait3A_1467] : memref<2x10x200xi32, #tpu.memory_space<vmem>> -> memref<1x1x200xi32, #tpu.memory_space<vmem>>
      %dma_wait3A_1469 = tpu.memref_squeeze %dma_wait3A_1468 : memref<1x1x200xi32, #tpu.memory_space<vmem>> -> memref<200xi32, #tpu.memory_space<vmem>>
      %dma_wait3A_1470 = tpu.memref_slice %arg5[%mul3A_2] : memref<204800xi32, #tpu.memory_space<hbm>> -> memref<200xi32, #tpu.memory_space<hbm>>
      tpu.wait_dma2 semaphore(%dma_wait3A_1466 : memref<!tpu.dma_semaphore, #tpu.memory_space<semaphore_mem>>) src(%dma_wait3A_1470 : memref<200xi32, #tpu.memory_space<hbm>>) dst(%dma_wait3A_1469 : memref<200xi32, #tpu.memory_space<vmem>>)
      %dma_wait3A_1471 = arith.constant 1 : i32
      %dma_wait3A_1472 = arith.constant 4 : i32
      %dma_wait3A_1473 = arith.constant 1 : i32
      %dma_wait3A_1474 = arith.constant 0 : i32
      %dma_wait3A_1475 = tpu.memref_slice %arg15[%dma_wait3A_1471, %dma_wait3A_1472, %dma_wait3A_1474] : memref<2x10x200xi32, #tpu.memory_space<vmem>> -> memref<1x1x200xi32, #tpu.memory_space<vmem>>
      %dma_wait3A_1476 = tpu.memref_squeeze %dma_wait3A_1475 : memref<1x1x200xi32, #tpu.memory_space<vmem>> -> memref<200xi32, #tpu.memory_space<vmem>>
      %dma_wait3A_1477 = tpu.memref_slice %arg6[%mul3A_2] : memref<204800xi32, #tpu.memory_space<hbm>> -> memref<200xi32, #tpu.memory_space<hbm>>
      %dma_wait3A_1478 = tpu.memref_slice %arg17[%dma_wait3A_1473] : memref<2x!tpu.dma_semaphore, #tpu.memory_space<semaphore_mem>> -> memref<1x!tpu.dma_semaphore, #tpu.memory_space<semaphore_mem>>
      %dma_wait3A_1479 = tpu.memref_squeeze %dma_wait3A_1478 : memref<1x!tpu.dma_semaphore, #tpu.memory_space<semaphore_mem>> -> memref<!tpu.dma_semaphore, #tpu.memory_space<semaphore_mem>>
      %dma_wait3A_1480 = arith.constant 0 : i32
      %dma_wait3A_1481 = tpu.memref_slice %arg15[%dma_wait3A_1471, %dma_wait3A_1472, %dma_wait3A_1480] : memref<2x10x200xi32, #tpu.memory_space<vmem>> -> memref<1x1x200xi32, #tpu.memory_space<vmem>>
      %dma_wait3A_1482 = tpu.memref_squeeze %dma_wait3A_1481 : memref<1x1x200xi32, #tpu.memory_space<vmem>> -> memref<200xi32, #tpu.memory_space<vmem>>
      %dma_wait3A_1483 = tpu.memref_slice %arg6[%mul3A_2] : memref<204800xi32, #tpu.memory_space<hbm>> -> memref<200xi32, #tpu.memory_space<hbm>>
      tpu.wait_dma2 semaphore(%dma_wait3A_1479 : memref<!tpu.dma_semaphore, #tpu.memory_space<semaphore_mem>>) src(%dma_wait3A_1483 : memref<200xi32, #tpu.memory_space<hbm>>) dst(%dma_wait3A_1482 : memref<200xi32, #tpu.memory_space<vmem>>)
      %dma_wait3A_1484 = arith.constant 1 : i32
      %dma_wait3A_1485 = arith.constant 5 : i32
      %dma_wait3A_1486 = arith.constant 1 : i32
      %dma_wait3A_1487 = arith.constant 0 : i32
      %dma_wait3A_1488 = tpu.memref_slice %arg15[%dma_wait3A_1484, %dma_wait3A_1485, %dma_wait3A_1487] : memref<2x10x200xi32, #tpu.memory_space<vmem>> -> memref<1x1x200xi32, #tpu.memory_space<vmem>>
      %dma_wait3A_1489 = tpu.memref_squeeze %dma_wait3A_1488 : memref<1x1x200xi32, #tpu.memory_space<vmem>> -> memref<200xi32, #tpu.memory_space<vmem>>
      %dma_wait3A_1490 = tpu.memref_slice %arg7[%mul3A_2] : memref<204800xi32, #tpu.memory_space<hbm>> -> memref<200xi32, #tpu.memory_space<hbm>>
      %dma_wait3A_1491 = tpu.memref_slice %arg17[%dma_wait3A_1486] : memref<2x!tpu.dma_semaphore, #tpu.memory_space<semaphore_mem>> -> memref<1x!tpu.dma_semaphore, #tpu.memory_space<semaphore_mem>>
      %dma_wait3A_1492 = tpu.memref_squeeze %dma_wait3A_1491 : memref<1x!tpu.dma_semaphore, #tpu.memory_space<semaphore_mem>> -> memref<!tpu.dma_semaphore, #tpu.memory_space<semaphore_mem>>
      %dma_wait3A_1493 = arith.constant 0 : i32
      %dma_wait3A_1494 = tpu.memref_slice %arg15[%dma_wait3A_1484, %dma_wait3A_1485, %dma_wait3A_1493] : memref<2x10x200xi32, #tpu.memory_space<vmem>> -> memref<1x1x200xi32, #tpu.memory_space<vmem>>
      %dma_wait3A_1495 = tpu.memref_squeeze %dma_wait3A_1494 : memref<1x1x200xi32, #tpu.memory_space<vmem>> -> memref<200xi32, #tpu.memory_space<vmem>>
      %dma_wait3A_1496 = tpu.memref_slice %arg7[%mul3A_2] : memref<204800xi32, #tpu.memory_space<hbm>> -> memref<200xi32, #tpu.memory_space<hbm>>
      tpu.wait_dma2 semaphore(%dma_wait3A_1492 : memref<!tpu.dma_semaphore, #tpu.memory_space<semaphore_mem>>) src(%dma_wait3A_1496 : memref<200xi32, #tpu.memory_space<hbm>>) dst(%dma_wait3A_1495 : memref<200xi32, #tpu.memory_space<vmem>>)
      %dma_wait3A_1497 = arith.constant 1 : i32
      %dma_wait3A_1498 = arith.constant 6 : i32
      %dma_wait3A_1499 = arith.constant 1 : i32
      %dma_wait3A_1500 = arith.constant 0 : i32
      %dma_wait3A_1501 = tpu.memref_slice %arg15[%dma_wait3A_1497, %dma_wait3A_1498, %dma_wait3A_1500] : memref<2x10x200xi32, #tpu.memory_space<vmem>> -> memref<1x1x200xi32, #tpu.memory_space<vmem>>
      %dma_wait3A_1502 = tpu.memref_squeeze %dma_wait3A_1501 : memref<1x1x200xi32, #tpu.memory_space<vmem>> -> memref<200xi32, #tpu.memory_space<vmem>>
      %dma_wait3A_1503 = tpu.memref_slice %arg8[%mul3A_2] : memref<204800xi32, #tpu.memory_space<hbm>> -> memref<200xi32, #tpu.memory_space<hbm>>
      %dma_wait3A_1504 = tpu.memref_slice %arg17[%dma_wait3A_1499] : memref<2x!tpu.dma_semaphore, #tpu.memory_space<semaphore_mem>> -> memref<1x!tpu.dma_semaphore, #tpu.memory_space<semaphore_mem>>
      %dma_wait3A_1505 = tpu.memref_squeeze %dma_wait3A_1504 : memref<1x!tpu.dma_semaphore, #tpu.memory_space<semaphore_mem>> -> memref<!tpu.dma_semaphore, #tpu.memory_space<semaphore_mem>>
      %dma_wait3A_1506 = arith.constant 0 : i32
      %dma_wait3A_1507 = tpu.memref_slice %arg15[%dma_wait3A_1497, %dma_wait3A_1498, %dma_wait3A_1506] : memref<2x10x200xi32, #tpu.memory_space<vmem>> -> memref<1x1x200xi32, #tpu.memory_space<vmem>>
      %dma_wait3A_1508 = tpu.memref_squeeze %dma_wait3A_1507 : memref<1x1x200xi32, #tpu.memory_space<vmem>> -> memref<200xi32, #tpu.memory_space<vmem>>
      %dma_wait3A_1509 = tpu.memref_slice %arg8[%mul3A_2] : memref<204800xi32, #tpu.memory_space<hbm>> -> memref<200xi32, #tpu.memory_space<hbm>>
      tpu.wait_dma2 semaphore(%dma_wait3A_1505 : memref<!tpu.dma_semaphore, #tpu.memory_space<semaphore_mem>>) src(%dma_wait3A_1509 : memref<200xi32, #tpu.memory_space<hbm>>) dst(%dma_wait3A_1508 : memref<200xi32, #tpu.memory_space<vmem>>)
      %dma_wait3A_1510 = arith.constant 1 : i32
      %dma_wait3A_1511 = arith.constant 7 : i32
      %dma_wait3A_1512 = arith.constant 1 : i32
      %dma_wait3A_1513 = arith.constant 0 : i32
      %dma_wait3A_1514 = tpu.memref_slice %arg15[%dma_wait3A_1510, %dma_wait3A_1511, %dma_wait3A_1513] : memref<2x10x200xi32, #tpu.memory_space<vmem>> -> memref<1x1x200xi32, #tpu.memory_space<vmem>>
      %dma_wait3A_1515 = tpu.memref_squeeze %dma_wait3A_1514 : memref<1x1x200xi32, #tpu.memory_space<vmem>> -> memref<200xi32, #tpu.memory_space<vmem>>
      %dma_wait3A_1516 = tpu.memref_slice %arg9[%mul3A_2] : memref<204800xi32, #tpu.memory_space<hbm>> -> memref<200xi32, #tpu.memory_space<hbm>>
      %dma_wait3A_1517 = tpu.memref_slice %arg17[%dma_wait3A_1512] : memref<2x!tpu.dma_semaphore, #tpu.memory_space<semaphore_mem>> -> memref<1x!tpu.dma_semaphore, #tpu.memory_space<semaphore_mem>>
      %dma_wait3A_1518 = tpu.memref_squeeze %dma_wait3A_1517 : memref<1x!tpu.dma_semaphore, #tpu.memory_space<semaphore_mem>> -> memref<!tpu.dma_semaphore, #tpu.memory_space<semaphore_mem>>
      %dma_wait3A_1519 = arith.constant 0 : i32
      %dma_wait3A_1520 = tpu.memref_slice %arg15[%dma_wait3A_1510, %dma_wait3A_1511, %dma_wait3A_1519] : memref<2x10x200xi32, #tpu.memory_space<vmem>> -> memref<1x1x200xi32, #tpu.memory_space<vmem>>
      %dma_wait3A_1521 = tpu.memref_squeeze %dma_wait3A_1520 : memref<1x1x200xi32, #tpu.memory_space<vmem>> -> memref<200xi32, #tpu.memory_space<vmem>>
      %dma_wait3A_1522 = tpu.memref_slice %arg9[%mul3A_2] : memref<204800xi32, #tpu.memory_space<hbm>> -> memref<200xi32, #tpu.memory_space<hbm>>
      tpu.wait_dma2 semaphore(%dma_wait3A_1518 : memref<!tpu.dma_semaphore, #tpu.memory_space<semaphore_mem>>) src(%dma_wait3A_1522 : memref<200xi32, #tpu.memory_space<hbm>>) dst(%dma_wait3A_1521 : memref<200xi32, #tpu.memory_space<vmem>>)
      %dma_wait3A_1523 = arith.constant 1 : i32
      %dma_wait3A_1524 = arith.constant 8 : i32
      %dma_wait3A_1525 = arith.constant 1 : i32
      %dma_wait3A_1526 = arith.constant 0 : i32
      %dma_wait3A_1527 = tpu.memref_slice %arg15[%dma_wait3A_1523, %dma_wait3A_1524, %dma_wait3A_1526] : memref<2x10x200xi32, #tpu.memory_space<vmem>> -> memref<1x1x200xi32, #tpu.memory_space<vmem>>
      %dma_wait3A_1528 = tpu.memref_squeeze %dma_wait3A_1527 : memref<1x1x200xi32, #tpu.memory_space<vmem>> -> memref<200xi32, #tpu.memory_space<vmem>>
      %dma_wait3A_1529 = tpu.memref_slice %arg10[%mul3A_2] : memref<204800xi32, #tpu.memory_space<hbm>> -> memref<200xi32, #tpu.memory_space<hbm>>
      %dma_wait3A_1530 = tpu.memref_slice %arg17[%dma_wait3A_1525] : memref<2x!tpu.dma_semaphore, #tpu.memory_space<semaphore_mem>> -> memref<1x!tpu.dma_semaphore, #tpu.memory_space<semaphore_mem>>
      %dma_wait3A_1531 = tpu.memref_squeeze %dma_wait3A_1530 : memref<1x!tpu.dma_semaphore, #tpu.memory_space<semaphore_mem>> -> memref<!tpu.dma_semaphore, #tpu.memory_space<semaphore_mem>>
      %dma_wait3A_1532 = arith.constant 0 : i32
      %dma_wait3A_1533 = tpu.memref_slice %arg15[%dma_wait3A_1523, %dma_wait3A_1524, %dma_wait3A_1532] : memref<2x10x200xi32, #tpu.memory_space<vmem>> -> memref<1x1x200xi32, #tpu.memory_space<vmem>>
      %dma_wait3A_1534 = tpu.memref_squeeze %dma_wait3A_1533 : memref<1x1x200xi32, #tpu.memory_space<vmem>> -> memref<200xi32, #tpu.memory_space<vmem>>
      %dma_wait3A_1535 = tpu.memref_slice %arg10[%mul3A_2] : memref<204800xi32, #tpu.memory_space<hbm>> -> memref<200xi32, #tpu.memory_space<hbm>>
      tpu.wait_dma2 semaphore(%dma_wait3A_1531 : memref<!tpu.dma_semaphore, #tpu.memory_space<semaphore_mem>>) src(%dma_wait3A_1535 : memref<200xi32, #tpu.memory_space<hbm>>) dst(%dma_wait3A_1534 : memref<200xi32, #tpu.memory_space<vmem>>)
      %dma_wait3A_1536 = arith.constant 1 : i32
      %dma_wait3A_1537 = arith.constant 9 : i32
      %dma_wait3A_1538 = arith.constant 1 : i32
      %dma_wait3A_1539 = arith.constant 0 : i32
      %dma_wait3A_1540 = tpu.memref_slice %arg15[%dma_wait3A_1536, %dma_wait3A_1537, %dma_wait3A_1539] : memref<2x10x200xi32, #tpu.memory_space<vmem>> -> memref<1x1x200xi32, #tpu.memory_space<vmem>>
      %dma_wait3A_1541 = tpu.memref_squeeze %dma_wait3A_1540 : memref<1x1x200xi32, #tpu.memory_space<vmem>> -> memref<200xi32, #tpu.memory_space<vmem>>
      %dma_wait3A_1542 = tpu.memref_slice %arg11[%mul3A_2] : memref<204800xi32, #tpu.memory_space<hbm>> -> memref<200xi32, #tpu.memory_space<hbm>>
      %dma_wait3A_1543 = tpu.memref_slice %arg17[%dma_wait3A_1538] : memref<2x!tpu.dma_semaphore, #tpu.memory_space<semaphore_mem>> -> memref<1x!tpu.dma_semaphore, #tpu.memory_space<semaphore_mem>>
      %dma_wait3A_1544 = tpu.memref_squeeze %dma_wait3A_1543 : memref<1x!tpu.dma_semaphore, #tpu.memory_space<semaphore_mem>> -> memref<!tpu.dma_semaphore, #tpu.memory_space<semaphore_mem>>
      %dma_wait3A_1545 = arith.constant 0 : i32
      %dma_wait3A_1546 = tpu.memref_slice %arg15[%dma_wait3A_1536, %dma_wait3A_1537, %dma_wait3A_1545] : memref<2x10x200xi32, #tpu.memory_space<vmem>> -> memref<1x1x200xi32, #tpu.memory_space<vmem>>
      %dma_wait3A_1547 = tpu.memref_squeeze %dma_wait3A_1546 : memref<1x1x200xi32, #tpu.memory_space<vmem>> -> memref<200xi32, #tpu.memory_space<vmem>>
      %dma_wait3A_1548 = tpu.memref_slice %arg11[%mul3A_2] : memref<204800xi32, #tpu.memory_space<hbm>> -> memref<200xi32, #tpu.memory_space<hbm>>
      tpu.wait_dma2 semaphore(%dma_wait3A_1544 : memref<!tpu.dma_semaphore, #tpu.memory_space<semaphore_mem>>) src(%dma_wait3A_1548 : memref<200xi32, #tpu.memory_space<hbm>>) dst(%dma_wait3A_1547 : memref<200xi32, #tpu.memory_space<vmem>>)
      %dma_start3A_1549 = arith.constant 1 : i32
      %dma_start3A_1550 = arith.constant 0 : i32
      %dma_start3A_1551 = arith.constant 1 : i32
      %dma_start3A_1552 = arith.constant 1 : i32
      %dma_start3A_1553 = arith.constant 0 : i32
      %dma_start3A_1554 = arith.constant 0 : i32
      %dma_start3A_1555 = tpu.memref_slice %arg16[%dma_start3A_1551, %dma_start3A_1553, %dma_start3A_1554] : memref<2x200x64xf32, #tpu.memory_space<vmem>> -> memref<1x128x64xf32, #tpu.memory_space<vmem>>
      %dma_start3A_1556 = tpu.memref_squeeze %dma_start3A_1555 : memref<1x128x64xf32, #tpu.memory_space<vmem>> -> memref<128x64xf32, #tpu.memory_space<vmem>>
      %dma_start3A_1557 = arith.constant 0 : i32
      %dma_start3A_1558 = tpu.memref_slice %arg15[%dma_start3A_1549, %dma_start3A_1550, %dma_start3A_1557] : memref<2x10x200xi32, #tpu.memory_space<vmem>> -> memref<1x1x128xi32, #tpu.memory_space<vmem>>
      %dma_start3A_1559 = tpu.memref_squeeze %dma_start3A_1558 : memref<1x1x128xi32, #tpu.memory_space<vmem>> -> memref<128xi32, #tpu.memory_space<vmem>>
      %dma_start3A_1560 = arith.constant 0 : i32
      %dma_start3A_1561 = arith.constant 0 : i32
      %dma_start3A_1562 = tpu.memref_slice %arg12[%dma_start3A_1560, %dma_start3A_1561] : memref<64001x64xf32, #tpu.memory_space<hbm>> -> memref<64001x64xf32, #tpu.memory_space<hbm>>
      %dma_start3A_1563 = tpu.memref_slice %arg18[%dma_start3A_1552] : memref<2x!tpu.dma_semaphore, #tpu.memory_space<semaphore_mem>> -> memref<1x!tpu.dma_semaphore, #tpu.memory_space<semaphore_mem>>
      %dma_start3A_1564 = tpu.memref_squeeze %dma_start3A_1563 : memref<1x!tpu.dma_semaphore, #tpu.memory_space<semaphore_mem>> -> memref<!tpu.dma_semaphore, #tpu.memory_space<semaphore_mem>>
      tpu.enqueue_indirect_dma source(%dma_start3A_1562 : memref<64001x64xf32, #tpu.memory_space<hbm>>) target(%dma_start3A_1556 : memref<128x64xf32, #tpu.memory_space<vmem>>) offsets(%dma_start3A_1559 : memref<128xi32, #tpu.memory_space<vmem>>) semaphore(%dma_start3A_1564 : memref<!tpu.dma_semaphore, #tpu.memory_space<semaphore_mem>>) {add = true}
      %dma_start3A_1565 = arith.constant 1 : i32
      %dma_start3A_1566 = arith.constant 1 : i32
      %dma_start3A_1567 = arith.constant 1 : i32
      %dma_start3A_1568 = arith.constant 1 : i32
      %dma_start3A_1569 = arith.constant 0 : i32
      %dma_start3A_1570 = arith.constant 0 : i32
      %dma_start3A_1571 = tpu.memref_slice %arg16[%dma_start3A_1567, %dma_start3A_1569, %dma_start3A_1570] : memref<2x200x64xf32, #tpu.memory_space<vmem>> -> memref<1x128x64xf32, #tpu.memory_space<vmem>>
      %dma_start3A_1572 = tpu.memref_squeeze %dma_start3A_1571 : memref<1x128x64xf32, #tpu.memory_space<vmem>> -> memref<128x64xf32, #tpu.memory_space<vmem>>
      %dma_start3A_1573 = arith.constant 0 : i32
      %dma_start3A_1574 = tpu.memref_slice %arg15[%dma_start3A_1565, %dma_start3A_1566, %dma_start3A_1573] : memref<2x10x200xi32, #tpu.memory_space<vmem>> -> memref<1x1x128xi32, #tpu.memory_space<vmem>>
      %dma_start3A_1575 = tpu.memref_squeeze %dma_start3A_1574 : memref<1x1x128xi32, #tpu.memory_space<vmem>> -> memref<128xi32, #tpu.memory_space<vmem>>
      %dma_start3A_1576 = arith.constant 0 : i32
      %dma_start3A_1577 = arith.constant 0 : i32
      %dma_start3A_1578 = tpu.memref_slice %arg13[%add3A, %dma_start3A_1576, %dma_start3A_1577] : memref<32x8512x64xf32, #tpu.memory_space<hbm>> -> memref<1x8512x64xf32, #tpu.memory_space<hbm>>
      %dma_start3A_1579 = tpu.memref_squeeze %dma_start3A_1578 : memref<1x8512x64xf32, #tpu.memory_space<hbm>> -> memref<8512x64xf32, #tpu.memory_space<hbm>>
      %dma_start3A_1580 = arith.constant 0 : i32
      %dma_start3A_1581 = arith.constant 0 : i32
      %dma_start3A_1582 = tpu.memref_slice %dma_start3A_1579[%dma_start3A_1580, %dma_start3A_1581] : memref<8512x64xf32, #tpu.memory_space<hbm>> -> memref<8512x64xf32, #tpu.memory_space<hbm>>
      %dma_start3A_1583 = tpu.memref_slice %arg18[%dma_start3A_1568] : memref<2x!tpu.dma_semaphore, #tpu.memory_space<semaphore_mem>> -> memref<1x!tpu.dma_semaphore, #tpu.memory_space<semaphore_mem>>
      %dma_start3A_1584 = tpu.memref_squeeze %dma_start3A_1583 : memref<1x!tpu.dma_semaphore, #tpu.memory_space<semaphore_mem>> -> memref<!tpu.dma_semaphore, #tpu.memory_space<semaphore_mem>>
      tpu.enqueue_indirect_dma source(%dma_start3A_1582 : memref<8512x64xf32, #tpu.memory_space<hbm>>) target(%dma_start3A_1572 : memref<128x64xf32, #tpu.memory_space<vmem>>) offsets(%dma_start3A_1575 : memref<128xi32, #tpu.memory_space<vmem>>) semaphore(%dma_start3A_1584 : memref<!tpu.dma_semaphore, #tpu.memory_space<semaphore_mem>>) {add = true}
      %dma_start3A_1585 = arith.constant 1 : i32
      %dma_start3A_1586 = arith.constant 2 : i32
      %dma_start3A_1587 = arith.constant 1 : i32
      %dma_start3A_1588 = arith.constant 1 : i32
      %dma_start3A_1589 = arith.constant 0 : i32
      %dma_start3A_1590 = arith.constant 0 : i32
      %dma_start3A_1591 = tpu.memref_slice %arg16[%dma_start3A_1587, %dma_start3A_1589, %dma_start3A_1590] : memref<2x200x64xf32, #tpu.memory_space<vmem>> -> memref<1x128x64xf32, #tpu.memory_space<vmem>>
      %dma_start3A_1592 = tpu.memref_squeeze %dma_start3A_1591 : memref<1x128x64xf32, #tpu.memory_space<vmem>> -> memref<128x64xf32, #tpu.memory_space<vmem>>
      %dma_start3A_1593 = arith.constant 0 : i32
      %dma_start3A_1594 = tpu.memref_slice %arg15[%dma_start3A_1585, %dma_start3A_1586, %dma_start3A_1593] : memref<2x10x200xi32, #tpu.memory_space<vmem>> -> memref<1x1x128xi32, #tpu.memory_space<vmem>>
      %dma_start3A_1595 = tpu.memref_squeeze %dma_start3A_1594 : memref<1x1x128xi32, #tpu.memory_space<vmem>> -> memref<128xi32, #tpu.memory_space<vmem>>
      %dma_start3A_1596 = arith.constant 0 : i32
      %dma_start3A_1597 = arith.constant 0 : i32
      %dma_start3A_1598 = tpu.memref_slice %arg13[%add3A, %dma_start3A_1596, %dma_start3A_1597] : memref<32x8512x64xf32, #tpu.memory_space<hbm>> -> memref<1x8512x64xf32, #tpu.memory_space<hbm>>
      %dma_start3A_1599 = tpu.memref_squeeze %dma_start3A_1598 : memref<1x8512x64xf32, #tpu.memory_space<hbm>> -> memref<8512x64xf32, #tpu.memory_space<hbm>>
      %dma_start3A_1600 = arith.constant 0 : i32
      %dma_start3A_1601 = arith.constant 0 : i32
      %dma_start3A_1602 = tpu.memref_slice %dma_start3A_1599[%dma_start3A_1600, %dma_start3A_1601] : memref<8512x64xf32, #tpu.memory_space<hbm>> -> memref<8512x64xf32, #tpu.memory_space<hbm>>
      %dma_start3A_1603 = tpu.memref_slice %arg18[%dma_start3A_1588] : memref<2x!tpu.dma_semaphore, #tpu.memory_space<semaphore_mem>> -> memref<1x!tpu.dma_semaphore, #tpu.memory_space<semaphore_mem>>
      %dma_start3A_1604 = tpu.memref_squeeze %dma_start3A_1603 : memref<1x!tpu.dma_semaphore, #tpu.memory_space<semaphore_mem>> -> memref<!tpu.dma_semaphore, #tpu.memory_space<semaphore_mem>>
      tpu.enqueue_indirect_dma source(%dma_start3A_1602 : memref<8512x64xf32, #tpu.memory_space<hbm>>) target(%dma_start3A_1592 : memref<128x64xf32, #tpu.memory_space<vmem>>) offsets(%dma_start3A_1595 : memref<128xi32, #tpu.memory_space<vmem>>) semaphore(%dma_start3A_1604 : memref<!tpu.dma_semaphore, #tpu.memory_space<semaphore_mem>>) {add = true}
      %dma_start3A_1605 = arith.constant 1 : i32
      %dma_start3A_1606 = arith.constant 3 : i32
      %dma_start3A_1607 = arith.constant 1 : i32
      %dma_start3A_1608 = arith.constant 1 : i32
      %dma_start3A_1609 = arith.constant 0 : i32
      %dma_start3A_1610 = arith.constant 0 : i32
      %dma_start3A_1611 = tpu.memref_slice %arg16[%dma_start3A_1607, %dma_start3A_1609, %dma_start3A_1610] : memref<2x200x64xf32, #tpu.memory_space<vmem>> -> memref<1x128x64xf32, #tpu.memory_space<vmem>>
      %dma_start3A_1612 = tpu.memref_squeeze %dma_start3A_1611 : memref<1x128x64xf32, #tpu.memory_space<vmem>> -> memref<128x64xf32, #tpu.memory_space<vmem>>
      %dma_start3A_1613 = arith.constant 0 : i32
      %dma_start3A_1614 = tpu.memref_slice %arg15[%dma_start3A_1605, %dma_start3A_1606, %dma_start3A_1613] : memref<2x10x200xi32, #tpu.memory_space<vmem>> -> memref<1x1x128xi32, #tpu.memory_space<vmem>>
      %dma_start3A_1615 = tpu.memref_squeeze %dma_start3A_1614 : memref<1x1x128xi32, #tpu.memory_space<vmem>> -> memref<128xi32, #tpu.memory_space<vmem>>
      %dma_start3A_1616 = arith.constant 0 : i32
      %dma_start3A_1617 = arith.constant 0 : i32
      %dma_start3A_1618 = tpu.memref_slice %arg13[%add3A, %dma_start3A_1616, %dma_start3A_1617] : memref<32x8512x64xf32, #tpu.memory_space<hbm>> -> memref<1x8512x64xf32, #tpu.memory_space<hbm>>
      %dma_start3A_1619 = tpu.memref_squeeze %dma_start3A_1618 : memref<1x8512x64xf32, #tpu.memory_space<hbm>> -> memref<8512x64xf32, #tpu.memory_space<hbm>>
      %dma_start3A_1620 = arith.constant 0 : i32
      %dma_start3A_1621 = arith.constant 0 : i32
      %dma_start3A_1622 = tpu.memref_slice %dma_start3A_1619[%dma_start3A_1620, %dma_start3A_1621] : memref<8512x64xf32, #tpu.memory_space<hbm>> -> memref<8512x64xf32, #tpu.memory_space<hbm>>
      %dma_start3A_1623 = tpu.memref_slice %arg18[%dma_start3A_1608] : memref<2x!tpu.dma_semaphore, #tpu.memory_space<semaphore_mem>> -> memref<1x!tpu.dma_semaphore, #tpu.memory_space<semaphore_mem>>
      %dma_start3A_1624 = tpu.memref_squeeze %dma_start3A_1623 : memref<1x!tpu.dma_semaphore, #tpu.memory_space<semaphore_mem>> -> memref<!tpu.dma_semaphore, #tpu.memory_space<semaphore_mem>>
      tpu.enqueue_indirect_dma source(%dma_start3A_1622 : memref<8512x64xf32, #tpu.memory_space<hbm>>) target(%dma_start3A_1612 : memref<128x64xf32, #tpu.memory_space<vmem>>) offsets(%dma_start3A_1615 : memref<128xi32, #tpu.memory_space<vmem>>) semaphore(%dma_start3A_1624 : memref<!tpu.dma_semaphore, #tpu.memory_space<semaphore_mem>>) {add = true}
      %dma_start3A_1625 = arith.constant 1 : i32
      %dma_start3A_1626 = arith.constant 4 : i32
      %dma_start3A_1627 = arith.constant 1 : i32
      %dma_start3A_1628 = arith.constant 1 : i32
      %dma_start3A_1629 = arith.constant 0 : i32
      %dma_start3A_1630 = arith.constant 0 : i32
      %dma_start3A_1631 = tpu.memref_slice %arg16[%dma_start3A_1627, %dma_start3A_1629, %dma_start3A_1630] : memref<2x200x64xf32, #tpu.memory_space<vmem>> -> memref<1x128x64xf32, #tpu.memory_space<vmem>>
      %dma_start3A_1632 = tpu.memref_squeeze %dma_start3A_1631 : memref<1x128x64xf32, #tpu.memory_space<vmem>> -> memref<128x64xf32, #tpu.memory_space<vmem>>
      %dma_start3A_1633 = arith.constant 0 : i32
      %dma_start3A_1634 = tpu.memref_slice %arg15[%dma_start3A_1625, %dma_start3A_1626, %dma_start3A_1633] : memref<2x10x200xi32, #tpu.memory_space<vmem>> -> memref<1x1x128xi32, #tpu.memory_space<vmem>>
      %dma_start3A_1635 = tpu.memref_squeeze %dma_start3A_1634 : memref<1x1x128xi32, #tpu.memory_space<vmem>> -> memref<128xi32, #tpu.memory_space<vmem>>
      %dma_start3A_1636 = arith.constant 0 : i32
      %dma_start3A_1637 = arith.constant 0 : i32
      %dma_start3A_1638 = tpu.memref_slice %arg13[%add3A, %dma_start3A_1636, %dma_start3A_1637] : memref<32x8512x64xf32, #tpu.memory_space<hbm>> -> memref<1x8512x64xf32, #tpu.memory_space<hbm>>
      %dma_start3A_1639 = tpu.memref_squeeze %dma_start3A_1638 : memref<1x8512x64xf32, #tpu.memory_space<hbm>> -> memref<8512x64xf32, #tpu.memory_space<hbm>>
      %dma_start3A_1640 = arith.constant 0 : i32
      %dma_start3A_1641 = arith.constant 0 : i32
      %dma_start3A_1642 = tpu.memref_slice %dma_start3A_1639[%dma_start3A_1640, %dma_start3A_1641] : memref<8512x64xf32, #tpu.memory_space<hbm>> -> memref<8512x64xf32, #tpu.memory_space<hbm>>
      %dma_start3A_1643 = tpu.memref_slice %arg18[%dma_start3A_1628] : memref<2x!tpu.dma_semaphore, #tpu.memory_space<semaphore_mem>> -> memref<1x!tpu.dma_semaphore, #tpu.memory_space<semaphore_mem>>
      %dma_start3A_1644 = tpu.memref_squeeze %dma_start3A_1643 : memref<1x!tpu.dma_semaphore, #tpu.memory_space<semaphore_mem>> -> memref<!tpu.dma_semaphore, #tpu.memory_space<semaphore_mem>>
      tpu.enqueue_indirect_dma source(%dma_start3A_1642 : memref<8512x64xf32, #tpu.memory_space<hbm>>) target(%dma_start3A_1632 : memref<128x64xf32, #tpu.memory_space<vmem>>) offsets(%dma_start3A_1635 : memref<128xi32, #tpu.memory_space<vmem>>) semaphore(%dma_start3A_1644 : memref<!tpu.dma_semaphore, #tpu.memory_space<semaphore_mem>>) {add = true}
      %dma_start3A_1645 = arith.constant 1 : i32
      %dma_start3A_1646 = arith.constant 5 : i32
      %dma_start3A_1647 = arith.constant 1 : i32
      %dma_start3A_1648 = arith.constant 1 : i32
      %dma_start3A_1649 = arith.constant 0 : i32
      %dma_start3A_1650 = arith.constant 0 : i32
      %dma_start3A_1651 = tpu.memref_slice %arg16[%dma_start3A_1647, %dma_start3A_1649, %dma_start3A_1650] : memref<2x200x64xf32, #tpu.memory_space<vmem>> -> memref<1x128x64xf32, #tpu.memory_space<vmem>>
      %dma_start3A_1652 = tpu.memref_squeeze %dma_start3A_1651 : memref<1x128x64xf32, #tpu.memory_space<vmem>> -> memref<128x64xf32, #tpu.memory_space<vmem>>
      %dma_start3A_1653 = arith.constant 0 : i32
      %dma_start3A_1654 = tpu.memref_slice %arg15[%dma_start3A_1645, %dma_start3A_1646, %dma_start3A_1653] : memref<2x10x200xi32, #tpu.memory_space<vmem>> -> memref<1x1x128xi32, #tpu.memory_space<vmem>>
      %dma_start3A_1655 = tpu.memref_squeeze %dma_start3A_1654 : memref<1x1x128xi32, #tpu.memory_space<vmem>> -> memref<128xi32, #tpu.memory_space<vmem>>
      %dma_start3A_1656 = arith.constant 0 : i32
      %dma_start3A_1657 = arith.constant 0 : i32
      %dma_start3A_1658 = tpu.memref_slice %arg13[%add3A, %dma_start3A_1656, %dma_start3A_1657] : memref<32x8512x64xf32, #tpu.memory_space<hbm>> -> memref<1x8512x64xf32, #tpu.memory_space<hbm>>
      %dma_start3A_1659 = tpu.memref_squeeze %dma_start3A_1658 : memref<1x8512x64xf32, #tpu.memory_space<hbm>> -> memref<8512x64xf32, #tpu.memory_space<hbm>>
      %dma_start3A_1660 = arith.constant 0 : i32
      %dma_start3A_1661 = arith.constant 0 : i32
      %dma_start3A_1662 = tpu.memref_slice %dma_start3A_1659[%dma_start3A_1660, %dma_start3A_1661] : memref<8512x64xf32, #tpu.memory_space<hbm>> -> memref<8512x64xf32, #tpu.memory_space<hbm>>
      %dma_start3A_1663 = tpu.memref_slice %arg18[%dma_start3A_1648] : memref<2x!tpu.dma_semaphore, #tpu.memory_space<semaphore_mem>> -> memref<1x!tpu.dma_semaphore, #tpu.memory_space<semaphore_mem>>
      %dma_start3A_1664 = tpu.memref_squeeze %dma_start3A_1663 : memref<1x!tpu.dma_semaphore, #tpu.memory_space<semaphore_mem>> -> memref<!tpu.dma_semaphore, #tpu.memory_space<semaphore_mem>>
      tpu.enqueue_indirect_dma source(%dma_start3A_1662 : memref<8512x64xf32, #tpu.memory_space<hbm>>) target(%dma_start3A_1652 : memref<128x64xf32, #tpu.memory_space<vmem>>) offsets(%dma_start3A_1655 : memref<128xi32, #tpu.memory_space<vmem>>) semaphore(%dma_start3A_1664 : memref<!tpu.dma_semaphore, #tpu.memory_space<semaphore_mem>>) {add = true}
      %dma_start3A_1665 = arith.constant 1 : i32
      %dma_start3A_1666 = arith.constant 6 : i32
      %dma_start3A_1667 = arith.constant 1 : i32
      %dma_start3A_1668 = arith.constant 1 : i32
      %dma_start3A_1669 = arith.constant 0 : i32
      %dma_start3A_1670 = arith.constant 0 : i32
      %dma_start3A_1671 = tpu.memref_slice %arg16[%dma_start3A_1667, %dma_start3A_1669, %dma_start3A_1670] : memref<2x200x64xf32, #tpu.memory_space<vmem>> -> memref<1x128x64xf32, #tpu.memory_space<vmem>>
      %dma_start3A_1672 = tpu.memref_squeeze %dma_start3A_1671 : memref<1x128x64xf32, #tpu.memory_space<vmem>> -> memref<128x64xf32, #tpu.memory_space<vmem>>
      %dma_start3A_1673 = arith.constant 0 : i32
      %dma_start3A_1674 = tpu.memref_slice %arg15[%dma_start3A_1665, %dma_start3A_1666, %dma_start3A_1673] : memref<2x10x200xi32, #tpu.memory_space<vmem>> -> memref<1x1x128xi32, #tpu.memory_space<vmem>>
      %dma_start3A_1675 = tpu.memref_squeeze %dma_start3A_1674 : memref<1x1x128xi32, #tpu.memory_space<vmem>> -> memref<128xi32, #tpu.memory_space<vmem>>
      %dma_start3A_1676 = arith.constant 0 : i32
      %dma_start3A_1677 = arith.constant 0 : i32
      %dma_start3A_1678 = tpu.memref_slice %arg13[%add3A, %dma_start3A_1676, %dma_start3A_1677] : memref<32x8512x64xf32, #tpu.memory_space<hbm>> -> memref<1x8512x64xf32, #tpu.memory_space<hbm>>
      %dma_start3A_1679 = tpu.memref_squeeze %dma_start3A_1678 : memref<1x8512x64xf32, #tpu.memory_space<hbm>> -> memref<8512x64xf32, #tpu.memory_space<hbm>>
      %dma_start3A_1680 = arith.constant 0 : i32
      %dma_start3A_1681 = arith.constant 0 : i32
      %dma_start3A_1682 = tpu.memref_slice %dma_start3A_1679[%dma_start3A_1680, %dma_start3A_1681] : memref<8512x64xf32, #tpu.memory_space<hbm>> -> memref<8512x64xf32, #tpu.memory_space<hbm>>
      %dma_start3A_1683 = tpu.memref_slice %arg18[%dma_start3A_1668] : memref<2x!tpu.dma_semaphore, #tpu.memory_space<semaphore_mem>> -> memref<1x!tpu.dma_semaphore, #tpu.memory_space<semaphore_mem>>
      %dma_start3A_1684 = tpu.memref_squeeze %dma_start3A_1683 : memref<1x!tpu.dma_semaphore, #tpu.memory_space<semaphore_mem>> -> memref<!tpu.dma_semaphore, #tpu.memory_space<semaphore_mem>>
      tpu.enqueue_indirect_dma source(%dma_start3A_1682 : memref<8512x64xf32, #tpu.memory_space<hbm>>) target(%dma_start3A_1672 : memref<128x64xf32, #tpu.memory_space<vmem>>) offsets(%dma_start3A_1675 : memref<128xi32, #tpu.memory_space<vmem>>) semaphore(%dma_start3A_1684 : memref<!tpu.dma_semaphore, #tpu.memory_space<semaphore_mem>>) {add = true}
      %dma_start3A_1685 = arith.constant 1 : i32
      %dma_start3A_1686 = arith.constant 7 : i32
      %dma_start3A_1687 = arith.constant 1 : i32
      %dma_start3A_1688 = arith.constant 1 : i32
      %dma_start3A_1689 = arith.constant 0 : i32
      %dma_start3A_1690 = arith.constant 0 : i32
      %dma_start3A_1691 = tpu.memref_slice %arg16[%dma_start3A_1687, %dma_start3A_1689, %dma_start3A_1690] : memref<2x200x64xf32, #tpu.memory_space<vmem>> -> memref<1x128x64xf32, #tpu.memory_space<vmem>>
      %dma_start3A_1692 = tpu.memref_squeeze %dma_start3A_1691 : memref<1x128x64xf32, #tpu.memory_space<vmem>> -> memref<128x64xf32, #tpu.memory_space<vmem>>
      %dma_start3A_1693 = arith.constant 0 : i32
      %dma_start3A_1694 = tpu.memref_slice %arg15[%dma_start3A_1685, %dma_start3A_1686, %dma_start3A_1693] : memref<2x10x200xi32, #tpu.memory_space<vmem>> -> memref<1x1x128xi32, #tpu.memory_space<vmem>>
      %dma_start3A_1695 = tpu.memref_squeeze %dma_start3A_1694 : memref<1x1x128xi32, #tpu.memory_space<vmem>> -> memref<128xi32, #tpu.memory_space<vmem>>
      %dma_start3A_1696 = arith.constant 0 : i32
      %dma_start3A_1697 = arith.constant 0 : i32
      %dma_start3A_1698 = tpu.memref_slice %arg13[%add3A, %dma_start3A_1696, %dma_start3A_1697] : memref<32x8512x64xf32, #tpu.memory_space<hbm>> -> memref<1x8512x64xf32, #tpu.memory_space<hbm>>
      %dma_start3A_1699 = tpu.memref_squeeze %dma_start3A_1698 : memref<1x8512x64xf32, #tpu.memory_space<hbm>> -> memref<8512x64xf32, #tpu.memory_space<hbm>>
      %dma_start3A_1700 = arith.constant 0 : i32
      %dma_start3A_1701 = arith.constant 0 : i32
      %dma_start3A_1702 = tpu.memref_slice %dma_start3A_1699[%dma_start3A_1700, %dma_start3A_1701] : memref<8512x64xf32, #tpu.memory_space<hbm>> -> memref<8512x64xf32, #tpu.memory_space<hbm>>
      %dma_start3A_1703 = tpu.memref_slice %arg18[%dma_start3A_1688] : memref<2x!tpu.dma_semaphore, #tpu.memory_space<semaphore_mem>> -> memref<1x!tpu.dma_semaphore, #tpu.memory_space<semaphore_mem>>
      %dma_start3A_1704 = tpu.memref_squeeze %dma_start3A_1703 : memref<1x!tpu.dma_semaphore, #tpu.memory_space<semaphore_mem>> -> memref<!tpu.dma_semaphore, #tpu.memory_space<semaphore_mem>>
      tpu.enqueue_indirect_dma source(%dma_start3A_1702 : memref<8512x64xf32, #tpu.memory_space<hbm>>) target(%dma_start3A_1692 : memref<128x64xf32, #tpu.memory_space<vmem>>) offsets(%dma_start3A_1695 : memref<128xi32, #tpu.memory_space<vmem>>) semaphore(%dma_start3A_1704 : memref<!tpu.dma_semaphore, #tpu.memory_space<semaphore_mem>>) {add = true}
      %dma_start3A_1705 = arith.constant 1 : i32
      %dma_start3A_1706 = arith.constant 8 : i32
      %dma_start3A_1707 = arith.constant 1 : i32
      %dma_start3A_1708 = arith.constant 1 : i32
      %dma_start3A_1709 = arith.constant 0 : i32
      %dma_start3A_1710 = arith.constant 0 : i32
      %dma_start3A_1711 = tpu.memref_slice %arg16[%dma_start3A_1707, %dma_start3A_1709, %dma_start3A_1710] : memref<2x200x64xf32, #tpu.memory_space<vmem>> -> memref<1x128x64xf32, #tpu.memory_space<vmem>>
      %dma_start3A_1712 = tpu.memref_squeeze %dma_start3A_1711 : memref<1x128x64xf32, #tpu.memory_space<vmem>> -> memref<128x64xf32, #tpu.memory_space<vmem>>
      %dma_start3A_1713 = arith.constant 0 : i32
      %dma_start3A_1714 = tpu.memref_slice %arg15[%dma_start3A_1705, %dma_start3A_1706, %dma_start3A_1713] : memref<2x10x200xi32, #tpu.memory_space<vmem>> -> memref<1x1x128xi32, #tpu.memory_space<vmem>>
      %dma_start3A_1715 = tpu.memref_squeeze %dma_start3A_1714 : memref<1x1x128xi32, #tpu.memory_space<vmem>> -> memref<128xi32, #tpu.memory_space<vmem>>
      %dma_start3A_1716 = arith.constant 0 : i32
      %dma_start3A_1717 = arith.constant 0 : i32
      %dma_start3A_1718 = tpu.memref_slice %arg13[%add3A, %dma_start3A_1716, %dma_start3A_1717] : memref<32x8512x64xf32, #tpu.memory_space<hbm>> -> memref<1x8512x64xf32, #tpu.memory_space<hbm>>
      %dma_start3A_1719 = tpu.memref_squeeze %dma_start3A_1718 : memref<1x8512x64xf32, #tpu.memory_space<hbm>> -> memref<8512x64xf32, #tpu.memory_space<hbm>>
      %dma_start3A_1720 = arith.constant 0 : i32
      %dma_start3A_1721 = arith.constant 0 : i32
      %dma_start3A_1722 = tpu.memref_slice %dma_start3A_1719[%dma_start3A_1720, %dma_start3A_1721] : memref<8512x64xf32, #tpu.memory_space<hbm>> -> memref<8512x64xf32, #tpu.memory_space<hbm>>
      %dma_start3A_1723 = tpu.memref_slice %arg18[%dma_start3A_1708] : memref<2x!tpu.dma_semaphore, #tpu.memory_space<semaphore_mem>> -> memref<1x!tpu.dma_semaphore, #tpu.memory_space<semaphore_mem>>
      %dma_start3A_1724 = tpu.memref_squeeze %dma_start3A_1723 : memref<1x!tpu.dma_semaphore, #tpu.memory_space<semaphore_mem>> -> memref<!tpu.dma_semaphore, #tpu.memory_space<semaphore_mem>>
      tpu.enqueue_indirect_dma source(%dma_start3A_1722 : memref<8512x64xf32, #tpu.memory_space<hbm>>) target(%dma_start3A_1712 : memref<128x64xf32, #tpu.memory_space<vmem>>) offsets(%dma_start3A_1715 : memref<128xi32, #tpu.memory_space<vmem>>) semaphore(%dma_start3A_1724 : memref<!tpu.dma_semaphore, #tpu.memory_space<semaphore_mem>>) {add = true}
      %dma_start3A_1725 = arith.constant 1 : i32
      %dma_start3A_1726 = arith.constant 9 : i32
      %dma_start3A_1727 = arith.constant 1 : i32
      %dma_start3A_1728 = arith.constant 1 : i32
      %dma_start3A_1729 = arith.constant 0 : i32
      %dma_start3A_1730 = arith.constant 0 : i32
      %dma_start3A_1731 = tpu.memref_slice %arg16[%dma_start3A_1727, %dma_start3A_1729, %dma_start3A_1730] : memref<2x200x64xf32, #tpu.memory_space<vmem>> -> memref<1x128x64xf32, #tpu.memory_space<vmem>>
      %dma_start3A_1732 = tpu.memref_squeeze %dma_start3A_1731 : memref<1x128x64xf32, #tpu.memory_space<vmem>> -> memref<128x64xf32, #tpu.memory_space<vmem>>
      %dma_start3A_1733 = arith.constant 0 : i32
      %dma_start3A_1734 = tpu.memref_slice %arg15[%dma_start3A_1725, %dma_start3A_1726, %dma_start3A_1733] : memref<2x10x200xi32, #tpu.memory_space<vmem>> -> memref<1x1x128xi32, #tpu.memory_space<vmem>>
      %dma_start3A_1735 = tpu.memref_squeeze %dma_start3A_1734 : memref<1x1x128xi32, #tpu.memory_space<vmem>> -> memref<128xi32, #tpu.memory_space<vmem>>
      %dma_start3A_1736 = arith.constant 0 : i32
      %dma_start3A_1737 = arith.constant 0 : i32
      %dma_start3A_1738 = tpu.memref_slice %arg13[%add3A, %dma_start3A_1736, %dma_start3A_1737] : memref<32x8512x64xf32, #tpu.memory_space<hbm>> -> memref<1x8512x64xf32, #tpu.memory_space<hbm>>
      %dma_start3A_1739 = tpu.memref_squeeze %dma_start3A_1738 : memref<1x8512x64xf32, #tpu.memory_space<hbm>> -> memref<8512x64xf32, #tpu.memory_space<hbm>>
      %dma_start3A_1740 = arith.constant 0 : i32
      %dma_start3A_1741 = arith.constant 0 : i32
      %dma_start3A_1742 = tpu.memref_slice %dma_start3A_1739[%dma_start3A_1740, %dma_start3A_1741] : memref<8512x64xf32, #tpu.memory_space<hbm>> -> memref<8512x64xf32, #tpu.memory_space<hbm>>
      %dma_start3A_1743 = tpu.memref_slice %arg18[%dma_start3A_1728] : memref<2x!tpu.dma_semaphore, #tpu.memory_space<semaphore_mem>> -> memref<1x!tpu.dma_semaphore, #tpu.memory_space<semaphore_mem>>
      %dma_start3A_1744 = tpu.memref_squeeze %dma_start3A_1743 : memref<1x!tpu.dma_semaphore, #tpu.memory_space<semaphore_mem>> -> memref<!tpu.dma_semaphore, #tpu.memory_space<semaphore_mem>>
      tpu.enqueue_indirect_dma source(%dma_start3A_1742 : memref<8512x64xf32, #tpu.memory_space<hbm>>) target(%dma_start3A_1732 : memref<128x64xf32, #tpu.memory_space<vmem>>) offsets(%dma_start3A_1735 : memref<128xi32, #tpu.memory_space<vmem>>) semaphore(%dma_start3A_1744 : memref<!tpu.dma_semaphore, #tpu.memory_space<semaphore_mem>>) {add = true}
      %dma_start3A_1745 = arith.constant 1 : i32
      %dma_start3A_1746 = arith.constant 0 : i32
      %dma_start3A_1747 = arith.constant 1 : i32
      %dma_start3A_1748 = arith.constant 1 : i32
      %dma_start3A_1749 = arith.constant 128 : i32
      %dma_start3A_1750 = arith.constant 0 : i32
      %dma_start3A_1751 = tpu.memref_slice %arg16[%dma_start3A_1747, %dma_start3A_1749, %dma_start3A_1750] : memref<2x200x64xf32, #tpu.memory_space<vmem>> -> memref<1x72x64xf32, #tpu.memory_space<vmem>>
      %dma_start3A_1752 = tpu.memref_squeeze %dma_start3A_1751 : memref<1x72x64xf32, #tpu.memory_space<vmem>> -> memref<72x64xf32, #tpu.memory_space<vmem>>
      %dma_start3A_1753 = arith.constant 128 : i32
      %dma_start3A_1754 = tpu.memref_slice %arg15[%dma_start3A_1745, %dma_start3A_1746, %dma_start3A_1753] : memref<2x10x200xi32, #tpu.memory_space<vmem>> -> memref<1x1x72xi32, #tpu.memory_space<vmem>>
      %dma_start3A_1755 = tpu.memref_squeeze %dma_start3A_1754 : memref<1x1x72xi32, #tpu.memory_space<vmem>> -> memref<72xi32, #tpu.memory_space<vmem>>
      %dma_start3A_1756 = arith.constant 0 : i32
      %dma_start3A_1757 = arith.constant 0 : i32
      %dma_start3A_1758 = tpu.memref_slice %arg12[%dma_start3A_1756, %dma_start3A_1757] : memref<64001x64xf32, #tpu.memory_space<hbm>> -> memref<64001x64xf32, #tpu.memory_space<hbm>>
      %dma_start3A_1759 = tpu.memref_slice %arg18[%dma_start3A_1748] : memref<2x!tpu.dma_semaphore, #tpu.memory_space<semaphore_mem>> -> memref<1x!tpu.dma_semaphore, #tpu.memory_space<semaphore_mem>>
      %dma_start3A_1760 = tpu.memref_squeeze %dma_start3A_1759 : memref<1x!tpu.dma_semaphore, #tpu.memory_space<semaphore_mem>> -> memref<!tpu.dma_semaphore, #tpu.memory_space<semaphore_mem>>
      tpu.enqueue_indirect_dma source(%dma_start3A_1758 : memref<64001x64xf32, #tpu.memory_space<hbm>>) target(%dma_start3A_1752 : memref<72x64xf32, #tpu.memory_space<vmem>>) offsets(%dma_start3A_1755 : memref<72xi32, #tpu.memory_space<vmem>>) semaphore(%dma_start3A_1760 : memref<!tpu.dma_semaphore, #tpu.memory_space<semaphore_mem>>) {add = true}
      %dma_start3A_1761 = arith.constant 1 : i32
      %dma_start3A_1762 = arith.constant 1 : i32
      %dma_start3A_1763 = arith.constant 1 : i32
      %dma_start3A_1764 = arith.constant 1 : i32
      %dma_start3A_1765 = arith.constant 128 : i32
      %dma_start3A_1766 = arith.constant 0 : i32
      %dma_start3A_1767 = tpu.memref_slice %arg16[%dma_start3A_1763, %dma_start3A_1765, %dma_start3A_1766] : memref<2x200x64xf32, #tpu.memory_space<vmem>> -> memref<1x72x64xf32, #tpu.memory_space<vmem>>
      %dma_start3A_1768 = tpu.memref_squeeze %dma_start3A_1767 : memref<1x72x64xf32, #tpu.memory_space<vmem>> -> memref<72x64xf32, #tpu.memory_space<vmem>>
      %dma_start3A_1769 = arith.constant 128 : i32
      %dma_start3A_1770 = tpu.memref_slice %arg15[%dma_start3A_1761, %dma_start3A_1762, %dma_start3A_1769] : memref<2x10x200xi32, #tpu.memory_space<vmem>> -> memref<1x1x72xi32, #tpu.memory_space<vmem>>
      %dma_start3A_1771 = tpu.memref_squeeze %dma_start3A_1770 : memref<1x1x72xi32, #tpu.memory_space<vmem>> -> memref<72xi32, #tpu.memory_space<vmem>>
      %dma_start3A_1772 = arith.constant 0 : i32
      %dma_start3A_1773 = arith.constant 0 : i32
      %dma_start3A_1774 = tpu.memref_slice %arg13[%add3A, %dma_start3A_1772, %dma_start3A_1773] : memref<32x8512x64xf32, #tpu.memory_space<hbm>> -> memref<1x8512x64xf32, #tpu.memory_space<hbm>>
      %dma_start3A_1775 = tpu.memref_squeeze %dma_start3A_1774 : memref<1x8512x64xf32, #tpu.memory_space<hbm>> -> memref<8512x64xf32, #tpu.memory_space<hbm>>
      %dma_start3A_1776 = arith.constant 0 : i32
      %dma_start3A_1777 = arith.constant 0 : i32
      %dma_start3A_1778 = tpu.memref_slice %dma_start3A_1775[%dma_start3A_1776, %dma_start3A_1777] : memref<8512x64xf32, #tpu.memory_space<hbm>> -> memref<8512x64xf32, #tpu.memory_space<hbm>>
      %dma_start3A_1779 = tpu.memref_slice %arg18[%dma_start3A_1764] : memref<2x!tpu.dma_semaphore, #tpu.memory_space<semaphore_mem>> -> memref<1x!tpu.dma_semaphore, #tpu.memory_space<semaphore_mem>>
      %dma_start3A_1780 = tpu.memref_squeeze %dma_start3A_1779 : memref<1x!tpu.dma_semaphore, #tpu.memory_space<semaphore_mem>> -> memref<!tpu.dma_semaphore, #tpu.memory_space<semaphore_mem>>
      tpu.enqueue_indirect_dma source(%dma_start3A_1778 : memref<8512x64xf32, #tpu.memory_space<hbm>>) target(%dma_start3A_1768 : memref<72x64xf32, #tpu.memory_space<vmem>>) offsets(%dma_start3A_1771 : memref<72xi32, #tpu.memory_space<vmem>>) semaphore(%dma_start3A_1780 : memref<!tpu.dma_semaphore, #tpu.memory_space<semaphore_mem>>) {add = true}
      %dma_start3A_1781 = arith.constant 1 : i32
      %dma_start3A_1782 = arith.constant 2 : i32
      %dma_start3A_1783 = arith.constant 1 : i32
      %dma_start3A_1784 = arith.constant 1 : i32
      %dma_start3A_1785 = arith.constant 128 : i32
      %dma_start3A_1786 = arith.constant 0 : i32
      %dma_start3A_1787 = tpu.memref_slice %arg16[%dma_start3A_1783, %dma_start3A_1785, %dma_start3A_1786] : memref<2x200x64xf32, #tpu.memory_space<vmem>> -> memref<1x72x64xf32, #tpu.memory_space<vmem>>
      %dma_start3A_1788 = tpu.memref_squeeze %dma_start3A_1787 : memref<1x72x64xf32, #tpu.memory_space<vmem>> -> memref<72x64xf32, #tpu.memory_space<vmem>>
      %dma_start3A_1789 = arith.constant 128 : i32
      %dma_start3A_1790 = tpu.memref_slice %arg15[%dma_start3A_1781, %dma_start3A_1782, %dma_start3A_1789] : memref<2x10x200xi32, #tpu.memory_space<vmem>> -> memref<1x1x72xi32, #tpu.memory_space<vmem>>
      %dma_start3A_1791 = tpu.memref_squeeze %dma_start3A_1790 : memref<1x1x72xi32, #tpu.memory_space<vmem>> -> memref<72xi32, #tpu.memory_space<vmem>>
      %dma_start3A_1792 = arith.constant 0 : i32
      %dma_start3A_1793 = arith.constant 0 : i32
      %dma_start3A_1794 = tpu.memref_slice %arg13[%add3A, %dma_start3A_1792, %dma_start3A_1793] : memref<32x8512x64xf32, #tpu.memory_space<hbm>> -> memref<1x8512x64xf32, #tpu.memory_space<hbm>>
      %dma_start3A_1795 = tpu.memref_squeeze %dma_start3A_1794 : memref<1x8512x64xf32, #tpu.memory_space<hbm>> -> memref<8512x64xf32, #tpu.memory_space<hbm>>
      %dma_start3A_1796 = arith.constant 0 : i32
      %dma_start3A_1797 = arith.constant 0 : i32
      %dma_start3A_1798 = tpu.memref_slice %dma_start3A_1795[%dma_start3A_1796, %dma_start3A_1797] : memref<8512x64xf32, #tpu.memory_space<hbm>> -> memref<8512x64xf32, #tpu.memory_space<hbm>>
      %dma_start3A_1799 = tpu.memref_slice %arg18[%dma_start3A_1784] : memref<2x!tpu.dma_semaphore, #tpu.memory_space<semaphore_mem>> -> memref<1x!tpu.dma_semaphore, #tpu.memory_space<semaphore_mem>>
      %dma_start3A_1800 = tpu.memref_squeeze %dma_start3A_1799 : memref<1x!tpu.dma_semaphore, #tpu.memory_space<semaphore_mem>> -> memref<!tpu.dma_semaphore, #tpu.memory_space<semaphore_mem>>
      tpu.enqueue_indirect_dma source(%dma_start3A_1798 : memref<8512x64xf32, #tpu.memory_space<hbm>>) target(%dma_start3A_1788 : memref<72x64xf32, #tpu.memory_space<vmem>>) offsets(%dma_start3A_1791 : memref<72xi32, #tpu.memory_space<vmem>>) semaphore(%dma_start3A_1800 : memref<!tpu.dma_semaphore, #tpu.memory_space<semaphore_mem>>) {add = true}
      %dma_start3A_1801 = arith.constant 1 : i32
      %dma_start3A_1802 = arith.constant 3 : i32
      %dma_start3A_1803 = arith.constant 1 : i32
      %dma_start3A_1804 = arith.constant 1 : i32
      %dma_start3A_1805 = arith.constant 128 : i32
      %dma_start3A_1806 = arith.constant 0 : i32
      %dma_start3A_1807 = tpu.memref_slice %arg16[%dma_start3A_1803, %dma_start3A_1805, %dma_start3A_1806] : memref<2x200x64xf32, #tpu.memory_space<vmem>> -> memref<1x72x64xf32, #tpu.memory_space<vmem>>
      %dma_start3A_1808 = tpu.memref_squeeze %dma_start3A_1807 : memref<1x72x64xf32, #tpu.memory_space<vmem>> -> memref<72x64xf32, #tpu.memory_space<vmem>>
      %dma_start3A_1809 = arith.constant 128 : i32
      %dma_start3A_1810 = tpu.memref_slice %arg15[%dma_start3A_1801, %dma_start3A_1802, %dma_start3A_1809] : memref<2x10x200xi32, #tpu.memory_space<vmem>> -> memref<1x1x72xi32, #tpu.memory_space<vmem>>
      %dma_start3A_1811 = tpu.memref_squeeze %dma_start3A_1810 : memref<1x1x72xi32, #tpu.memory_space<vmem>> -> memref<72xi32, #tpu.memory_space<vmem>>
      %dma_start3A_1812 = arith.constant 0 : i32
      %dma_start3A_1813 = arith.constant 0 : i32
      %dma_start3A_1814 = tpu.memref_slice %arg13[%add3A, %dma_start3A_1812, %dma_start3A_1813] : memref<32x8512x64xf32, #tpu.memory_space<hbm>> -> memref<1x8512x64xf32, #tpu.memory_space<hbm>>
      %dma_start3A_1815 = tpu.memref_squeeze %dma_start3A_1814 : memref<1x8512x64xf32, #tpu.memory_space<hbm>> -> memref<8512x64xf32, #tpu.memory_space<hbm>>
      %dma_start3A_1816 = arith.constant 0 : i32
      %dma_start3A_1817 = arith.constant 0 : i32
      %dma_start3A_1818 = tpu.memref_slice %dma_start3A_1815[%dma_start3A_1816, %dma_start3A_1817] : memref<8512x64xf32, #tpu.memory_space<hbm>> -> memref<8512x64xf32, #tpu.memory_space<hbm>>
      %dma_start3A_1819 = tpu.memref_slice %arg18[%dma_start3A_1804] : memref<2x!tpu.dma_semaphore, #tpu.memory_space<semaphore_mem>> -> memref<1x!tpu.dma_semaphore, #tpu.memory_space<semaphore_mem>>
      %dma_start3A_1820 = tpu.memref_squeeze %dma_start3A_1819 : memref<1x!tpu.dma_semaphore, #tpu.memory_space<semaphore_mem>> -> memref<!tpu.dma_semaphore, #tpu.memory_space<semaphore_mem>>
      tpu.enqueue_indirect_dma source(%dma_start3A_1818 : memref<8512x64xf32, #tpu.memory_space<hbm>>) target(%dma_start3A_1808 : memref<72x64xf32, #tpu.memory_space<vmem>>) offsets(%dma_start3A_1811 : memref<72xi32, #tpu.memory_space<vmem>>) semaphore(%dma_start3A_1820 : memref<!tpu.dma_semaphore, #tpu.memory_space<semaphore_mem>>) {add = true}
      %dma_start3A_1821 = arith.constant 1 : i32
      %dma_start3A_1822 = arith.constant 4 : i32
      %dma_start3A_1823 = arith.constant 1 : i32
      %dma_start3A_1824 = arith.constant 1 : i32
      %dma_start3A_1825 = arith.constant 128 : i32
      %dma_start3A_1826 = arith.constant 0 : i32
      %dma_start3A_1827 = tpu.memref_slice %arg16[%dma_start3A_1823, %dma_start3A_1825, %dma_start3A_1826] : memref<2x200x64xf32, #tpu.memory_space<vmem>> -> memref<1x72x64xf32, #tpu.memory_space<vmem>>
      %dma_start3A_1828 = tpu.memref_squeeze %dma_start3A_1827 : memref<1x72x64xf32, #tpu.memory_space<vmem>> -> memref<72x64xf32, #tpu.memory_space<vmem>>
      %dma_start3A_1829 = arith.constant 128 : i32
      %dma_start3A_1830 = tpu.memref_slice %arg15[%dma_start3A_1821, %dma_start3A_1822, %dma_start3A_1829] : memref<2x10x200xi32, #tpu.memory_space<vmem>> -> memref<1x1x72xi32, #tpu.memory_space<vmem>>
      %dma_start3A_1831 = tpu.memref_squeeze %dma_start3A_1830 : memref<1x1x72xi32, #tpu.memory_space<vmem>> -> memref<72xi32, #tpu.memory_space<vmem>>
      %dma_start3A_1832 = arith.constant 0 : i32
      %dma_start3A_1833 = arith.constant 0 : i32
      %dma_start3A_1834 = tpu.memref_slice %arg13[%add3A, %dma_start3A_1832, %dma_start3A_1833] : memref<32x8512x64xf32, #tpu.memory_space<hbm>> -> memref<1x8512x64xf32, #tpu.memory_space<hbm>>
      %dma_start3A_1835 = tpu.memref_squeeze %dma_start3A_1834 : memref<1x8512x64xf32, #tpu.memory_space<hbm>> -> memref<8512x64xf32, #tpu.memory_space<hbm>>
      %dma_start3A_1836 = arith.constant 0 : i32
      %dma_start3A_1837 = arith.constant 0 : i32
      %dma_start3A_1838 = tpu.memref_slice %dma_start3A_1835[%dma_start3A_1836, %dma_start3A_1837] : memref<8512x64xf32, #tpu.memory_space<hbm>> -> memref<8512x64xf32, #tpu.memory_space<hbm>>
      %dma_start3A_1839 = tpu.memref_slice %arg18[%dma_start3A_1824] : memref<2x!tpu.dma_semaphore, #tpu.memory_space<semaphore_mem>> -> memref<1x!tpu.dma_semaphore, #tpu.memory_space<semaphore_mem>>
      %dma_start3A_1840 = tpu.memref_squeeze %dma_start3A_1839 : memref<1x!tpu.dma_semaphore, #tpu.memory_space<semaphore_mem>> -> memref<!tpu.dma_semaphore, #tpu.memory_space<semaphore_mem>>
      tpu.enqueue_indirect_dma source(%dma_start3A_1838 : memref<8512x64xf32, #tpu.memory_space<hbm>>) target(%dma_start3A_1828 : memref<72x64xf32, #tpu.memory_space<vmem>>) offsets(%dma_start3A_1831 : memref<72xi32, #tpu.memory_space<vmem>>) semaphore(%dma_start3A_1840 : memref<!tpu.dma_semaphore, #tpu.memory_space<semaphore_mem>>) {add = true}
      %dma_start3A_1841 = arith.constant 1 : i32
      %dma_start3A_1842 = arith.constant 5 : i32
      %dma_start3A_1843 = arith.constant 1 : i32
      %dma_start3A_1844 = arith.constant 1 : i32
      %dma_start3A_1845 = arith.constant 128 : i32
      %dma_start3A_1846 = arith.constant 0 : i32
      %dma_start3A_1847 = tpu.memref_slice %arg16[%dma_start3A_1843, %dma_start3A_1845, %dma_start3A_1846] : memref<2x200x64xf32, #tpu.memory_space<vmem>> -> memref<1x72x64xf32, #tpu.memory_space<vmem>>
      %dma_start3A_1848 = tpu.memref_squeeze %dma_start3A_1847 : memref<1x72x64xf32, #tpu.memory_space<vmem>> -> memref<72x64xf32, #tpu.memory_space<vmem>>
      %dma_start3A_1849 = arith.constant 128 : i32
      %dma_start3A_1850 = tpu.memref_slice %arg15[%dma_start3A_1841, %dma_start3A_1842, %dma_start3A_1849] : memref<2x10x200xi32, #tpu.memory_space<vmem>> -> memref<1x1x72xi32, #tpu.memory_space<vmem>>
      %dma_start3A_1851 = tpu.memref_squeeze %dma_start3A_1850 : memref<1x1x72xi32, #tpu.memory_space<vmem>> -> memref<72xi32, #tpu.memory_space<vmem>>
      %dma_start3A_1852 = arith.constant 0 : i32
      %dma_start3A_1853 = arith.constant 0 : i32
      %dma_start3A_1854 = tpu.memref_slice %arg13[%add3A, %dma_start3A_1852, %dma_start3A_1853] : memref<32x8512x64xf32, #tpu.memory_space<hbm>> -> memref<1x8512x64xf32, #tpu.memory_space<hbm>>
      %dma_start3A_1855 = tpu.memref_squeeze %dma_start3A_1854 : memref<1x8512x64xf32, #tpu.memory_space<hbm>> -> memref<8512x64xf32, #tpu.memory_space<hbm>>
      %dma_start3A_1856 = arith.constant 0 : i32
      %dma_start3A_1857 = arith.constant 0 : i32
      %dma_start3A_1858 = tpu.memref_slice %dma_start3A_1855[%dma_start3A_1856, %dma_start3A_1857] : memref<8512x64xf32, #tpu.memory_space<hbm>> -> memref<8512x64xf32, #tpu.memory_space<hbm>>
      %dma_start3A_1859 = tpu.memref_slice %arg18[%dma_start3A_1844] : memref<2x!tpu.dma_semaphore, #tpu.memory_space<semaphore_mem>> -> memref<1x!tpu.dma_semaphore, #tpu.memory_space<semaphore_mem>>
      %dma_start3A_1860 = tpu.memref_squeeze %dma_start3A_1859 : memref<1x!tpu.dma_semaphore, #tpu.memory_space<semaphore_mem>> -> memref<!tpu.dma_semaphore, #tpu.memory_space<semaphore_mem>>
      tpu.enqueue_indirect_dma source(%dma_start3A_1858 : memref<8512x64xf32, #tpu.memory_space<hbm>>) target(%dma_start3A_1848 : memref<72x64xf32, #tpu.memory_space<vmem>>) offsets(%dma_start3A_1851 : memref<72xi32, #tpu.memory_space<vmem>>) semaphore(%dma_start3A_1860 : memref<!tpu.dma_semaphore, #tpu.memory_space<semaphore_mem>>) {add = true}
      %dma_start3A_1861 = arith.constant 1 : i32
      %dma_start3A_1862 = arith.constant 6 : i32
      %dma_start3A_1863 = arith.constant 1 : i32
      %dma_start3A_1864 = arith.constant 1 : i32
      %dma_start3A_1865 = arith.constant 128 : i32
      %dma_start3A_1866 = arith.constant 0 : i32
      %dma_start3A_1867 = tpu.memref_slice %arg16[%dma_start3A_1863, %dma_start3A_1865, %dma_start3A_1866] : memref<2x200x64xf32, #tpu.memory_space<vmem>> -> memref<1x72x64xf32, #tpu.memory_space<vmem>>
      %dma_start3A_1868 = tpu.memref_squeeze %dma_start3A_1867 : memref<1x72x64xf32, #tpu.memory_space<vmem>> -> memref<72x64xf32, #tpu.memory_space<vmem>>
      %dma_start3A_1869 = arith.constant 128 : i32
      %dma_start3A_1870 = tpu.memref_slice %arg15[%dma_start3A_1861, %dma_start3A_1862, %dma_start3A_1869] : memref<2x10x200xi32, #tpu.memory_space<vmem>> -> memref<1x1x72xi32, #tpu.memory_space<vmem>>
      %dma_start3A_1871 = tpu.memref_squeeze %dma_start3A_1870 : memref<1x1x72xi32, #tpu.memory_space<vmem>> -> memref<72xi32, #tpu.memory_space<vmem>>
      %dma_start3A_1872 = arith.constant 0 : i32
      %dma_start3A_1873 = arith.constant 0 : i32
      %dma_start3A_1874 = tpu.memref_slice %arg13[%add3A, %dma_start3A_1872, %dma_start3A_1873] : memref<32x8512x64xf32, #tpu.memory_space<hbm>> -> memref<1x8512x64xf32, #tpu.memory_space<hbm>>
      %dma_start3A_1875 = tpu.memref_squeeze %dma_start3A_1874 : memref<1x8512x64xf32, #tpu.memory_space<hbm>> -> memref<8512x64xf32, #tpu.memory_space<hbm>>
      %dma_start3A_1876 = arith.constant 0 : i32
      %dma_start3A_1877 = arith.constant 0 : i32
      %dma_start3A_1878 = tpu.memref_slice %dma_start3A_1875[%dma_start3A_1876, %dma_start3A_1877] : memref<8512x64xf32, #tpu.memory_space<hbm>> -> memref<8512x64xf32, #tpu.memory_space<hbm>>
      %dma_start3A_1879 = tpu.memref_slice %arg18[%dma_start3A_1864] : memref<2x!tpu.dma_semaphore, #tpu.memory_space<semaphore_mem>> -> memref<1x!tpu.dma_semaphore, #tpu.memory_space<semaphore_mem>>
      %dma_start3A_1880 = tpu.memref_squeeze %dma_start3A_1879 : memref<1x!tpu.dma_semaphore, #tpu.memory_space<semaphore_mem>> -> memref<!tpu.dma_semaphore, #tpu.memory_space<semaphore_mem>>
      tpu.enqueue_indirect_dma source(%dma_start3A_1878 : memref<8512x64xf32, #tpu.memory_space<hbm>>) target(%dma_start3A_1868 : memref<72x64xf32, #tpu.memory_space<vmem>>) offsets(%dma_start3A_1871 : memref<72xi32, #tpu.memory_space<vmem>>) semaphore(%dma_start3A_1880 : memref<!tpu.dma_semaphore, #tpu.memory_space<semaphore_mem>>) {add = true}
      %dma_start3A_1881 = arith.constant 1 : i32
      %dma_start3A_1882 = arith.constant 7 : i32
      %dma_start3A_1883 = arith.constant 1 : i32
      %dma_start3A_1884 = arith.constant 1 : i32
      %dma_start3A_1885 = arith.constant 128 : i32
      %dma_start3A_1886 = arith.constant 0 : i32
      %dma_start3A_1887 = tpu.memref_slice %arg16[%dma_start3A_1883, %dma_start3A_1885, %dma_start3A_1886] : memref<2x200x64xf32, #tpu.memory_space<vmem>> -> memref<1x72x64xf32, #tpu.memory_space<vmem>>
      %dma_start3A_1888 = tpu.memref_squeeze %dma_start3A_1887 : memref<1x72x64xf32, #tpu.memory_space<vmem>> -> memref<72x64xf32, #tpu.memory_space<vmem>>
      %dma_start3A_1889 = arith.constant 128 : i32
      %dma_start3A_1890 = tpu.memref_slice %arg15[%dma_start3A_1881, %dma_start3A_1882, %dma_start3A_1889] : memref<2x10x200xi32, #tpu.memory_space<vmem>> -> memref<1x1x72xi32, #tpu.memory_space<vmem>>
      %dma_start3A_1891 = tpu.memref_squeeze %dma_start3A_1890 : memref<1x1x72xi32, #tpu.memory_space<vmem>> -> memref<72xi32, #tpu.memory_space<vmem>>
      %dma_start3A_1892 = arith.constant 0 : i32
      %dma_start3A_1893 = arith.constant 0 : i32
      %dma_start3A_1894 = tpu.memref_slice %arg13[%add3A, %dma_start3A_1892, %dma_start3A_1893] : memref<32x8512x64xf32, #tpu.memory_space<hbm>> -> memref<1x8512x64xf32, #tpu.memory_space<hbm>>
      %dma_start3A_1895 = tpu.memref_squeeze %dma_start3A_1894 : memref<1x8512x64xf32, #tpu.memory_space<hbm>> -> memref<8512x64xf32, #tpu.memory_space<hbm>>
      %dma_start3A_1896 = arith.constant 0 : i32
      %dma_start3A_1897 = arith.constant 0 : i32
      %dma_start3A_1898 = tpu.memref_slice %dma_start3A_1895[%dma_start3A_1896, %dma_start3A_1897] : memref<8512x64xf32, #tpu.memory_space<hbm>> -> memref<8512x64xf32, #tpu.memory_space<hbm>>
      %dma_start3A_1899 = tpu.memref_slice %arg18[%dma_start3A_1884] : memref<2x!tpu.dma_semaphore, #tpu.memory_space<semaphore_mem>> -> memref<1x!tpu.dma_semaphore, #tpu.memory_space<semaphore_mem>>
      %dma_start3A_1900 = tpu.memref_squeeze %dma_start3A_1899 : memref<1x!tpu.dma_semaphore, #tpu.memory_space<semaphore_mem>> -> memref<!tpu.dma_semaphore, #tpu.memory_space<semaphore_mem>>
      tpu.enqueue_indirect_dma source(%dma_start3A_1898 : memref<8512x64xf32, #tpu.memory_space<hbm>>) target(%dma_start3A_1888 : memref<72x64xf32, #tpu.memory_space<vmem>>) offsets(%dma_start3A_1891 : memref<72xi32, #tpu.memory_space<vmem>>) semaphore(%dma_start3A_1900 : memref<!tpu.dma_semaphore, #tpu.memory_space<semaphore_mem>>) {add = true}
      %dma_start3A_1901 = arith.constant 1 : i32
      %dma_start3A_1902 = arith.constant 8 : i32
      %dma_start3A_1903 = arith.constant 1 : i32
      %dma_start3A_1904 = arith.constant 1 : i32
      %dma_start3A_1905 = arith.constant 128 : i32
      %dma_start3A_1906 = arith.constant 0 : i32
      %dma_start3A_1907 = tpu.memref_slice %arg16[%dma_start3A_1903, %dma_start3A_1905, %dma_start3A_1906] : memref<2x200x64xf32, #tpu.memory_space<vmem>> -> memref<1x72x64xf32, #tpu.memory_space<vmem>>
      %dma_start3A_1908 = tpu.memref_squeeze %dma_start3A_1907 : memref<1x72x64xf32, #tpu.memory_space<vmem>> -> memref<72x64xf32, #tpu.memory_space<vmem>>
      %dma_start3A_1909 = arith.constant 128 : i32
      %dma_start3A_1910 = tpu.memref_slice %arg15[%dma_start3A_1901, %dma_start3A_1902, %dma_start3A_1909] : memref<2x10x200xi32, #tpu.memory_space<vmem>> -> memref<1x1x72xi32, #tpu.memory_space<vmem>>
      %dma_start3A_1911 = tpu.memref_squeeze %dma_start3A_1910 : memref<1x1x72xi32, #tpu.memory_space<vmem>> -> memref<72xi32, #tpu.memory_space<vmem>>
      %dma_start3A_1912 = arith.constant 0 : i32
      %dma_start3A_1913 = arith.constant 0 : i32
      %dma_start3A_1914 = tpu.memref_slice %arg13[%add3A, %dma_start3A_1912, %dma_start3A_1913] : memref<32x8512x64xf32, #tpu.memory_space<hbm>> -> memref<1x8512x64xf32, #tpu.memory_space<hbm>>
      %dma_start3A_1915 = tpu.memref_squeeze %dma_start3A_1914 : memref<1x8512x64xf32, #tpu.memory_space<hbm>> -> memref<8512x64xf32, #tpu.memory_space<hbm>>
      %dma_start3A_1916 = arith.constant 0 : i32
      %dma_start3A_1917 = arith.constant 0 : i32
      %dma_start3A_1918 = tpu.memref_slice %dma_start3A_1915[%dma_start3A_1916, %dma_start3A_1917] : memref<8512x64xf32, #tpu.memory_space<hbm>> -> memref<8512x64xf32, #tpu.memory_space<hbm>>
      %dma_start3A_1919 = tpu.memref_slice %arg18[%dma_start3A_1904] : memref<2x!tpu.dma_semaphore, #tpu.memory_space<semaphore_mem>> -> memref<1x!tpu.dma_semaphore, #tpu.memory_space<semaphore_mem>>
      %dma_start3A_1920 = tpu.memref_squeeze %dma_start3A_1919 : memref<1x!tpu.dma_semaphore, #tpu.memory_space<semaphore_mem>> -> memref<!tpu.dma_semaphore, #tpu.memory_space<semaphore_mem>>
      tpu.enqueue_indirect_dma source(%dma_start3A_1918 : memref<8512x64xf32, #tpu.memory_space<hbm>>) target(%dma_start3A_1908 : memref<72x64xf32, #tpu.memory_space<vmem>>) offsets(%dma_start3A_1911 : memref<72xi32, #tpu.memory_space<vmem>>) semaphore(%dma_start3A_1920 : memref<!tpu.dma_semaphore, #tpu.memory_space<semaphore_mem>>) {add = true}
      %dma_start3A_1921 = arith.constant 1 : i32
      %dma_start3A_1922 = arith.constant 9 : i32
      %dma_start3A_1923 = arith.constant 1 : i32
      %dma_start3A_1924 = arith.constant 1 : i32
      %dma_start3A_1925 = arith.constant 128 : i32
      %dma_start3A_1926 = arith.constant 0 : i32
      %dma_start3A_1927 = tpu.memref_slice %arg16[%dma_start3A_1923, %dma_start3A_1925, %dma_start3A_1926] : memref<2x200x64xf32, #tpu.memory_space<vmem>> -> memref<1x72x64xf32, #tpu.memory_space<vmem>>
      %dma_start3A_1928 = tpu.memref_squeeze %dma_start3A_1927 : memref<1x72x64xf32, #tpu.memory_space<vmem>> -> memref<72x64xf32, #tpu.memory_space<vmem>>
      %dma_start3A_1929 = arith.constant 128 : i32
      %dma_start3A_1930 = tpu.memref_slice %arg15[%dma_start3A_1921, %dma_start3A_1922, %dma_start3A_1929] : memref<2x10x200xi32, #tpu.memory_space<vmem>> -> memref<1x1x72xi32, #tpu.memory_space<vmem>>
      %dma_start3A_1931 = tpu.memref_squeeze %dma_start3A_1930 : memref<1x1x72xi32, #tpu.memory_space<vmem>> -> memref<72xi32, #tpu.memory_space<vmem>>
      %dma_start3A_1932 = arith.constant 0 : i32
      %dma_start3A_1933 = arith.constant 0 : i32
      %dma_start3A_1934 = tpu.memref_slice %arg13[%add3A, %dma_start3A_1932, %dma_start3A_1933] : memref<32x8512x64xf32, #tpu.memory_space<hbm>> -> memref<1x8512x64xf32, #tpu.memory_space<hbm>>
      %dma_start3A_1935 = tpu.memref_squeeze %dma_start3A_1934 : memref<1x8512x64xf32, #tpu.memory_space<hbm>> -> memref<8512x64xf32, #tpu.memory_space<hbm>>
      %dma_start3A_1936 = arith.constant 0 : i32
      %dma_start3A_1937 = arith.constant 0 : i32
      %dma_start3A_1938 = tpu.memref_slice %dma_start3A_1935[%dma_start3A_1936, %dma_start3A_1937] : memref<8512x64xf32, #tpu.memory_space<hbm>> -> memref<8512x64xf32, #tpu.memory_space<hbm>>
      %dma_start3A_1939 = tpu.memref_slice %arg18[%dma_start3A_1924] : memref<2x!tpu.dma_semaphore, #tpu.memory_space<semaphore_mem>> -> memref<1x!tpu.dma_semaphore, #tpu.memory_space<semaphore_mem>>
      %dma_start3A_1940 = tpu.memref_squeeze %dma_start3A_1939 : memref<1x!tpu.dma_semaphore, #tpu.memory_space<semaphore_mem>> -> memref<!tpu.dma_semaphore, #tpu.memory_space<semaphore_mem>>
      tpu.enqueue_indirect_dma source(%dma_start3A_1938 : memref<8512x64xf32, #tpu.memory_space<hbm>>) target(%dma_start3A_1928 : memref<72x64xf32, #tpu.memory_space<vmem>>) offsets(%dma_start3A_1931 : memref<72xi32, #tpu.memory_space<vmem>>) semaphore(%dma_start3A_1940 : memref<!tpu.dma_semaphore, #tpu.memory_space<semaphore_mem>>) {add = true}
      %ge3A_1941 = arith.constant 1 : i32
      %ge3A_1942 = arith.cmpi sge, %add3A_1406, %ge3A_1941 : i32
      %convert_element_type3A_1943 = arith.extui %ge3A_1942 : i1 to i32
      %cond3A_1944 = arith.constant 0 : i32
      %cond3A_1945 = arith.cmpi ne, %convert_element_type3A_1943, %cond3A_1944 : i32
      scf.if %cond3A_1945 {
        %dma_wait3A_2083 = arith.constant 0 : i32
        %dma_wait3A_2084 = arith.constant 0 : i32
        %dma_wait3A_2085 = arith.constant 0 : i32
        %dma_wait3A_2086 = arith.constant 0 : i32
        %dma_wait3A_2087 = arith.constant 0 : i32
        %dma_wait3A_2088 = arith.constant 0 : i32
        %dma_wait3A_2089 = tpu.memref_slice %arg16[%dma_wait3A_2085, %dma_wait3A_2087, %dma_wait3A_2088] : memref<2x200x64xf32, #tpu.memory_space<vmem>> -> memref<1x128x64xf32, #tpu.memory_space<vmem>>
        %dma_wait3A_2090 = tpu.memref_squeeze %dma_wait3A_2089 : memref<1x128x64xf32, #tpu.memory_space<vmem>> -> memref<128x64xf32, #tpu.memory_space<vmem>>
        %dma_wait3A_2091 = arith.constant 0 : i32
        %dma_wait3A_2092 = tpu.memref_slice %arg15[%dma_wait3A_2083, %dma_wait3A_2084, %dma_wait3A_2091] : memref<2x10x200xi32, #tpu.memory_space<vmem>> -> memref<1x1x128xi32, #tpu.memory_space<vmem>>
        %dma_wait3A_2093 = tpu.memref_squeeze %dma_wait3A_2092 : memref<1x1x128xi32, #tpu.memory_space<vmem>> -> memref<128xi32, #tpu.memory_space<vmem>>
        %dma_wait3A_2094 = arith.constant 0 : i32
        %dma_wait3A_2095 = arith.constant 0 : i32
        %dma_wait3A_2096 = tpu.memref_slice %arg12[%dma_wait3A_2094, %dma_wait3A_2095] : memref<64001x64xf32, #tpu.memory_space<hbm>> -> memref<64001x64xf32, #tpu.memory_space<hbm>>
        %dma_wait3A_2097 = tpu.memref_slice %arg18[%dma_wait3A_2086] : memref<2x!tpu.dma_semaphore, #tpu.memory_space<semaphore_mem>> -> memref<1x!tpu.dma_semaphore, #tpu.memory_space<semaphore_mem>>
        %dma_wait3A_2098 = tpu.memref_squeeze %dma_wait3A_2097 : memref<1x!tpu.dma_semaphore, #tpu.memory_space<semaphore_mem>> -> memref<!tpu.dma_semaphore, #tpu.memory_space<semaphore_mem>>
        tpu.wait_indirect_dma semaphore(%dma_wait3A_2098 : memref<!tpu.dma_semaphore, #tpu.memory_space<semaphore_mem>>) src(%dma_wait3A_2096 : memref<64001x64xf32, #tpu.memory_space<hbm>>) dst(%dma_wait3A_2090 : memref<128x64xf32, #tpu.memory_space<vmem>>)
        %dma_wait3A_2099 = arith.constant 0 : i32
        %dma_wait3A_2100 = arith.constant 1 : i32
        %dma_wait3A_2101 = arith.constant 0 : i32
        %dma_wait3A_2102 = arith.constant 0 : i32
        %dma_wait3A_2103 = arith.constant 0 : i32
        %dma_wait3A_2104 = arith.constant 0 : i32
        %dma_wait3A_2105 = tpu.memref_slice %arg16[%dma_wait3A_2101, %dma_wait3A_2103, %dma_wait3A_2104] : memref<2x200x64xf32, #tpu.memory_space<vmem>> -> memref<1x128x64xf32, #tpu.memory_space<vmem>>
        %dma_wait3A_2106 = tpu.memref_squeeze %dma_wait3A_2105 : memref<1x128x64xf32, #tpu.memory_space<vmem>> -> memref<128x64xf32, #tpu.memory_space<vmem>>
        %dma_wait3A_2107 = arith.constant 0 : i32
        %dma_wait3A_2108 = tpu.memref_slice %arg15[%dma_wait3A_2099, %dma_wait3A_2100, %dma_wait3A_2107] : memref<2x10x200xi32, #tpu.memory_space<vmem>> -> memref<1x1x128xi32, #tpu.memory_space<vmem>>
        %dma_wait3A_2109 = tpu.memref_squeeze %dma_wait3A_2108 : memref<1x1x128xi32, #tpu.memory_space<vmem>> -> memref<128xi32, #tpu.memory_space<vmem>>
        %dma_wait3A_2110 = arith.constant 0 : i32
        %dma_wait3A_2111 = arith.constant 0 : i32
        %dma_wait3A_2112 = tpu.memref_slice %arg13[%add3A, %dma_wait3A_2110, %dma_wait3A_2111] : memref<32x8512x64xf32, #tpu.memory_space<hbm>> -> memref<1x8512x64xf32, #tpu.memory_space<hbm>>
        %dma_wait3A_2113 = tpu.memref_squeeze %dma_wait3A_2112 : memref<1x8512x64xf32, #tpu.memory_space<hbm>> -> memref<8512x64xf32, #tpu.memory_space<hbm>>
        %dma_wait3A_2114 = arith.constant 0 : i32
        %dma_wait3A_2115 = arith.constant 0 : i32
        %dma_wait3A_2116 = tpu.memref_slice %dma_wait3A_2113[%dma_wait3A_2114, %dma_wait3A_2115] : memref<8512x64xf32, #tpu.memory_space<hbm>> -> memref<8512x64xf32, #tpu.memory_space<hbm>>
        %dma_wait3A_2117 = tpu.memref_slice %arg18[%dma_wait3A_2102] : memref<2x!tpu.dma_semaphore, #tpu.memory_space<semaphore_mem>> -> memref<1x!tpu.dma_semaphore, #tpu.memory_space<semaphore_mem>>
        %dma_wait3A_2118 = tpu.memref_squeeze %dma_wait3A_2117 : memref<1x!tpu.dma_semaphore, #tpu.memory_space<semaphore_mem>> -> memref<!tpu.dma_semaphore, #tpu.memory_space<semaphore_mem>>
        tpu.wait_indirect_dma semaphore(%dma_wait3A_2118 : memref<!tpu.dma_semaphore, #tpu.memory_space<semaphore_mem>>) src(%dma_wait3A_2116 : memref<8512x64xf32, #tpu.memory_space<hbm>>) dst(%dma_wait3A_2106 : memref<128x64xf32, #tpu.memory_space<vmem>>)
        %dma_wait3A_2119 = arith.constant 0 : i32
        %dma_wait3A_2120 = arith.constant 2 : i32
        %dma_wait3A_2121 = arith.constant 0 : i32
        %dma_wait3A_2122 = arith.constant 0 : i32
        %dma_wait3A_2123 = arith.constant 0 : i32
        %dma_wait3A_2124 = arith.constant 0 : i32
        %dma_wait3A_2125 = tpu.memref_slice %arg16[%dma_wait3A_2121, %dma_wait3A_2123, %dma_wait3A_2124] : memref<2x200x64xf32, #tpu.memory_space<vmem>> -> memref<1x128x64xf32, #tpu.memory_space<vmem>>
        %dma_wait3A_2126 = tpu.memref_squeeze %dma_wait3A_2125 : memref<1x128x64xf32, #tpu.memory_space<vmem>> -> memref<128x64xf32, #tpu.memory_space<vmem>>
        %dma_wait3A_2127 = arith.constant 0 : i32
        %dma_wait3A_2128 = tpu.memref_slice %arg15[%dma_wait3A_2119, %dma_wait3A_2120, %dma_wait3A_2127] : memref<2x10x200xi32, #tpu.memory_space<vmem>> -> memref<1x1x128xi32, #tpu.memory_space<vmem>>
        %dma_wait3A_2129 = tpu.memref_squeeze %dma_wait3A_2128 : memref<1x1x128xi32, #tpu.memory_space<vmem>> -> memref<128xi32, #tpu.memory_space<vmem>>
        %dma_wait3A_2130 = arith.constant 0 : i32
        %dma_wait3A_2131 = arith.constant 0 : i32
        %dma_wait3A_2132 = tpu.memref_slice %arg13[%add3A, %dma_wait3A_2130, %dma_wait3A_2131] : memref<32x8512x64xf32, #tpu.memory_space<hbm>> -> memref<1x8512x64xf32, #tpu.memory_space<hbm>>
        %dma_wait3A_2133 = tpu.memref_squeeze %dma_wait3A_2132 : memref<1x8512x64xf32, #tpu.memory_space<hbm>> -> memref<8512x64xf32, #tpu.memory_space<hbm>>
        %dma_wait3A_2134 = arith.constant 0 : i32
        %dma_wait3A_2135 = arith.constant 0 : i32
        %dma_wait3A_2136 = tpu.memref_slice %dma_wait3A_2133[%dma_wait3A_2134, %dma_wait3A_2135] : memref<8512x64xf32, #tpu.memory_space<hbm>> -> memref<8512x64xf32, #tpu.memory_space<hbm>>
        %dma_wait3A_2137 = tpu.memref_slice %arg18[%dma_wait3A_2122] : memref<2x!tpu.dma_semaphore, #tpu.memory_space<semaphore_mem>> -> memref<1x!tpu.dma_semaphore, #tpu.memory_space<semaphore_mem>>
        %dma_wait3A_2138 = tpu.memref_squeeze %dma_wait3A_2137 : memref<1x!tpu.dma_semaphore, #tpu.memory_space<semaphore_mem>> -> memref<!tpu.dma_semaphore, #tpu.memory_space<semaphore_mem>>
        tpu.wait_indirect_dma semaphore(%dma_wait3A_2138 : memref<!tpu.dma_semaphore, #tpu.memory_space<semaphore_mem>>) src(%dma_wait3A_2136 : memref<8512x64xf32, #tpu.memory_space<hbm>>) dst(%dma_wait3A_2126 : memref<128x64xf32, #tpu.memory_space<vmem>>)
        %dma_wait3A_2139 = arith.constant 0 : i32
        %dma_wait3A_2140 = arith.constant 3 : i32
        %dma_wait3A_2141 = arith.constant 0 : i32
        %dma_wait3A_2142 = arith.constant 0 : i32
        %dma_wait3A_2143 = arith.constant 0 : i32
        %dma_wait3A_2144 = arith.constant 0 : i32
        %dma_wait3A_2145 = tpu.memref_slice %arg16[%dma_wait3A_2141, %dma_wait3A_2143, %dma_wait3A_2144] : memref<2x200x64xf32, #tpu.memory_space<vmem>> -> memref<1x128x64xf32, #tpu.memory_space<vmem>>
        %dma_wait3A_2146 = tpu.memref_squeeze %dma_wait3A_2145 : memref<1x128x64xf32, #tpu.memory_space<vmem>> -> memref<128x64xf32, #tpu.memory_space<vmem>>
        %dma_wait3A_2147 = arith.constant 0 : i32
        %dma_wait3A_2148 = tpu.memref_slice %arg15[%dma_wait3A_2139, %dma_wait3A_2140, %dma_wait3A_2147] : memref<2x10x200xi32, #tpu.memory_space<vmem>> -> memref<1x1x128xi32, #tpu.memory_space<vmem>>
        %dma_wait3A_2149 = tpu.memref_squeeze %dma_wait3A_2148 : memref<1x1x128xi32, #tpu.memory_space<vmem>> -> memref<128xi32, #tpu.memory_space<vmem>>
        %dma_wait3A_2150 = arith.constant 0 : i32
        %dma_wait3A_2151 = arith.constant 0 : i32
        %dma_wait3A_2152 = tpu.memref_slice %arg13[%add3A, %dma_wait3A_2150, %dma_wait3A_2151] : memref<32x8512x64xf32, #tpu.memory_space<hbm>> -> memref<1x8512x64xf32, #tpu.memory_space<hbm>>
        %dma_wait3A_2153 = tpu.memref_squeeze %dma_wait3A_2152 : memref<1x8512x64xf32, #tpu.memory_space<hbm>> -> memref<8512x64xf32, #tpu.memory_space<hbm>>
        %dma_wait3A_2154 = arith.constant 0 : i32
        %dma_wait3A_2155 = arith.constant 0 : i32
        %dma_wait3A_2156 = tpu.memref_slice %dma_wait3A_2153[%dma_wait3A_2154, %dma_wait3A_2155] : memref<8512x64xf32, #tpu.memory_space<hbm>> -> memref<8512x64xf32, #tpu.memory_space<hbm>>
        %dma_wait3A_2157 = tpu.memref_slice %arg18[%dma_wait3A_2142] : memref<2x!tpu.dma_semaphore, #tpu.memory_space<semaphore_mem>> -> memref<1x!tpu.dma_semaphore, #tpu.memory_space<semaphore_mem>>
        %dma_wait3A_2158 = tpu.memref_squeeze %dma_wait3A_2157 : memref<1x!tpu.dma_semaphore, #tpu.memory_space<semaphore_mem>> -> memref<!tpu.dma_semaphore, #tpu.memory_space<semaphore_mem>>
        tpu.wait_indirect_dma semaphore(%dma_wait3A_2158 : memref<!tpu.dma_semaphore, #tpu.memory_space<semaphore_mem>>) src(%dma_wait3A_2156 : memref<8512x64xf32, #tpu.memory_space<hbm>>) dst(%dma_wait3A_2146 : memref<128x64xf32, #tpu.memory_space<vmem>>)
        %dma_wait3A_2159 = arith.constant 0 : i32
        %dma_wait3A_2160 = arith.constant 4 : i32
        %dma_wait3A_2161 = arith.constant 0 : i32
        %dma_wait3A_2162 = arith.constant 0 : i32
        %dma_wait3A_2163 = arith.constant 0 : i32
        %dma_wait3A_2164 = arith.constant 0 : i32
        %dma_wait3A_2165 = tpu.memref_slice %arg16[%dma_wait3A_2161, %dma_wait3A_2163, %dma_wait3A_2164] : memref<2x200x64xf32, #tpu.memory_space<vmem>> -> memref<1x128x64xf32, #tpu.memory_space<vmem>>
        %dma_wait3A_2166 = tpu.memref_squeeze %dma_wait3A_2165 : memref<1x128x64xf32, #tpu.memory_space<vmem>> -> memref<128x64xf32, #tpu.memory_space<vmem>>
        %dma_wait3A_2167 = arith.constant 0 : i32
        %dma_wait3A_2168 = tpu.memref_slice %arg15[%dma_wait3A_2159, %dma_wait3A_2160, %dma_wait3A_2167] : memref<2x10x200xi32, #tpu.memory_space<vmem>> -> memref<1x1x128xi32, #tpu.memory_space<vmem>>
        %dma_wait3A_2169 = tpu.memref_squeeze %dma_wait3A_2168 : memref<1x1x128xi32, #tpu.memory_space<vmem>> -> memref<128xi32, #tpu.memory_space<vmem>>
        %dma_wait3A_2170 = arith.constant 0 : i32
        %dma_wait3A_2171 = arith.constant 0 : i32
        %dma_wait3A_2172 = tpu.memref_slice %arg13[%add3A, %dma_wait3A_2170, %dma_wait3A_2171] : memref<32x8512x64xf32, #tpu.memory_space<hbm>> -> memref<1x8512x64xf32, #tpu.memory_space<hbm>>
        %dma_wait3A_2173 = tpu.memref_squeeze %dma_wait3A_2172 : memref<1x8512x64xf32, #tpu.memory_space<hbm>> -> memref<8512x64xf32, #tpu.memory_space<hbm>>
        %dma_wait3A_2174 = arith.constant 0 : i32
        %dma_wait3A_2175 = arith.constant 0 : i32
        %dma_wait3A_2176 = tpu.memref_slice %dma_wait3A_2173[%dma_wait3A_2174, %dma_wait3A_2175] : memref<8512x64xf32, #tpu.memory_space<hbm>> -> memref<8512x64xf32, #tpu.memory_space<hbm>>
        %dma_wait3A_2177 = tpu.memref_slice %arg18[%dma_wait3A_2162] : memref<2x!tpu.dma_semaphore, #tpu.memory_space<semaphore_mem>> -> memref<1x!tpu.dma_semaphore, #tpu.memory_space<semaphore_mem>>
        %dma_wait3A_2178 = tpu.memref_squeeze %dma_wait3A_2177 : memref<1x!tpu.dma_semaphore, #tpu.memory_space<semaphore_mem>> -> memref<!tpu.dma_semaphore, #tpu.memory_space<semaphore_mem>>
        tpu.wait_indirect_dma semaphore(%dma_wait3A_2178 : memref<!tpu.dma_semaphore, #tpu.memory_space<semaphore_mem>>) src(%dma_wait3A_2176 : memref<8512x64xf32, #tpu.memory_space<hbm>>) dst(%dma_wait3A_2166 : memref<128x64xf32, #tpu.memory_space<vmem>>)
        %dma_wait3A_2179 = arith.constant 0 : i32
        %dma_wait3A_2180 = arith.constant 5 : i32
        %dma_wait3A_2181 = arith.constant 0 : i32
        %dma_wait3A_2182 = arith.constant 0 : i32
        %dma_wait3A_2183 = arith.constant 0 : i32
        %dma_wait3A_2184 = arith.constant 0 : i32
        %dma_wait3A_2185 = tpu.memref_slice %arg16[%dma_wait3A_2181, %dma_wait3A_2183, %dma_wait3A_2184] : memref<2x200x64xf32, #tpu.memory_space<vmem>> -> memref<1x128x64xf32, #tpu.memory_space<vmem>>
        %dma_wait3A_2186 = tpu.memref_squeeze %dma_wait3A_2185 : memref<1x128x64xf32, #tpu.memory_space<vmem>> -> memref<128x64xf32, #tpu.memory_space<vmem>>
        %dma_wait3A_2187 = arith.constant 0 : i32
        %dma_wait3A_2188 = tpu.memref_slice %arg15[%dma_wait3A_2179, %dma_wait3A_2180, %dma_wait3A_2187] : memref<2x10x200xi32, #tpu.memory_space<vmem>> -> memref<1x1x128xi32, #tpu.memory_space<vmem>>
        %dma_wait3A_2189 = tpu.memref_squeeze %dma_wait3A_2188 : memref<1x1x128xi32, #tpu.memory_space<vmem>> -> memref<128xi32, #tpu.memory_space<vmem>>
        %dma_wait3A_2190 = arith.constant 0 : i32
        %dma_wait3A_2191 = arith.constant 0 : i32
        %dma_wait3A_2192 = tpu.memref_slice %arg13[%add3A, %dma_wait3A_2190, %dma_wait3A_2191] : memref<32x8512x64xf32, #tpu.memory_space<hbm>> -> memref<1x8512x64xf32, #tpu.memory_space<hbm>>
        %dma_wait3A_2193 = tpu.memref_squeeze %dma_wait3A_2192 : memref<1x8512x64xf32, #tpu.memory_space<hbm>> -> memref<8512x64xf32, #tpu.memory_space<hbm>>
        %dma_wait3A_2194 = arith.constant 0 : i32
        %dma_wait3A_2195 = arith.constant 0 : i32
        %dma_wait3A_2196 = tpu.memref_slice %dma_wait3A_2193[%dma_wait3A_2194, %dma_wait3A_2195] : memref<8512x64xf32, #tpu.memory_space<hbm>> -> memref<8512x64xf32, #tpu.memory_space<hbm>>
        %dma_wait3A_2197 = tpu.memref_slice %arg18[%dma_wait3A_2182] : memref<2x!tpu.dma_semaphore, #tpu.memory_space<semaphore_mem>> -> memref<1x!tpu.dma_semaphore, #tpu.memory_space<semaphore_mem>>
        %dma_wait3A_2198 = tpu.memref_squeeze %dma_wait3A_2197 : memref<1x!tpu.dma_semaphore, #tpu.memory_space<semaphore_mem>> -> memref<!tpu.dma_semaphore, #tpu.memory_space<semaphore_mem>>
        tpu.wait_indirect_dma semaphore(%dma_wait3A_2198 : memref<!tpu.dma_semaphore, #tpu.memory_space<semaphore_mem>>) src(%dma_wait3A_2196 : memref<8512x64xf32, #tpu.memory_space<hbm>>) dst(%dma_wait3A_2186 : memref<128x64xf32, #tpu.memory_space<vmem>>)
        %dma_wait3A_2199 = arith.constant 0 : i32
        %dma_wait3A_2200 = arith.constant 6 : i32
        %dma_wait3A_2201 = arith.constant 0 : i32
        %dma_wait3A_2202 = arith.constant 0 : i32
        %dma_wait3A_2203 = arith.constant 0 : i32
        %dma_wait3A_2204 = arith.constant 0 : i32
        %dma_wait3A_2205 = tpu.memref_slice %arg16[%dma_wait3A_2201, %dma_wait3A_2203, %dma_wait3A_2204] : memref<2x200x64xf32, #tpu.memory_space<vmem>> -> memref<1x128x64xf32, #tpu.memory_space<vmem>>
        %dma_wait3A_2206 = tpu.memref_squeeze %dma_wait3A_2205 : memref<1x128x64xf32, #tpu.memory_space<vmem>> -> memref<128x64xf32, #tpu.memory_space<vmem>>
        %dma_wait3A_2207 = arith.constant 0 : i32
        %dma_wait3A_2208 = tpu.memref_slice %arg15[%dma_wait3A_2199, %dma_wait3A_2200, %dma_wait3A_2207] : memref<2x10x200xi32, #tpu.memory_space<vmem>> -> memref<1x1x128xi32, #tpu.memory_space<vmem>>
        %dma_wait3A_2209 = tpu.memref_squeeze %dma_wait3A_2208 : memref<1x1x128xi32, #tpu.memory_space<vmem>> -> memref<128xi32, #tpu.memory_space<vmem>>
        %dma_wait3A_2210 = arith.constant 0 : i32
        %dma_wait3A_2211 = arith.constant 0 : i32
        %dma_wait3A_2212 = tpu.memref_slice %arg13[%add3A, %dma_wait3A_2210, %dma_wait3A_2211] : memref<32x8512x64xf32, #tpu.memory_space<hbm>> -> memref<1x8512x64xf32, #tpu.memory_space<hbm>>
        %dma_wait3A_2213 = tpu.memref_squeeze %dma_wait3A_2212 : memref<1x8512x64xf32, #tpu.memory_space<hbm>> -> memref<8512x64xf32, #tpu.memory_space<hbm>>
        %dma_wait3A_2214 = arith.constant 0 : i32
        %dma_wait3A_2215 = arith.constant 0 : i32
        %dma_wait3A_2216 = tpu.memref_slice %dma_wait3A_2213[%dma_wait3A_2214, %dma_wait3A_2215] : memref<8512x64xf32, #tpu.memory_space<hbm>> -> memref<8512x64xf32, #tpu.memory_space<hbm>>
        %dma_wait3A_2217 = tpu.memref_slice %arg18[%dma_wait3A_2202] : memref<2x!tpu.dma_semaphore, #tpu.memory_space<semaphore_mem>> -> memref<1x!tpu.dma_semaphore, #tpu.memory_space<semaphore_mem>>
        %dma_wait3A_2218 = tpu.memref_squeeze %dma_wait3A_2217 : memref<1x!tpu.dma_semaphore, #tpu.memory_space<semaphore_mem>> -> memref<!tpu.dma_semaphore, #tpu.memory_space<semaphore_mem>>
        tpu.wait_indirect_dma semaphore(%dma_wait3A_2218 : memref<!tpu.dma_semaphore, #tpu.memory_space<semaphore_mem>>) src(%dma_wait3A_2216 : memref<8512x64xf32, #tpu.memory_space<hbm>>) dst(%dma_wait3A_2206 : memref<128x64xf32, #tpu.memory_space<vmem>>)
        %dma_wait3A_2219 = arith.constant 0 : i32
        %dma_wait3A_2220 = arith.constant 7 : i32
        %dma_wait3A_2221 = arith.constant 0 : i32
        %dma_wait3A_2222 = arith.constant 0 : i32
        %dma_wait3A_2223 = arith.constant 0 : i32
        %dma_wait3A_2224 = arith.constant 0 : i32
        %dma_wait3A_2225 = tpu.memref_slice %arg16[%dma_wait3A_2221, %dma_wait3A_2223, %dma_wait3A_2224] : memref<2x200x64xf32, #tpu.memory_space<vmem>> -> memref<1x128x64xf32, #tpu.memory_space<vmem>>
        %dma_wait3A_2226 = tpu.memref_squeeze %dma_wait3A_2225 : memref<1x128x64xf32, #tpu.memory_space<vmem>> -> memref<128x64xf32, #tpu.memory_space<vmem>>
        %dma_wait3A_2227 = arith.constant 0 : i32
        %dma_wait3A_2228 = tpu.memref_slice %arg15[%dma_wait3A_2219, %dma_wait3A_2220, %dma_wait3A_2227] : memref<2x10x200xi32, #tpu.memory_space<vmem>> -> memref<1x1x128xi32, #tpu.memory_space<vmem>>
        %dma_wait3A_2229 = tpu.memref_squeeze %dma_wait3A_2228 : memref<1x1x128xi32, #tpu.memory_space<vmem>> -> memref<128xi32, #tpu.memory_space<vmem>>
        %dma_wait3A_2230 = arith.constant 0 : i32
        %dma_wait3A_2231 = arith.constant 0 : i32
        %dma_wait3A_2232 = tpu.memref_slice %arg13[%add3A, %dma_wait3A_2230, %dma_wait3A_2231] : memref<32x8512x64xf32, #tpu.memory_space<hbm>> -> memref<1x8512x64xf32, #tpu.memory_space<hbm>>
        %dma_wait3A_2233 = tpu.memref_squeeze %dma_wait3A_2232 : memref<1x8512x64xf32, #tpu.memory_space<hbm>> -> memref<8512x64xf32, #tpu.memory_space<hbm>>
        %dma_wait3A_2234 = arith.constant 0 : i32
        %dma_wait3A_2235 = arith.constant 0 : i32
        %dma_wait3A_2236 = tpu.memref_slice %dma_wait3A_2233[%dma_wait3A_2234, %dma_wait3A_2235] : memref<8512x64xf32, #tpu.memory_space<hbm>> -> memref<8512x64xf32, #tpu.memory_space<hbm>>
        %dma_wait3A_2237 = tpu.memref_slice %arg18[%dma_wait3A_2222] : memref<2x!tpu.dma_semaphore, #tpu.memory_space<semaphore_mem>> -> memref<1x!tpu.dma_semaphore, #tpu.memory_space<semaphore_mem>>
        %dma_wait3A_2238 = tpu.memref_squeeze %dma_wait3A_2237 : memref<1x!tpu.dma_semaphore, #tpu.memory_space<semaphore_mem>> -> memref<!tpu.dma_semaphore, #tpu.memory_space<semaphore_mem>>
        tpu.wait_indirect_dma semaphore(%dma_wait3A_2238 : memref<!tpu.dma_semaphore, #tpu.memory_space<semaphore_mem>>) src(%dma_wait3A_2236 : memref<8512x64xf32, #tpu.memory_space<hbm>>) dst(%dma_wait3A_2226 : memref<128x64xf32, #tpu.memory_space<vmem>>)
        %dma_wait3A_2239 = arith.constant 0 : i32
        %dma_wait3A_2240 = arith.constant 8 : i32
        %dma_wait3A_2241 = arith.constant 0 : i32
        %dma_wait3A_2242 = arith.constant 0 : i32
        %dma_wait3A_2243 = arith.constant 0 : i32
        %dma_wait3A_2244 = arith.constant 0 : i32
        %dma_wait3A_2245 = tpu.memref_slice %arg16[%dma_wait3A_2241, %dma_wait3A_2243, %dma_wait3A_2244] : memref<2x200x64xf32, #tpu.memory_space<vmem>> -> memref<1x128x64xf32, #tpu.memory_space<vmem>>
        %dma_wait3A_2246 = tpu.memref_squeeze %dma_wait3A_2245 : memref<1x128x64xf32, #tpu.memory_space<vmem>> -> memref<128x64xf32, #tpu.memory_space<vmem>>
        %dma_wait3A_2247 = arith.constant 0 : i32
        %dma_wait3A_2248 = tpu.memref_slice %arg15[%dma_wait3A_2239, %dma_wait3A_2240, %dma_wait3A_2247] : memref<2x10x200xi32, #tpu.memory_space<vmem>> -> memref<1x1x128xi32, #tpu.memory_space<vmem>>
        %dma_wait3A_2249 = tpu.memref_squeeze %dma_wait3A_2248 : memref<1x1x128xi32, #tpu.memory_space<vmem>> -> memref<128xi32, #tpu.memory_space<vmem>>
        %dma_wait3A_2250 = arith.constant 0 : i32
        %dma_wait3A_2251 = arith.constant 0 : i32
        %dma_wait3A_2252 = tpu.memref_slice %arg13[%add3A, %dma_wait3A_2250, %dma_wait3A_2251] : memref<32x8512x64xf32, #tpu.memory_space<hbm>> -> memref<1x8512x64xf32, #tpu.memory_space<hbm>>
        %dma_wait3A_2253 = tpu.memref_squeeze %dma_wait3A_2252 : memref<1x8512x64xf32, #tpu.memory_space<hbm>> -> memref<8512x64xf32, #tpu.memory_space<hbm>>
        %dma_wait3A_2254 = arith.constant 0 : i32
        %dma_wait3A_2255 = arith.constant 0 : i32
        %dma_wait3A_2256 = tpu.memref_slice %dma_wait3A_2253[%dma_wait3A_2254, %dma_wait3A_2255] : memref<8512x64xf32, #tpu.memory_space<hbm>> -> memref<8512x64xf32, #tpu.memory_space<hbm>>
        %dma_wait3A_2257 = tpu.memref_slice %arg18[%dma_wait3A_2242] : memref<2x!tpu.dma_semaphore, #tpu.memory_space<semaphore_mem>> -> memref<1x!tpu.dma_semaphore, #tpu.memory_space<semaphore_mem>>
        %dma_wait3A_2258 = tpu.memref_squeeze %dma_wait3A_2257 : memref<1x!tpu.dma_semaphore, #tpu.memory_space<semaphore_mem>> -> memref<!tpu.dma_semaphore, #tpu.memory_space<semaphore_mem>>
        tpu.wait_indirect_dma semaphore(%dma_wait3A_2258 : memref<!tpu.dma_semaphore, #tpu.memory_space<semaphore_mem>>) src(%dma_wait3A_2256 : memref<8512x64xf32, #tpu.memory_space<hbm>>) dst(%dma_wait3A_2246 : memref<128x64xf32, #tpu.memory_space<vmem>>)
        %dma_wait3A_2259 = arith.constant 0 : i32
        %dma_wait3A_2260 = arith.constant 9 : i32
        %dma_wait3A_2261 = arith.constant 0 : i32
        %dma_wait3A_2262 = arith.constant 0 : i32
        %dma_wait3A_2263 = arith.constant 0 : i32
        %dma_wait3A_2264 = arith.constant 0 : i32
        %dma_wait3A_2265 = tpu.memref_slice %arg16[%dma_wait3A_2261, %dma_wait3A_2263, %dma_wait3A_2264] : memref<2x200x64xf32, #tpu.memory_space<vmem>> -> memref<1x128x64xf32, #tpu.memory_space<vmem>>
        %dma_wait3A_2266 = tpu.memref_squeeze %dma_wait3A_2265 : memref<1x128x64xf32, #tpu.memory_space<vmem>> -> memref<128x64xf32, #tpu.memory_space<vmem>>
        %dma_wait3A_2267 = arith.constant 0 : i32
        %dma_wait3A_2268 = tpu.memref_slice %arg15[%dma_wait3A_2259, %dma_wait3A_2260, %dma_wait3A_2267] : memref<2x10x200xi32, #tpu.memory_space<vmem>> -> memref<1x1x128xi32, #tpu.memory_space<vmem>>
        %dma_wait3A_2269 = tpu.memref_squeeze %dma_wait3A_2268 : memref<1x1x128xi32, #tpu.memory_space<vmem>> -> memref<128xi32, #tpu.memory_space<vmem>>
        %dma_wait3A_2270 = arith.constant 0 : i32
        %dma_wait3A_2271 = arith.constant 0 : i32
        %dma_wait3A_2272 = tpu.memref_slice %arg13[%add3A, %dma_wait3A_2270, %dma_wait3A_2271] : memref<32x8512x64xf32, #tpu.memory_space<hbm>> -> memref<1x8512x64xf32, #tpu.memory_space<hbm>>
        %dma_wait3A_2273 = tpu.memref_squeeze %dma_wait3A_2272 : memref<1x8512x64xf32, #tpu.memory_space<hbm>> -> memref<8512x64xf32, #tpu.memory_space<hbm>>
        %dma_wait3A_2274 = arith.constant 0 : i32
        %dma_wait3A_2275 = arith.constant 0 : i32
        %dma_wait3A_2276 = tpu.memref_slice %dma_wait3A_2273[%dma_wait3A_2274, %dma_wait3A_2275] : memref<8512x64xf32, #tpu.memory_space<hbm>> -> memref<8512x64xf32, #tpu.memory_space<hbm>>
        %dma_wait3A_2277 = tpu.memref_slice %arg18[%dma_wait3A_2262] : memref<2x!tpu.dma_semaphore, #tpu.memory_space<semaphore_mem>> -> memref<1x!tpu.dma_semaphore, #tpu.memory_space<semaphore_mem>>
        %dma_wait3A_2278 = tpu.memref_squeeze %dma_wait3A_2277 : memref<1x!tpu.dma_semaphore, #tpu.memory_space<semaphore_mem>> -> memref<!tpu.dma_semaphore, #tpu.memory_space<semaphore_mem>>
        tpu.wait_indirect_dma semaphore(%dma_wait3A_2278 : memref<!tpu.dma_semaphore, #tpu.memory_space<semaphore_mem>>) src(%dma_wait3A_2276 : memref<8512x64xf32, #tpu.memory_space<hbm>>) dst(%dma_wait3A_2266 : memref<128x64xf32, #tpu.memory_space<vmem>>)
        %dma_wait3A_2279 = arith.constant 0 : i32
        %dma_wait3A_2280 = arith.constant 0 : i32
        %dma_wait3A_2281 = arith.constant 0 : i32
        %dma_wait3A_2282 = arith.constant 0 : i32
        %dma_wait3A_2283 = arith.constant 128 : i32
        %dma_wait3A_2284 = arith.constant 0 : i32
        %dma_wait3A_2285 = tpu.memref_slice %arg16[%dma_wait3A_2281, %dma_wait3A_2283, %dma_wait3A_2284] : memref<2x200x64xf32, #tpu.memory_space<vmem>> -> memref<1x72x64xf32, #tpu.memory_space<vmem>>
        %dma_wait3A_2286 = tpu.memref_squeeze %dma_wait3A_2285 : memref<1x72x64xf32, #tpu.memory_space<vmem>> -> memref<72x64xf32, #tpu.memory_space<vmem>>
        %dma_wait3A_2287 = arith.constant 128 : i32
        %dma_wait3A_2288 = tpu.memref_slice %arg15[%dma_wait3A_2279, %dma_wait3A_2280, %dma_wait3A_2287] : memref<2x10x200xi32, #tpu.memory_space<vmem>> -> memref<1x1x72xi32, #tpu.memory_space<vmem>>
        %dma_wait3A_2289 = tpu.memref_squeeze %dma_wait3A_2288 : memref<1x1x72xi32, #tpu.memory_space<vmem>> -> memref<72xi32, #tpu.memory_space<vmem>>
        %dma_wait3A_2290 = arith.constant 0 : i32
        %dma_wait3A_2291 = arith.constant 0 : i32
        %dma_wait3A_2292 = tpu.memref_slice %arg12[%dma_wait3A_2290, %dma_wait3A_2291] : memref<64001x64xf32, #tpu.memory_space<hbm>> -> memref<64001x64xf32, #tpu.memory_space<hbm>>
        %dma_wait3A_2293 = tpu.memref_slice %arg18[%dma_wait3A_2282] : memref<2x!tpu.dma_semaphore, #tpu.memory_space<semaphore_mem>> -> memref<1x!tpu.dma_semaphore, #tpu.memory_space<semaphore_mem>>
        %dma_wait3A_2294 = tpu.memref_squeeze %dma_wait3A_2293 : memref<1x!tpu.dma_semaphore, #tpu.memory_space<semaphore_mem>> -> memref<!tpu.dma_semaphore, #tpu.memory_space<semaphore_mem>>
        tpu.wait_indirect_dma semaphore(%dma_wait3A_2294 : memref<!tpu.dma_semaphore, #tpu.memory_space<semaphore_mem>>) src(%dma_wait3A_2292 : memref<64001x64xf32, #tpu.memory_space<hbm>>) dst(%dma_wait3A_2286 : memref<72x64xf32, #tpu.memory_space<vmem>>)
        %dma_wait3A_2295 = arith.constant 0 : i32
        %dma_wait3A_2296 = arith.constant 1 : i32
        %dma_wait3A_2297 = arith.constant 0 : i32
        %dma_wait3A_2298 = arith.constant 0 : i32
        %dma_wait3A_2299 = arith.constant 128 : i32
        %dma_wait3A_2300 = arith.constant 0 : i32
        %dma_wait3A_2301 = tpu.memref_slice %arg16[%dma_wait3A_2297, %dma_wait3A_2299, %dma_wait3A_2300] : memref<2x200x64xf32, #tpu.memory_space<vmem>> -> memref<1x72x64xf32, #tpu.memory_space<vmem>>
        %dma_wait3A_2302 = tpu.memref_squeeze %dma_wait3A_2301 : memref<1x72x64xf32, #tpu.memory_space<vmem>> -> memref<72x64xf32, #tpu.memory_space<vmem>>
        %dma_wait3A_2303 = arith.constant 128 : i32
        %dma_wait3A_2304 = tpu.memref_slice %arg15[%dma_wait3A_2295, %dma_wait3A_2296, %dma_wait3A_2303] : memref<2x10x200xi32, #tpu.memory_space<vmem>> -> memref<1x1x72xi32, #tpu.memory_space<vmem>>
        %dma_wait3A_2305 = tpu.memref_squeeze %dma_wait3A_2304 : memref<1x1x72xi32, #tpu.memory_space<vmem>> -> memref<72xi32, #tpu.memory_space<vmem>>
        %dma_wait3A_2306 = arith.constant 0 : i32
        %dma_wait3A_2307 = arith.constant 0 : i32
        %dma_wait3A_2308 = tpu.memref_slice %arg13[%add3A, %dma_wait3A_2306, %dma_wait3A_2307] : memref<32x8512x64xf32, #tpu.memory_space<hbm>> -> memref<1x8512x64xf32, #tpu.memory_space<hbm>>
        %dma_wait3A_2309 = tpu.memref_squeeze %dma_wait3A_2308 : memref<1x8512x64xf32, #tpu.memory_space<hbm>> -> memref<8512x64xf32, #tpu.memory_space<hbm>>
        %dma_wait3A_2310 = arith.constant 0 : i32
        %dma_wait3A_2311 = arith.constant 0 : i32
        %dma_wait3A_2312 = tpu.memref_slice %dma_wait3A_2309[%dma_wait3A_2310, %dma_wait3A_2311] : memref<8512x64xf32, #tpu.memory_space<hbm>> -> memref<8512x64xf32, #tpu.memory_space<hbm>>
        %dma_wait3A_2313 = tpu.memref_slice %arg18[%dma_wait3A_2298] : memref<2x!tpu.dma_semaphore, #tpu.memory_space<semaphore_mem>> -> memref<1x!tpu.dma_semaphore, #tpu.memory_space<semaphore_mem>>
        %dma_wait3A_2314 = tpu.memref_squeeze %dma_wait3A_2313 : memref<1x!tpu.dma_semaphore, #tpu.memory_space<semaphore_mem>> -> memref<!tpu.dma_semaphore, #tpu.memory_space<semaphore_mem>>
        tpu.wait_indirect_dma semaphore(%dma_wait3A_2314 : memref<!tpu.dma_semaphore, #tpu.memory_space<semaphore_mem>>) src(%dma_wait3A_2312 : memref<8512x64xf32, #tpu.memory_space<hbm>>) dst(%dma_wait3A_2302 : memref<72x64xf32, #tpu.memory_space<vmem>>)
        %dma_wait3A_2315 = arith.constant 0 : i32
        %dma_wait3A_2316 = arith.constant 2 : i32
        %dma_wait3A_2317 = arith.constant 0 : i32
        %dma_wait3A_2318 = arith.constant 0 : i32
        %dma_wait3A_2319 = arith.constant 128 : i32
        %dma_wait3A_2320 = arith.constant 0 : i32
        %dma_wait3A_2321 = tpu.memref_slice %arg16[%dma_wait3A_2317, %dma_wait3A_2319, %dma_wait3A_2320] : memref<2x200x64xf32, #tpu.memory_space<vmem>> -> memref<1x72x64xf32, #tpu.memory_space<vmem>>
        %dma_wait3A_2322 = tpu.memref_squeeze %dma_wait3A_2321 : memref<1x72x64xf32, #tpu.memory_space<vmem>> -> memref<72x64xf32, #tpu.memory_space<vmem>>
        %dma_wait3A_2323 = arith.constant 128 : i32
        %dma_wait3A_2324 = tpu.memref_slice %arg15[%dma_wait3A_2315, %dma_wait3A_2316, %dma_wait3A_2323] : memref<2x10x200xi32, #tpu.memory_space<vmem>> -> memref<1x1x72xi32, #tpu.memory_space<vmem>>
        %dma_wait3A_2325 = tpu.memref_squeeze %dma_wait3A_2324 : memref<1x1x72xi32, #tpu.memory_space<vmem>> -> memref<72xi32, #tpu.memory_space<vmem>>
        %dma_wait3A_2326 = arith.constant 0 : i32
        %dma_wait3A_2327 = arith.constant 0 : i32
        %dma_wait3A_2328 = tpu.memref_slice %arg13[%add3A, %dma_wait3A_2326, %dma_wait3A_2327] : memref<32x8512x64xf32, #tpu.memory_space<hbm>> -> memref<1x8512x64xf32, #tpu.memory_space<hbm>>
        %dma_wait3A_2329 = tpu.memref_squeeze %dma_wait3A_2328 : memref<1x8512x64xf32, #tpu.memory_space<hbm>> -> memref<8512x64xf32, #tpu.memory_space<hbm>>
        %dma_wait3A_2330 = arith.constant 0 : i32
        %dma_wait3A_2331 = arith.constant 0 : i32
        %dma_wait3A_2332 = tpu.memref_slice %dma_wait3A_2329[%dma_wait3A_2330, %dma_wait3A_2331] : memref<8512x64xf32, #tpu.memory_space<hbm>> -> memref<8512x64xf32, #tpu.memory_space<hbm>>
        %dma_wait3A_2333 = tpu.memref_slice %arg18[%dma_wait3A_2318] : memref<2x!tpu.dma_semaphore, #tpu.memory_space<semaphore_mem>> -> memref<1x!tpu.dma_semaphore, #tpu.memory_space<semaphore_mem>>
        %dma_wait3A_2334 = tpu.memref_squeeze %dma_wait3A_2333 : memref<1x!tpu.dma_semaphore, #tpu.memory_space<semaphore_mem>> -> memref<!tpu.dma_semaphore, #tpu.memory_space<semaphore_mem>>
        tpu.wait_indirect_dma semaphore(%dma_wait3A_2334 : memref<!tpu.dma_semaphore, #tpu.memory_space<semaphore_mem>>) src(%dma_wait3A_2332 : memref<8512x64xf32, #tpu.memory_space<hbm>>) dst(%dma_wait3A_2322 : memref<72x64xf32, #tpu.memory_space<vmem>>)
        %dma_wait3A_2335 = arith.constant 0 : i32
        %dma_wait3A_2336 = arith.constant 3 : i32
        %dma_wait3A_2337 = arith.constant 0 : i32
        %dma_wait3A_2338 = arith.constant 0 : i32
        %dma_wait3A_2339 = arith.constant 128 : i32
        %dma_wait3A_2340 = arith.constant 0 : i32
        %dma_wait3A_2341 = tpu.memref_slice %arg16[%dma_wait3A_2337, %dma_wait3A_2339, %dma_wait3A_2340] : memref<2x200x64xf32, #tpu.memory_space<vmem>> -> memref<1x72x64xf32, #tpu.memory_space<vmem>>
        %dma_wait3A_2342 = tpu.memref_squeeze %dma_wait3A_2341 : memref<1x72x64xf32, #tpu.memory_space<vmem>> -> memref<72x64xf32, #tpu.memory_space<vmem>>
        %dma_wait3A_2343 = arith.constant 128 : i32
        %dma_wait3A_2344 = tpu.memref_slice %arg15[%dma_wait3A_2335, %dma_wait3A_2336, %dma_wait3A_2343] : memref<2x10x200xi32, #tpu.memory_space<vmem>> -> memref<1x1x72xi32, #tpu.memory_space<vmem>>
        %dma_wait3A_2345 = tpu.memref_squeeze %dma_wait3A_2344 : memref<1x1x72xi32, #tpu.memory_space<vmem>> -> memref<72xi32, #tpu.memory_space<vmem>>
        %dma_wait3A_2346 = arith.constant 0 : i32
        %dma_wait3A_2347 = arith.constant 0 : i32
        %dma_wait3A_2348 = tpu.memref_slice %arg13[%add3A, %dma_wait3A_2346, %dma_wait3A_2347] : memref<32x8512x64xf32, #tpu.memory_space<hbm>> -> memref<1x8512x64xf32, #tpu.memory_space<hbm>>
        %dma_wait3A_2349 = tpu.memref_squeeze %dma_wait3A_2348 : memref<1x8512x64xf32, #tpu.memory_space<hbm>> -> memref<8512x64xf32, #tpu.memory_space<hbm>>
        %dma_wait3A_2350 = arith.constant 0 : i32
        %dma_wait3A_2351 = arith.constant 0 : i32
        %dma_wait3A_2352 = tpu.memref_slice %dma_wait3A_2349[%dma_wait3A_2350, %dma_wait3A_2351] : memref<8512x64xf32, #tpu.memory_space<hbm>> -> memref<8512x64xf32, #tpu.memory_space<hbm>>
        %dma_wait3A_2353 = tpu.memref_slice %arg18[%dma_wait3A_2338] : memref<2x!tpu.dma_semaphore, #tpu.memory_space<semaphore_mem>> -> memref<1x!tpu.dma_semaphore, #tpu.memory_space<semaphore_mem>>
        %dma_wait3A_2354 = tpu.memref_squeeze %dma_wait3A_2353 : memref<1x!tpu.dma_semaphore, #tpu.memory_space<semaphore_mem>> -> memref<!tpu.dma_semaphore, #tpu.memory_space<semaphore_mem>>
        tpu.wait_indirect_dma semaphore(%dma_wait3A_2354 : memref<!tpu.dma_semaphore, #tpu.memory_space<semaphore_mem>>) src(%dma_wait3A_2352 : memref<8512x64xf32, #tpu.memory_space<hbm>>) dst(%dma_wait3A_2342 : memref<72x64xf32, #tpu.memory_space<vmem>>)
        %dma_wait3A_2355 = arith.constant 0 : i32
        %dma_wait3A_2356 = arith.constant 4 : i32
        %dma_wait3A_2357 = arith.constant 0 : i32
        %dma_wait3A_2358 = arith.constant 0 : i32
        %dma_wait3A_2359 = arith.constant 128 : i32
        %dma_wait3A_2360 = arith.constant 0 : i32
        %dma_wait3A_2361 = tpu.memref_slice %arg16[%dma_wait3A_2357, %dma_wait3A_2359, %dma_wait3A_2360] : memref<2x200x64xf32, #tpu.memory_space<vmem>> -> memref<1x72x64xf32, #tpu.memory_space<vmem>>
        %dma_wait3A_2362 = tpu.memref_squeeze %dma_wait3A_2361 : memref<1x72x64xf32, #tpu.memory_space<vmem>> -> memref<72x64xf32, #tpu.memory_space<vmem>>
        %dma_wait3A_2363 = arith.constant 128 : i32
        %dma_wait3A_2364 = tpu.memref_slice %arg15[%dma_wait3A_2355, %dma_wait3A_2356, %dma_wait3A_2363] : memref<2x10x200xi32, #tpu.memory_space<vmem>> -> memref<1x1x72xi32, #tpu.memory_space<vmem>>
        %dma_wait3A_2365 = tpu.memref_squeeze %dma_wait3A_2364 : memref<1x1x72xi32, #tpu.memory_space<vmem>> -> memref<72xi32, #tpu.memory_space<vmem>>
        %dma_wait3A_2366 = arith.constant 0 : i32
        %dma_wait3A_2367 = arith.constant 0 : i32
        %dma_wait3A_2368 = tpu.memref_slice %arg13[%add3A, %dma_wait3A_2366, %dma_wait3A_2367] : memref<32x8512x64xf32, #tpu.memory_space<hbm>> -> memref<1x8512x64xf32, #tpu.memory_space<hbm>>
        %dma_wait3A_2369 = tpu.memref_squeeze %dma_wait3A_2368 : memref<1x8512x64xf32, #tpu.memory_space<hbm>> -> memref<8512x64xf32, #tpu.memory_space<hbm>>
        %dma_wait3A_2370 = arith.constant 0 : i32
        %dma_wait3A_2371 = arith.constant 0 : i32
        %dma_wait3A_2372 = tpu.memref_slice %dma_wait3A_2369[%dma_wait3A_2370, %dma_wait3A_2371] : memref<8512x64xf32, #tpu.memory_space<hbm>> -> memref<8512x64xf32, #tpu.memory_space<hbm>>
        %dma_wait3A_2373 = tpu.memref_slice %arg18[%dma_wait3A_2358] : memref<2x!tpu.dma_semaphore, #tpu.memory_space<semaphore_mem>> -> memref<1x!tpu.dma_semaphore, #tpu.memory_space<semaphore_mem>>
        %dma_wait3A_2374 = tpu.memref_squeeze %dma_wait3A_2373 : memref<1x!tpu.dma_semaphore, #tpu.memory_space<semaphore_mem>> -> memref<!tpu.dma_semaphore, #tpu.memory_space<semaphore_mem>>
        tpu.wait_indirect_dma semaphore(%dma_wait3A_2374 : memref<!tpu.dma_semaphore, #tpu.memory_space<semaphore_mem>>) src(%dma_wait3A_2372 : memref<8512x64xf32, #tpu.memory_space<hbm>>) dst(%dma_wait3A_2362 : memref<72x64xf32, #tpu.memory_space<vmem>>)
        %dma_wait3A_2375 = arith.constant 0 : i32
        %dma_wait3A_2376 = arith.constant 5 : i32
        %dma_wait3A_2377 = arith.constant 0 : i32
        %dma_wait3A_2378 = arith.constant 0 : i32
        %dma_wait3A_2379 = arith.constant 128 : i32
        %dma_wait3A_2380 = arith.constant 0 : i32
        %dma_wait3A_2381 = tpu.memref_slice %arg16[%dma_wait3A_2377, %dma_wait3A_2379, %dma_wait3A_2380] : memref<2x200x64xf32, #tpu.memory_space<vmem>> -> memref<1x72x64xf32, #tpu.memory_space<vmem>>
        %dma_wait3A_2382 = tpu.memref_squeeze %dma_wait3A_2381 : memref<1x72x64xf32, #tpu.memory_space<vmem>> -> memref<72x64xf32, #tpu.memory_space<vmem>>
        %dma_wait3A_2383 = arith.constant 128 : i32
        %dma_wait3A_2384 = tpu.memref_slice %arg15[%dma_wait3A_2375, %dma_wait3A_2376, %dma_wait3A_2383] : memref<2x10x200xi32, #tpu.memory_space<vmem>> -> memref<1x1x72xi32, #tpu.memory_space<vmem>>
        %dma_wait3A_2385 = tpu.memref_squeeze %dma_wait3A_2384 : memref<1x1x72xi32, #tpu.memory_space<vmem>> -> memref<72xi32, #tpu.memory_space<vmem>>
        %dma_wait3A_2386 = arith.constant 0 : i32
        %dma_wait3A_2387 = arith.constant 0 : i32
        %dma_wait3A_2388 = tpu.memref_slice %arg13[%add3A, %dma_wait3A_2386, %dma_wait3A_2387] : memref<32x8512x64xf32, #tpu.memory_space<hbm>> -> memref<1x8512x64xf32, #tpu.memory_space<hbm>>
        %dma_wait3A_2389 = tpu.memref_squeeze %dma_wait3A_2388 : memref<1x8512x64xf32, #tpu.memory_space<hbm>> -> memref<8512x64xf32, #tpu.memory_space<hbm>>
        %dma_wait3A_2390 = arith.constant 0 : i32
        %dma_wait3A_2391 = arith.constant 0 : i32
        %dma_wait3A_2392 = tpu.memref_slice %dma_wait3A_2389[%dma_wait3A_2390, %dma_wait3A_2391] : memref<8512x64xf32, #tpu.memory_space<hbm>> -> memref<8512x64xf32, #tpu.memory_space<hbm>>
        %dma_wait3A_2393 = tpu.memref_slice %arg18[%dma_wait3A_2378] : memref<2x!tpu.dma_semaphore, #tpu.memory_space<semaphore_mem>> -> memref<1x!tpu.dma_semaphore, #tpu.memory_space<semaphore_mem>>
        %dma_wait3A_2394 = tpu.memref_squeeze %dma_wait3A_2393 : memref<1x!tpu.dma_semaphore, #tpu.memory_space<semaphore_mem>> -> memref<!tpu.dma_semaphore, #tpu.memory_space<semaphore_mem>>
        tpu.wait_indirect_dma semaphore(%dma_wait3A_2394 : memref<!tpu.dma_semaphore, #tpu.memory_space<semaphore_mem>>) src(%dma_wait3A_2392 : memref<8512x64xf32, #tpu.memory_space<hbm>>) dst(%dma_wait3A_2382 : memref<72x64xf32, #tpu.memory_space<vmem>>)
        %dma_wait3A_2395 = arith.constant 0 : i32
        %dma_wait3A_2396 = arith.constant 6 : i32
        %dma_wait3A_2397 = arith.constant 0 : i32
        %dma_wait3A_2398 = arith.constant 0 : i32
        %dma_wait3A_2399 = arith.constant 128 : i32
        %dma_wait3A_2400 = arith.constant 0 : i32
        %dma_wait3A_2401 = tpu.memref_slice %arg16[%dma_wait3A_2397, %dma_wait3A_2399, %dma_wait3A_2400] : memref<2x200x64xf32, #tpu.memory_space<vmem>> -> memref<1x72x64xf32, #tpu.memory_space<vmem>>
        %dma_wait3A_2402 = tpu.memref_squeeze %dma_wait3A_2401 : memref<1x72x64xf32, #tpu.memory_space<vmem>> -> memref<72x64xf32, #tpu.memory_space<vmem>>
        %dma_wait3A_2403 = arith.constant 128 : i32
        %dma_wait3A_2404 = tpu.memref_slice %arg15[%dma_wait3A_2395, %dma_wait3A_2396, %dma_wait3A_2403] : memref<2x10x200xi32, #tpu.memory_space<vmem>> -> memref<1x1x72xi32, #tpu.memory_space<vmem>>
        %dma_wait3A_2405 = tpu.memref_squeeze %dma_wait3A_2404 : memref<1x1x72xi32, #tpu.memory_space<vmem>> -> memref<72xi32, #tpu.memory_space<vmem>>
        %dma_wait3A_2406 = arith.constant 0 : i32
        %dma_wait3A_2407 = arith.constant 0 : i32
        %dma_wait3A_2408 = tpu.memref_slice %arg13[%add3A, %dma_wait3A_2406, %dma_wait3A_2407] : memref<32x8512x64xf32, #tpu.memory_space<hbm>> -> memref<1x8512x64xf32, #tpu.memory_space<hbm>>
        %dma_wait3A_2409 = tpu.memref_squeeze %dma_wait3A_2408 : memref<1x8512x64xf32, #tpu.memory_space<hbm>> -> memref<8512x64xf32, #tpu.memory_space<hbm>>
        %dma_wait3A_2410 = arith.constant 0 : i32
        %dma_wait3A_2411 = arith.constant 0 : i32
        %dma_wait3A_2412 = tpu.memref_slice %dma_wait3A_2409[%dma_wait3A_2410, %dma_wait3A_2411] : memref<8512x64xf32, #tpu.memory_space<hbm>> -> memref<8512x64xf32, #tpu.memory_space<hbm>>
        %dma_wait3A_2413 = tpu.memref_slice %arg18[%dma_wait3A_2398] : memref<2x!tpu.dma_semaphore, #tpu.memory_space<semaphore_mem>> -> memref<1x!tpu.dma_semaphore, #tpu.memory_space<semaphore_mem>>
        %dma_wait3A_2414 = tpu.memref_squeeze %dma_wait3A_2413 : memref<1x!tpu.dma_semaphore, #tpu.memory_space<semaphore_mem>> -> memref<!tpu.dma_semaphore, #tpu.memory_space<semaphore_mem>>
        tpu.wait_indirect_dma semaphore(%dma_wait3A_2414 : memref<!tpu.dma_semaphore, #tpu.memory_space<semaphore_mem>>) src(%dma_wait3A_2412 : memref<8512x64xf32, #tpu.memory_space<hbm>>) dst(%dma_wait3A_2402 : memref<72x64xf32, #tpu.memory_space<vmem>>)
        %dma_wait3A_2415 = arith.constant 0 : i32
        %dma_wait3A_2416 = arith.constant 7 : i32
        %dma_wait3A_2417 = arith.constant 0 : i32
        %dma_wait3A_2418 = arith.constant 0 : i32
        %dma_wait3A_2419 = arith.constant 128 : i32
        %dma_wait3A_2420 = arith.constant 0 : i32
        %dma_wait3A_2421 = tpu.memref_slice %arg16[%dma_wait3A_2417, %dma_wait3A_2419, %dma_wait3A_2420] : memref<2x200x64xf32, #tpu.memory_space<vmem>> -> memref<1x72x64xf32, #tpu.memory_space<vmem>>
        %dma_wait3A_2422 = tpu.memref_squeeze %dma_wait3A_2421 : memref<1x72x64xf32, #tpu.memory_space<vmem>> -> memref<72x64xf32, #tpu.memory_space<vmem>>
        %dma_wait3A_2423 = arith.constant 128 : i32
        %dma_wait3A_2424 = tpu.memref_slice %arg15[%dma_wait3A_2415, %dma_wait3A_2416, %dma_wait3A_2423] : memref<2x10x200xi32, #tpu.memory_space<vmem>> -> memref<1x1x72xi32, #tpu.memory_space<vmem>>
        %dma_wait3A_2425 = tpu.memref_squeeze %dma_wait3A_2424 : memref<1x1x72xi32, #tpu.memory_space<vmem>> -> memref<72xi32, #tpu.memory_space<vmem>>
        %dma_wait3A_2426 = arith.constant 0 : i32
        %dma_wait3A_2427 = arith.constant 0 : i32
        %dma_wait3A_2428 = tpu.memref_slice %arg13[%add3A, %dma_wait3A_2426, %dma_wait3A_2427] : memref<32x8512x64xf32, #tpu.memory_space<hbm>> -> memref<1x8512x64xf32, #tpu.memory_space<hbm>>
        %dma_wait3A_2429 = tpu.memref_squeeze %dma_wait3A_2428 : memref<1x8512x64xf32, #tpu.memory_space<hbm>> -> memref<8512x64xf32, #tpu.memory_space<hbm>>
        %dma_wait3A_2430 = arith.constant 0 : i32
        %dma_wait3A_2431 = arith.constant 0 : i32
        %dma_wait3A_2432 = tpu.memref_slice %dma_wait3A_2429[%dma_wait3A_2430, %dma_wait3A_2431] : memref<8512x64xf32, #tpu.memory_space<hbm>> -> memref<8512x64xf32, #tpu.memory_space<hbm>>
        %dma_wait3A_2433 = tpu.memref_slice %arg18[%dma_wait3A_2418] : memref<2x!tpu.dma_semaphore, #tpu.memory_space<semaphore_mem>> -> memref<1x!tpu.dma_semaphore, #tpu.memory_space<semaphore_mem>>
        %dma_wait3A_2434 = tpu.memref_squeeze %dma_wait3A_2433 : memref<1x!tpu.dma_semaphore, #tpu.memory_space<semaphore_mem>> -> memref<!tpu.dma_semaphore, #tpu.memory_space<semaphore_mem>>
        tpu.wait_indirect_dma semaphore(%dma_wait3A_2434 : memref<!tpu.dma_semaphore, #tpu.memory_space<semaphore_mem>>) src(%dma_wait3A_2432 : memref<8512x64xf32, #tpu.memory_space<hbm>>) dst(%dma_wait3A_2422 : memref<72x64xf32, #tpu.memory_space<vmem>>)
        %dma_wait3A_2435 = arith.constant 0 : i32
        %dma_wait3A_2436 = arith.constant 8 : i32
        %dma_wait3A_2437 = arith.constant 0 : i32
        %dma_wait3A_2438 = arith.constant 0 : i32
        %dma_wait3A_2439 = arith.constant 128 : i32
        %dma_wait3A_2440 = arith.constant 0 : i32
        %dma_wait3A_2441 = tpu.memref_slice %arg16[%dma_wait3A_2437, %dma_wait3A_2439, %dma_wait3A_2440] : memref<2x200x64xf32, #tpu.memory_space<vmem>> -> memref<1x72x64xf32, #tpu.memory_space<vmem>>
        %dma_wait3A_2442 = tpu.memref_squeeze %dma_wait3A_2441 : memref<1x72x64xf32, #tpu.memory_space<vmem>> -> memref<72x64xf32, #tpu.memory_space<vmem>>
        %dma_wait3A_2443 = arith.constant 128 : i32
        %dma_wait3A_2444 = tpu.memref_slice %arg15[%dma_wait3A_2435, %dma_wait3A_2436, %dma_wait3A_2443] : memref<2x10x200xi32, #tpu.memory_space<vmem>> -> memref<1x1x72xi32, #tpu.memory_space<vmem>>
        %dma_wait3A_2445 = tpu.memref_squeeze %dma_wait3A_2444 : memref<1x1x72xi32, #tpu.memory_space<vmem>> -> memref<72xi32, #tpu.memory_space<vmem>>
        %dma_wait3A_2446 = arith.constant 0 : i32
        %dma_wait3A_2447 = arith.constant 0 : i32
        %dma_wait3A_2448 = tpu.memref_slice %arg13[%add3A, %dma_wait3A_2446, %dma_wait3A_2447] : memref<32x8512x64xf32, #tpu.memory_space<hbm>> -> memref<1x8512x64xf32, #tpu.memory_space<hbm>>
        %dma_wait3A_2449 = tpu.memref_squeeze %dma_wait3A_2448 : memref<1x8512x64xf32, #tpu.memory_space<hbm>> -> memref<8512x64xf32, #tpu.memory_space<hbm>>
        %dma_wait3A_2450 = arith.constant 0 : i32
        %dma_wait3A_2451 = arith.constant 0 : i32
        %dma_wait3A_2452 = tpu.memref_slice %dma_wait3A_2449[%dma_wait3A_2450, %dma_wait3A_2451] : memref<8512x64xf32, #tpu.memory_space<hbm>> -> memref<8512x64xf32, #tpu.memory_space<hbm>>
        %dma_wait3A_2453 = tpu.memref_slice %arg18[%dma_wait3A_2438] : memref<2x!tpu.dma_semaphore, #tpu.memory_space<semaphore_mem>> -> memref<1x!tpu.dma_semaphore, #tpu.memory_space<semaphore_mem>>
        %dma_wait3A_2454 = tpu.memref_squeeze %dma_wait3A_2453 : memref<1x!tpu.dma_semaphore, #tpu.memory_space<semaphore_mem>> -> memref<!tpu.dma_semaphore, #tpu.memory_space<semaphore_mem>>
        tpu.wait_indirect_dma semaphore(%dma_wait3A_2454 : memref<!tpu.dma_semaphore, #tpu.memory_space<semaphore_mem>>) src(%dma_wait3A_2452 : memref<8512x64xf32, #tpu.memory_space<hbm>>) dst(%dma_wait3A_2442 : memref<72x64xf32, #tpu.memory_space<vmem>>)
        %dma_wait3A_2455 = arith.constant 0 : i32
        %dma_wait3A_2456 = arith.constant 9 : i32
        %dma_wait3A_2457 = arith.constant 0 : i32
        %dma_wait3A_2458 = arith.constant 0 : i32
        %dma_wait3A_2459 = arith.constant 128 : i32
        %dma_wait3A_2460 = arith.constant 0 : i32
        %dma_wait3A_2461 = tpu.memref_slice %arg16[%dma_wait3A_2457, %dma_wait3A_2459, %dma_wait3A_2460] : memref<2x200x64xf32, #tpu.memory_space<vmem>> -> memref<1x72x64xf32, #tpu.memory_space<vmem>>
        %dma_wait3A_2462 = tpu.memref_squeeze %dma_wait3A_2461 : memref<1x72x64xf32, #tpu.memory_space<vmem>> -> memref<72x64xf32, #tpu.memory_space<vmem>>
        %dma_wait3A_2463 = arith.constant 128 : i32
        %dma_wait3A_2464 = tpu.memref_slice %arg15[%dma_wait3A_2455, %dma_wait3A_2456, %dma_wait3A_2463] : memref<2x10x200xi32, #tpu.memory_space<vmem>> -> memref<1x1x72xi32, #tpu.memory_space<vmem>>
        %dma_wait3A_2465 = tpu.memref_squeeze %dma_wait3A_2464 : memref<1x1x72xi32, #tpu.memory_space<vmem>> -> memref<72xi32, #tpu.memory_space<vmem>>
        %dma_wait3A_2466 = arith.constant 0 : i32
        %dma_wait3A_2467 = arith.constant 0 : i32
        %dma_wait3A_2468 = tpu.memref_slice %arg13[%add3A, %dma_wait3A_2466, %dma_wait3A_2467] : memref<32x8512x64xf32, #tpu.memory_space<hbm>> -> memref<1x8512x64xf32, #tpu.memory_space<hbm>>
        %dma_wait3A_2469 = tpu.memref_squeeze %dma_wait3A_2468 : memref<1x8512x64xf32, #tpu.memory_space<hbm>> -> memref<8512x64xf32, #tpu.memory_space<hbm>>
        %dma_wait3A_2470 = arith.constant 0 : i32
        %dma_wait3A_2471 = arith.constant 0 : i32
        %dma_wait3A_2472 = tpu.memref_slice %dma_wait3A_2469[%dma_wait3A_2470, %dma_wait3A_2471] : memref<8512x64xf32, #tpu.memory_space<hbm>> -> memref<8512x64xf32, #tpu.memory_space<hbm>>
        %dma_wait3A_2473 = tpu.memref_slice %arg18[%dma_wait3A_2458] : memref<2x!tpu.dma_semaphore, #tpu.memory_space<semaphore_mem>> -> memref<1x!tpu.dma_semaphore, #tpu.memory_space<semaphore_mem>>
        %dma_wait3A_2474 = tpu.memref_squeeze %dma_wait3A_2473 : memref<1x!tpu.dma_semaphore, #tpu.memory_space<semaphore_mem>> -> memref<!tpu.dma_semaphore, #tpu.memory_space<semaphore_mem>>
        tpu.wait_indirect_dma semaphore(%dma_wait3A_2474 : memref<!tpu.dma_semaphore, #tpu.memory_space<semaphore_mem>>) src(%dma_wait3A_2472 : memref<8512x64xf32, #tpu.memory_space<hbm>>) dst(%dma_wait3A_2462 : memref<72x64xf32, #tpu.memory_space<vmem>>)
        %sub3A = arith.constant 1 : i32
        %sub3A_2475 = arith.subi %add3A_1406, %sub3A : i32
        %mul3A_2476 = arith.constant 32 : i32
        %mul3A_2477 = arith.muli %add3A, %mul3A_2476 : i32
        %add3A_2478 = arith.addi %mul3A_2477, %sub3A_2475 : i32
        %dma_start3A_2479 = arith.constant 0 : i32
        %dma_start3A_2480 = arith.constant 0 : i32
        %dma_start3A_2481 = arith.constant 0 : i32
        %dma_start3A_2482 = arith.constant 0 : i32
        %dma_start3A_2483 = tpu.memref_slice %arg16[%dma_start3A_2479, %dma_start3A_2481, %dma_start3A_2482] : memref<2x200x64xf32, #tpu.memory_space<vmem>> -> memref<1x200x64xf32, #tpu.memory_space<vmem>>
        %dma_start3A_2484 = tpu.memref_squeeze %dma_start3A_2483 : memref<1x200x64xf32, #tpu.memory_space<vmem>> -> memref<200x64xf32, #tpu.memory_space<vmem>>
        %dma_start3A_2485 = arith.constant 0 : i32
        %dma_start3A_2486 = arith.constant 0 : i32
        %dma_start3A_2487 = tpu.memref_slice %arg14[%add3A_2478, %dma_start3A_2485, %dma_start3A_2486] : memref<1024x200x64xf32, #tpu.memory_space<hbm>> -> memref<1x200x64xf32, #tpu.memory_space<hbm>>
        %dma_start3A_2488 = tpu.memref_squeeze %dma_start3A_2487 : memref<1x200x64xf32, #tpu.memory_space<hbm>> -> memref<200x64xf32, #tpu.memory_space<hbm>>
        %dma_start3A_2489 = tpu.memref_slice %arg19[%dma_start3A_2480] : memref<2x!tpu.dma_semaphore, #tpu.memory_space<semaphore_mem>> -> memref<1x!tpu.dma_semaphore, #tpu.memory_space<semaphore_mem>>
        %dma_start3A_2490 = tpu.memref_squeeze %dma_start3A_2489 : memref<1x!tpu.dma_semaphore, #tpu.memory_space<semaphore_mem>> -> memref<!tpu.dma_semaphore, #tpu.memory_space<semaphore_mem>>
        %dma_start3A_2491 = arith.constant 0 : i32
        %dma_start3A_2492 = arith.constant 0 : i32
        %dma_start3A_2493 = tpu.memref_slice %arg14[%add3A_2478, %dma_start3A_2491, %dma_start3A_2492] : memref<1024x200x64xf32, #tpu.memory_space<hbm>> -> memref<1x200x64xf32, #tpu.memory_space<hbm>>
        %dma_start3A_2494 = tpu.memref_squeeze %dma_start3A_2493 : memref<1x200x64xf32, #tpu.memory_space<hbm>> -> memref<200x64xf32, #tpu.memory_space<hbm>>
        %dma_start3A_2495 = arith.constant 0 : i32
        %dma_start3A_2496 = arith.constant 0 : i32
        %dma_start3A_2497 = tpu.memref_slice %arg16[%dma_start3A_2479, %dma_start3A_2495, %dma_start3A_2496] : memref<2x200x64xf32, #tpu.memory_space<vmem>> -> memref<1x200x64xf32, #tpu.memory_space<vmem>>
        %dma_start3A_2498 = tpu.memref_squeeze %dma_start3A_2497 : memref<1x200x64xf32, #tpu.memory_space<vmem>> -> memref<200x64xf32, #tpu.memory_space<vmem>>
        tpu.enqueue_dma source(%dma_start3A_2498 : memref<200x64xf32, #tpu.memory_space<vmem>>) target(%dma_start3A_2494 : memref<200x64xf32, #tpu.memory_space<hbm>>) target_semaphore(%dma_start3A_2490 : memref<!tpu.dma_semaphore, #tpu.memory_space<semaphore_mem>>)
      } else {
      }
      %add3A_1946 = arith.constant 1 : i32
      %add3A_1947 = arith.addi %add3A_1406, %add3A_1946 : i32
      %min3A_1948 = arith.constant 31 : i32
      %min3A_1949 = arith.minsi %add3A_1947, %min3A_1948 : i32
      %mul3A_1950 = arith.constant 200 : i32
      %mul3A_1951 = arith.muli %min3A_1949, %mul3A_1950 : i32
      %add3A_1952 = arith.addi %mul3A_2, %mul3A_1951 : i32
      %dma_start3A_1953 = arith.constant 0 : i32
      %dma_start3A_1954 = arith.constant 0 : i32
      %dma_start3A_1955 = arith.constant 0 : i32
      %dma_start3A_1956 = arith.constant 0 : i32
      %dma_start3A_1957 = tpu.memref_slice %arg15[%dma_start3A_1953, %dma_start3A_1954, %dma_start3A_1956] : memref<2x10x200xi32, #tpu.memory_space<vmem>> -> memref<1x1x200xi32, #tpu.memory_space<vmem>>
      %dma_start3A_1958 = tpu.memref_squeeze %dma_start3A_1957 : memref<1x1x200xi32, #tpu.memory_space<vmem>> -> memref<200xi32, #tpu.memory_space<vmem>>
      %dma_start3A_1959 = tpu.memref_slice %arg2[%add3A_1952] : memref<204800xi32, #tpu.memory_space<hbm>> -> memref<200xi32, #tpu.memory_space<hbm>>
      %dma_start3A_1960 = tpu.memref_slice %arg17[%dma_start3A_1955] : memref<2x!tpu.dma_semaphore, #tpu.memory_space<semaphore_mem>> -> memref<1x!tpu.dma_semaphore, #tpu.memory_space<semaphore_mem>>
      %dma_start3A_1961 = tpu.memref_squeeze %dma_start3A_1960 : memref<1x!tpu.dma_semaphore, #tpu.memory_space<semaphore_mem>> -> memref<!tpu.dma_semaphore, #tpu.memory_space<semaphore_mem>>
      %dma_start3A_1962 = arith.constant 0 : i32
      %dma_start3A_1963 = tpu.memref_slice %arg15[%dma_start3A_1953, %dma_start3A_1954, %dma_start3A_1962] : memref<2x10x200xi32, #tpu.memory_space<vmem>> -> memref<1x1x200xi32, #tpu.memory_space<vmem>>
      %dma_start3A_1964 = tpu.memref_squeeze %dma_start3A_1963 : memref<1x1x200xi32, #tpu.memory_space<vmem>> -> memref<200xi32, #tpu.memory_space<vmem>>
      %dma_start3A_1965 = tpu.memref_slice %arg2[%add3A_1952] : memref<204800xi32, #tpu.memory_space<hbm>> -> memref<200xi32, #tpu.memory_space<hbm>>
      tpu.enqueue_dma source(%dma_start3A_1965 : memref<200xi32, #tpu.memory_space<hbm>>) target(%dma_start3A_1964 : memref<200xi32, #tpu.memory_space<vmem>>) target_semaphore(%dma_start3A_1961 : memref<!tpu.dma_semaphore, #tpu.memory_space<semaphore_mem>>)
      %dma_start3A_1966 = arith.constant 0 : i32
      %dma_start3A_1967 = arith.constant 1 : i32
      %dma_start3A_1968 = arith.constant 0 : i32
      %dma_start3A_1969 = arith.constant 0 : i32
      %dma_start3A_1970 = tpu.memref_slice %arg15[%dma_start3A_1966, %dma_start3A_1967, %dma_start3A_1969] : memref<2x10x200xi32, #tpu.memory_space<vmem>> -> memref<1x1x200xi32, #tpu.memory_space<vmem>>
      %dma_start3A_1971 = tpu.memref_squeeze %dma_start3A_1970 : memref<1x1x200xi32, #tpu.memory_space<vmem>> -> memref<200xi32, #tpu.memory_space<vmem>>
      %dma_start3A_1972 = tpu.memref_slice %arg3[%add3A_1952] : memref<204800xi32, #tpu.memory_space<hbm>> -> memref<200xi32, #tpu.memory_space<hbm>>
      %dma_start3A_1973 = tpu.memref_slice %arg17[%dma_start3A_1968] : memref<2x!tpu.dma_semaphore, #tpu.memory_space<semaphore_mem>> -> memref<1x!tpu.dma_semaphore, #tpu.memory_space<semaphore_mem>>
      %dma_start3A_1974 = tpu.memref_squeeze %dma_start3A_1973 : memref<1x!tpu.dma_semaphore, #tpu.memory_space<semaphore_mem>> -> memref<!tpu.dma_semaphore, #tpu.memory_space<semaphore_mem>>
      %dma_start3A_1975 = arith.constant 0 : i32
      %dma_start3A_1976 = tpu.memref_slice %arg15[%dma_start3A_1966, %dma_start3A_1967, %dma_start3A_1975] : memref<2x10x200xi32, #tpu.memory_space<vmem>> -> memref<1x1x200xi32, #tpu.memory_space<vmem>>
      %dma_start3A_1977 = tpu.memref_squeeze %dma_start3A_1976 : memref<1x1x200xi32, #tpu.memory_space<vmem>> -> memref<200xi32, #tpu.memory_space<vmem>>
      %dma_start3A_1978 = tpu.memref_slice %arg3[%add3A_1952] : memref<204800xi32, #tpu.memory_space<hbm>> -> memref<200xi32, #tpu.memory_space<hbm>>
      tpu.enqueue_dma source(%dma_start3A_1978 : memref<200xi32, #tpu.memory_space<hbm>>) target(%dma_start3A_1977 : memref<200xi32, #tpu.memory_space<vmem>>) target_semaphore(%dma_start3A_1974 : memref<!tpu.dma_semaphore, #tpu.memory_space<semaphore_mem>>)
      %dma_start3A_1979 = arith.constant 0 : i32
      %dma_start3A_1980 = arith.constant 2 : i32
      %dma_start3A_1981 = arith.constant 0 : i32
      %dma_start3A_1982 = arith.constant 0 : i32
      %dma_start3A_1983 = tpu.memref_slice %arg15[%dma_start3A_1979, %dma_start3A_1980, %dma_start3A_1982] : memref<2x10x200xi32, #tpu.memory_space<vmem>> -> memref<1x1x200xi32, #tpu.memory_space<vmem>>
      %dma_start3A_1984 = tpu.memref_squeeze %dma_start3A_1983 : memref<1x1x200xi32, #tpu.memory_space<vmem>> -> memref<200xi32, #tpu.memory_space<vmem>>
      %dma_start3A_1985 = tpu.memref_slice %arg4[%add3A_1952] : memref<204800xi32, #tpu.memory_space<hbm>> -> memref<200xi32, #tpu.memory_space<hbm>>
      %dma_start3A_1986 = tpu.memref_slice %arg17[%dma_start3A_1981] : memref<2x!tpu.dma_semaphore, #tpu.memory_space<semaphore_mem>> -> memref<1x!tpu.dma_semaphore, #tpu.memory_space<semaphore_mem>>
      %dma_start3A_1987 = tpu.memref_squeeze %dma_start3A_1986 : memref<1x!tpu.dma_semaphore, #tpu.memory_space<semaphore_mem>> -> memref<!tpu.dma_semaphore, #tpu.memory_space<semaphore_mem>>
      %dma_start3A_1988 = arith.constant 0 : i32
      %dma_start3A_1989 = tpu.memref_slice %arg15[%dma_start3A_1979, %dma_start3A_1980, %dma_start3A_1988] : memref<2x10x200xi32, #tpu.memory_space<vmem>> -> memref<1x1x200xi32, #tpu.memory_space<vmem>>
      %dma_start3A_1990 = tpu.memref_squeeze %dma_start3A_1989 : memref<1x1x200xi32, #tpu.memory_space<vmem>> -> memref<200xi32, #tpu.memory_space<vmem>>
      %dma_start3A_1991 = tpu.memref_slice %arg4[%add3A_1952] : memref<204800xi32, #tpu.memory_space<hbm>> -> memref<200xi32, #tpu.memory_space<hbm>>
      tpu.enqueue_dma source(%dma_start3A_1991 : memref<200xi32, #tpu.memory_space<hbm>>) target(%dma_start3A_1990 : memref<200xi32, #tpu.memory_space<vmem>>) target_semaphore(%dma_start3A_1987 : memref<!tpu.dma_semaphore, #tpu.memory_space<semaphore_mem>>)
      %dma_start3A_1992 = arith.constant 0 : i32
      %dma_start3A_1993 = arith.constant 3 : i32
      %dma_start3A_1994 = arith.constant 0 : i32
      %dma_start3A_1995 = arith.constant 0 : i32
      %dma_start3A_1996 = tpu.memref_slice %arg15[%dma_start3A_1992, %dma_start3A_1993, %dma_start3A_1995] : memref<2x10x200xi32, #tpu.memory_space<vmem>> -> memref<1x1x200xi32, #tpu.memory_space<vmem>>
      %dma_start3A_1997 = tpu.memref_squeeze %dma_start3A_1996 : memref<1x1x200xi32, #tpu.memory_space<vmem>> -> memref<200xi32, #tpu.memory_space<vmem>>
      %dma_start3A_1998 = tpu.memref_slice %arg5[%add3A_1952] : memref<204800xi32, #tpu.memory_space<hbm>> -> memref<200xi32, #tpu.memory_space<hbm>>
      %dma_start3A_1999 = tpu.memref_slice %arg17[%dma_start3A_1994] : memref<2x!tpu.dma_semaphore, #tpu.memory_space<semaphore_mem>> -> memref<1x!tpu.dma_semaphore, #tpu.memory_space<semaphore_mem>>
      %dma_start3A_2000 = tpu.memref_squeeze %dma_start3A_1999 : memref<1x!tpu.dma_semaphore, #tpu.memory_space<semaphore_mem>> -> memref<!tpu.dma_semaphore, #tpu.memory_space<semaphore_mem>>
      %dma_start3A_2001 = arith.constant 0 : i32
      %dma_start3A_2002 = tpu.memref_slice %arg15[%dma_start3A_1992, %dma_start3A_1993, %dma_start3A_2001] : memref<2x10x200xi32, #tpu.memory_space<vmem>> -> memref<1x1x200xi32, #tpu.memory_space<vmem>>
      %dma_start3A_2003 = tpu.memref_squeeze %dma_start3A_2002 : memref<1x1x200xi32, #tpu.memory_space<vmem>> -> memref<200xi32, #tpu.memory_space<vmem>>
      %dma_start3A_2004 = tpu.memref_slice %arg5[%add3A_1952] : memref<204800xi32, #tpu.memory_space<hbm>> -> memref<200xi32, #tpu.memory_space<hbm>>
      tpu.enqueue_dma source(%dma_start3A_2004 : memref<200xi32, #tpu.memory_space<hbm>>) target(%dma_start3A_2003 : memref<200xi32, #tpu.memory_space<vmem>>) target_semaphore(%dma_start3A_2000 : memref<!tpu.dma_semaphore, #tpu.memory_space<semaphore_mem>>)
      %dma_start3A_2005 = arith.constant 0 : i32
      %dma_start3A_2006 = arith.constant 4 : i32
      %dma_start3A_2007 = arith.constant 0 : i32
      %dma_start3A_2008 = arith.constant 0 : i32
      %dma_start3A_2009 = tpu.memref_slice %arg15[%dma_start3A_2005, %dma_start3A_2006, %dma_start3A_2008] : memref<2x10x200xi32, #tpu.memory_space<vmem>> -> memref<1x1x200xi32, #tpu.memory_space<vmem>>
      %dma_start3A_2010 = tpu.memref_squeeze %dma_start3A_2009 : memref<1x1x200xi32, #tpu.memory_space<vmem>> -> memref<200xi32, #tpu.memory_space<vmem>>
      %dma_start3A_2011 = tpu.memref_slice %arg6[%add3A_1952] : memref<204800xi32, #tpu.memory_space<hbm>> -> memref<200xi32, #tpu.memory_space<hbm>>
      %dma_start3A_2012 = tpu.memref_slice %arg17[%dma_start3A_2007] : memref<2x!tpu.dma_semaphore, #tpu.memory_space<semaphore_mem>> -> memref<1x!tpu.dma_semaphore, #tpu.memory_space<semaphore_mem>>
      %dma_start3A_2013 = tpu.memref_squeeze %dma_start3A_2012 : memref<1x!tpu.dma_semaphore, #tpu.memory_space<semaphore_mem>> -> memref<!tpu.dma_semaphore, #tpu.memory_space<semaphore_mem>>
      %dma_start3A_2014 = arith.constant 0 : i32
      %dma_start3A_2015 = tpu.memref_slice %arg15[%dma_start3A_2005, %dma_start3A_2006, %dma_start3A_2014] : memref<2x10x200xi32, #tpu.memory_space<vmem>> -> memref<1x1x200xi32, #tpu.memory_space<vmem>>
      %dma_start3A_2016 = tpu.memref_squeeze %dma_start3A_2015 : memref<1x1x200xi32, #tpu.memory_space<vmem>> -> memref<200xi32, #tpu.memory_space<vmem>>
      %dma_start3A_2017 = tpu.memref_slice %arg6[%add3A_1952] : memref<204800xi32, #tpu.memory_space<hbm>> -> memref<200xi32, #tpu.memory_space<hbm>>
      tpu.enqueue_dma source(%dma_start3A_2017 : memref<200xi32, #tpu.memory_space<hbm>>) target(%dma_start3A_2016 : memref<200xi32, #tpu.memory_space<vmem>>) target_semaphore(%dma_start3A_2013 : memref<!tpu.dma_semaphore, #tpu.memory_space<semaphore_mem>>)
      %dma_start3A_2018 = arith.constant 0 : i32
      %dma_start3A_2019 = arith.constant 5 : i32
      %dma_start3A_2020 = arith.constant 0 : i32
      %dma_start3A_2021 = arith.constant 0 : i32
      %dma_start3A_2022 = tpu.memref_slice %arg15[%dma_start3A_2018, %dma_start3A_2019, %dma_start3A_2021] : memref<2x10x200xi32, #tpu.memory_space<vmem>> -> memref<1x1x200xi32, #tpu.memory_space<vmem>>
      %dma_start3A_2023 = tpu.memref_squeeze %dma_start3A_2022 : memref<1x1x200xi32, #tpu.memory_space<vmem>> -> memref<200xi32, #tpu.memory_space<vmem>>
      %dma_start3A_2024 = tpu.memref_slice %arg7[%add3A_1952] : memref<204800xi32, #tpu.memory_space<hbm>> -> memref<200xi32, #tpu.memory_space<hbm>>
      %dma_start3A_2025 = tpu.memref_slice %arg17[%dma_start3A_2020] : memref<2x!tpu.dma_semaphore, #tpu.memory_space<semaphore_mem>> -> memref<1x!tpu.dma_semaphore, #tpu.memory_space<semaphore_mem>>
      %dma_start3A_2026 = tpu.memref_squeeze %dma_start3A_2025 : memref<1x!tpu.dma_semaphore, #tpu.memory_space<semaphore_mem>> -> memref<!tpu.dma_semaphore, #tpu.memory_space<semaphore_mem>>
      %dma_start3A_2027 = arith.constant 0 : i32
      %dma_start3A_2028 = tpu.memref_slice %arg15[%dma_start3A_2018, %dma_start3A_2019, %dma_start3A_2027] : memref<2x10x200xi32, #tpu.memory_space<vmem>> -> memref<1x1x200xi32, #tpu.memory_space<vmem>>
      %dma_start3A_2029 = tpu.memref_squeeze %dma_start3A_2028 : memref<1x1x200xi32, #tpu.memory_space<vmem>> -> memref<200xi32, #tpu.memory_space<vmem>>
      %dma_start3A_2030 = tpu.memref_slice %arg7[%add3A_1952] : memref<204800xi32, #tpu.memory_space<hbm>> -> memref<200xi32, #tpu.memory_space<hbm>>
      tpu.enqueue_dma source(%dma_start3A_2030 : memref<200xi32, #tpu.memory_space<hbm>>) target(%dma_start3A_2029 : memref<200xi32, #tpu.memory_space<vmem>>) target_semaphore(%dma_start3A_2026 : memref<!tpu.dma_semaphore, #tpu.memory_space<semaphore_mem>>)
      %dma_start3A_2031 = arith.constant 0 : i32
      %dma_start3A_2032 = arith.constant 6 : i32
      %dma_start3A_2033 = arith.constant 0 : i32
      %dma_start3A_2034 = arith.constant 0 : i32
      %dma_start3A_2035 = tpu.memref_slice %arg15[%dma_start3A_2031, %dma_start3A_2032, %dma_start3A_2034] : memref<2x10x200xi32, #tpu.memory_space<vmem>> -> memref<1x1x200xi32, #tpu.memory_space<vmem>>
      %dma_start3A_2036 = tpu.memref_squeeze %dma_start3A_2035 : memref<1x1x200xi32, #tpu.memory_space<vmem>> -> memref<200xi32, #tpu.memory_space<vmem>>
      %dma_start3A_2037 = tpu.memref_slice %arg8[%add3A_1952] : memref<204800xi32, #tpu.memory_space<hbm>> -> memref<200xi32, #tpu.memory_space<hbm>>
      %dma_start3A_2038 = tpu.memref_slice %arg17[%dma_start3A_2033] : memref<2x!tpu.dma_semaphore, #tpu.memory_space<semaphore_mem>> -> memref<1x!tpu.dma_semaphore, #tpu.memory_space<semaphore_mem>>
      %dma_start3A_2039 = tpu.memref_squeeze %dma_start3A_2038 : memref<1x!tpu.dma_semaphore, #tpu.memory_space<semaphore_mem>> -> memref<!tpu.dma_semaphore, #tpu.memory_space<semaphore_mem>>
      %dma_start3A_2040 = arith.constant 0 : i32
      %dma_start3A_2041 = tpu.memref_slice %arg15[%dma_start3A_2031, %dma_start3A_2032, %dma_start3A_2040] : memref<2x10x200xi32, #tpu.memory_space<vmem>> -> memref<1x1x200xi32, #tpu.memory_space<vmem>>
      %dma_start3A_2042 = tpu.memref_squeeze %dma_start3A_2041 : memref<1x1x200xi32, #tpu.memory_space<vmem>> -> memref<200xi32, #tpu.memory_space<vmem>>
      %dma_start3A_2043 = tpu.memref_slice %arg8[%add3A_1952] : memref<204800xi32, #tpu.memory_space<hbm>> -> memref<200xi32, #tpu.memory_space<hbm>>
      tpu.enqueue_dma source(%dma_start3A_2043 : memref<200xi32, #tpu.memory_space<hbm>>) target(%dma_start3A_2042 : memref<200xi32, #tpu.memory_space<vmem>>) target_semaphore(%dma_start3A_2039 : memref<!tpu.dma_semaphore, #tpu.memory_space<semaphore_mem>>)
      %dma_start3A_2044 = arith.constant 0 : i32
      %dma_start3A_2045 = arith.constant 7 : i32
      %dma_start3A_2046 = arith.constant 0 : i32
      %dma_start3A_2047 = arith.constant 0 : i32
      %dma_start3A_2048 = tpu.memref_slice %arg15[%dma_start3A_2044, %dma_start3A_2045, %dma_start3A_2047] : memref<2x10x200xi32, #tpu.memory_space<vmem>> -> memref<1x1x200xi32, #tpu.memory_space<vmem>>
      %dma_start3A_2049 = tpu.memref_squeeze %dma_start3A_2048 : memref<1x1x200xi32, #tpu.memory_space<vmem>> -> memref<200xi32, #tpu.memory_space<vmem>>
      %dma_start3A_2050 = tpu.memref_slice %arg9[%add3A_1952] : memref<204800xi32, #tpu.memory_space<hbm>> -> memref<200xi32, #tpu.memory_space<hbm>>
      %dma_start3A_2051 = tpu.memref_slice %arg17[%dma_start3A_2046] : memref<2x!tpu.dma_semaphore, #tpu.memory_space<semaphore_mem>> -> memref<1x!tpu.dma_semaphore, #tpu.memory_space<semaphore_mem>>
      %dma_start3A_2052 = tpu.memref_squeeze %dma_start3A_2051 : memref<1x!tpu.dma_semaphore, #tpu.memory_space<semaphore_mem>> -> memref<!tpu.dma_semaphore, #tpu.memory_space<semaphore_mem>>
      %dma_start3A_2053 = arith.constant 0 : i32
      %dma_start3A_2054 = tpu.memref_slice %arg15[%dma_start3A_2044, %dma_start3A_2045, %dma_start3A_2053] : memref<2x10x200xi32, #tpu.memory_space<vmem>> -> memref<1x1x200xi32, #tpu.memory_space<vmem>>
      %dma_start3A_2055 = tpu.memref_squeeze %dma_start3A_2054 : memref<1x1x200xi32, #tpu.memory_space<vmem>> -> memref<200xi32, #tpu.memory_space<vmem>>
      %dma_start3A_2056 = tpu.memref_slice %arg9[%add3A_1952] : memref<204800xi32, #tpu.memory_space<hbm>> -> memref<200xi32, #tpu.memory_space<hbm>>
      tpu.enqueue_dma source(%dma_start3A_2056 : memref<200xi32, #tpu.memory_space<hbm>>) target(%dma_start3A_2055 : memref<200xi32, #tpu.memory_space<vmem>>) target_semaphore(%dma_start3A_2052 : memref<!tpu.dma_semaphore, #tpu.memory_space<semaphore_mem>>)
      %dma_start3A_2057 = arith.constant 0 : i32
      %dma_start3A_2058 = arith.constant 8 : i32
      %dma_start3A_2059 = arith.constant 0 : i32
      %dma_start3A_2060 = arith.constant 0 : i32
      %dma_start3A_2061 = tpu.memref_slice %arg15[%dma_start3A_2057, %dma_start3A_2058, %dma_start3A_2060] : memref<2x10x200xi32, #tpu.memory_space<vmem>> -> memref<1x1x200xi32, #tpu.memory_space<vmem>>
      %dma_start3A_2062 = tpu.memref_squeeze %dma_start3A_2061 : memref<1x1x200xi32, #tpu.memory_space<vmem>> -> memref<200xi32, #tpu.memory_space<vmem>>
      %dma_start3A_2063 = tpu.memref_slice %arg10[%add3A_1952] : memref<204800xi32, #tpu.memory_space<hbm>> -> memref<200xi32, #tpu.memory_space<hbm>>
      %dma_start3A_2064 = tpu.memref_slice %arg17[%dma_start3A_2059] : memref<2x!tpu.dma_semaphore, #tpu.memory_space<semaphore_mem>> -> memref<1x!tpu.dma_semaphore, #tpu.memory_space<semaphore_mem>>
      %dma_start3A_2065 = tpu.memref_squeeze %dma_start3A_2064 : memref<1x!tpu.dma_semaphore, #tpu.memory_space<semaphore_mem>> -> memref<!tpu.dma_semaphore, #tpu.memory_space<semaphore_mem>>
      %dma_start3A_2066 = arith.constant 0 : i32
      %dma_start3A_2067 = tpu.memref_slice %arg15[%dma_start3A_2057, %dma_start3A_2058, %dma_start3A_2066] : memref<2x10x200xi32, #tpu.memory_space<vmem>> -> memref<1x1x200xi32, #tpu.memory_space<vmem>>
      %dma_start3A_2068 = tpu.memref_squeeze %dma_start3A_2067 : memref<1x1x200xi32, #tpu.memory_space<vmem>> -> memref<200xi32, #tpu.memory_space<vmem>>
      %dma_start3A_2069 = tpu.memref_slice %arg10[%add3A_1952] : memref<204800xi32, #tpu.memory_space<hbm>> -> memref<200xi32, #tpu.memory_space<hbm>>
      tpu.enqueue_dma source(%dma_start3A_2069 : memref<200xi32, #tpu.memory_space<hbm>>) target(%dma_start3A_2068 : memref<200xi32, #tpu.memory_space<vmem>>) target_semaphore(%dma_start3A_2065 : memref<!tpu.dma_semaphore, #tpu.memory_space<semaphore_mem>>)
      %dma_start3A_2070 = arith.constant 0 : i32
      %dma_start3A_2071 = arith.constant 9 : i32
      %dma_start3A_2072 = arith.constant 0 : i32
      %dma_start3A_2073 = arith.constant 0 : i32
      %dma_start3A_2074 = tpu.memref_slice %arg15[%dma_start3A_2070, %dma_start3A_2071, %dma_start3A_2073] : memref<2x10x200xi32, #tpu.memory_space<vmem>> -> memref<1x1x200xi32, #tpu.memory_space<vmem>>
      %dma_start3A_2075 = tpu.memref_squeeze %dma_start3A_2074 : memref<1x1x200xi32, #tpu.memory_space<vmem>> -> memref<200xi32, #tpu.memory_space<vmem>>
      %dma_start3A_2076 = tpu.memref_slice %arg11[%add3A_1952] : memref<204800xi32, #tpu.memory_space<hbm>> -> memref<200xi32, #tpu.memory_space<hbm>>
      %dma_start3A_2077 = tpu.memref_slice %arg17[%dma_start3A_2072] : memref<2x!tpu.dma_semaphore, #tpu.memory_space<semaphore_mem>> -> memref<1x!tpu.dma_semaphore, #tpu.memory_space<semaphore_mem>>
      %dma_start3A_2078 = tpu.memref_squeeze %dma_start3A_2077 : memref<1x!tpu.dma_semaphore, #tpu.memory_space<semaphore_mem>> -> memref<!tpu.dma_semaphore, #tpu.memory_space<semaphore_mem>>
      %dma_start3A_2079 = arith.constant 0 : i32
      %dma_start3A_2080 = tpu.memref_slice %arg15[%dma_start3A_2070, %dma_start3A_2071, %dma_start3A_2079] : memref<2x10x200xi32, #tpu.memory_space<vmem>> -> memref<1x1x200xi32, #tpu.memory_space<vmem>>
      %dma_start3A_2081 = tpu.memref_squeeze %dma_start3A_2080 : memref<1x1x200xi32, #tpu.memory_space<vmem>> -> memref<200xi32, #tpu.memory_space<vmem>>
      %dma_start3A_2082 = tpu.memref_slice %arg11[%add3A_1952] : memref<204800xi32, #tpu.memory_space<hbm>> -> memref<200xi32, #tpu.memory_space<hbm>>
      tpu.enqueue_dma source(%dma_start3A_2082 : memref<200xi32, #tpu.memory_space<hbm>>) target(%dma_start3A_2081 : memref<200xi32, #tpu.memory_space<vmem>>) target_semaphore(%dma_start3A_2078 : memref<!tpu.dma_semaphore, #tpu.memory_space<semaphore_mem>>)
    }
    %scan3A_137 = arith.constant 16 : i32
    %dma_wait3A = arith.constant 1 : i32
    %dma_wait3A_138 = arith.constant 0 : i32
    %dma_wait3A_139 = arith.constant 1 : i32
    %dma_wait3A_140 = arith.constant 1 : i32
    %dma_wait3A_141 = arith.constant 0 : i32
    %dma_wait3A_142 = arith.constant 0 : i32
    %dma_wait3A_143 = tpu.memref_slice %arg16[%dma_wait3A_139, %dma_wait3A_141, %dma_wait3A_142] : memref<2x200x64xf32, #tpu.memory_space<vmem>> -> memref<1x128x64xf32, #tpu.memory_space<vmem>>
    %dma_wait3A_144 = tpu.memref_squeeze %dma_wait3A_143 : memref<1x128x64xf32, #tpu.memory_space<vmem>> -> memref<128x64xf32, #tpu.memory_space<vmem>>
    %dma_wait3A_145 = arith.constant 0 : i32
    %dma_wait3A_146 = tpu.memref_slice %arg15[%dma_wait3A, %dma_wait3A_138, %dma_wait3A_145] : memref<2x10x200xi32, #tpu.memory_space<vmem>> -> memref<1x1x128xi32, #tpu.memory_space<vmem>>
    %dma_wait3A_147 = tpu.memref_squeeze %dma_wait3A_146 : memref<1x1x128xi32, #tpu.memory_space<vmem>> -> memref<128xi32, #tpu.memory_space<vmem>>
    %dma_wait3A_148 = arith.constant 0 : i32
    %dma_wait3A_149 = arith.constant 0 : i32
    %dma_wait3A_150 = tpu.memref_slice %arg12[%dma_wait3A_148, %dma_wait3A_149] : memref<64001x64xf32, #tpu.memory_space<hbm>> -> memref<64001x64xf32, #tpu.memory_space<hbm>>
    %dma_wait3A_151 = tpu.memref_slice %arg18[%dma_wait3A_140] : memref<2x!tpu.dma_semaphore, #tpu.memory_space<semaphore_mem>> -> memref<1x!tpu.dma_semaphore, #tpu.memory_space<semaphore_mem>>
    %dma_wait3A_152 = tpu.memref_squeeze %dma_wait3A_151 : memref<1x!tpu.dma_semaphore, #tpu.memory_space<semaphore_mem>> -> memref<!tpu.dma_semaphore, #tpu.memory_space<semaphore_mem>>
    tpu.wait_indirect_dma semaphore(%dma_wait3A_152 : memref<!tpu.dma_semaphore, #tpu.memory_space<semaphore_mem>>) src(%dma_wait3A_150 : memref<64001x64xf32, #tpu.memory_space<hbm>>) dst(%dma_wait3A_144 : memref<128x64xf32, #tpu.memory_space<vmem>>)
    %dma_wait3A_153 = arith.constant 1 : i32
    %dma_wait3A_154 = arith.constant 1 : i32
    %dma_wait3A_155 = arith.constant 1 : i32
    %dma_wait3A_156 = arith.constant 1 : i32
    %dma_wait3A_157 = arith.constant 0 : i32
    %dma_wait3A_158 = arith.constant 0 : i32
    %dma_wait3A_159 = tpu.memref_slice %arg16[%dma_wait3A_155, %dma_wait3A_157, %dma_wait3A_158] : memref<2x200x64xf32, #tpu.memory_space<vmem>> -> memref<1x128x64xf32, #tpu.memory_space<vmem>>
    %dma_wait3A_160 = tpu.memref_squeeze %dma_wait3A_159 : memref<1x128x64xf32, #tpu.memory_space<vmem>> -> memref<128x64xf32, #tpu.memory_space<vmem>>
    %dma_wait3A_161 = arith.constant 0 : i32
    %dma_wait3A_162 = tpu.memref_slice %arg15[%dma_wait3A_153, %dma_wait3A_154, %dma_wait3A_161] : memref<2x10x200xi32, #tpu.memory_space<vmem>> -> memref<1x1x128xi32, #tpu.memory_space<vmem>>
    %dma_wait3A_163 = tpu.memref_squeeze %dma_wait3A_162 : memref<1x1x128xi32, #tpu.memory_space<vmem>> -> memref<128xi32, #tpu.memory_space<vmem>>
    %dma_wait3A_164 = arith.constant 0 : i32
    %dma_wait3A_165 = arith.constant 0 : i32
    %dma_wait3A_166 = tpu.memref_slice %arg13[%add3A, %dma_wait3A_164, %dma_wait3A_165] : memref<32x8512x64xf32, #tpu.memory_space<hbm>> -> memref<1x8512x64xf32, #tpu.memory_space<hbm>>
    %dma_wait3A_167 = tpu.memref_squeeze %dma_wait3A_166 : memref<1x8512x64xf32, #tpu.memory_space<hbm>> -> memref<8512x64xf32, #tpu.memory_space<hbm>>
    %dma_wait3A_168 = arith.constant 0 : i32
    %dma_wait3A_169 = arith.constant 0 : i32
    %dma_wait3A_170 = tpu.memref_slice %dma_wait3A_167[%dma_wait3A_168, %dma_wait3A_169] : memref<8512x64xf32, #tpu.memory_space<hbm>> -> memref<8512x64xf32, #tpu.memory_space<hbm>>
    %dma_wait3A_171 = tpu.memref_slice %arg18[%dma_wait3A_156] : memref<2x!tpu.dma_semaphore, #tpu.memory_space<semaphore_mem>> -> memref<1x!tpu.dma_semaphore, #tpu.memory_space<semaphore_mem>>
    %dma_wait3A_172 = tpu.memref_squeeze %dma_wait3A_171 : memref<1x!tpu.dma_semaphore, #tpu.memory_space<semaphore_mem>> -> memref<!tpu.dma_semaphore, #tpu.memory_space<semaphore_mem>>
    tpu.wait_indirect_dma semaphore(%dma_wait3A_172 : memref<!tpu.dma_semaphore, #tpu.memory_space<semaphore_mem>>) src(%dma_wait3A_170 : memref<8512x64xf32, #tpu.memory_space<hbm>>) dst(%dma_wait3A_160 : memref<128x64xf32, #tpu.memory_space<vmem>>)
    %dma_wait3A_173 = arith.constant 1 : i32
    %dma_wait3A_174 = arith.constant 2 : i32
    %dma_wait3A_175 = arith.constant 1 : i32
    %dma_wait3A_176 = arith.constant 1 : i32
    %dma_wait3A_177 = arith.constant 0 : i32
    %dma_wait3A_178 = arith.constant 0 : i32
    %dma_wait3A_179 = tpu.memref_slice %arg16[%dma_wait3A_175, %dma_wait3A_177, %dma_wait3A_178] : memref<2x200x64xf32, #tpu.memory_space<vmem>> -> memref<1x128x64xf32, #tpu.memory_space<vmem>>
    %dma_wait3A_180 = tpu.memref_squeeze %dma_wait3A_179 : memref<1x128x64xf32, #tpu.memory_space<vmem>> -> memref<128x64xf32, #tpu.memory_space<vmem>>
    %dma_wait3A_181 = arith.constant 0 : i32
    %dma_wait3A_182 = tpu.memref_slice %arg15[%dma_wait3A_173, %dma_wait3A_174, %dma_wait3A_181] : memref<2x10x200xi32, #tpu.memory_space<vmem>> -> memref<1x1x128xi32, #tpu.memory_space<vmem>>
    %dma_wait3A_183 = tpu.memref_squeeze %dma_wait3A_182 : memref<1x1x128xi32, #tpu.memory_space<vmem>> -> memref<128xi32, #tpu.memory_space<vmem>>
    %dma_wait3A_184 = arith.constant 0 : i32
    %dma_wait3A_185 = arith.constant 0 : i32
    %dma_wait3A_186 = tpu.memref_slice %arg13[%add3A, %dma_wait3A_184, %dma_wait3A_185] : memref<32x8512x64xf32, #tpu.memory_space<hbm>> -> memref<1x8512x64xf32, #tpu.memory_space<hbm>>
    %dma_wait3A_187 = tpu.memref_squeeze %dma_wait3A_186 : memref<1x8512x64xf32, #tpu.memory_space<hbm>> -> memref<8512x64xf32, #tpu.memory_space<hbm>>
    %dma_wait3A_188 = arith.constant 0 : i32
    %dma_wait3A_189 = arith.constant 0 : i32
    %dma_wait3A_190 = tpu.memref_slice %dma_wait3A_187[%dma_wait3A_188, %dma_wait3A_189] : memref<8512x64xf32, #tpu.memory_space<hbm>> -> memref<8512x64xf32, #tpu.memory_space<hbm>>
    %dma_wait3A_191 = tpu.memref_slice %arg18[%dma_wait3A_176] : memref<2x!tpu.dma_semaphore, #tpu.memory_space<semaphore_mem>> -> memref<1x!tpu.dma_semaphore, #tpu.memory_space<semaphore_mem>>
    %dma_wait3A_192 = tpu.memref_squeeze %dma_wait3A_191 : memref<1x!tpu.dma_semaphore, #tpu.memory_space<semaphore_mem>> -> memref<!tpu.dma_semaphore, #tpu.memory_space<semaphore_mem>>
    tpu.wait_indirect_dma semaphore(%dma_wait3A_192 : memref<!tpu.dma_semaphore, #tpu.memory_space<semaphore_mem>>) src(%dma_wait3A_190 : memref<8512x64xf32, #tpu.memory_space<hbm>>) dst(%dma_wait3A_180 : memref<128x64xf32, #tpu.memory_space<vmem>>)
    %dma_wait3A_193 = arith.constant 1 : i32
    %dma_wait3A_194 = arith.constant 3 : i32
    %dma_wait3A_195 = arith.constant 1 : i32
    %dma_wait3A_196 = arith.constant 1 : i32
    %dma_wait3A_197 = arith.constant 0 : i32
    %dma_wait3A_198 = arith.constant 0 : i32
    %dma_wait3A_199 = tpu.memref_slice %arg16[%dma_wait3A_195, %dma_wait3A_197, %dma_wait3A_198] : memref<2x200x64xf32, #tpu.memory_space<vmem>> -> memref<1x128x64xf32, #tpu.memory_space<vmem>>
    %dma_wait3A_200 = tpu.memref_squeeze %dma_wait3A_199 : memref<1x128x64xf32, #tpu.memory_space<vmem>> -> memref<128x64xf32, #tpu.memory_space<vmem>>
    %dma_wait3A_201 = arith.constant 0 : i32
    %dma_wait3A_202 = tpu.memref_slice %arg15[%dma_wait3A_193, %dma_wait3A_194, %dma_wait3A_201] : memref<2x10x200xi32, #tpu.memory_space<vmem>> -> memref<1x1x128xi32, #tpu.memory_space<vmem>>
    %dma_wait3A_203 = tpu.memref_squeeze %dma_wait3A_202 : memref<1x1x128xi32, #tpu.memory_space<vmem>> -> memref<128xi32, #tpu.memory_space<vmem>>
    %dma_wait3A_204 = arith.constant 0 : i32
    %dma_wait3A_205 = arith.constant 0 : i32
    %dma_wait3A_206 = tpu.memref_slice %arg13[%add3A, %dma_wait3A_204, %dma_wait3A_205] : memref<32x8512x64xf32, #tpu.memory_space<hbm>> -> memref<1x8512x64xf32, #tpu.memory_space<hbm>>
    %dma_wait3A_207 = tpu.memref_squeeze %dma_wait3A_206 : memref<1x8512x64xf32, #tpu.memory_space<hbm>> -> memref<8512x64xf32, #tpu.memory_space<hbm>>
    %dma_wait3A_208 = arith.constant 0 : i32
    %dma_wait3A_209 = arith.constant 0 : i32
    %dma_wait3A_210 = tpu.memref_slice %dma_wait3A_207[%dma_wait3A_208, %dma_wait3A_209] : memref<8512x64xf32, #tpu.memory_space<hbm>> -> memref<8512x64xf32, #tpu.memory_space<hbm>>
    %dma_wait3A_211 = tpu.memref_slice %arg18[%dma_wait3A_196] : memref<2x!tpu.dma_semaphore, #tpu.memory_space<semaphore_mem>> -> memref<1x!tpu.dma_semaphore, #tpu.memory_space<semaphore_mem>>
    %dma_wait3A_212 = tpu.memref_squeeze %dma_wait3A_211 : memref<1x!tpu.dma_semaphore, #tpu.memory_space<semaphore_mem>> -> memref<!tpu.dma_semaphore, #tpu.memory_space<semaphore_mem>>
    tpu.wait_indirect_dma semaphore(%dma_wait3A_212 : memref<!tpu.dma_semaphore, #tpu.memory_space<semaphore_mem>>) src(%dma_wait3A_210 : memref<8512x64xf32, #tpu.memory_space<hbm>>) dst(%dma_wait3A_200 : memref<128x64xf32, #tpu.memory_space<vmem>>)
    %dma_wait3A_213 = arith.constant 1 : i32
    %dma_wait3A_214 = arith.constant 4 : i32
    %dma_wait3A_215 = arith.constant 1 : i32
    %dma_wait3A_216 = arith.constant 1 : i32
    %dma_wait3A_217 = arith.constant 0 : i32
    %dma_wait3A_218 = arith.constant 0 : i32
    %dma_wait3A_219 = tpu.memref_slice %arg16[%dma_wait3A_215, %dma_wait3A_217, %dma_wait3A_218] : memref<2x200x64xf32, #tpu.memory_space<vmem>> -> memref<1x128x64xf32, #tpu.memory_space<vmem>>
    %dma_wait3A_220 = tpu.memref_squeeze %dma_wait3A_219 : memref<1x128x64xf32, #tpu.memory_space<vmem>> -> memref<128x64xf32, #tpu.memory_space<vmem>>
    %dma_wait3A_221 = arith.constant 0 : i32
    %dma_wait3A_222 = tpu.memref_slice %arg15[%dma_wait3A_213, %dma_wait3A_214, %dma_wait3A_221] : memref<2x10x200xi32, #tpu.memory_space<vmem>> -> memref<1x1x128xi32, #tpu.memory_space<vmem>>
    %dma_wait3A_223 = tpu.memref_squeeze %dma_wait3A_222 : memref<1x1x128xi32, #tpu.memory_space<vmem>> -> memref<128xi32, #tpu.memory_space<vmem>>
    %dma_wait3A_224 = arith.constant 0 : i32
    %dma_wait3A_225 = arith.constant 0 : i32
    %dma_wait3A_226 = tpu.memref_slice %arg13[%add3A, %dma_wait3A_224, %dma_wait3A_225] : memref<32x8512x64xf32, #tpu.memory_space<hbm>> -> memref<1x8512x64xf32, #tpu.memory_space<hbm>>
    %dma_wait3A_227 = tpu.memref_squeeze %dma_wait3A_226 : memref<1x8512x64xf32, #tpu.memory_space<hbm>> -> memref<8512x64xf32, #tpu.memory_space<hbm>>
    %dma_wait3A_228 = arith.constant 0 : i32
    %dma_wait3A_229 = arith.constant 0 : i32
    %dma_wait3A_230 = tpu.memref_slice %dma_wait3A_227[%dma_wait3A_228, %dma_wait3A_229] : memref<8512x64xf32, #tpu.memory_space<hbm>> -> memref<8512x64xf32, #tpu.memory_space<hbm>>
    %dma_wait3A_231 = tpu.memref_slice %arg18[%dma_wait3A_216] : memref<2x!tpu.dma_semaphore, #tpu.memory_space<semaphore_mem>> -> memref<1x!tpu.dma_semaphore, #tpu.memory_space<semaphore_mem>>
    %dma_wait3A_232 = tpu.memref_squeeze %dma_wait3A_231 : memref<1x!tpu.dma_semaphore, #tpu.memory_space<semaphore_mem>> -> memref<!tpu.dma_semaphore, #tpu.memory_space<semaphore_mem>>
    tpu.wait_indirect_dma semaphore(%dma_wait3A_232 : memref<!tpu.dma_semaphore, #tpu.memory_space<semaphore_mem>>) src(%dma_wait3A_230 : memref<8512x64xf32, #tpu.memory_space<hbm>>) dst(%dma_wait3A_220 : memref<128x64xf32, #tpu.memory_space<vmem>>)
    %dma_wait3A_233 = arith.constant 1 : i32
    %dma_wait3A_234 = arith.constant 5 : i32
    %dma_wait3A_235 = arith.constant 1 : i32
    %dma_wait3A_236 = arith.constant 1 : i32
    %dma_wait3A_237 = arith.constant 0 : i32
    %dma_wait3A_238 = arith.constant 0 : i32
    %dma_wait3A_239 = tpu.memref_slice %arg16[%dma_wait3A_235, %dma_wait3A_237, %dma_wait3A_238] : memref<2x200x64xf32, #tpu.memory_space<vmem>> -> memref<1x128x64xf32, #tpu.memory_space<vmem>>
    %dma_wait3A_240 = tpu.memref_squeeze %dma_wait3A_239 : memref<1x128x64xf32, #tpu.memory_space<vmem>> -> memref<128x64xf32, #tpu.memory_space<vmem>>
    %dma_wait3A_241 = arith.constant 0 : i32
    %dma_wait3A_242 = tpu.memref_slice %arg15[%dma_wait3A_233, %dma_wait3A_234, %dma_wait3A_241] : memref<2x10x200xi32, #tpu.memory_space<vmem>> -> memref<1x1x128xi32, #tpu.memory_space<vmem>>
    %dma_wait3A_243 = tpu.memref_squeeze %dma_wait3A_242 : memref<1x1x128xi32, #tpu.memory_space<vmem>> -> memref<128xi32, #tpu.memory_space<vmem>>
    %dma_wait3A_244 = arith.constant 0 : i32
    %dma_wait3A_245 = arith.constant 0 : i32
    %dma_wait3A_246 = tpu.memref_slice %arg13[%add3A, %dma_wait3A_244, %dma_wait3A_245] : memref<32x8512x64xf32, #tpu.memory_space<hbm>> -> memref<1x8512x64xf32, #tpu.memory_space<hbm>>
    %dma_wait3A_247 = tpu.memref_squeeze %dma_wait3A_246 : memref<1x8512x64xf32, #tpu.memory_space<hbm>> -> memref<8512x64xf32, #tpu.memory_space<hbm>>
    %dma_wait3A_248 = arith.constant 0 : i32
    %dma_wait3A_249 = arith.constant 0 : i32
    %dma_wait3A_250 = tpu.memref_slice %dma_wait3A_247[%dma_wait3A_248, %dma_wait3A_249] : memref<8512x64xf32, #tpu.memory_space<hbm>> -> memref<8512x64xf32, #tpu.memory_space<hbm>>
    %dma_wait3A_251 = tpu.memref_slice %arg18[%dma_wait3A_236] : memref<2x!tpu.dma_semaphore, #tpu.memory_space<semaphore_mem>> -> memref<1x!tpu.dma_semaphore, #tpu.memory_space<semaphore_mem>>
    %dma_wait3A_252 = tpu.memref_squeeze %dma_wait3A_251 : memref<1x!tpu.dma_semaphore, #tpu.memory_space<semaphore_mem>> -> memref<!tpu.dma_semaphore, #tpu.memory_space<semaphore_mem>>
    tpu.wait_indirect_dma semaphore(%dma_wait3A_252 : memref<!tpu.dma_semaphore, #tpu.memory_space<semaphore_mem>>) src(%dma_wait3A_250 : memref<8512x64xf32, #tpu.memory_space<hbm>>) dst(%dma_wait3A_240 : memref<128x64xf32, #tpu.memory_space<vmem>>)
    %dma_wait3A_253 = arith.constant 1 : i32
    %dma_wait3A_254 = arith.constant 6 : i32
    %dma_wait3A_255 = arith.constant 1 : i32
    %dma_wait3A_256 = arith.constant 1 : i32
    %dma_wait3A_257 = arith.constant 0 : i32
    %dma_wait3A_258 = arith.constant 0 : i32
    %dma_wait3A_259 = tpu.memref_slice %arg16[%dma_wait3A_255, %dma_wait3A_257, %dma_wait3A_258] : memref<2x200x64xf32, #tpu.memory_space<vmem>> -> memref<1x128x64xf32, #tpu.memory_space<vmem>>
    %dma_wait3A_260 = tpu.memref_squeeze %dma_wait3A_259 : memref<1x128x64xf32, #tpu.memory_space<vmem>> -> memref<128x64xf32, #tpu.memory_space<vmem>>
    %dma_wait3A_261 = arith.constant 0 : i32
    %dma_wait3A_262 = tpu.memref_slice %arg15[%dma_wait3A_253, %dma_wait3A_254, %dma_wait3A_261] : memref<2x10x200xi32, #tpu.memory_space<vmem>> -> memref<1x1x128xi32, #tpu.memory_space<vmem>>
    %dma_wait3A_263 = tpu.memref_squeeze %dma_wait3A_262 : memref<1x1x128xi32, #tpu.memory_space<vmem>> -> memref<128xi32, #tpu.memory_space<vmem>>
    %dma_wait3A_264 = arith.constant 0 : i32
    %dma_wait3A_265 = arith.constant 0 : i32
    %dma_wait3A_266 = tpu.memref_slice %arg13[%add3A, %dma_wait3A_264, %dma_wait3A_265] : memref<32x8512x64xf32, #tpu.memory_space<hbm>> -> memref<1x8512x64xf32, #tpu.memory_space<hbm>>
    %dma_wait3A_267 = tpu.memref_squeeze %dma_wait3A_266 : memref<1x8512x64xf32, #tpu.memory_space<hbm>> -> memref<8512x64xf32, #tpu.memory_space<hbm>>
    %dma_wait3A_268 = arith.constant 0 : i32
    %dma_wait3A_269 = arith.constant 0 : i32
    %dma_wait3A_270 = tpu.memref_slice %dma_wait3A_267[%dma_wait3A_268, %dma_wait3A_269] : memref<8512x64xf32, #tpu.memory_space<hbm>> -> memref<8512x64xf32, #tpu.memory_space<hbm>>
    %dma_wait3A_271 = tpu.memref_slice %arg18[%dma_wait3A_256] : memref<2x!tpu.dma_semaphore, #tpu.memory_space<semaphore_mem>> -> memref<1x!tpu.dma_semaphore, #tpu.memory_space<semaphore_mem>>
    %dma_wait3A_272 = tpu.memref_squeeze %dma_wait3A_271 : memref<1x!tpu.dma_semaphore, #tpu.memory_space<semaphore_mem>> -> memref<!tpu.dma_semaphore, #tpu.memory_space<semaphore_mem>>
    tpu.wait_indirect_dma semaphore(%dma_wait3A_272 : memref<!tpu.dma_semaphore, #tpu.memory_space<semaphore_mem>>) src(%dma_wait3A_270 : memref<8512x64xf32, #tpu.memory_space<hbm>>) dst(%dma_wait3A_260 : memref<128x64xf32, #tpu.memory_space<vmem>>)
    %dma_wait3A_273 = arith.constant 1 : i32
    %dma_wait3A_274 = arith.constant 7 : i32
    %dma_wait3A_275 = arith.constant 1 : i32
    %dma_wait3A_276 = arith.constant 1 : i32
    %dma_wait3A_277 = arith.constant 0 : i32
    %dma_wait3A_278 = arith.constant 0 : i32
    %dma_wait3A_279 = tpu.memref_slice %arg16[%dma_wait3A_275, %dma_wait3A_277, %dma_wait3A_278] : memref<2x200x64xf32, #tpu.memory_space<vmem>> -> memref<1x128x64xf32, #tpu.memory_space<vmem>>
    %dma_wait3A_280 = tpu.memref_squeeze %dma_wait3A_279 : memref<1x128x64xf32, #tpu.memory_space<vmem>> -> memref<128x64xf32, #tpu.memory_space<vmem>>
    %dma_wait3A_281 = arith.constant 0 : i32
    %dma_wait3A_282 = tpu.memref_slice %arg15[%dma_wait3A_273, %dma_wait3A_274, %dma_wait3A_281] : memref<2x10x200xi32, #tpu.memory_space<vmem>> -> memref<1x1x128xi32, #tpu.memory_space<vmem>>
    %dma_wait3A_283 = tpu.memref_squeeze %dma_wait3A_282 : memref<1x1x128xi32, #tpu.memory_space<vmem>> -> memref<128xi32, #tpu.memory_space<vmem>>
    %dma_wait3A_284 = arith.constant 0 : i32
    %dma_wait3A_285 = arith.constant 0 : i32
    %dma_wait3A_286 = tpu.memref_slice %arg13[%add3A, %dma_wait3A_284, %dma_wait3A_285] : memref<32x8512x64xf32, #tpu.memory_space<hbm>> -> memref<1x8512x64xf32, #tpu.memory_space<hbm>>
    %dma_wait3A_287 = tpu.memref_squeeze %dma_wait3A_286 : memref<1x8512x64xf32, #tpu.memory_space<hbm>> -> memref<8512x64xf32, #tpu.memory_space<hbm>>
    %dma_wait3A_288 = arith.constant 0 : i32
    %dma_wait3A_289 = arith.constant 0 : i32
    %dma_wait3A_290 = tpu.memref_slice %dma_wait3A_287[%dma_wait3A_288, %dma_wait3A_289] : memref<8512x64xf32, #tpu.memory_space<hbm>> -> memref<8512x64xf32, #tpu.memory_space<hbm>>
    %dma_wait3A_291 = tpu.memref_slice %arg18[%dma_wait3A_276] : memref<2x!tpu.dma_semaphore, #tpu.memory_space<semaphore_mem>> -> memref<1x!tpu.dma_semaphore, #tpu.memory_space<semaphore_mem>>
    %dma_wait3A_292 = tpu.memref_squeeze %dma_wait3A_291 : memref<1x!tpu.dma_semaphore, #tpu.memory_space<semaphore_mem>> -> memref<!tpu.dma_semaphore, #tpu.memory_space<semaphore_mem>>
    tpu.wait_indirect_dma semaphore(%dma_wait3A_292 : memref<!tpu.dma_semaphore, #tpu.memory_space<semaphore_mem>>) src(%dma_wait3A_290 : memref<8512x64xf32, #tpu.memory_space<hbm>>) dst(%dma_wait3A_280 : memref<128x64xf32, #tpu.memory_space<vmem>>)
    %dma_wait3A_293 = arith.constant 1 : i32
    %dma_wait3A_294 = arith.constant 8 : i32
    %dma_wait3A_295 = arith.constant 1 : i32
    %dma_wait3A_296 = arith.constant 1 : i32
    %dma_wait3A_297 = arith.constant 0 : i32
    %dma_wait3A_298 = arith.constant 0 : i32
    %dma_wait3A_299 = tpu.memref_slice %arg16[%dma_wait3A_295, %dma_wait3A_297, %dma_wait3A_298] : memref<2x200x64xf32, #tpu.memory_space<vmem>> -> memref<1x128x64xf32, #tpu.memory_space<vmem>>
    %dma_wait3A_300 = tpu.memref_squeeze %dma_wait3A_299 : memref<1x128x64xf32, #tpu.memory_space<vmem>> -> memref<128x64xf32, #tpu.memory_space<vmem>>
    %dma_wait3A_301 = arith.constant 0 : i32
    %dma_wait3A_302 = tpu.memref_slice %arg15[%dma_wait3A_293, %dma_wait3A_294, %dma_wait3A_301] : memref<2x10x200xi32, #tpu.memory_space<vmem>> -> memref<1x1x128xi32, #tpu.memory_space<vmem>>
    %dma_wait3A_303 = tpu.memref_squeeze %dma_wait3A_302 : memref<1x1x128xi32, #tpu.memory_space<vmem>> -> memref<128xi32, #tpu.memory_space<vmem>>
    %dma_wait3A_304 = arith.constant 0 : i32
    %dma_wait3A_305 = arith.constant 0 : i32
    %dma_wait3A_306 = tpu.memref_slice %arg13[%add3A, %dma_wait3A_304, %dma_wait3A_305] : memref<32x8512x64xf32, #tpu.memory_space<hbm>> -> memref<1x8512x64xf32, #tpu.memory_space<hbm>>
    %dma_wait3A_307 = tpu.memref_squeeze %dma_wait3A_306 : memref<1x8512x64xf32, #tpu.memory_space<hbm>> -> memref<8512x64xf32, #tpu.memory_space<hbm>>
    %dma_wait3A_308 = arith.constant 0 : i32
    %dma_wait3A_309 = arith.constant 0 : i32
    %dma_wait3A_310 = tpu.memref_slice %dma_wait3A_307[%dma_wait3A_308, %dma_wait3A_309] : memref<8512x64xf32, #tpu.memory_space<hbm>> -> memref<8512x64xf32, #tpu.memory_space<hbm>>
    %dma_wait3A_311 = tpu.memref_slice %arg18[%dma_wait3A_296] : memref<2x!tpu.dma_semaphore, #tpu.memory_space<semaphore_mem>> -> memref<1x!tpu.dma_semaphore, #tpu.memory_space<semaphore_mem>>
    %dma_wait3A_312 = tpu.memref_squeeze %dma_wait3A_311 : memref<1x!tpu.dma_semaphore, #tpu.memory_space<semaphore_mem>> -> memref<!tpu.dma_semaphore, #tpu.memory_space<semaphore_mem>>
    tpu.wait_indirect_dma semaphore(%dma_wait3A_312 : memref<!tpu.dma_semaphore, #tpu.memory_space<semaphore_mem>>) src(%dma_wait3A_310 : memref<8512x64xf32, #tpu.memory_space<hbm>>) dst(%dma_wait3A_300 : memref<128x64xf32, #tpu.memory_space<vmem>>)
    %dma_wait3A_313 = arith.constant 1 : i32
    %dma_wait3A_314 = arith.constant 9 : i32
    %dma_wait3A_315 = arith.constant 1 : i32
    %dma_wait3A_316 = arith.constant 1 : i32
    %dma_wait3A_317 = arith.constant 0 : i32
    %dma_wait3A_318 = arith.constant 0 : i32
    %dma_wait3A_319 = tpu.memref_slice %arg16[%dma_wait3A_315, %dma_wait3A_317, %dma_wait3A_318] : memref<2x200x64xf32, #tpu.memory_space<vmem>> -> memref<1x128x64xf32, #tpu.memory_space<vmem>>
    %dma_wait3A_320 = tpu.memref_squeeze %dma_wait3A_319 : memref<1x128x64xf32, #tpu.memory_space<vmem>> -> memref<128x64xf32, #tpu.memory_space<vmem>>
    %dma_wait3A_321 = arith.constant 0 : i32
    %dma_wait3A_322 = tpu.memref_slice %arg15[%dma_wait3A_313, %dma_wait3A_314, %dma_wait3A_321] : memref<2x10x200xi32, #tpu.memory_space<vmem>> -> memref<1x1x128xi32, #tpu.memory_space<vmem>>
    %dma_wait3A_323 = tpu.memref_squeeze %dma_wait3A_322 : memref<1x1x128xi32, #tpu.memory_space<vmem>> -> memref<128xi32, #tpu.memory_space<vmem>>
    %dma_wait3A_324 = arith.constant 0 : i32
    %dma_wait3A_325 = arith.constant 0 : i32
    %dma_wait3A_326 = tpu.memref_slice %arg13[%add3A, %dma_wait3A_324, %dma_wait3A_325] : memref<32x8512x64xf32, #tpu.memory_space<hbm>> -> memref<1x8512x64xf32, #tpu.memory_space<hbm>>
    %dma_wait3A_327 = tpu.memref_squeeze %dma_wait3A_326 : memref<1x8512x64xf32, #tpu.memory_space<hbm>> -> memref<8512x64xf32, #tpu.memory_space<hbm>>
    %dma_wait3A_328 = arith.constant 0 : i32
    %dma_wait3A_329 = arith.constant 0 : i32
    %dma_wait3A_330 = tpu.memref_slice %dma_wait3A_327[%dma_wait3A_328, %dma_wait3A_329] : memref<8512x64xf32, #tpu.memory_space<hbm>> -> memref<8512x64xf32, #tpu.memory_space<hbm>>
    %dma_wait3A_331 = tpu.memref_slice %arg18[%dma_wait3A_316] : memref<2x!tpu.dma_semaphore, #tpu.memory_space<semaphore_mem>> -> memref<1x!tpu.dma_semaphore, #tpu.memory_space<semaphore_mem>>
    %dma_wait3A_332 = tpu.memref_squeeze %dma_wait3A_331 : memref<1x!tpu.dma_semaphore, #tpu.memory_space<semaphore_mem>> -> memref<!tpu.dma_semaphore, #tpu.memory_space<semaphore_mem>>
    tpu.wait_indirect_dma semaphore(%dma_wait3A_332 : memref<!tpu.dma_semaphore, #tpu.memory_space<semaphore_mem>>) src(%dma_wait3A_330 : memref<8512x64xf32, #tpu.memory_space<hbm>>) dst(%dma_wait3A_320 : memref<128x64xf32, #tpu.memory_space<vmem>>)
    %dma_wait3A_333 = arith.constant 1 : i32
    %dma_wait3A_334 = arith.constant 0 : i32
    %dma_wait3A_335 = arith.constant 1 : i32
    %dma_wait3A_336 = arith.constant 1 : i32
    %dma_wait3A_337 = arith.constant 128 : i32
    %dma_wait3A_338 = arith.constant 0 : i32
    %dma_wait3A_339 = tpu.memref_slice %arg16[%dma_wait3A_335, %dma_wait3A_337, %dma_wait3A_338] : memref<2x200x64xf32, #tpu.memory_space<vmem>> -> memref<1x72x64xf32, #tpu.memory_space<vmem>>
    %dma_wait3A_340 = tpu.memref_squeeze %dma_wait3A_339 : memref<1x72x64xf32, #tpu.memory_space<vmem>> -> memref<72x64xf32, #tpu.memory_space<vmem>>
    %dma_wait3A_341 = arith.constant 128 : i32
    %dma_wait3A_342 = tpu.memref_slice %arg15[%dma_wait3A_333, %dma_wait3A_334, %dma_wait3A_341] : memref<2x10x200xi32, #tpu.memory_space<vmem>> -> memref<1x1x72xi32, #tpu.memory_space<vmem>>
    %dma_wait3A_343 = tpu.memref_squeeze %dma_wait3A_342 : memref<1x1x72xi32, #tpu.memory_space<vmem>> -> memref<72xi32, #tpu.memory_space<vmem>>
    %dma_wait3A_344 = arith.constant 0 : i32
    %dma_wait3A_345 = arith.constant 0 : i32
    %dma_wait3A_346 = tpu.memref_slice %arg12[%dma_wait3A_344, %dma_wait3A_345] : memref<64001x64xf32, #tpu.memory_space<hbm>> -> memref<64001x64xf32, #tpu.memory_space<hbm>>
    %dma_wait3A_347 = tpu.memref_slice %arg18[%dma_wait3A_336] : memref<2x!tpu.dma_semaphore, #tpu.memory_space<semaphore_mem>> -> memref<1x!tpu.dma_semaphore, #tpu.memory_space<semaphore_mem>>
    %dma_wait3A_348 = tpu.memref_squeeze %dma_wait3A_347 : memref<1x!tpu.dma_semaphore, #tpu.memory_space<semaphore_mem>> -> memref<!tpu.dma_semaphore, #tpu.memory_space<semaphore_mem>>
    tpu.wait_indirect_dma semaphore(%dma_wait3A_348 : memref<!tpu.dma_semaphore, #tpu.memory_space<semaphore_mem>>) src(%dma_wait3A_346 : memref<64001x64xf32, #tpu.memory_space<hbm>>) dst(%dma_wait3A_340 : memref<72x64xf32, #tpu.memory_space<vmem>>)
    %dma_wait3A_349 = arith.constant 1 : i32
    %dma_wait3A_350 = arith.constant 1 : i32
    %dma_wait3A_351 = arith.constant 1 : i32
    %dma_wait3A_352 = arith.constant 1 : i32
    %dma_wait3A_353 = arith.constant 128 : i32
    %dma_wait3A_354 = arith.constant 0 : i32
    %dma_wait3A_355 = tpu.memref_slice %arg16[%dma_wait3A_351, %dma_wait3A_353, %dma_wait3A_354] : memref<2x200x64xf32, #tpu.memory_space<vmem>> -> memref<1x72x64xf32, #tpu.memory_space<vmem>>
    %dma_wait3A_356 = tpu.memref_squeeze %dma_wait3A_355 : memref<1x72x64xf32, #tpu.memory_space<vmem>> -> memref<72x64xf32, #tpu.memory_space<vmem>>
    %dma_wait3A_357 = arith.constant 128 : i32
    %dma_wait3A_358 = tpu.memref_slice %arg15[%dma_wait3A_349, %dma_wait3A_350, %dma_wait3A_357] : memref<2x10x200xi32, #tpu.memory_space<vmem>> -> memref<1x1x72xi32, #tpu.memory_space<vmem>>
    %dma_wait3A_359 = tpu.memref_squeeze %dma_wait3A_358 : memref<1x1x72xi32, #tpu.memory_space<vmem>> -> memref<72xi32, #tpu.memory_space<vmem>>
    %dma_wait3A_360 = arith.constant 0 : i32
    %dma_wait3A_361 = arith.constant 0 : i32
    %dma_wait3A_362 = tpu.memref_slice %arg13[%add3A, %dma_wait3A_360, %dma_wait3A_361] : memref<32x8512x64xf32, #tpu.memory_space<hbm>> -> memref<1x8512x64xf32, #tpu.memory_space<hbm>>
    %dma_wait3A_363 = tpu.memref_squeeze %dma_wait3A_362 : memref<1x8512x64xf32, #tpu.memory_space<hbm>> -> memref<8512x64xf32, #tpu.memory_space<hbm>>
    %dma_wait3A_364 = arith.constant 0 : i32
    %dma_wait3A_365 = arith.constant 0 : i32
    %dma_wait3A_366 = tpu.memref_slice %dma_wait3A_363[%dma_wait3A_364, %dma_wait3A_365] : memref<8512x64xf32, #tpu.memory_space<hbm>> -> memref<8512x64xf32, #tpu.memory_space<hbm>>
    %dma_wait3A_367 = tpu.memref_slice %arg18[%dma_wait3A_352] : memref<2x!tpu.dma_semaphore, #tpu.memory_space<semaphore_mem>> -> memref<1x!tpu.dma_semaphore, #tpu.memory_space<semaphore_mem>>
    %dma_wait3A_368 = tpu.memref_squeeze %dma_wait3A_367 : memref<1x!tpu.dma_semaphore, #tpu.memory_space<semaphore_mem>> -> memref<!tpu.dma_semaphore, #tpu.memory_space<semaphore_mem>>
    tpu.wait_indirect_dma semaphore(%dma_wait3A_368 : memref<!tpu.dma_semaphore, #tpu.memory_space<semaphore_mem>>) src(%dma_wait3A_366 : memref<8512x64xf32, #tpu.memory_space<hbm>>) dst(%dma_wait3A_356 : memref<72x64xf32, #tpu.memory_space<vmem>>)
    %dma_wait3A_369 = arith.constant 1 : i32
    %dma_wait3A_370 = arith.constant 2 : i32
    %dma_wait3A_371 = arith.constant 1 : i32
    %dma_wait3A_372 = arith.constant 1 : i32
    %dma_wait3A_373 = arith.constant 128 : i32
    %dma_wait3A_374 = arith.constant 0 : i32
    %dma_wait3A_375 = tpu.memref_slice %arg16[%dma_wait3A_371, %dma_wait3A_373, %dma_wait3A_374] : memref<2x200x64xf32, #tpu.memory_space<vmem>> -> memref<1x72x64xf32, #tpu.memory_space<vmem>>
    %dma_wait3A_376 = tpu.memref_squeeze %dma_wait3A_375 : memref<1x72x64xf32, #tpu.memory_space<vmem>> -> memref<72x64xf32, #tpu.memory_space<vmem>>
    %dma_wait3A_377 = arith.constant 128 : i32
    %dma_wait3A_378 = tpu.memref_slice %arg15[%dma_wait3A_369, %dma_wait3A_370, %dma_wait3A_377] : memref<2x10x200xi32, #tpu.memory_space<vmem>> -> memref<1x1x72xi32, #tpu.memory_space<vmem>>
    %dma_wait3A_379 = tpu.memref_squeeze %dma_wait3A_378 : memref<1x1x72xi32, #tpu.memory_space<vmem>> -> memref<72xi32, #tpu.memory_space<vmem>>
    %dma_wait3A_380 = arith.constant 0 : i32
    %dma_wait3A_381 = arith.constant 0 : i32
    %dma_wait3A_382 = tpu.memref_slice %arg13[%add3A, %dma_wait3A_380, %dma_wait3A_381] : memref<32x8512x64xf32, #tpu.memory_space<hbm>> -> memref<1x8512x64xf32, #tpu.memory_space<hbm>>
    %dma_wait3A_383 = tpu.memref_squeeze %dma_wait3A_382 : memref<1x8512x64xf32, #tpu.memory_space<hbm>> -> memref<8512x64xf32, #tpu.memory_space<hbm>>
    %dma_wait3A_384 = arith.constant 0 : i32
    %dma_wait3A_385 = arith.constant 0 : i32
    %dma_wait3A_386 = tpu.memref_slice %dma_wait3A_383[%dma_wait3A_384, %dma_wait3A_385] : memref<8512x64xf32, #tpu.memory_space<hbm>> -> memref<8512x64xf32, #tpu.memory_space<hbm>>
    %dma_wait3A_387 = tpu.memref_slice %arg18[%dma_wait3A_372] : memref<2x!tpu.dma_semaphore, #tpu.memory_space<semaphore_mem>> -> memref<1x!tpu.dma_semaphore, #tpu.memory_space<semaphore_mem>>
    %dma_wait3A_388 = tpu.memref_squeeze %dma_wait3A_387 : memref<1x!tpu.dma_semaphore, #tpu.memory_space<semaphore_mem>> -> memref<!tpu.dma_semaphore, #tpu.memory_space<semaphore_mem>>
    tpu.wait_indirect_dma semaphore(%dma_wait3A_388 : memref<!tpu.dma_semaphore, #tpu.memory_space<semaphore_mem>>) src(%dma_wait3A_386 : memref<8512x64xf32, #tpu.memory_space<hbm>>) dst(%dma_wait3A_376 : memref<72x64xf32, #tpu.memory_space<vmem>>)
    %dma_wait3A_389 = arith.constant 1 : i32
    %dma_wait3A_390 = arith.constant 3 : i32
    %dma_wait3A_391 = arith.constant 1 : i32
    %dma_wait3A_392 = arith.constant 1 : i32
    %dma_wait3A_393 = arith.constant 128 : i32
    %dma_wait3A_394 = arith.constant 0 : i32
    %dma_wait3A_395 = tpu.memref_slice %arg16[%dma_wait3A_391, %dma_wait3A_393, %dma_wait3A_394] : memref<2x200x64xf32, #tpu.memory_space<vmem>> -> memref<1x72x64xf32, #tpu.memory_space<vmem>>
    %dma_wait3A_396 = tpu.memref_squeeze %dma_wait3A_395 : memref<1x72x64xf32, #tpu.memory_space<vmem>> -> memref<72x64xf32, #tpu.memory_space<vmem>>
    %dma_wait3A_397 = arith.constant 128 : i32
    %dma_wait3A_398 = tpu.memref_slice %arg15[%dma_wait3A_389, %dma_wait3A_390, %dma_wait3A_397] : memref<2x10x200xi32, #tpu.memory_space<vmem>> -> memref<1x1x72xi32, #tpu.memory_space<vmem>>
    %dma_wait3A_399 = tpu.memref_squeeze %dma_wait3A_398 : memref<1x1x72xi32, #tpu.memory_space<vmem>> -> memref<72xi32, #tpu.memory_space<vmem>>
    %dma_wait3A_400 = arith.constant 0 : i32
    %dma_wait3A_401 = arith.constant 0 : i32
    %dma_wait3A_402 = tpu.memref_slice %arg13[%add3A, %dma_wait3A_400, %dma_wait3A_401] : memref<32x8512x64xf32, #tpu.memory_space<hbm>> -> memref<1x8512x64xf32, #tpu.memory_space<hbm>>
    %dma_wait3A_403 = tpu.memref_squeeze %dma_wait3A_402 : memref<1x8512x64xf32, #tpu.memory_space<hbm>> -> memref<8512x64xf32, #tpu.memory_space<hbm>>
    %dma_wait3A_404 = arith.constant 0 : i32
    %dma_wait3A_405 = arith.constant 0 : i32
    %dma_wait3A_406 = tpu.memref_slice %dma_wait3A_403[%dma_wait3A_404, %dma_wait3A_405] : memref<8512x64xf32, #tpu.memory_space<hbm>> -> memref<8512x64xf32, #tpu.memory_space<hbm>>
    %dma_wait3A_407 = tpu.memref_slice %arg18[%dma_wait3A_392] : memref<2x!tpu.dma_semaphore, #tpu.memory_space<semaphore_mem>> -> memref<1x!tpu.dma_semaphore, #tpu.memory_space<semaphore_mem>>
    %dma_wait3A_408 = tpu.memref_squeeze %dma_wait3A_407 : memref<1x!tpu.dma_semaphore, #tpu.memory_space<semaphore_mem>> -> memref<!tpu.dma_semaphore, #tpu.memory_space<semaphore_mem>>
    tpu.wait_indirect_dma semaphore(%dma_wait3A_408 : memref<!tpu.dma_semaphore, #tpu.memory_space<semaphore_mem>>) src(%dma_wait3A_406 : memref<8512x64xf32, #tpu.memory_space<hbm>>) dst(%dma_wait3A_396 : memref<72x64xf32, #tpu.memory_space<vmem>>)
    %dma_wait3A_409 = arith.constant 1 : i32
    %dma_wait3A_410 = arith.constant 4 : i32
    %dma_wait3A_411 = arith.constant 1 : i32
    %dma_wait3A_412 = arith.constant 1 : i32
    %dma_wait3A_413 = arith.constant 128 : i32
    %dma_wait3A_414 = arith.constant 0 : i32
    %dma_wait3A_415 = tpu.memref_slice %arg16[%dma_wait3A_411, %dma_wait3A_413, %dma_wait3A_414] : memref<2x200x64xf32, #tpu.memory_space<vmem>> -> memref<1x72x64xf32, #tpu.memory_space<vmem>>
    %dma_wait3A_416 = tpu.memref_squeeze %dma_wait3A_415 : memref<1x72x64xf32, #tpu.memory_space<vmem>> -> memref<72x64xf32, #tpu.memory_space<vmem>>
    %dma_wait3A_417 = arith.constant 128 : i32
    %dma_wait3A_418 = tpu.memref_slice %arg15[%dma_wait3A_409, %dma_wait3A_410, %dma_wait3A_417] : memref<2x10x200xi32, #tpu.memory_space<vmem>> -> memref<1x1x72xi32, #tpu.memory_space<vmem>>
    %dma_wait3A_419 = tpu.memref_squeeze %dma_wait3A_418 : memref<1x1x72xi32, #tpu.memory_space<vmem>> -> memref<72xi32, #tpu.memory_space<vmem>>
    %dma_wait3A_420 = arith.constant 0 : i32
    %dma_wait3A_421 = arith.constant 0 : i32
    %dma_wait3A_422 = tpu.memref_slice %arg13[%add3A, %dma_wait3A_420, %dma_wait3A_421] : memref<32x8512x64xf32, #tpu.memory_space<hbm>> -> memref<1x8512x64xf32, #tpu.memory_space<hbm>>
    %dma_wait3A_423 = tpu.memref_squeeze %dma_wait3A_422 : memref<1x8512x64xf32, #tpu.memory_space<hbm>> -> memref<8512x64xf32, #tpu.memory_space<hbm>>
    %dma_wait3A_424 = arith.constant 0 : i32
    %dma_wait3A_425 = arith.constant 0 : i32
    %dma_wait3A_426 = tpu.memref_slice %dma_wait3A_423[%dma_wait3A_424, %dma_wait3A_425] : memref<8512x64xf32, #tpu.memory_space<hbm>> -> memref<8512x64xf32, #tpu.memory_space<hbm>>
    %dma_wait3A_427 = tpu.memref_slice %arg18[%dma_wait3A_412] : memref<2x!tpu.dma_semaphore, #tpu.memory_space<semaphore_mem>> -> memref<1x!tpu.dma_semaphore, #tpu.memory_space<semaphore_mem>>
    %dma_wait3A_428 = tpu.memref_squeeze %dma_wait3A_427 : memref<1x!tpu.dma_semaphore, #tpu.memory_space<semaphore_mem>> -> memref<!tpu.dma_semaphore, #tpu.memory_space<semaphore_mem>>
    tpu.wait_indirect_dma semaphore(%dma_wait3A_428 : memref<!tpu.dma_semaphore, #tpu.memory_space<semaphore_mem>>) src(%dma_wait3A_426 : memref<8512x64xf32, #tpu.memory_space<hbm>>) dst(%dma_wait3A_416 : memref<72x64xf32, #tpu.memory_space<vmem>>)
    %dma_wait3A_429 = arith.constant 1 : i32
    %dma_wait3A_430 = arith.constant 5 : i32
    %dma_wait3A_431 = arith.constant 1 : i32
    %dma_wait3A_432 = arith.constant 1 : i32
    %dma_wait3A_433 = arith.constant 128 : i32
    %dma_wait3A_434 = arith.constant 0 : i32
    %dma_wait3A_435 = tpu.memref_slice %arg16[%dma_wait3A_431, %dma_wait3A_433, %dma_wait3A_434] : memref<2x200x64xf32, #tpu.memory_space<vmem>> -> memref<1x72x64xf32, #tpu.memory_space<vmem>>
    %dma_wait3A_436 = tpu.memref_squeeze %dma_wait3A_435 : memref<1x72x64xf32, #tpu.memory_space<vmem>> -> memref<72x64xf32, #tpu.memory_space<vmem>>
    %dma_wait3A_437 = arith.constant 128 : i32
    %dma_wait3A_438 = tpu.memref_slice %arg15[%dma_wait3A_429, %dma_wait3A_430, %dma_wait3A_437] : memref<2x10x200xi32, #tpu.memory_space<vmem>> -> memref<1x1x72xi32, #tpu.memory_space<vmem>>
    %dma_wait3A_439 = tpu.memref_squeeze %dma_wait3A_438 : memref<1x1x72xi32, #tpu.memory_space<vmem>> -> memref<72xi32, #tpu.memory_space<vmem>>
    %dma_wait3A_440 = arith.constant 0 : i32
    %dma_wait3A_441 = arith.constant 0 : i32
    %dma_wait3A_442 = tpu.memref_slice %arg13[%add3A, %dma_wait3A_440, %dma_wait3A_441] : memref<32x8512x64xf32, #tpu.memory_space<hbm>> -> memref<1x8512x64xf32, #tpu.memory_space<hbm>>
    %dma_wait3A_443 = tpu.memref_squeeze %dma_wait3A_442 : memref<1x8512x64xf32, #tpu.memory_space<hbm>> -> memref<8512x64xf32, #tpu.memory_space<hbm>>
    %dma_wait3A_444 = arith.constant 0 : i32
    %dma_wait3A_445 = arith.constant 0 : i32
    %dma_wait3A_446 = tpu.memref_slice %dma_wait3A_443[%dma_wait3A_444, %dma_wait3A_445] : memref<8512x64xf32, #tpu.memory_space<hbm>> -> memref<8512x64xf32, #tpu.memory_space<hbm>>
    %dma_wait3A_447 = tpu.memref_slice %arg18[%dma_wait3A_432] : memref<2x!tpu.dma_semaphore, #tpu.memory_space<semaphore_mem>> -> memref<1x!tpu.dma_semaphore, #tpu.memory_space<semaphore_mem>>
    %dma_wait3A_448 = tpu.memref_squeeze %dma_wait3A_447 : memref<1x!tpu.dma_semaphore, #tpu.memory_space<semaphore_mem>> -> memref<!tpu.dma_semaphore, #tpu.memory_space<semaphore_mem>>
    tpu.wait_indirect_dma semaphore(%dma_wait3A_448 : memref<!tpu.dma_semaphore, #tpu.memory_space<semaphore_mem>>) src(%dma_wait3A_446 : memref<8512x64xf32, #tpu.memory_space<hbm>>) dst(%dma_wait3A_436 : memref<72x64xf32, #tpu.memory_space<vmem>>)
    %dma_wait3A_449 = arith.constant 1 : i32
    %dma_wait3A_450 = arith.constant 6 : i32
    %dma_wait3A_451 = arith.constant 1 : i32
    %dma_wait3A_452 = arith.constant 1 : i32
    %dma_wait3A_453 = arith.constant 128 : i32
    %dma_wait3A_454 = arith.constant 0 : i32
    %dma_wait3A_455 = tpu.memref_slice %arg16[%dma_wait3A_451, %dma_wait3A_453, %dma_wait3A_454] : memref<2x200x64xf32, #tpu.memory_space<vmem>> -> memref<1x72x64xf32, #tpu.memory_space<vmem>>
    %dma_wait3A_456 = tpu.memref_squeeze %dma_wait3A_455 : memref<1x72x64xf32, #tpu.memory_space<vmem>> -> memref<72x64xf32, #tpu.memory_space<vmem>>
    %dma_wait3A_457 = arith.constant 128 : i32
    %dma_wait3A_458 = tpu.memref_slice %arg15[%dma_wait3A_449, %dma_wait3A_450, %dma_wait3A_457] : memref<2x10x200xi32, #tpu.memory_space<vmem>> -> memref<1x1x72xi32, #tpu.memory_space<vmem>>
    %dma_wait3A_459 = tpu.memref_squeeze %dma_wait3A_458 : memref<1x1x72xi32, #tpu.memory_space<vmem>> -> memref<72xi32, #tpu.memory_space<vmem>>
    %dma_wait3A_460 = arith.constant 0 : i32
    %dma_wait3A_461 = arith.constant 0 : i32
    %dma_wait3A_462 = tpu.memref_slice %arg13[%add3A, %dma_wait3A_460, %dma_wait3A_461] : memref<32x8512x64xf32, #tpu.memory_space<hbm>> -> memref<1x8512x64xf32, #tpu.memory_space<hbm>>
    %dma_wait3A_463 = tpu.memref_squeeze %dma_wait3A_462 : memref<1x8512x64xf32, #tpu.memory_space<hbm>> -> memref<8512x64xf32, #tpu.memory_space<hbm>>
    %dma_wait3A_464 = arith.constant 0 : i32
    %dma_wait3A_465 = arith.constant 0 : i32
    %dma_wait3A_466 = tpu.memref_slice %dma_wait3A_463[%dma_wait3A_464, %dma_wait3A_465] : memref<8512x64xf32, #tpu.memory_space<hbm>> -> memref<8512x64xf32, #tpu.memory_space<hbm>>
    %dma_wait3A_467 = tpu.memref_slice %arg18[%dma_wait3A_452] : memref<2x!tpu.dma_semaphore, #tpu.memory_space<semaphore_mem>> -> memref<1x!tpu.dma_semaphore, #tpu.memory_space<semaphore_mem>>
    %dma_wait3A_468 = tpu.memref_squeeze %dma_wait3A_467 : memref<1x!tpu.dma_semaphore, #tpu.memory_space<semaphore_mem>> -> memref<!tpu.dma_semaphore, #tpu.memory_space<semaphore_mem>>
    tpu.wait_indirect_dma semaphore(%dma_wait3A_468 : memref<!tpu.dma_semaphore, #tpu.memory_space<semaphore_mem>>) src(%dma_wait3A_466 : memref<8512x64xf32, #tpu.memory_space<hbm>>) dst(%dma_wait3A_456 : memref<72x64xf32, #tpu.memory_space<vmem>>)
    %dma_wait3A_469 = arith.constant 1 : i32
    %dma_wait3A_470 = arith.constant 7 : i32
    %dma_wait3A_471 = arith.constant 1 : i32
    %dma_wait3A_472 = arith.constant 1 : i32
    %dma_wait3A_473 = arith.constant 128 : i32
    %dma_wait3A_474 = arith.constant 0 : i32
    %dma_wait3A_475 = tpu.memref_slice %arg16[%dma_wait3A_471, %dma_wait3A_473, %dma_wait3A_474] : memref<2x200x64xf32, #tpu.memory_space<vmem>> -> memref<1x72x64xf32, #tpu.memory_space<vmem>>
    %dma_wait3A_476 = tpu.memref_squeeze %dma_wait3A_475 : memref<1x72x64xf32, #tpu.memory_space<vmem>> -> memref<72x64xf32, #tpu.memory_space<vmem>>
    %dma_wait3A_477 = arith.constant 128 : i32
    %dma_wait3A_478 = tpu.memref_slice %arg15[%dma_wait3A_469, %dma_wait3A_470, %dma_wait3A_477] : memref<2x10x200xi32, #tpu.memory_space<vmem>> -> memref<1x1x72xi32, #tpu.memory_space<vmem>>
    %dma_wait3A_479 = tpu.memref_squeeze %dma_wait3A_478 : memref<1x1x72xi32, #tpu.memory_space<vmem>> -> memref<72xi32, #tpu.memory_space<vmem>>
    %dma_wait3A_480 = arith.constant 0 : i32
    %dma_wait3A_481 = arith.constant 0 : i32
    %dma_wait3A_482 = tpu.memref_slice %arg13[%add3A, %dma_wait3A_480, %dma_wait3A_481] : memref<32x8512x64xf32, #tpu.memory_space<hbm>> -> memref<1x8512x64xf32, #tpu.memory_space<hbm>>
    %dma_wait3A_483 = tpu.memref_squeeze %dma_wait3A_482 : memref<1x8512x64xf32, #tpu.memory_space<hbm>> -> memref<8512x64xf32, #tpu.memory_space<hbm>>
    %dma_wait3A_484 = arith.constant 0 : i32
    %dma_wait3A_485 = arith.constant 0 : i32
    %dma_wait3A_486 = tpu.memref_slice %dma_wait3A_483[%dma_wait3A_484, %dma_wait3A_485] : memref<8512x64xf32, #tpu.memory_space<hbm>> -> memref<8512x64xf32, #tpu.memory_space<hbm>>
    %dma_wait3A_487 = tpu.memref_slice %arg18[%dma_wait3A_472] : memref<2x!tpu.dma_semaphore, #tpu.memory_space<semaphore_mem>> -> memref<1x!tpu.dma_semaphore, #tpu.memory_space<semaphore_mem>>
    %dma_wait3A_488 = tpu.memref_squeeze %dma_wait3A_487 : memref<1x!tpu.dma_semaphore, #tpu.memory_space<semaphore_mem>> -> memref<!tpu.dma_semaphore, #tpu.memory_space<semaphore_mem>>
    tpu.wait_indirect_dma semaphore(%dma_wait3A_488 : memref<!tpu.dma_semaphore, #tpu.memory_space<semaphore_mem>>) src(%dma_wait3A_486 : memref<8512x64xf32, #tpu.memory_space<hbm>>) dst(%dma_wait3A_476 : memref<72x64xf32, #tpu.memory_space<vmem>>)
    %dma_wait3A_489 = arith.constant 1 : i32
    %dma_wait3A_490 = arith.constant 8 : i32
    %dma_wait3A_491 = arith.constant 1 : i32
    %dma_wait3A_492 = arith.constant 1 : i32
    %dma_wait3A_493 = arith.constant 128 : i32
    %dma_wait3A_494 = arith.constant 0 : i32
    %dma_wait3A_495 = tpu.memref_slice %arg16[%dma_wait3A_491, %dma_wait3A_493, %dma_wait3A_494] : memref<2x200x64xf32, #tpu.memory_space<vmem>> -> memref<1x72x64xf32, #tpu.memory_space<vmem>>
    %dma_wait3A_496 = tpu.memref_squeeze %dma_wait3A_495 : memref<1x72x64xf32, #tpu.memory_space<vmem>> -> memref<72x64xf32, #tpu.memory_space<vmem>>
    %dma_wait3A_497 = arith.constant 128 : i32
    %dma_wait3A_498 = tpu.memref_slice %arg15[%dma_wait3A_489, %dma_wait3A_490, %dma_wait3A_497] : memref<2x10x200xi32, #tpu.memory_space<vmem>> -> memref<1x1x72xi32, #tpu.memory_space<vmem>>
    %dma_wait3A_499 = tpu.memref_squeeze %dma_wait3A_498 : memref<1x1x72xi32, #tpu.memory_space<vmem>> -> memref<72xi32, #tpu.memory_space<vmem>>
    %dma_wait3A_500 = arith.constant 0 : i32
    %dma_wait3A_501 = arith.constant 0 : i32
    %dma_wait3A_502 = tpu.memref_slice %arg13[%add3A, %dma_wait3A_500, %dma_wait3A_501] : memref<32x8512x64xf32, #tpu.memory_space<hbm>> -> memref<1x8512x64xf32, #tpu.memory_space<hbm>>
    %dma_wait3A_503 = tpu.memref_squeeze %dma_wait3A_502 : memref<1x8512x64xf32, #tpu.memory_space<hbm>> -> memref<8512x64xf32, #tpu.memory_space<hbm>>
    %dma_wait3A_504 = arith.constant 0 : i32
    %dma_wait3A_505 = arith.constant 0 : i32
    %dma_wait3A_506 = tpu.memref_slice %dma_wait3A_503[%dma_wait3A_504, %dma_wait3A_505] : memref<8512x64xf32, #tpu.memory_space<hbm>> -> memref<8512x64xf32, #tpu.memory_space<hbm>>
    %dma_wait3A_507 = tpu.memref_slice %arg18[%dma_wait3A_492] : memref<2x!tpu.dma_semaphore, #tpu.memory_space<semaphore_mem>> -> memref<1x!tpu.dma_semaphore, #tpu.memory_space<semaphore_mem>>
    %dma_wait3A_508 = tpu.memref_squeeze %dma_wait3A_507 : memref<1x!tpu.dma_semaphore, #tpu.memory_space<semaphore_mem>> -> memref<!tpu.dma_semaphore, #tpu.memory_space<semaphore_mem>>
    tpu.wait_indirect_dma semaphore(%dma_wait3A_508 : memref<!tpu.dma_semaphore, #tpu.memory_space<semaphore_mem>>) src(%dma_wait3A_506 : memref<8512x64xf32, #tpu.memory_space<hbm>>) dst(%dma_wait3A_496 : memref<72x64xf32, #tpu.memory_space<vmem>>)
    %dma_wait3A_509 = arith.constant 1 : i32
    %dma_wait3A_510 = arith.constant 9 : i32
    %dma_wait3A_511 = arith.constant 1 : i32
    %dma_wait3A_512 = arith.constant 1 : i32
    %dma_wait3A_513 = arith.constant 128 : i32
    %dma_wait3A_514 = arith.constant 0 : i32
    %dma_wait3A_515 = tpu.memref_slice %arg16[%dma_wait3A_511, %dma_wait3A_513, %dma_wait3A_514] : memref<2x200x64xf32, #tpu.memory_space<vmem>> -> memref<1x72x64xf32, #tpu.memory_space<vmem>>
    %dma_wait3A_516 = tpu.memref_squeeze %dma_wait3A_515 : memref<1x72x64xf32, #tpu.memory_space<vmem>> -> memref<72x64xf32, #tpu.memory_space<vmem>>
    %dma_wait3A_517 = arith.constant 128 : i32
    %dma_wait3A_518 = tpu.memref_slice %arg15[%dma_wait3A_509, %dma_wait3A_510, %dma_wait3A_517] : memref<2x10x200xi32, #tpu.memory_space<vmem>> -> memref<1x1x72xi32, #tpu.memory_space<vmem>>
    %dma_wait3A_519 = tpu.memref_squeeze %dma_wait3A_518 : memref<1x1x72xi32, #tpu.memory_space<vmem>> -> memref<72xi32, #tpu.memory_space<vmem>>
    %dma_wait3A_520 = arith.constant 0 : i32
    %dma_wait3A_521 = arith.constant 0 : i32
    %dma_wait3A_522 = tpu.memref_slice %arg13[%add3A, %dma_wait3A_520, %dma_wait3A_521] : memref<32x8512x64xf32, #tpu.memory_space<hbm>> -> memref<1x8512x64xf32, #tpu.memory_space<hbm>>
    %dma_wait3A_523 = tpu.memref_squeeze %dma_wait3A_522 : memref<1x8512x64xf32, #tpu.memory_space<hbm>> -> memref<8512x64xf32, #tpu.memory_space<hbm>>
    %dma_wait3A_524 = arith.constant 0 : i32
    %dma_wait3A_525 = arith.constant 0 : i32
    %dma_wait3A_526 = tpu.memref_slice %dma_wait3A_523[%dma_wait3A_524, %dma_wait3A_525] : memref<8512x64xf32, #tpu.memory_space<hbm>> -> memref<8512x64xf32, #tpu.memory_space<hbm>>
    %dma_wait3A_527 = tpu.memref_slice %arg18[%dma_wait3A_512] : memref<2x!tpu.dma_semaphore, #tpu.memory_space<semaphore_mem>> -> memref<1x!tpu.dma_semaphore, #tpu.memory_space<semaphore_mem>>
    %dma_wait3A_528 = tpu.memref_squeeze %dma_wait3A_527 : memref<1x!tpu.dma_semaphore, #tpu.memory_space<semaphore_mem>> -> memref<!tpu.dma_semaphore, #tpu.memory_space<semaphore_mem>>
    tpu.wait_indirect_dma semaphore(%dma_wait3A_528 : memref<!tpu.dma_semaphore, #tpu.memory_space<semaphore_mem>>) src(%dma_wait3A_526 : memref<8512x64xf32, #tpu.memory_space<hbm>>) dst(%dma_wait3A_516 : memref<72x64xf32, #tpu.memory_space<vmem>>)
    %mul3A_529 = arith.constant 32 : i32
    %mul3A_530 = arith.muli %add3A, %mul3A_529 : i32
    %add3A_531 = arith.constant 31 : i32
    %add3A_532 = arith.addi %mul3A_530, %add3A_531 : i32
    %dma_start3A_533 = arith.constant 1 : i32
    %dma_start3A_534 = arith.constant 1 : i32
    %dma_start3A_535 = arith.constant 0 : i32
    %dma_start3A_536 = arith.constant 0 : i32
    %dma_start3A_537 = tpu.memref_slice %arg16[%dma_start3A_533, %dma_start3A_535, %dma_start3A_536] : memref<2x200x64xf32, #tpu.memory_space<vmem>> -> memref<1x200x64xf32, #tpu.memory_space<vmem>>
    %dma_start3A_538 = tpu.memref_squeeze %dma_start3A_537 : memref<1x200x64xf32, #tpu.memory_space<vmem>> -> memref<200x64xf32, #tpu.memory_space<vmem>>
    %dma_start3A_539 = arith.constant 0 : i32
    %dma_start3A_540 = arith.constant 0 : i32
    %dma_start3A_541 = tpu.memref_slice %arg14[%add3A_532, %dma_start3A_539, %dma_start3A_540] : memref<1024x200x64xf32, #tpu.memory_space<hbm>> -> memref<1x200x64xf32, #tpu.memory_space<hbm>>
    %dma_start3A_542 = tpu.memref_squeeze %dma_start3A_541 : memref<1x200x64xf32, #tpu.memory_space<hbm>> -> memref<200x64xf32, #tpu.memory_space<hbm>>
    %dma_start3A_543 = tpu.memref_slice %arg19[%dma_start3A_534] : memref<2x!tpu.dma_semaphore, #tpu.memory_space<semaphore_mem>> -> memref<1x!tpu.dma_semaphore, #tpu.memory_space<semaphore_mem>>
    %dma_start3A_544 = tpu.memref_squeeze %dma_start3A_543 : memref<1x!tpu.dma_semaphore, #tpu.memory_space<semaphore_mem>> -> memref<!tpu.dma_semaphore, #tpu.memory_space<semaphore_mem>>
    %dma_start3A_545 = arith.constant 0 : i32
    %dma_start3A_546 = arith.constant 0 : i32
    %dma_start3A_547 = tpu.memref_slice %arg14[%add3A_532, %dma_start3A_545, %dma_start3A_546] : memref<1024x200x64xf32, #tpu.memory_space<hbm>> -> memref<1x200x64xf32, #tpu.memory_space<hbm>>
    %dma_start3A_548 = tpu.memref_squeeze %dma_start3A_547 : memref<1x200x64xf32, #tpu.memory_space<hbm>> -> memref<200x64xf32, #tpu.memory_space<hbm>>
    %dma_start3A_549 = arith.constant 0 : i32
    %dma_start3A_550 = arith.constant 0 : i32
    %dma_start3A_551 = tpu.memref_slice %arg16[%dma_start3A_533, %dma_start3A_549, %dma_start3A_550] : memref<2x200x64xf32, #tpu.memory_space<vmem>> -> memref<1x200x64xf32, #tpu.memory_space<vmem>>
    %dma_start3A_552 = tpu.memref_squeeze %dma_start3A_551 : memref<1x200x64xf32, #tpu.memory_space<vmem>> -> memref<200x64xf32, #tpu.memory_space<vmem>>
    tpu.enqueue_dma source(%dma_start3A_552 : memref<200x64xf32, #tpu.memory_space<vmem>>) target(%dma_start3A_548 : memref<200x64xf32, #tpu.memory_space<hbm>>) target_semaphore(%dma_start3A_544 : memref<!tpu.dma_semaphore, #tpu.memory_space<semaphore_mem>>)
    %dma_wait3A_553 = arith.constant 0 : i32
    %dma_wait3A_554 = arith.constant 0 : i32
    %dma_wait3A_555 = arith.constant 0 : i32
    %dma_wait3A_556 = arith.constant 0 : i32
    %dma_wait3A_557 = tpu.memref_slice %arg15[%dma_wait3A_553, %dma_wait3A_554, %dma_wait3A_556] : memref<2x10x200xi32, #tpu.memory_space<vmem>> -> memref<1x1x200xi32, #tpu.memory_space<vmem>>
    %dma_wait3A_558 = tpu.memref_squeeze %dma_wait3A_557 : memref<1x1x200xi32, #tpu.memory_space<vmem>> -> memref<200xi32, #tpu.memory_space<vmem>>
    %dma_wait3A_559 = tpu.memref_slice %arg2[%mul3A_2] : memref<204800xi32, #tpu.memory_space<hbm>> -> memref<200xi32, #tpu.memory_space<hbm>>
    %dma_wait3A_560 = tpu.memref_slice %arg17[%dma_wait3A_555] : memref<2x!tpu.dma_semaphore, #tpu.memory_space<semaphore_mem>> -> memref<1x!tpu.dma_semaphore, #tpu.memory_space<semaphore_mem>>
    %dma_wait3A_561 = tpu.memref_squeeze %dma_wait3A_560 : memref<1x!tpu.dma_semaphore, #tpu.memory_space<semaphore_mem>> -> memref<!tpu.dma_semaphore, #tpu.memory_space<semaphore_mem>>
    %dma_wait3A_562 = arith.constant 0 : i32
    %dma_wait3A_563 = tpu.memref_slice %arg15[%dma_wait3A_553, %dma_wait3A_554, %dma_wait3A_562] : memref<2x10x200xi32, #tpu.memory_space<vmem>> -> memref<1x1x200xi32, #tpu.memory_space<vmem>>
    %dma_wait3A_564 = tpu.memref_squeeze %dma_wait3A_563 : memref<1x1x200xi32, #tpu.memory_space<vmem>> -> memref<200xi32, #tpu.memory_space<vmem>>
    %dma_wait3A_565 = tpu.memref_slice %arg2[%mul3A_2] : memref<204800xi32, #tpu.memory_space<hbm>> -> memref<200xi32, #tpu.memory_space<hbm>>
    tpu.wait_dma2 semaphore(%dma_wait3A_561 : memref<!tpu.dma_semaphore, #tpu.memory_space<semaphore_mem>>) src(%dma_wait3A_565 : memref<200xi32, #tpu.memory_space<hbm>>) dst(%dma_wait3A_564 : memref<200xi32, #tpu.memory_space<vmem>>)
    %dma_wait3A_566 = arith.constant 0 : i32
    %dma_wait3A_567 = arith.constant 1 : i32
    %dma_wait3A_568 = arith.constant 0 : i32
    %dma_wait3A_569 = arith.constant 0 : i32
    %dma_wait3A_570 = tpu.memref_slice %arg15[%dma_wait3A_566, %dma_wait3A_567, %dma_wait3A_569] : memref<2x10x200xi32, #tpu.memory_space<vmem>> -> memref<1x1x200xi32, #tpu.memory_space<vmem>>
    %dma_wait3A_571 = tpu.memref_squeeze %dma_wait3A_570 : memref<1x1x200xi32, #tpu.memory_space<vmem>> -> memref<200xi32, #tpu.memory_space<vmem>>
    %dma_wait3A_572 = tpu.memref_slice %arg3[%mul3A_2] : memref<204800xi32, #tpu.memory_space<hbm>> -> memref<200xi32, #tpu.memory_space<hbm>>
    %dma_wait3A_573 = tpu.memref_slice %arg17[%dma_wait3A_568] : memref<2x!tpu.dma_semaphore, #tpu.memory_space<semaphore_mem>> -> memref<1x!tpu.dma_semaphore, #tpu.memory_space<semaphore_mem>>
    %dma_wait3A_574 = tpu.memref_squeeze %dma_wait3A_573 : memref<1x!tpu.dma_semaphore, #tpu.memory_space<semaphore_mem>> -> memref<!tpu.dma_semaphore, #tpu.memory_space<semaphore_mem>>
    %dma_wait3A_575 = arith.constant 0 : i32
    %dma_wait3A_576 = tpu.memref_slice %arg15[%dma_wait3A_566, %dma_wait3A_567, %dma_wait3A_575] : memref<2x10x200xi32, #tpu.memory_space<vmem>> -> memref<1x1x200xi32, #tpu.memory_space<vmem>>
    %dma_wait3A_577 = tpu.memref_squeeze %dma_wait3A_576 : memref<1x1x200xi32, #tpu.memory_space<vmem>> -> memref<200xi32, #tpu.memory_space<vmem>>
    %dma_wait3A_578 = tpu.memref_slice %arg3[%mul3A_2] : memref<204800xi32, #tpu.memory_space<hbm>> -> memref<200xi32, #tpu.memory_space<hbm>>
    tpu.wait_dma2 semaphore(%dma_wait3A_574 : memref<!tpu.dma_semaphore, #tpu.memory_space<semaphore_mem>>) src(%dma_wait3A_578 : memref<200xi32, #tpu.memory_space<hbm>>) dst(%dma_wait3A_577 : memref<200xi32, #tpu.memory_space<vmem>>)
    %dma_wait3A_579 = arith.constant 0 : i32
    %dma_wait3A_580 = arith.constant 2 : i32
    %dma_wait3A_581 = arith.constant 0 : i32
    %dma_wait3A_582 = arith.constant 0 : i32
    %dma_wait3A_583 = tpu.memref_slice %arg15[%dma_wait3A_579, %dma_wait3A_580, %dma_wait3A_582] : memref<2x10x200xi32, #tpu.memory_space<vmem>> -> memref<1x1x200xi32, #tpu.memory_space<vmem>>
    %dma_wait3A_584 = tpu.memref_squeeze %dma_wait3A_583 : memref<1x1x200xi32, #tpu.memory_space<vmem>> -> memref<200xi32, #tpu.memory_space<vmem>>
    %dma_wait3A_585 = tpu.memref_slice %arg4[%mul3A_2] : memref<204800xi32, #tpu.memory_space<hbm>> -> memref<200xi32, #tpu.memory_space<hbm>>
    %dma_wait3A_586 = tpu.memref_slice %arg17[%dma_wait3A_581] : memref<2x!tpu.dma_semaphore, #tpu.memory_space<semaphore_mem>> -> memref<1x!tpu.dma_semaphore, #tpu.memory_space<semaphore_mem>>
    %dma_wait3A_587 = tpu.memref_squeeze %dma_wait3A_586 : memref<1x!tpu.dma_semaphore, #tpu.memory_space<semaphore_mem>> -> memref<!tpu.dma_semaphore, #tpu.memory_space<semaphore_mem>>
    %dma_wait3A_588 = arith.constant 0 : i32
    %dma_wait3A_589 = tpu.memref_slice %arg15[%dma_wait3A_579, %dma_wait3A_580, %dma_wait3A_588] : memref<2x10x200xi32, #tpu.memory_space<vmem>> -> memref<1x1x200xi32, #tpu.memory_space<vmem>>
    %dma_wait3A_590 = tpu.memref_squeeze %dma_wait3A_589 : memref<1x1x200xi32, #tpu.memory_space<vmem>> -> memref<200xi32, #tpu.memory_space<vmem>>
    %dma_wait3A_591 = tpu.memref_slice %arg4[%mul3A_2] : memref<204800xi32, #tpu.memory_space<hbm>> -> memref<200xi32, #tpu.memory_space<hbm>>
    tpu.wait_dma2 semaphore(%dma_wait3A_587 : memref<!tpu.dma_semaphore, #tpu.memory_space<semaphore_mem>>) src(%dma_wait3A_591 : memref<200xi32, #tpu.memory_space<hbm>>) dst(%dma_wait3A_590 : memref<200xi32, #tpu.memory_space<vmem>>)
    %dma_wait3A_592 = arith.constant 0 : i32
    %dma_wait3A_593 = arith.constant 3 : i32
    %dma_wait3A_594 = arith.constant 0 : i32
    %dma_wait3A_595 = arith.constant 0 : i32
    %dma_wait3A_596 = tpu.memref_slice %arg15[%dma_wait3A_592, %dma_wait3A_593, %dma_wait3A_595] : memref<2x10x200xi32, #tpu.memory_space<vmem>> -> memref<1x1x200xi32, #tpu.memory_space<vmem>>
    %dma_wait3A_597 = tpu.memref_squeeze %dma_wait3A_596 : memref<1x1x200xi32, #tpu.memory_space<vmem>> -> memref<200xi32, #tpu.memory_space<vmem>>
    %dma_wait3A_598 = tpu.memref_slice %arg5[%mul3A_2] : memref<204800xi32, #tpu.memory_space<hbm>> -> memref<200xi32, #tpu.memory_space<hbm>>
    %dma_wait3A_599 = tpu.memref_slice %arg17[%dma_wait3A_594] : memref<2x!tpu.dma_semaphore, #tpu.memory_space<semaphore_mem>> -> memref<1x!tpu.dma_semaphore, #tpu.memory_space<semaphore_mem>>
    %dma_wait3A_600 = tpu.memref_squeeze %dma_wait3A_599 : memref<1x!tpu.dma_semaphore, #tpu.memory_space<semaphore_mem>> -> memref<!tpu.dma_semaphore, #tpu.memory_space<semaphore_mem>>
    %dma_wait3A_601 = arith.constant 0 : i32
    %dma_wait3A_602 = tpu.memref_slice %arg15[%dma_wait3A_592, %dma_wait3A_593, %dma_wait3A_601] : memref<2x10x200xi32, #tpu.memory_space<vmem>> -> memref<1x1x200xi32, #tpu.memory_space<vmem>>
    %dma_wait3A_603 = tpu.memref_squeeze %dma_wait3A_602 : memref<1x1x200xi32, #tpu.memory_space<vmem>> -> memref<200xi32, #tpu.memory_space<vmem>>
    %dma_wait3A_604 = tpu.memref_slice %arg5[%mul3A_2] : memref<204800xi32, #tpu.memory_space<hbm>> -> memref<200xi32, #tpu.memory_space<hbm>>
    tpu.wait_dma2 semaphore(%dma_wait3A_600 : memref<!tpu.dma_semaphore, #tpu.memory_space<semaphore_mem>>) src(%dma_wait3A_604 : memref<200xi32, #tpu.memory_space<hbm>>) dst(%dma_wait3A_603 : memref<200xi32, #tpu.memory_space<vmem>>)
    %dma_wait3A_605 = arith.constant 0 : i32
    %dma_wait3A_606 = arith.constant 4 : i32
    %dma_wait3A_607 = arith.constant 0 : i32
    %dma_wait3A_608 = arith.constant 0 : i32
    %dma_wait3A_609 = tpu.memref_slice %arg15[%dma_wait3A_605, %dma_wait3A_606, %dma_wait3A_608] : memref<2x10x200xi32, #tpu.memory_space<vmem>> -> memref<1x1x200xi32, #tpu.memory_space<vmem>>
    %dma_wait3A_610 = tpu.memref_squeeze %dma_wait3A_609 : memref<1x1x200xi32, #tpu.memory_space<vmem>> -> memref<200xi32, #tpu.memory_space<vmem>>
    %dma_wait3A_611 = tpu.memref_slice %arg6[%mul3A_2] : memref<204800xi32, #tpu.memory_space<hbm>> -> memref<200xi32, #tpu.memory_space<hbm>>
    %dma_wait3A_612 = tpu.memref_slice %arg17[%dma_wait3A_607] : memref<2x!tpu.dma_semaphore, #tpu.memory_space<semaphore_mem>> -> memref<1x!tpu.dma_semaphore, #tpu.memory_space<semaphore_mem>>
    %dma_wait3A_613 = tpu.memref_squeeze %dma_wait3A_612 : memref<1x!tpu.dma_semaphore, #tpu.memory_space<semaphore_mem>> -> memref<!tpu.dma_semaphore, #tpu.memory_space<semaphore_mem>>
    %dma_wait3A_614 = arith.constant 0 : i32
    %dma_wait3A_615 = tpu.memref_slice %arg15[%dma_wait3A_605, %dma_wait3A_606, %dma_wait3A_614] : memref<2x10x200xi32, #tpu.memory_space<vmem>> -> memref<1x1x200xi32, #tpu.memory_space<vmem>>
    %dma_wait3A_616 = tpu.memref_squeeze %dma_wait3A_615 : memref<1x1x200xi32, #tpu.memory_space<vmem>> -> memref<200xi32, #tpu.memory_space<vmem>>
    %dma_wait3A_617 = tpu.memref_slice %arg6[%mul3A_2] : memref<204800xi32, #tpu.memory_space<hbm>> -> memref<200xi32, #tpu.memory_space<hbm>>
    tpu.wait_dma2 semaphore(%dma_wait3A_613 : memref<!tpu.dma_semaphore, #tpu.memory_space<semaphore_mem>>) src(%dma_wait3A_617 : memref<200xi32, #tpu.memory_space<hbm>>) dst(%dma_wait3A_616 : memref<200xi32, #tpu.memory_space<vmem>>)
    %dma_wait3A_618 = arith.constant 0 : i32
    %dma_wait3A_619 = arith.constant 5 : i32
    %dma_wait3A_620 = arith.constant 0 : i32
    %dma_wait3A_621 = arith.constant 0 : i32
    %dma_wait3A_622 = tpu.memref_slice %arg15[%dma_wait3A_618, %dma_wait3A_619, %dma_wait3A_621] : memref<2x10x200xi32, #tpu.memory_space<vmem>> -> memref<1x1x200xi32, #tpu.memory_space<vmem>>
    %dma_wait3A_623 = tpu.memref_squeeze %dma_wait3A_622 : memref<1x1x200xi32, #tpu.memory_space<vmem>> -> memref<200xi32, #tpu.memory_space<vmem>>
    %dma_wait3A_624 = tpu.memref_slice %arg7[%mul3A_2] : memref<204800xi32, #tpu.memory_space<hbm>> -> memref<200xi32, #tpu.memory_space<hbm>>
    %dma_wait3A_625 = tpu.memref_slice %arg17[%dma_wait3A_620] : memref<2x!tpu.dma_semaphore, #tpu.memory_space<semaphore_mem>> -> memref<1x!tpu.dma_semaphore, #tpu.memory_space<semaphore_mem>>
    %dma_wait3A_626 = tpu.memref_squeeze %dma_wait3A_625 : memref<1x!tpu.dma_semaphore, #tpu.memory_space<semaphore_mem>> -> memref<!tpu.dma_semaphore, #tpu.memory_space<semaphore_mem>>
    %dma_wait3A_627 = arith.constant 0 : i32
    %dma_wait3A_628 = tpu.memref_slice %arg15[%dma_wait3A_618, %dma_wait3A_619, %dma_wait3A_627] : memref<2x10x200xi32, #tpu.memory_space<vmem>> -> memref<1x1x200xi32, #tpu.memory_space<vmem>>
    %dma_wait3A_629 = tpu.memref_squeeze %dma_wait3A_628 : memref<1x1x200xi32, #tpu.memory_space<vmem>> -> memref<200xi32, #tpu.memory_space<vmem>>
    %dma_wait3A_630 = tpu.memref_slice %arg7[%mul3A_2] : memref<204800xi32, #tpu.memory_space<hbm>> -> memref<200xi32, #tpu.memory_space<hbm>>
    tpu.wait_dma2 semaphore(%dma_wait3A_626 : memref<!tpu.dma_semaphore, #tpu.memory_space<semaphore_mem>>) src(%dma_wait3A_630 : memref<200xi32, #tpu.memory_space<hbm>>) dst(%dma_wait3A_629 : memref<200xi32, #tpu.memory_space<vmem>>)
    %dma_wait3A_631 = arith.constant 0 : i32
    %dma_wait3A_632 = arith.constant 6 : i32
    %dma_wait3A_633 = arith.constant 0 : i32
    %dma_wait3A_634 = arith.constant 0 : i32
    %dma_wait3A_635 = tpu.memref_slice %arg15[%dma_wait3A_631, %dma_wait3A_632, %dma_wait3A_634] : memref<2x10x200xi32, #tpu.memory_space<vmem>> -> memref<1x1x200xi32, #tpu.memory_space<vmem>>
    %dma_wait3A_636 = tpu.memref_squeeze %dma_wait3A_635 : memref<1x1x200xi32, #tpu.memory_space<vmem>> -> memref<200xi32, #tpu.memory_space<vmem>>
    %dma_wait3A_637 = tpu.memref_slice %arg8[%mul3A_2] : memref<204800xi32, #tpu.memory_space<hbm>> -> memref<200xi32, #tpu.memory_space<hbm>>
    %dma_wait3A_638 = tpu.memref_slice %arg17[%dma_wait3A_633] : memref<2x!tpu.dma_semaphore, #tpu.memory_space<semaphore_mem>> -> memref<1x!tpu.dma_semaphore, #tpu.memory_space<semaphore_mem>>
    %dma_wait3A_639 = tpu.memref_squeeze %dma_wait3A_638 : memref<1x!tpu.dma_semaphore, #tpu.memory_space<semaphore_mem>> -> memref<!tpu.dma_semaphore, #tpu.memory_space<semaphore_mem>>
    %dma_wait3A_640 = arith.constant 0 : i32
    %dma_wait3A_641 = tpu.memref_slice %arg15[%dma_wait3A_631, %dma_wait3A_632, %dma_wait3A_640] : memref<2x10x200xi32, #tpu.memory_space<vmem>> -> memref<1x1x200xi32, #tpu.memory_space<vmem>>
    %dma_wait3A_642 = tpu.memref_squeeze %dma_wait3A_641 : memref<1x1x200xi32, #tpu.memory_space<vmem>> -> memref<200xi32, #tpu.memory_space<vmem>>
    %dma_wait3A_643 = tpu.memref_slice %arg8[%mul3A_2] : memref<204800xi32, #tpu.memory_space<hbm>> -> memref<200xi32, #tpu.memory_space<hbm>>
    tpu.wait_dma2 semaphore(%dma_wait3A_639 : memref<!tpu.dma_semaphore, #tpu.memory_space<semaphore_mem>>) src(%dma_wait3A_643 : memref<200xi32, #tpu.memory_space<hbm>>) dst(%dma_wait3A_642 : memref<200xi32, #tpu.memory_space<vmem>>)
    %dma_wait3A_644 = arith.constant 0 : i32
    %dma_wait3A_645 = arith.constant 7 : i32
    %dma_wait3A_646 = arith.constant 0 : i32
    %dma_wait3A_647 = arith.constant 0 : i32
    %dma_wait3A_648 = tpu.memref_slice %arg15[%dma_wait3A_644, %dma_wait3A_645, %dma_wait3A_647] : memref<2x10x200xi32, #tpu.memory_space<vmem>> -> memref<1x1x200xi32, #tpu.memory_space<vmem>>
    %dma_wait3A_649 = tpu.memref_squeeze %dma_wait3A_648 : memref<1x1x200xi32, #tpu.memory_space<vmem>> -> memref<200xi32, #tpu.memory_space<vmem>>
    %dma_wait3A_650 = tpu.memref_slice %arg9[%mul3A_2] : memref<204800xi32, #tpu.memory_space<hbm>> -> memref<200xi32, #tpu.memory_space<hbm>>
    %dma_wait3A_651 = tpu.memref_slice %arg17[%dma_wait3A_646] : memref<2x!tpu.dma_semaphore, #tpu.memory_space<semaphore_mem>> -> memref<1x!tpu.dma_semaphore, #tpu.memory_space<semaphore_mem>>
    %dma_wait3A_652 = tpu.memref_squeeze %dma_wait3A_651 : memref<1x!tpu.dma_semaphore, #tpu.memory_space<semaphore_mem>> -> memref<!tpu.dma_semaphore, #tpu.memory_space<semaphore_mem>>
    %dma_wait3A_653 = arith.constant 0 : i32
    %dma_wait3A_654 = tpu.memref_slice %arg15[%dma_wait3A_644, %dma_wait3A_645, %dma_wait3A_653] : memref<2x10x200xi32, #tpu.memory_space<vmem>> -> memref<1x1x200xi32, #tpu.memory_space<vmem>>
    %dma_wait3A_655 = tpu.memref_squeeze %dma_wait3A_654 : memref<1x1x200xi32, #tpu.memory_space<vmem>> -> memref<200xi32, #tpu.memory_space<vmem>>
    %dma_wait3A_656 = tpu.memref_slice %arg9[%mul3A_2] : memref<204800xi32, #tpu.memory_space<hbm>> -> memref<200xi32, #tpu.memory_space<hbm>>
    tpu.wait_dma2 semaphore(%dma_wait3A_652 : memref<!tpu.dma_semaphore, #tpu.memory_space<semaphore_mem>>) src(%dma_wait3A_656 : memref<200xi32, #tpu.memory_space<hbm>>) dst(%dma_wait3A_655 : memref<200xi32, #tpu.memory_space<vmem>>)
    %dma_wait3A_657 = arith.constant 0 : i32
    %dma_wait3A_658 = arith.constant 8 : i32
    %dma_wait3A_659 = arith.constant 0 : i32
    %dma_wait3A_660 = arith.constant 0 : i32
    %dma_wait3A_661 = tpu.memref_slice %arg15[%dma_wait3A_657, %dma_wait3A_658, %dma_wait3A_660] : memref<2x10x200xi32, #tpu.memory_space<vmem>> -> memref<1x1x200xi32, #tpu.memory_space<vmem>>
    %dma_wait3A_662 = tpu.memref_squeeze %dma_wait3A_661 : memref<1x1x200xi32, #tpu.memory_space<vmem>> -> memref<200xi32, #tpu.memory_space<vmem>>
    %dma_wait3A_663 = tpu.memref_slice %arg10[%mul3A_2] : memref<204800xi32, #tpu.memory_space<hbm>> -> memref<200xi32, #tpu.memory_space<hbm>>
    %dma_wait3A_664 = tpu.memref_slice %arg17[%dma_wait3A_659] : memref<2x!tpu.dma_semaphore, #tpu.memory_space<semaphore_mem>> -> memref<1x!tpu.dma_semaphore, #tpu.memory_space<semaphore_mem>>
    %dma_wait3A_665 = tpu.memref_squeeze %dma_wait3A_664 : memref<1x!tpu.dma_semaphore, #tpu.memory_space<semaphore_mem>> -> memref<!tpu.dma_semaphore, #tpu.memory_space<semaphore_mem>>
    %dma_wait3A_666 = arith.constant 0 : i32
    %dma_wait3A_667 = tpu.memref_slice %arg15[%dma_wait3A_657, %dma_wait3A_658, %dma_wait3A_666] : memref<2x10x200xi32, #tpu.memory_space<vmem>> -> memref<1x1x200xi32, #tpu.memory_space<vmem>>
    %dma_wait3A_668 = tpu.memref_squeeze %dma_wait3A_667 : memref<1x1x200xi32, #tpu.memory_space<vmem>> -> memref<200xi32, #tpu.memory_space<vmem>>
    %dma_wait3A_669 = tpu.memref_slice %arg10[%mul3A_2] : memref<204800xi32, #tpu.memory_space<hbm>> -> memref<200xi32, #tpu.memory_space<hbm>>
    tpu.wait_dma2 semaphore(%dma_wait3A_665 : memref<!tpu.dma_semaphore, #tpu.memory_space<semaphore_mem>>) src(%dma_wait3A_669 : memref<200xi32, #tpu.memory_space<hbm>>) dst(%dma_wait3A_668 : memref<200xi32, #tpu.memory_space<vmem>>)
    %dma_wait3A_670 = arith.constant 0 : i32
    %dma_wait3A_671 = arith.constant 9 : i32
    %dma_wait3A_672 = arith.constant 0 : i32
    %dma_wait3A_673 = arith.constant 0 : i32
    %dma_wait3A_674 = tpu.memref_slice %arg15[%dma_wait3A_670, %dma_wait3A_671, %dma_wait3A_673] : memref<2x10x200xi32, #tpu.memory_space<vmem>> -> memref<1x1x200xi32, #tpu.memory_space<vmem>>
    %dma_wait3A_675 = tpu.memref_squeeze %dma_wait3A_674 : memref<1x1x200xi32, #tpu.memory_space<vmem>> -> memref<200xi32, #tpu.memory_space<vmem>>
    %dma_wait3A_676 = tpu.memref_slice %arg11[%mul3A_2] : memref<204800xi32, #tpu.memory_space<hbm>> -> memref<200xi32, #tpu.memory_space<hbm>>
    %dma_wait3A_677 = tpu.memref_slice %arg17[%dma_wait3A_672] : memref<2x!tpu.dma_semaphore, #tpu.memory_space<semaphore_mem>> -> memref<1x!tpu.dma_semaphore, #tpu.memory_space<semaphore_mem>>
    %dma_wait3A_678 = tpu.memref_squeeze %dma_wait3A_677 : memref<1x!tpu.dma_semaphore, #tpu.memory_space<semaphore_mem>> -> memref<!tpu.dma_semaphore, #tpu.memory_space<semaphore_mem>>
    %dma_wait3A_679 = arith.constant 0 : i32
    %dma_wait3A_680 = tpu.memref_slice %arg15[%dma_wait3A_670, %dma_wait3A_671, %dma_wait3A_679] : memref<2x10x200xi32, #tpu.memory_space<vmem>> -> memref<1x1x200xi32, #tpu.memory_space<vmem>>
    %dma_wait3A_681 = tpu.memref_squeeze %dma_wait3A_680 : memref<1x1x200xi32, #tpu.memory_space<vmem>> -> memref<200xi32, #tpu.memory_space<vmem>>
    %dma_wait3A_682 = tpu.memref_slice %arg11[%mul3A_2] : memref<204800xi32, #tpu.memory_space<hbm>> -> memref<200xi32, #tpu.memory_space<hbm>>
    tpu.wait_dma2 semaphore(%dma_wait3A_678 : memref<!tpu.dma_semaphore, #tpu.memory_space<semaphore_mem>>) src(%dma_wait3A_682 : memref<200xi32, #tpu.memory_space<hbm>>) dst(%dma_wait3A_681 : memref<200xi32, #tpu.memory_space<vmem>>)
    %mul3A_683 = arith.constant 32 : i32
    %mul3A_684 = arith.muli %add3A, %mul3A_683 : i32
    %dma_wait3A_685 = arith.constant 0 : i32
    %dma_wait3A_686 = arith.constant 0 : i32
    %dma_wait3A_687 = arith.constant 0 : i32
    %dma_wait3A_688 = arith.constant 0 : i32
    %dma_wait3A_689 = tpu.memref_slice %arg16[%dma_wait3A_685, %dma_wait3A_687, %dma_wait3A_688] : memref<2x200x64xf32, #tpu.memory_space<vmem>> -> memref<1x200x64xf32, #tpu.memory_space<vmem>>
    %dma_wait3A_690 = tpu.memref_squeeze %dma_wait3A_689 : memref<1x200x64xf32, #tpu.memory_space<vmem>> -> memref<200x64xf32, #tpu.memory_space<vmem>>
    %dma_wait3A_691 = arith.constant 0 : i32
    %dma_wait3A_692 = arith.constant 0 : i32
    %dma_wait3A_693 = tpu.memref_slice %arg14[%mul3A_684, %dma_wait3A_691, %dma_wait3A_692] : memref<1024x200x64xf32, #tpu.memory_space<hbm>> -> memref<1x200x64xf32, #tpu.memory_space<hbm>>
    %dma_wait3A_694 = tpu.memref_squeeze %dma_wait3A_693 : memref<1x200x64xf32, #tpu.memory_space<hbm>> -> memref<200x64xf32, #tpu.memory_space<hbm>>
    %dma_wait3A_695 = tpu.memref_slice %arg19[%dma_wait3A_686] : memref<2x!tpu.dma_semaphore, #tpu.memory_space<semaphore_mem>> -> memref<1x!tpu.dma_semaphore, #tpu.memory_space<semaphore_mem>>
    %dma_wait3A_696 = tpu.memref_squeeze %dma_wait3A_695 : memref<1x!tpu.dma_semaphore, #tpu.memory_space<semaphore_mem>> -> memref<!tpu.dma_semaphore, #tpu.memory_space<semaphore_mem>>
    %dma_wait3A_697 = arith.constant 0 : i32
    %dma_wait3A_698 = arith.constant 0 : i32
    %dma_wait3A_699 = tpu.memref_slice %arg14[%mul3A_684, %dma_wait3A_697, %dma_wait3A_698] : memref<1024x200x64xf32, #tpu.memory_space<hbm>> -> memref<1x200x64xf32, #tpu.memory_space<hbm>>
    %dma_wait3A_700 = tpu.memref_squeeze %dma_wait3A_699 : memref<1x200x64xf32, #tpu.memory_space<hbm>> -> memref<200x64xf32, #tpu.memory_space<hbm>>
    %dma_wait3A_701 = arith.constant 0 : i32
    %dma_wait3A_702 = arith.constant 0 : i32
    %dma_wait3A_703 = tpu.memref_slice %arg16[%dma_wait3A_685, %dma_wait3A_701, %dma_wait3A_702] : memref<2x200x64xf32, #tpu.memory_space<vmem>> -> memref<1x200x64xf32, #tpu.memory_space<vmem>>
    %dma_wait3A_704 = tpu.memref_squeeze %dma_wait3A_703 : memref<1x200x64xf32, #tpu.memory_space<vmem>> -> memref<200x64xf32, #tpu.memory_space<vmem>>
    tpu.wait_dma2 semaphore(%dma_wait3A_696 : memref<!tpu.dma_semaphore, #tpu.memory_space<semaphore_mem>>) src(%dma_wait3A_704 : memref<200x64xf32, #tpu.memory_space<vmem>>) dst(%dma_wait3A_700 : memref<200x64xf32, #tpu.memory_space<hbm>>)
    %mul3A_705 = arith.constant 32 : i32
    %mul3A_706 = arith.muli %add3A, %mul3A_705 : i32
    %dma_wait3A_707 = arith.constant 1 : i32
    %dma_wait3A_708 = arith.constant 1 : i32
    %dma_wait3A_709 = arith.constant 0 : i32
    %dma_wait3A_710 = arith.constant 0 : i32
    %dma_wait3A_711 = tpu.memref_slice %arg16[%dma_wait3A_707, %dma_wait3A_709, %dma_wait3A_710] : memref<2x200x64xf32, #tpu.memory_space<vmem>> -> memref<1x200x64xf32, #tpu.memory_space<vmem>>
    %dma_wait3A_712 = tpu.memref_squeeze %dma_wait3A_711 : memref<1x200x64xf32, #tpu.memory_space<vmem>> -> memref<200x64xf32, #tpu.memory_space<vmem>>
    %dma_wait3A_713 = arith.constant 0 : i32
    %dma_wait3A_714 = arith.constant 0 : i32
    %dma_wait3A_715 = tpu.memref_slice %arg14[%mul3A_706, %dma_wait3A_713, %dma_wait3A_714] : memref<1024x200x64xf32, #tpu.memory_space<hbm>> -> memref<1x200x64xf32, #tpu.memory_space<hbm>>
    %dma_wait3A_716 = tpu.memref_squeeze %dma_wait3A_715 : memref<1x200x64xf32, #tpu.memory_space<hbm>> -> memref<200x64xf32, #tpu.memory_space<hbm>>
    %dma_wait3A_717 = tpu.memref_slice %arg19[%dma_wait3A_708] : memref<2x!tpu.dma_semaphore, #tpu.memory_space<semaphore_mem>> -> memref<1x!tpu.dma_semaphore, #tpu.memory_space<semaphore_mem>>
    %dma_wait3A_718 = tpu.memref_squeeze %dma_wait3A_717 : memref<1x!tpu.dma_semaphore, #tpu.memory_space<semaphore_mem>> -> memref<!tpu.dma_semaphore, #tpu.memory_space<semaphore_mem>>
    %dma_wait3A_719 = arith.constant 0 : i32
    %dma_wait3A_720 = arith.constant 0 : i32
    %dma_wait3A_721 = tpu.memref_slice %arg14[%mul3A_706, %dma_wait3A_719, %dma_wait3A_720] : memref<1024x200x64xf32, #tpu.memory_space<hbm>> -> memref<1x200x64xf32, #tpu.memory_space<hbm>>
    %dma_wait3A_722 = tpu.memref_squeeze %dma_wait3A_721 : memref<1x200x64xf32, #tpu.memory_space<hbm>> -> memref<200x64xf32, #tpu.memory_space<hbm>>
    %dma_wait3A_723 = arith.constant 0 : i32
    %dma_wait3A_724 = arith.constant 0 : i32
    %dma_wait3A_725 = tpu.memref_slice %arg16[%dma_wait3A_707, %dma_wait3A_723, %dma_wait3A_724] : memref<2x200x64xf32, #tpu.memory_space<vmem>> -> memref<1x200x64xf32, #tpu.memory_space<vmem>>
    %dma_wait3A_726 = tpu.memref_squeeze %dma_wait3A_725 : memref<1x200x64xf32, #tpu.memory_space<vmem>> -> memref<200x64xf32, #tpu.memory_space<vmem>>
    tpu.wait_dma2 semaphore(%dma_wait3A_718 : memref<!tpu.dma_semaphore, #tpu.memory_space<semaphore_mem>>) src(%dma_wait3A_726 : memref<200x64xf32, #tpu.memory_space<vmem>>) dst(%dma_wait3A_722 : memref<200x64xf32, #tpu.memory_space<hbm>>)
    return
  }
}

module attributes {stable_mosaic.version = 14 : i64} {
  func.func @mm(%arg0: i32, %arg1: memref<2048x768xf32, #tpu.memory_space<vmem>>, %arg2: memref<768x64xf32, #tpu.memory_space<vmem>>, %arg3: memref<1x64xf32, #tpu.memory_space<vmem>>, %arg4: memref<2048x64xf32, #tpu.memory_space<vmem>>) attributes {dimension_semantics = [#tpu.dimension_semantics<arbitrary>], iteration_bounds = array<i64: 32>, scalar_prefetch = 0 : i64, scratch_operands = 0 : i64, tpu.core_type = #tpu.core_type<tc>, window_params = [{transform_indices = @transform_0, window_bounds = array<i64: 2048, 768>}, {pipeline_mode = #tpu.pipeline_mode<synchronous>, transform_indices = @transform_1, window_bounds = array<i64: 768, 64>}, {pipeline_mode = #tpu.pipeline_mode<synchronous>, transform_indices = @transform_2, window_bounds = array<i64: 1, 64>}, {transform_indices = @transform_3, window_bounds = array<i64: 2048, 64>}]} {
    %get3A = arith.constant 0 : index
    %get3A_0 = arith.constant 0 : index
    %get3A_1 = vector.load %arg1[%get3A, %get3A_0] : memref<2048x768xf32, #tpu.memory_space<vmem>>, vector<2048x768xf32>
    %get3A_2 = arith.constant 0 : index
    %get3A_3 = arith.constant 0 : index
    %get3A_4 = vector.load %arg2[%get3A_2, %get3A_3] : memref<768x64xf32, #tpu.memory_space<vmem>>, vector<768x64xf32>
    %dot_general3A = arith.constant dense<0.000000e+00> : vector<2048x64xf32>
    %dot_general3A_5 = tpu.matmul %get3A_1, %get3A_4, %dot_general3A {dimension_numbers = #tpu.dot_dimension_numbers<[1], [0], [0], [1], [0, 0, 1, 1], [], []>, transpose_lhs_hint = false} : vector<2048x768xf32>, vector<768x64xf32>, vector<2048x64xf32> -> vector<2048x64xf32>
    %get3A_6 = arith.constant 0 : index
    %get3A_7 = arith.constant 0 : index
    %get3A_8 = vector.load %arg3[%get3A_6, %get3A_7] : memref<1x64xf32, #tpu.memory_space<vmem>>, vector<1x64xf32>
    %add3A = vector.broadcast %get3A_8 : vector<1x64xf32> to vector<2048x64xf32>
    %add3A_9 = arith.addf %dot_general3A_5, %add3A : vector<2048x64xf32>
    %swap3A = arith.constant 0 : index
    %swap3A_10 = arith.constant 0 : index
    %swap3A_11 = vector.load %arg4[%swap3A, %swap3A_10] : memref<2048x64xf32, #tpu.memory_space<vmem>>, vector<2048x64xf32>
    tpu.vector_store %arg4[%swap3A, %swap3A_10], %add3A_9 {strides = array<i32>} : memref<2048x64xf32, #tpu.memory_space<vmem>>, vector<2048x64xf32>,
    return
  }
  func.func @transform_0(%arg0: i32) -> (i32, i32) {
    %c0_i32 = arith.constant 0 : i32
    %c0_i32_0 = arith.constant 0 : i32
    return %arg0, %c0_i32 : i32, i32
  }
  func.func @transform_1(%arg0: i32) -> (i32, i32) {
    %c0_i32 = arith.constant 0 : i32
    %c0_i32_0 = arith.constant 0 : i32
    %c0_i32_1 = arith.constant 0 : i32
    return %c0_i32, %c0_i32_0 : i32, i32
  }
  func.func @transform_2(%arg0: i32) -> (i32, i32) {
    %c0_i32 = arith.constant 0 : i32
    %c0_i32_0 = arith.constant 0 : i32
    %c0_i32_1 = arith.constant 0 : i32
    return %c0_i32, %c0_i32_0 : i32, i32
  }
  func.func @transform_3(%arg0: i32) -> (i32, i32) {
    %c0_i32 = arith.constant 0 : i32
    %c0_i32_0 = arith.constant 0 : i32
    return %arg0, %c0_i32 : i32, i32
  }
}

module attributes {stable_mosaic.version = 14 : i64} {
  func.func @cp(%arg0: i32, %arg1: memref<544768xf32, #tpu.memory_space<vmem>>, %arg2: memref<544768xf32, #tpu.memory_space<vmem>>) attributes {dimension_semantics = [#tpu.dimension_semantics<arbitrary>], iteration_bounds = array<i64: 32>, scalar_prefetch = 0 : i64, scratch_operands = 0 : i64, tpu.core_type = #tpu.core_type<tc>, window_params = [{pipeline_mode = #tpu.pipeline_mode<synchronous>, transform_indices = @transform_0, window_bounds = array<i64: 544768>}, {transform_indices = @transform_1, window_bounds = array<i64: 544768>}]} {
    %get3A = arith.constant 0 : index
    %get3A_0 = vector.load %arg1[%get3A] : memref<544768xf32, #tpu.memory_space<vmem>>, vector<544768xf32>
    %swap3A = arith.constant 0 : index
    %swap3A_1 = vector.load %arg2[%swap3A] : memref<544768xf32, #tpu.memory_space<vmem>>, vector<544768xf32>
    tpu.vector_store %arg2[%swap3A], %get3A_0 {strides = array<i32>} : memref<544768xf32, #tpu.memory_space<vmem>>, vector<544768xf32>,
    return
  }
  func.func @transform_0(%arg0: i32) -> i32 {
    %c0_i32 = arith.constant 0 : i32
    %c0_i32_0 = arith.constant 0 : i32
    return %c0_i32 : i32
  }
  func.func @transform_1(%arg0: i32) -> i32 {
    %c0_i32 = arith.constant 0 : i32
    return %arg0 : i32
  }
}

</mosaic_0001>

<sc_bundles>
// kernel: kernel.5.cloned.1.call-start
scs
__scs_entry_jumppad:
0x0: {  	(pc) =	sbr.rel $0x88, $3  }
0x1: {  	(tag) =	ssettag $0x0;
	lr =	simm.s32 $0x1  }
0x2: {  	[smem:$0x3F8B] =	sst lr;
	_ =	strace $0xD0000000  }
0x3: {  	_ = 	snop  }
0x4: {  	_ = 	snop  }
0x5: {  	_ = 	snop  }
0x6: {  	_ = 	snop  }
0x7: {  	_ = 	snop  }
__scs_overlays_trampoline_lowered:
0x8: {  	[smem:$0x3F9A] =	sst s0  }
0x9: {  	[smem:$0x3F9B] =	sst s1  }
0xa: {  	[smem:$0x3F9C] =	sst s2  }
0xb: {  	[smem:$0x3F9D] =	sst s3  }
0xc: {  	[smem:$0x3F9E] =	sst s4  }
0xd: {  	[smem:$0x3F9F] =	sst s5  }
0xe: {  	[smem:$0x3FA0] =	sst s6  }
0xf: {  	[smem:$0x3FA1] =	sst s7  }
0x10: {  	[smem:$0x3FA2] =	sst s8  }
0x11: {  	[smem:$0x3FA3] =	sst s9;
	s0 =	simm.s32 @!p0 $0x0  }
0x12: {  	s1 =	sld [smem:$0x3F89];
	s0 =	simm.s32 @p0 $0x1  }
0x13: {  	[smem:$0x3FA4] =	sst s0;
	s0 =	simm.s32 @!p1 $0x0  }
0x14: {  	s2 =	sld [smem:$0x3F88];
	s0 =	simm.s32 @p1 $0x1  }
0x15: {  	[smem:$0x3FA5] =	sst s0;
	s0 =	simm.s32 @!p2 $0x0  }
0x16: {  	s3 =	sld [smem:$0x3FDB];
	s0 =	simm.s32 @p2 $0x1  }
0x17: {  	s4 =	simm.s32 $0x1BF5;
	[smem:$0x3FA7] =	sst s0  }
0x18: {  	s0 =	sld [smem:$0x3F8A];
	_ =	swait.ge [sflag:s4], $0x0  }
0x19: {  	s7 =	sld [smem:$0x3F8B]  }
0x1a: {  	s8 =	sadd.s32 $0xFFFFE003, lr  }
0x1b: {  	s9 =	sadd.s32 $0xFFFFFEF7, lr;
	s5 =	simm.s32 $0xFFFFFFFF;
	p2 =	slt.u32 s8, $0xFFFFF086  }
0x1c: {  	p1 =	slt.u32 s9, $0xF7A;
	s5 =	simm.s32 @!p2 $0x0  }
0x1d: {  	s5 =	simm.s32 @p1 $0x1;
	p0 =	seq.s32 s7, s2  }
0x1e: {  	s7 =	smul.u32 @!p0 $0xF7A, s2;
	p2 =	seq.s32 @!p0 s5, $0x0  }
0x1f: {  	s9 =	smul.u32 $0xF7A, s1;
	s8 =	simm.s32 @!p0 $0x1BF5;
	p2 =	por !p2, p0  }
0x20: {  	[sflag:s8] =	ssyncset.s32 @!p0 $0xFFFFF086;
	s6 =	sadd.s32 @!p0 s3, s7;
	s7 =	simm.s32 @!p0 $0x108  }
0x21: {  	s3 =	sadd.s32 s3, s9;
	s6 =	sadd.s32 @!p0 $0x88, s6;
	s7 =	simm.s32 @p2 $0x1082  }
0x22: {  	[simem:s7], [sflag:s8] =	dma.local @!p0 [hbm:s6], $0xF7A  }
0x23: {  	s9 =	sor.u32 $0xD0000000, s2;
	s6 =	simm.s32 $0x108;
	_ =	swait.ge @!p0 [sflag:s8], $0x0  }
0x24: {  	s3 =	sadd.s32 $0x88, s3;
	s6 =	simm.s32 @!p1 $0x1082;
	[sflag:s4] =	ssyncset.s32 $0xFFFFF086  }
0x25: {  	[simem:s6], [sflag:s4] =	dma.local [hbm:s3], $0xF7A  }
0x26: {  	[smem:$0x3F8B] =	sst s1;
	(tag) =	ssettag s2;
	_ =	strace s9  }
0x27: {  	s1 =	sld [smem:$0x3F9B]  }
0x28: {  	s2 =	sld [smem:$0x3F9C]  }
0x29: {  	s4 =	sld [smem:$0x3F9E]  }
0x2a: {  	p0 =	seq.s32 s5, $0x0;
	s5 =	sld [smem:$0x3F9F]  }
0x2b: {  	s6 =	sld [smem:$0x3FA0]  }
0x2c: {  	s7 =	sld [smem:$0x3FA1]  }
0x2d: {  	s3 =	simm.s32 $0x108;
	s8 =	sld [smem:$0x3FA2]  }
0x2e: {  	s3 =	simm.s32 @!p0 $0x1082;
	s9 =	sld [smem:$0x3FA3]  }
0x2f: {  	lr =	sadd.s32 s0, s3;
	s0 =	sld [smem:$0x3F9A]  }
0x30: {  	s3 =	sld [smem:$0x3F9D]  }
0x31: {  	[smem:$0x3FA6] =	sst s10  }
0x32: {  	s10 =	sld [smem:$0x3FA4];
	_ =	sdelay $0x3  }
0x33: {  	p0 =	seq.s32 s10, $0x1;
	s10 =	sld [smem:$0x3FA6];
	_ =	sdelay $0x3  }
0x34: {  	[smem:$0x3FA6] =	sst s10  }
0x35: {  	s10 =	sld [smem:$0x3FA5];
	_ =	sdelay $0x3  }
0x36: {  	p1 =	seq.s32 s10, $0x1;
	s10 =	sld [smem:$0x3FA6];
	_ =	sdelay $0x3  }
0x37: {  	[smem:$0x3FA6] =	sst s10  }
0x38: {  	s10 =	sld [smem:$0x3FA7]  }
0x39: {  	_ = 	snop;
	(pc) =	sbr.ind lr, $3  }
0x3a: {  	_ = 	snop  }
0x3b: {  	_ = 	snop  }
0x3c: {  	p2 =	seq.s32 s10, $0x1;
	s10 =	sld [smem:$0x3FA6]  }
0x3d: {  	_ =	shalt  }
0x3e: {  	_ =	shalt  }
0x3f: {  	_ =	shalt  }
0x40: {  	_ =	shalt  }
0x41: {  	_ =	shalt  }
0x42: {  	_ =	shalt  }
0x43: {  	_ =	shalt  }
0x44: {  	_ =	shalt  }
0x45: {  	_ =	shalt  }
0x46: {  	_ =	shalt  }
0x47: {  	_ =	shalt  }
0x48: {  	_ =	shalt  }
0x49: {  	_ =	shalt  }
0x4a: {  	_ =	shalt  }
0x4b: {  	_ =	shalt  }
0x4c: {  	_ =	shalt  }
0x4d: {  	_ =	shalt  }
0x4e: {  	_ =	shalt  }
0x4f: {  	_ =	shalt  }
0x50: {  	_ =	shalt  }
0x51: {  	_ =	shalt  }
0x52: {  	_ =	shalt  }
0x53: {  	_ =	shalt  }
0x54: {  	_ =	shalt  }
0x55: {  	_ =	shalt  }
0x56: {  	_ =	shalt  }
0x57: {  	_ =	shalt  }
0x58: {  	_ =	shalt  }
0x59: {  	_ =	shalt  }
0x5a: {  	_ =	shalt  }
0x5b: {  	_ =	shalt  }
0x5c: {  	_ =	shalt  }
0x5d: {  	_ =	shalt  }
0x5e: {  	_ =	shalt  }
0x5f: {  	_ =	shalt  }
0x60: {  	_ =	shalt  }
0x61: {  	_ =	shalt  }
0x62: {  	_ =	shalt  }
0x63: {  	_ =	shalt  }
0x64: {  	_ =	shalt  }
0x65: {  	_ =	shalt  }
0x66: {  	_ =	shalt  }
0x67: {  	_ =	shalt  }
0x68: {  	_ =	shalt  }
0x69: {  	_ =	shalt  }
0x6a: {  	_ =	shalt  }
0x6b: {  	_ =	shalt  }
0x6c: {  	_ =	shalt  }
0x6d: {  	_ =	shalt  }
0x6e: {  	_ =	shalt  }
0x6f: {  	_ =	shalt  }
0x70: {  	_ =	shalt  }
0x71: {  	_ =	shalt  }
0x72: {  	_ =	shalt  }
0x73: {  	_ =	shalt  }
0x74: {  	_ =	shalt  }
0x75: {  	_ =	shalt  }
0x76: {  	_ =	shalt  }
0x77: {  	_ =	shalt  }
0x78: {  	_ =	shalt  }
0x79: {  	_ =	shalt  }
0x7a: {  	_ =	shalt  }
0x7b: {  	_ =	shalt  }
0x7c: {  	_ =	shalt  }
0x7d: {  	_ =	shalt  }
0x7e: {  	_ =	shalt  }
0x7f: {  	_ =	shalt  }
0x80: {  	_ =	shalt  }
0x81: {  	_ =	shalt  }
0x82: {  	_ =	shalt  }
0x83: {  	_ =	shalt  }
0x84: {  	_ =	shalt  }
0x85: {  	_ =	shalt  }
0x86: {  	_ =	shalt  }
0x87: {  	_ =	shalt  }
.Lfunc_end0:
.L_simem_size_0:
called_computation.1_lowered:
.L_overlay_start_0:
0x88: {  	s2 =	sld [smem:$0x3FD9]  }
0x89: {  	s3 =	sld [smem:$0x3FFE];
	_ =	sdelay $0x1  }
0x8a: {  	s1 =	srdreg.scid  }
0x8b: {  	s0 =	sand.u32 $0x1, s1  }
0x8c: {  	s17 =	sshll.u32 s0, $0xA;
	s2 =	sadd.s32 s3, s2  }
0x8d: {  	s2 =	sadd.s32 s2, s17  }
0x8e: {  	[smem:$0x3FB2] =	sst s2  }
0x8f: {  	_ = 	snop  }
0x90: {  	s2 =	sld [smem:$0x3FD0];
	(tm) =	ssettm $0x1  }
0x91: {  	s18 =	sld [smem:$0x3FFB];
	_ =	sdelay $0x3  }
0x92: {  	_ =	strace s18  }
0x93: {  	s3 =	sld [smem:$0x3FFC];
	_ =	sdelay $0x3  }
0x94: {  	_ =	strace s3  }
0x95: {  	s3 =	sld [smem:$0x3FFD];
	_ =	sdelay $0x3  }
0x96: {  	_ =	strace s3  }
0x97: {  	_ =	strace $0x8FFFFFFF  }
0x98: {  	s19 =	sld [smem:$0x3FDB];
	_ =	sdelay $0x1  }
0x99: {  	s4 =	simm.s32 $_scs_section_size  }
0x9a: {  	s5 =	simm.s32 $_size__tile_overlayer_lowered;
	s6 =	simm.s32 $_tile_overlayer_lowered  }
0x9b: {  	s22 =	simm.s32 $0x1BFF;
	s21 =	sshll.u32 s6, $0x1;
	s3 =	sadd.s32 s4, s19  }
0x9c: {  	s7 =	simm.s32 $0x0;
	s20 =	sshll.u32 s5, $0x1;
	s5 =	sadd.s32 s21, s3  }
0x9d: {  	[timem:s7], [sflag:s22] =	dma.local [hbm:s5], s20  }
0x9e: {  	_ =	swait.ge [sflag:s22], s20  }
0x9f: {  	s4 =	ssub.s32 $0x0, s20;
	[sflag:s22] =	ssyncset.done $0x0  }
0xa0: {  	[sflag:s22] =	ssyncadd.s32 s4;
	_ =	sdelay $0x1  }
0xa1: {  	s23 =	simm.s32 $0x1B8B  }
0xa2: {  	_ =	swait.ge [sflag:s23], $0x1  }
0xa3: {  	[sflag:s23] =	ssyncset.done $0x0  }
0xa4: {  	s25 =	simm.s32 $0x1B8E;
	s24 =	sld [smem:$0x3FFE];
	[sflag:s23] =	ssyncadd.s32 $0xFFFFFFFF  }
0xa5: {  	s26 =	simm.s32 $execute0_lowered;
	[smem:$0x3FD2] =	sst s25  }
0xa6: {  	s5 =	sshll.u32 s26, $0x1;
	_ =	strace $0x80000046;
	[dreg:$0x1] =	wrdreg $0xFFFFFFFF  }
0xa7: {  	s28 =	simm.s32 $_size_execute0_lowered;
	s3 =	sadd.s32 s3, s5;
	[dreg:$0x0] =	wrdreg $0x0  }
0xa8: {  	s5 =	sshll.u32 s28, $0x1;
	[dreg:$0x2] =	wrdreg s3  }
0xa9: {  	[dreg:$0x3] =	wrdreg s5  }
0xaa: {  	[dreg:$0x4] =	wrdreg $0xC0  }
0xab: {  	_ =	task [dreg:s7], $0x5FFFF  }
0xac: {  	[dreg:$0x1] =	wrdreg $0xFFFFFFFF  }
0xad: {  	[dreg:$0x0] =	wrdreg $0x60  }
0xae: {  	[dreg:$0x2] =	wrdreg s24  }
0xaf: {  	[dreg:$0x3] =	wrdreg s2  }
0xb0: {  	[dreg:$0x4] =	wrdreg $0x9  }
0xb1: {  	_ =	task.clear_ibuf [dreg:s7], $0x5FFFF;
	_ =	strace $0x90000046  }
0xb2: {  	s29 =	simm.s32 $0x9;
	_ =	strace $0x80000048  }
0xb3: {  	_ =	swait.ge [sflag:s29], $0x1  }
0xb4: {  	[sflag:s29] =	ssyncadd.s32 $0xFFFFFFFF  }
0xb5: {  	_ =	strace $0x90000048  }
0xb6: {  	_ =	sfence  }
0xb7: {  	s30 =	sld [smem:$0x0];
	_ =	sdelay $0x2  }
0xb8: {  	s31 =	sshll.u32 s1, $0xD;
	s1 =	sshrl.u32 s1, $0x2  }
0xb9: {  	s3 =	sand.u32 $0x4000, s31;
	s1 =	sadd.s32 s1, s30  }
0xba: {  	s0 =	sor.u32 s3, s0;
	s1 =	sshll.u32 s1, $0x11  }
0xbb: {  	s0 =	sor.u32 s1, s0  }
0xbc: {  	s0 =	sadd.s32 $0x8F2B, s0  }
0xbd: {  	[sflag:s0] =	ssyncadd.remote.s32 $0x1  }
0xbe: {  	_ =	sfence.sel $0xFFFF  }
0xbf: {  	[dreg:$0x0] =	wrdreg $0xFFFFFFFF;
	(pc) =	sbr.abs _section_cstart, $3  }
0xc0: {  	[dreg:$0x1] =	wrdreg $0xFFFFFFFF  }
0xc1: {  	_ =	task.clear_ibuf [dreg:s7], $0x2FFFF;
	_ =	strace $0x9FFFFFFF  }
0xc2: {  	(tm) =	ssettm $0x7FFFFFFF  }
0xc3: {  	_ =	shalt  }
tec
execute0_lowered:
.L_overlay_start_1:
0x0: {  	(tag) =	ssettag $0x1  }
0x1: {  	s0 =	rddreg [dreg:$0x0]  }
0x2: {  	s18 =	rddreg [dreg:$0x1];
	s2 =	simm.s32 $0x0  }
0x3: {  	s1 =	srdreg.scid;
	s9 =	stileid.u32;
	s30 =	simm.s32 $0xFA0  }
0x4: {  	s31 =	simm.s32 $0x48;
	[smem:$0x7FF] =	sst s2;
	s4 =	sadd.s32 $0x34C00, s0  }
0x5: {  	s5 =	sadd.s32 $0x3B000, s0;
	s1 =	sand.u32 $0x1, s1;
	s19 =	sadd.s32 $0x2C00, s0  }
0x6: {  	s20 =	sadd.s32 $0x9000, s0;
	s21 =	sadd.s32 $0xF400, s0;
	s22 =	sadd.s32 $0x15800, s0  }
0x7: {  	s23 =	sadd.s32 $0x1BC00, s0;
	s24 =	sadd.s32 $0x22000, s0;
	s3 =	sshll.u32 s1, $0x4  }
0x8: {  	s25 =	sadd.s32 $0x28400, s0;
	s1 =	ssub.s32 $0x2, s1;
	s3 =	sor.u32 s9, s3  }
0x9: {  	s26 =	sadd.s32 $0x2E800, s0;
	s7 =	sshrl.u32 s1, $0x1;
	s16 =	smul.u32 $0x1900, s3  }
0xa: {  	s14 =	sadd.s32 $0x41400, s0;
	_ =	strace $0x80000047;
	s1 =	ssub.s32 s1, s7  }
0xb: {  	[dreg:$0x13] =	wrdreg s5;
	s28 =	smax.u32 s1, $0x1;
	s17 =	sshrl.u32 s16, $0x3  }
0xc: {  	s6 =	smov.u32 s26;
	[dreg:$0x11] =	wrdreg s28;
	s8 =	sadd.s32 s4, s17  }
0xd: {  	s15 =	smul.u32 $0x10A00, s3;
	s9 =	sadd.s32 s5, s17;
	[dreg:$0x3] =	wrdreg s8  }
0xe: {  	s7 =	smov.u32 s19;
	s10 =	sadd.s32 s19, s17;
	[dreg:$0x4] =	wrdreg s9  }
0xf: {  	s1 =	simm.s32 $0x3;
	s11 =	sadd.s32 s20, s17;
	[dreg:$0x5] =	wrdreg s10  }
0x10: {  	s0 =	sadd.s32 s15, s0;
	s12 =	sadd.s32 s21, s17;
	[dreg:$0x6] =	wrdreg s11  }
0x11: {  	s15 =	simm.s32 $0x0;
	s13 =	sadd.s32 s22, s17;
	[dreg:$0x7] =	wrdreg s12  }
0x12: {  	s19 =	sadd.s32 s23, s17;
	s8 =	smov.u32 s20;
	[dreg:$0x8] =	wrdreg s13  }
0x13: {  	s9 =	smov.u32 s21;
	[dreg:$0x9] =	wrdreg s19;
	s21 =	sadd.s32 s24, s17  }
0x14: {  	s10 =	smov.u32 s22;
	s22 =	sadd.s32 s25, s17;
	[dreg:$0xa] =	wrdreg s21  }
0x15: {  	s11 =	smov.u32 s23;
	s17 =	sadd.s32 s26, s17;
	[dreg:$0xb] =	wrdreg s22  }
0x16: {  	s12 =	smov.u32 s24;
	s24 =	sor.u32 $0xC8, s16;
	[dreg:$0xc] =	wrdreg s17  }
0x17: {  	s20 =	smul.u32 $0x64000, s3;
	s26 =	sadd.s32 $0x190, s16;
	[dreg:$0xe] =	wrdreg s24  }
0x18: {  	s13 =	smov.u32 s25;
	s3 =	sshll.u32 s3, $0x5;
	[dreg:$0xf] =	wrdreg s26  }
0x19: {  	s25 =	sadd.s32 $0xBE600, s0;
	[dreg:$0xd] =	wrdreg s3;
	s29 =	sadd.s32 $0xFFFFFFFF, s3  }
0x1a: {  	s24 =	simm.s32 $0x80;
	s21 =	simm.s32 $0x41A0;
	s23 =	sshrl.u32 s20, $0x3  }
0x1b: {  	s22 =	simm.s32 $0x61A0;
	s26 =	simm.s32 $0x4;
	s0 =	sadd.s32 s18, s23  }
0x1c: {  	[dreg:$0x12] =	wrdreg s29;
	s20 =	simm.s32 $0x2;
	s0 =	sadd.s32 $0xC1C0, s0  }
0x1d: {  	v0 =	vimm.f32 $0.0e+00;
	s23 =	simm.s32 $0x1;
	[dreg:$0x10] =	wrdreg s0;
	s0 =	simm.s32 $0x2FA0  }
.LBB2_1:
0x1e: {  	[dreg:$0x14] =	wrdreg s15  }
0x1f: {  	s3 =	rddreg [dreg:$0x3]  }
0x20: {  	[tilespmem:s2], [sflag:$0x1] =	stream.linear.gather [hbm4b:s3+s2], $0xC8, $0x38;
	[tilespmem:$0x73A0] =	vst v63  }
0x21: {  	s16 =	rddreg [dreg:$0x4];
	s17 =	simm.s32 $0xC8  }
0x22: {  	[tilespmem:s17], [sflag:$0x1] =	stream.linear.gather [hbm4b:s16+s2], $0xC8, $0x38;
	[tilespmem:$0x73A0] =	vst v63  }
0x23: {  	s18 =	rddreg [dreg:$0x5];
	s19 =	simm.s32 $0x190  }
0x24: {  	[tilespmem:s19], [sflag:$0x1] =	stream.linear.gather [hbm4b:s18+s2], $0xC8, $0x38;
	[tilespmem:$0x73A0] =	vst v63  }
0x25: {  	s29 =	rddreg [dreg:$0x6];
	s5 =	simm.s32 $0x258  }
0x26: {  	[tilespmem:s5], [sflag:$0x1] =	stream.linear.gather [hbm4b:s29+s2], $0xC8, $0x38;
	[tilespmem:$0x73A0] =	vst v63  }
0x27: {  	s16 =	rddreg [dreg:$0x7];
	s17 =	simm.s32 $0x320  }
0x28: {  	[tilespmem:s17], [sflag:$0x1] =	stream.linear.gather [hbm4b:s16+s2], $0xC8, $0x38;
	[tilespmem:$0x73A0] =	vst v63  }
0x29: {  	s18 =	rddreg [dreg:$0x8];
	s19 =	simm.s32 $0x3E8  }
0x2a: {  	[tilespmem:s19], [sflag:$0x1] =	stream.linear.gather [hbm4b:s18+s2], $0xC8, $0x38;
	[tilespmem:$0x73A0] =	vst v63  }
0x2b: {  	s29 =	rddreg [dreg:$0x9];
	s5 =	simm.s32 $0x4B0  }
0x2c: {  	[tilespmem:s5], [sflag:$0x1] =	stream.linear.gather [hbm4b:s29+s2], $0xC8, $0x38;
	[tilespmem:$0x73A0] =	vst v63  }
0x2d: {  	s15 =	rddreg [dreg:$0xa];
	s16 =	simm.s32 $0x578  }
0x2e: {  	[tilespmem:s16], [sflag:$0x1] =	stream.linear.gather [hbm4b:s15+s2], $0xC8, $0x38;
	[tilespmem:$0x73A0] =	vst v63  }
0x2f: {  	s17 =	rddreg [dreg:$0xb];
	s18 =	simm.s32 $0x640  }
0x30: {  	[tilespmem:s18], [sflag:$0x1] =	stream.linear.gather [hbm4b:s17+s2], $0xC8, $0x38;
	[tilespmem:$0x73A0] =	vst v63  }
0x31: {  	s28 =	simm.s32 $0x0;
	s19 =	rddreg [dreg:$0xc];
	s29 =	simm.s32 $0x708  }
0x32: {  	[tilespmem:s29], [sflag:$0x1] =	stream.linear.gather [hbm4b:s19+s2], $0xC8, $0x38;
	[tilespmem:$0x73A0] =	vst v63  }
.LBB2_2:
0x33: {  	p0 =	seq.s32 s28, $0x0  }
0x34: {  	s3 =	simm.s32 @!p0 $0x5  }
0x35: {  	_ =	swait.ge @!p0 [sflag:s3], $0x3200  }
0x36: {  	[sflag:s3] =	ssyncset.done @!p0 $0x0  }
0x37: {  	[sflag:s3] =	ssyncadd.s32 @!p0 $0xFFFFCE00;
	s3 =	simm.s32 $0x10A0  }
0x38: {  	[tilespmem:s3+$0xFFFFFF00] =	vst v0  }
0x39: {  	[tilespmem:s3+$0xF0] =	vst v0  }
0x3a: {  	[tilespmem:s3+$0xE0] =	vst v0  }
0x3b: {  	[tilespmem:s3+$0xD0] =	vst v0  }
0x3c: {  	[tilespmem:s3+$0xC0] =	vst v0  }
0x3d: {  	[tilespmem:s3+$0xB0] =	vst v0  }
0x3e: {  	[tilespmem:s3+$0xA0] =	vst v0  }
0x3f: {  	[tilespmem:s3+$0x90] =	vst v0  }
0x40: {  	[tilespmem:s3+$0x80] =	vst v0  }
0x41: {  	[tilespmem:s3+$0x70] =	vst v0  }
0x42: {  	[tilespmem:s3+$0x60] =	vst v0  }
0x43: {  	[tilespmem:s3+$0x50] =	vst v0  }
0x44: {  	[tilespmem:s3+$0x40] =	vst v0  }
0x45: {  	[tilespmem:s3+$0x30] =	vst v0  }
0x46: {  	[tilespmem:s3+$0x20] =	vst v0  }
0x47: {  	[tilespmem:s3+$0x10] =	vst v0  }
0x48: {  	[tilespmem:s3+$0x0] =	vst v0  }
0x49: {  	[tilespmem:s3+$0xFFFFFFF0] =	vst v0  }
0x4a: {  	[tilespmem:s3+$0xFFFFFFE0] =	vst v0  }
0x4b: {  	[tilespmem:s3+$0xFFFFFFD0] =	vst v0  }
0x4c: {  	[tilespmem:s3+$0xFFFFFFC0] =	vst v0  }
0x4d: {  	[tilespmem:s3+$0xFFFFFFB0] =	vst v0  }
0x4e: {  	[tilespmem:s3+$0xFFFFFFA0] =	vst v0  }
0x4f: {  	[tilespmem:s3+$0xFFFFFF90] =	vst v0  }
0x50: {  	[tilespmem:s3+$0xFFFFFF80] =	vst v0  }
0x51: {  	[tilespmem:s3+$0xFFFFFF70] =	vst v0  }
0x52: {  	[tilespmem:s3+$0xFFFFFF60] =	vst v0  }
0x53: {  	[tilespmem:s3+$0xFFFFFF50] =	vst v0  }
0x54: {  	[tilespmem:s3+$0xFFFFFF40] =	vst v0  }
0x55: {  	[tilespmem:s3+$0xFFFFFF30] =	vst v0  }
0x56: {  	s29 =	sshll.u32 s28, $0x1;
	s15 =	simm.s32 $0x0;
	[tilespmem:s3+$0xFFFFFF20] =	vst v0  }
.LBB2_3:
0x57: {  	s15 =	sadd.s32 $0x8, s15;
	[tilespmem:s3+$0xFFFFFF10] =	vst v0;
	s3 =	sadd.s32 $0x200, s3  }
0x58: {  	[tilespmem:s3+$0xFFFFFF00] =	vst v0;
	p1 =	slt.u32 s15, $0xC0  }
0x59: {  	[tilespmem:s3+$0xF0] =	vst v0  }
0x5a: {  	[tilespmem:s3+$0xE0] =	vst v0  }
0x5b: {  	[tilespmem:s3+$0xD0] =	vst v0  }
0x5c: {  	[tilespmem:s3+$0xC0] =	vst v0  }
0x5d: {  	[tilespmem:s3+$0xB0] =	vst v0  }
0x5e: {  	[tilespmem:s3+$0xA0] =	vst v0  }
0x5f: {  	[tilespmem:s3+$0x90] =	vst v0  }
0x60: {  	[tilespmem:s3+$0x80] =	vst v0  }
0x61: {  	[tilespmem:s3+$0x70] =	vst v0  }
0x62: {  	[tilespmem:s3+$0x60] =	vst v0  }
0x63: {  	[tilespmem:s3+$0x50] =	vst v0  }
0x64: {  	[tilespmem:s3+$0x40] =	vst v0  }
0x65: {  	[tilespmem:s3+$0x30] =	vst v0  }
0x66: {  	[tilespmem:s3+$0x20] =	vst v0  }
0x67: {  	[tilespmem:s3+$0x10] =	vst v0  }
0x68: {  	[tilespmem:s3+$0x0] =	vst v0  }
0x69: {  	[tilespmem:s3+$0xFFFFFFF0] =	vst v0  }
0x6a: {  	[tilespmem:s3+$0xFFFFFFE0] =	vst v0  }
0x6b: {  	[tilespmem:s3+$0xFFFFFFD0] =	vst v0  }
0x6c: {  	[tilespmem:s3+$0xFFFFFFC0] =	vst v0  }
0x6d: {  	[tilespmem:s3+$0xFFFFFFB0] =	vst v0  }
0x6e: {  	[tilespmem:s3+$0xFFFFFFA0] =	vst v0  }
0x6f: {  	[tilespmem:s3+$0xFFFFFF90] =	vst v0  }
0x70: {  	[tilespmem:s3+$0xFFFFFF80] =	vst v0  }
0x71: {  	[tilespmem:s3+$0xFFFFFF70] =	vst v0  }
.Ltmp0:
0x72: {  	[tilespmem:s3+$0xFFFFFF60] =	vst v0;
	(pc) =	sbr.rel @p1 .LBB2_3-.Ltmp0, $4  }
0x73: {  	[tilespmem:s3+$0xFFFFFF50] =	vst v0  }
0x74: {  	[tilespmem:s3+$0xFFFFFF40] =	vst v0  }
0x75: {  	[tilespmem:s3+$0xFFFFFF30] =	vst v0  }
0x76: {  	[tilespmem:s3+$0xFFFFFF20] =	vst v0  }
0x77: {  	[tilespmem:s3+$0xFFFFFF10] =	vst v0  }
0x78: {  	_ =	swait.ge [sflag:s23], $0xC8  }
0x79: {  	[sflag:s23] =	ssyncset.done $0x0  }
0x7a: {  	[sflag:s23] =	ssyncadd.s32 $0xFFFFFF38  }
0x7b: {  	_ =	swait.ge [sflag:s23], $0xC8  }
0x7c: {  	[sflag:s23] =	ssyncset.done $0x0  }
0x7d: {  	[sflag:s23] =	ssyncadd.s32 $0xFFFFFF38  }
0x7e: {  	_ =	swait.ge [sflag:s23], $0xC8  }
0x7f: {  	[sflag:s23] =	ssyncset.done $0x0  }
0x80: {  	[sflag:s23] =	ssyncadd.s32 $0xFFFFFF38  }
0x81: {  	_ =	swait.ge [sflag:s23], $0xC8  }
0x82: {  	[sflag:s23] =	ssyncset.done $0x0  }
0x83: {  	[sflag:s23] =	ssyncadd.s32 $0xFFFFFF38  }
0x84: {  	_ =	swait.ge [sflag:s23], $0xC8  }
0x85: {  	[sflag:s23] =	ssyncset.done $0x0  }
0x86: {  	[sflag:s23] =	ssyncadd.s32 $0xFFFFFF38  }
0x87: {  	_ =	swait.ge [sflag:s23], $0xC8  }
0x88: {  	[sflag:s23] =	ssyncset.done $0x0  }
0x89: {  	[sflag:s23] =	ssyncadd.s32 $0xFFFFFF38  }
0x8a: {  	_ =	swait.ge [sflag:s23], $0xC8  }
0x8b: {  	[sflag:s23] =	ssyncset.done $0x0  }
0x8c: {  	[sflag:s23] =	ssyncadd.s32 $0xFFFFFF38  }
0x8d: {  	_ =	swait.ge [sflag:s23], $0xC8  }
0x8e: {  	[sflag:s23] =	ssyncset.done $0x0  }
0x8f: {  	[sflag:s23] =	ssyncadd.s32 $0xFFFFFF38  }
0x90: {  	_ =	swait.ge [sflag:s23], $0xC8  }
0x91: {  	[sflag:s23] =	ssyncset.done $0x0  }
0x92: {  	[sflag:s23] =	ssyncadd.s32 $0xFFFFFF38  }
0x93: {  	_ =	swait.ge [sflag:s23], $0xC8  }
0x94: {  	[sflag:s23] =	ssyncset.done $0x0  }
0x95: {  	[sflag:s23] =	ssyncadd.s32 $0xFFFFFF38  }
0x96: {  	[tilespmem:s30], [sflag:$0x3] =	stream.indirect.gather.add.f32 [hbm:s14], $0x40, s2, s24, $0xb8;
	[tilespmem:$0x73A0] =	vst v63  }
0x97: {  	s5 =	simm.s32 $0xC8  }
0x98: {  	[tilespmem:s30], [sflag:$0x3] =	stream.indirect.gather.add.f32 [hbm:s25], $0x40, s5, s24, $0xb8;
	[tilespmem:$0x73A0] =	vst v63  }
0x99: {  	s15 =	simm.s32 $0x190  }
0x9a: {  	[tilespmem:s30], [sflag:$0x3] =	stream.indirect.gather.add.f32 [hbm:s25], $0x40, s15, s24, $0xb8;
	[tilespmem:$0x73A0] =	vst v63  }
0x9b: {  	s16 =	simm.s32 $0x258  }
0x9c: {  	[tilespmem:s30], [sflag:$0x3] =	stream.indirect.gather.add.f32 [hbm:s25], $0x40, s16, s24, $0xb8;
	[tilespmem:$0x73A0] =	vst v63  }
0x9d: {  	s17 =	simm.s32 $0x320  }
0x9e: {  	[tilespmem:s30], [sflag:$0x3] =	stream.indirect.gather.add.f32 [hbm:s25], $0x40, s17, s24, $0xb8;
	[tilespmem:$0x73A0] =	vst v63  }
0x9f: {  	s18 =	simm.s32 $0x3E8  }
0xa0: {  	[tilespmem:s30], [sflag:$0x3] =	stream.indirect.gather.add.f32 [hbm:s25], $0x40, s18, s24, $0xb8;
	[tilespmem:$0x73A0] =	vst v63  }
0xa1: {  	s19 =	simm.s32 $0x4B0  }
0xa2: {  	[tilespmem:s30], [sflag:$0x3] =	stream.indirect.gather.add.f32 [hbm:s25], $0x40, s19, s24, $0xb8;
	[tilespmem:$0x73A0] =	vst v63  }
0xa3: {  	s5 =	simm.s32 $0x578  }
0xa4: {  	[tilespmem:s30], [sflag:$0x3] =	stream.indirect.gather.add.f32 [hbm:s25], $0x40, s5, s24, $0xb8;
	[tilespmem:$0x73A0] =	vst v63  }
0xa5: {  	s15 =	simm.s32 $0x640  }
0xa6: {  	[tilespmem:s30], [sflag:$0x3] =	stream.indirect.gather.add.f32 [hbm:s25], $0x40, s15, s24, $0xb8;
	[tilespmem:$0x73A0] =	vst v63  }
0xa7: {  	s16 =	simm.s32 $0x708  }
0xa8: {  	[tilespmem:s30], [sflag:$0x3] =	stream.indirect.gather.add.f32 [hbm:s25], $0x40, s16, s24, $0xb8;
	[tilespmem:$0x73A0] =	vst v63  }
0xa9: {  	_ = 	snop  }
0xaa: {  	[tilespmem:s0], [sflag:$0x3] =	stream.indirect.gather.add.f32 [hbm:s14], $0x40, s24, s31, $0xb8;
	[tilespmem:$0x73A0] =	vst v63  }
0xab: {  	s17 =	simm.s32 $0x148  }
0xac: {  	[tilespmem:s0], [sflag:$0x3] =	stream.indirect.gather.add.f32 [hbm:s25], $0x40, s17, s31, $0xb8;
	[tilespmem:$0x73A0] =	vst v63  }
0xad: {  	s18 =	simm.s32 $0x210  }
0xae: {  	[tilespmem:s0], [sflag:$0x3] =	stream.indirect.gather.add.f32 [hbm:s25], $0x40, s18, s31, $0xb8;
	[tilespmem:$0x73A0] =	vst v63  }
0xaf: {  	s19 =	simm.s32 $0x2D8  }
0xb0: {  	[tilespmem:s0], [sflag:$0x3] =	stream.indirect.gather.add.f32 [hbm:s25], $0x40, s19, s31, $0xb8;
	[tilespmem:$0x73A0] =	vst v63  }
0xb1: {  	s5 =	simm.s32 $0x3A0  }
0xb2: {  	[tilespmem:s0], [sflag:$0x3] =	stream.indirect.gather.add.f32 [hbm:s25], $0x40, s5, s31, $0xb8;
	[tilespmem:$0x73A0] =	vst v63  }
0xb3: {  	s15 =	simm.s32 $0x468  }
0xb4: {  	[tilespmem:s0], [sflag:$0x3] =	stream.indirect.gather.add.f32 [hbm:s25], $0x40, s15, s31, $0xb8;
	[tilespmem:$0x73A0] =	vst v63  }
0xb5: {  	s16 =	simm.s32 $0x530  }
0xb6: {  	[tilespmem:s0], [sflag:$0x3] =	stream.indirect.gather.add.f32 [hbm:s25], $0x40, s16, s31, $0xb8;
	[tilespmem:$0x73A0] =	vst v63  }
0xb7: {  	s17 =	simm.s32 $0x5F8  }
0xb8: {  	[tilespmem:s0], [sflag:$0x3] =	stream.indirect.gather.add.f32 [hbm:s25], $0x40, s17, s31, $0xb8;
	[tilespmem:$0x73A0] =	vst v63  }
.Ltmp1:
0xb9: {  	_ = 	snop;
	(pc) =	sbr.rel @p0 .LBB2_6-.Ltmp1, $4  }
0xba: {  	s18 =	simm.s32 $0x6C0  }
0xbb: {  	[tilespmem:s0], [sflag:$0x3] =	stream.indirect.gather.add.f32 [hbm:s25], $0x40, s18, s31, $0xb8;
	[tilespmem:$0x73A0] =	vst v63  }
0xbc: {  	s19 =	simm.s32 $0x788  }
0xbd: {  	[tilespmem:s0], [sflag:$0x3] =	stream.indirect.gather.add.f32 [hbm:s25], $0x40, s19, s31, $0xb8;
	[tilespmem:$0x73A0] =	vst v63  }
0xbe: {  	_ =	swait.ge [sflag:s26], $0x2000  }
0xbf: {  	[sflag:s26] =	ssyncset.done $0x0  }
0xc0: {  	[sflag:s26] =	ssyncadd.s32 $0xFFFFE000  }
0xc1: {  	_ =	swait.ge [sflag:s26], $0x2000  }
0xc2: {  	[sflag:s26] =	ssyncset.done $0x0  }
0xc3: {  	[sflag:s26] =	ssyncadd.s32 $0xFFFFE000  }
0xc4: {  	_ =	swait.ge [sflag:s26], $0x2000  }
0xc5: {  	[sflag:s26] =	ssyncset.done $0x0  }
0xc6: {  	[sflag:s26] =	ssyncadd.s32 $0xFFFFE000  }
0xc7: {  	_ =	swait.ge [sflag:s26], $0x2000  }
0xc8: {  	[sflag:s26] =	ssyncset.done $0x0  }
0xc9: {  	[sflag:s26] =	ssyncadd.s32 $0xFFFFE000  }
0xca: {  	_ =	swait.ge [sflag:s26], $0x2000  }
0xcb: {  	[sflag:s26] =	ssyncset.done $0x0  }
0xcc: {  	[sflag:s26] =	ssyncadd.s32 $0xFFFFE000  }
0xcd: {  	_ =	swait.ge [sflag:s26], $0x2000  }
0xce: {  	[sflag:s26] =	ssyncset.done $0x0  }
0xcf: {  	[sflag:s26] =	ssyncadd.s32 $0xFFFFE000  }
0xd0: {  	_ =	swait.ge [sflag:s26], $0x2000  }
0xd1: {  	[sflag:s26] =	ssyncset.done $0x0  }
0xd2: {  	[sflag:s26] =	ssyncadd.s32 $0xFFFFE000  }
0xd3: {  	_ =	swait.ge [sflag:s26], $0x2000  }
0xd4: {  	[sflag:s26] =	ssyncset.done $0x0  }
0xd5: {  	[sflag:s26] =	ssyncadd.s32 $0xFFFFE000  }
0xd6: {  	_ =	swait.ge [sflag:s26], $0x2000  }
0xd7: {  	[sflag:s26] =	ssyncset.done $0x0  }
0xd8: {  	[sflag:s26] =	ssyncadd.s32 $0xFFFFE000  }
0xd9: {  	_ =	swait.ge [sflag:s26], $0x2000  }
0xda: {  	[sflag:s26] =	ssyncset.done $0x0  }
0xdb: {  	[sflag:s26] =	ssyncadd.s32 $0xFFFFE000  }
0xdc: {  	_ =	swait.ge [sflag:s26], $0x1200  }
0xdd: {  	[sflag:s26] =	ssyncset.done $0x0  }
0xde: {  	[sflag:s26] =	ssyncadd.s32 $0xFFFFEE00  }
0xdf: {  	_ =	swait.ge [sflag:s26], $0x1200  }
0xe0: {  	[sflag:s26] =	ssyncset.done $0x0  }
0xe1: {  	[sflag:s26] =	ssyncadd.s32 $0xFFFFEE00  }
0xe2: {  	_ =	swait.ge [sflag:s26], $0x1200  }
0xe3: {  	[sflag:s26] =	ssyncset.done $0x0  }
0xe4: {  	[sflag:s26] =	ssyncadd.s32 $0xFFFFEE00  }
0xe5: {  	_ =	swait.ge [sflag:s26], $0x1200  }
0xe6: {  	[sflag:s26] =	ssyncset.done $0x0  }
0xe7: {  	[sflag:s26] =	ssyncadd.s32 $0xFFFFEE00  }
0xe8: {  	_ =	swait.ge [sflag:s26], $0x1200  }
0xe9: {  	[sflag:s26] =	ssyncset.done $0x0  }
0xea: {  	[sflag:s26] =	ssyncadd.s32 $0xFFFFEE00  }
0xeb: {  	_ =	swait.ge [sflag:s26], $0x1200  }
0xec: {  	[sflag:s26] =	ssyncset.done $0x0  }
0xed: {  	[sflag:s26] =	ssyncadd.s32 $0xFFFFEE00  }
0xee: {  	_ =	swait.ge [sflag:s26], $0x1200  }
0xef: {  	[sflag:s26] =	ssyncset.done $0x0  }
0xf0: {  	[sflag:s26] =	ssyncadd.s32 $0xFFFFEE00  }
0xf1: {  	_ =	swait.ge [sflag:s26], $0x1200  }
0xf2: {  	[sflag:s26] =	ssyncset.done $0x0  }
0xf3: {  	[sflag:s26] =	ssyncadd.s32 $0xFFFFEE00  }
0xf4: {  	_ =	swait.ge [sflag:s26], $0x1200  }
0xf5: {  	[sflag:s26] =	ssyncset.done $0x0  }
0xf6: {  	s3 =	rddreg [dreg:$0x12];
	[sflag:s26] =	ssyncadd.s32 $0xFFFFEE00  }
0xf7: {  	s3 =	sadd.s32 s29, s3;
	_ =	swait.ge [sflag:s26], $0x1200  }
0xf8: {  	s3 =	smul.u32 $0x3200, s3;
	[sflag:s26] =	ssyncset.done $0x0  }
0xf9: {  	[sflag:s26] =	ssyncadd.s32 $0xFFFFEE00  }
0xfa: {  	s3 =	sshrl.u32 s3, $0x3;
	s15 =	rddreg [dreg:$0x1]  }
0xfb: {  	s3 =	sadd.s32 s15, s3  }
0xfc: {  	[hbm4b:s3+s2] =	stream.linear.scatter [tilespmem:s21], [sflag:$0x6], $0x3200, $0x38;
	[tilespmem:$0x73A0] =	vst v63  }
.LBB2_6:
0xfd: {  	s3 =	smul.u32 $0x190, s28  }
0xfe: {  	s15 =	rddreg [dreg:$0xe]  }
0xff: {  	s3 =	sadd.s32 s3, s15  }
0x100: {  	s3 =	sshrl.u32 s3, $0x3  }
0x101: {  	s5 =	smov.u32 s4;
	s16 =	simm.s32 $0x7D0;
	s4 =	sadd.s32 s4, s3  }
0x102: {  	[tilespmem:s16], [sflag:$0x2] =	stream.linear.gather [hbm4b:s4+s2], $0xC8, $0x38;
	[tilespmem:$0x73A0] =	vst v63  }
0x103: {  	s16 =	rddreg [dreg:$0x13]  }
0x104: {  	s17 =	sadd.s32 s16, s3;
	s16 =	simm.s32 $0x898  }
0x105: {  	[tilespmem:s16], [sflag:$0x2] =	stream.linear.gather [hbm4b:s17+s2], $0xC8, $0x38;
	[tilespmem:$0x73A0] =	vst v63  }
0x106: {  	s18 =	sadd.s32 s7, s3;
	s17 =	simm.s32 $0x960  }
0x107: {  	[tilespmem:s17], [sflag:$0x2] =	stream.linear.gather [hbm4b:s18+s2], $0xC8, $0x38;
	[tilespmem:$0x73A0] =	vst v63  }
0x108: {  	s19 =	sadd.s32 s8, s3;
	s17 =	simm.s32 $0xA28  }
0x109: {  	[tilespmem:s17], [sflag:$0x2] =	stream.linear.gather [hbm4b:s19+s2], $0xC8, $0x38;
	[tilespmem:$0x73A0] =	vst v63  }
0x10a: {  	s4 =	sadd.s32 s9, s3;
	s18 =	simm.s32 $0xAF0  }
0x10b: {  	[tilespmem:s18], [sflag:$0x2] =	stream.linear.gather [hbm4b:s4+s2], $0xC8, $0x38;
	[tilespmem:$0x73A0] =	vst v63  }
0x10c: {  	s19 =	sadd.s32 s10, s3;
	s18 =	simm.s32 $0xBB8  }
0x10d: {  	[tilespmem:s18], [sflag:$0x2] =	stream.linear.gather [hbm4b:s19+s2], $0xC8, $0x38;
	[tilespmem:$0x73A0] =	vst v63  }
0x10e: {  	s4 =	sadd.s32 s11, s3;
	s19 =	simm.s32 $0xC80  }
0x10f: {  	[tilespmem:s19], [sflag:$0x2] =	stream.linear.gather [hbm4b:s4+s2], $0xC8, $0x38;
	[tilespmem:$0x73A0] =	vst v63  }
0x110: {  	s4 =	sadd.s32 s12, s3;
	s19 =	simm.s32 $0xD48  }
0x111: {  	[tilespmem:s19], [sflag:$0x2] =	stream.linear.gather [hbm4b:s4+s2], $0xC8, $0x38;
	[tilespmem:$0x73A0] =	vst v63  }
0x112: {  	s15 =	sadd.s32 s13, s3;
	s4 =	simm.s32 $0xE10  }
0x113: {  	[tilespmem:s4], [sflag:$0x2] =	stream.linear.gather [hbm4b:s15+s2], $0xC8, $0x38;
	[tilespmem:$0x73A0] =	vst v63  }
0x114: {  	s3 =	sadd.s32 s6, s3;
	s15 =	simm.s32 $0xED8  }
0x115: {  	[tilespmem:s15], [sflag:$0x2] =	stream.linear.gather [hbm4b:s3+s2], $0xC8, $0x38;
	[tilespmem:$0x73A0] =	vst v63  }
0x116: {  	s3 =	simm.s32 @!p0 $0x6  }
0x117: {  	_ =	swait.ge @!p0 [sflag:s3], $0x3200  }
0x118: {  	[sflag:s3] =	ssyncset.done @!p0 $0x0  }
0x119: {  	[sflag:s3] =	ssyncadd.s32 @!p0 $0xFFFFCE00;
	s3 =	simm.s32 $0x4390  }
0x11a: {  	[tilespmem:s3+$0xFFFFFE10] =	vst v0  }
0x11b: {  	[tilespmem:s3+$0x0] =	vst v0  }
0x11c: {  	[tilespmem:s3+$0xFFFFFFF0] =	vst v0  }
0x11d: {  	[tilespmem:s3+$0xFFFFFFE0] =	vst v0  }
0x11e: {  	[tilespmem:s3+$0xFFFFFFD0] =	vst v0  }
0x11f: {  	[tilespmem:s3+$0xFFFFFFC0] =	vst v0  }
0x120: {  	[tilespmem:s3+$0xFFFFFFB0] =	vst v0  }
0x121: {  	[tilespmem:s3+$0xFFFFFFA0] =	vst v0  }
0x122: {  	[tilespmem:s3+$0xFFFFFF90] =	vst v0  }
0x123: {  	[tilespmem:s3+$0xFFFFFF80] =	vst v0  }
0x124: {  	[tilespmem:s3+$0xFFFFFF70] =	vst v0  }
0x125: {  	[tilespmem:s3+$0xFFFFFF60] =	vst v0  }
0x126: {  	[tilespmem:s3+$0xFFFFFF50] =	vst v0  }
0x127: {  	[tilespmem:s3+$0xFFFFFF40] =	vst v0  }
0x128: {  	[tilespmem:s3+$0xFFFFFF30] =	vst v0  }
0x129: {  	[tilespmem:s3+$0xFFFFFF20] =	vst v0  }
0x12a: {  	[tilespmem:s3+$0xFFFFFF10] =	vst v0  }
0x12b: {  	[tilespmem:s3+$0xFFFFFF00] =	vst v0  }
0x12c: {  	[tilespmem:s3+$0xFFFFFEF0] =	vst v0  }
0x12d: {  	[tilespmem:s3+$0xFFFFFEE0] =	vst v0  }
0x12e: {  	[tilespmem:s3+$0xFFFFFED0] =	vst v0  }
0x12f: {  	[tilespmem:s3+$0xFFFFFEC0] =	vst v0  }
0x130: {  	[tilespmem:s3+$0xFFFFFEB0] =	vst v0  }
0x131: {  	[tilespmem:s3+$0xFFFFFEA0] =	vst v0  }
0x132: {  	[tilespmem:s3+$0xFFFFFE90] =	vst v0  }
0x133: {  	[tilespmem:s3+$0xFFFFFE80] =	vst v0  }
0x134: {  	[tilespmem:s3+$0xFFFFFE70] =	vst v0  }
0x135: {  	[tilespmem:s3+$0xFFFFFE60] =	vst v0  }
0x136: {  	[tilespmem:s3+$0xFFFFFE50] =	vst v0  }
0x137: {  	[tilespmem:s3+$0xFFFFFE40] =	vst v0  }
0x138: {  	s15 =	simm.s32 $0x0;
	[tilespmem:s3+$0xFFFFFE30] =	vst v0  }
.LBB2_7:
0x139: {  	s15 =	sadd.s32 $0x8, s15;
	[tilespmem:s3+$0xFFFFFE20] =	vst v0;
	s3 =	sadd.s32 $0x200, s3  }
0x13a: {  	[tilespmem:s3+$0xFFFFFE10] =	vst v0;
	p0 =	slt.u32 s15, $0xC0  }
0x13b: {  	[tilespmem:s3+$0x0] =	vst v0  }
0x13c: {  	[tilespmem:s3+$0xFFFFFFF0] =	vst v0  }
0x13d: {  	[tilespmem:s3+$0xFFFFFFE0] =	vst v0  }
0x13e: {  	[tilespmem:s3+$0xFFFFFFD0] =	vst v0  }
0x13f: {  	[tilespmem:s3+$0xFFFFFFC0] =	vst v0  }
0x140: {  	[tilespmem:s3+$0xFFFFFFB0] =	vst v0  }
0x141: {  	[tilespmem:s3+$0xFFFFFFA0] =	vst v0  }
0x142: {  	[tilespmem:s3+$0xFFFFFF90] =	vst v0  }
0x143: {  	[tilespmem:s3+$0xFFFFFF80] =	vst v0  }
0x144: {  	[tilespmem:s3+$0xFFFFFF70] =	vst v0  }
0x145: {  	[tilespmem:s3+$0xFFFFFF60] =	vst v0  }
0x146: {  	[tilespmem:s3+$0xFFFFFF50] =	vst v0  }
0x147: {  	[tilespmem:s3+$0xFFFFFF40] =	vst v0  }
0x148: {  	[tilespmem:s3+$0xFFFFFF30] =	vst v0  }
0x149: {  	[tilespmem:s3+$0xFFFFFF20] =	vst v0  }
0x14a: {  	[tilespmem:s3+$0xFFFFFF10] =	vst v0  }
0x14b: {  	[tilespmem:s3+$0xFFFFFF00] =	vst v0  }
0x14c: {  	[tilespmem:s3+$0xFFFFFEF0] =	vst v0  }
0x14d: {  	[tilespmem:s3+$0xFFFFFEE0] =	vst v0  }
0x14e: {  	[tilespmem:s3+$0xFFFFFED0] =	vst v0  }
0x14f: {  	[tilespmem:s3+$0xFFFFFEC0] =	vst v0  }
0x150: {  	[tilespmem:s3+$0xFFFFFEB0] =	vst v0  }
0x151: {  	[tilespmem:s3+$0xFFFFFEA0] =	vst v0  }
0x152: {  	[tilespmem:s3+$0xFFFFFE90] =	vst v0  }
0x153: {  	[tilespmem:s3+$0xFFFFFE80] =	vst v0  }
.Ltmp2:
0x154: {  	[tilespmem:s3+$0xFFFFFE70] =	vst v0;
	(pc) =	sbr.rel @p0 .LBB2_7-.Ltmp2, $4  }
0x155: {  	[tilespmem:s3+$0xFFFFFE60] =	vst v0  }
0x156: {  	[tilespmem:s3+$0xFFFFFE50] =	vst v0  }
0x157: {  	[tilespmem:s3+$0xFFFFFE40] =	vst v0  }
0x158: {  	[tilespmem:s3+$0xFFFFFE30] =	vst v0  }
0x159: {  	[tilespmem:s3+$0xFFFFFE20] =	vst v0  }
0x15a: {  	_ =	swait.ge [sflag:s20], $0xC8  }
0x15b: {  	[sflag:s20] =	ssyncset.done $0x0  }
0x15c: {  	[sflag:s20] =	ssyncadd.s32 $0xFFFFFF38  }
0x15d: {  	_ =	swait.ge [sflag:s20], $0xC8  }
0x15e: {  	[sflag:s20] =	ssyncset.done $0x0  }
0x15f: {  	[sflag:s20] =	ssyncadd.s32 $0xFFFFFF38  }
0x160: {  	_ =	swait.ge [sflag:s20], $0xC8  }
0x161: {  	[sflag:s20] =	ssyncset.done $0x0  }
0x162: {  	[sflag:s20] =	ssyncadd.s32 $0xFFFFFF38  }
0x163: {  	_ =	swait.ge [sflag:s20], $0xC8  }
0x164: {  	[sflag:s20] =	ssyncset.done $0x0  }
0x165: {  	[sflag:s20] =	ssyncadd.s32 $0xFFFFFF38  }
0x166: {  	_ =	swait.ge [sflag:s20], $0xC8  }
0x167: {  	[sflag:s20] =	ssyncset.done $0x0  }
0x168: {  	[sflag:s20] =	ssyncadd.s32 $0xFFFFFF38  }
0x169: {  	_ =	swait.ge [sflag:s20], $0xC8  }
0x16a: {  	[sflag:s20] =	ssyncset.done $0x0  }
0x16b: {  	[sflag:s20] =	ssyncadd.s32 $0xFFFFFF38  }
0x16c: {  	_ =	swait.ge [sflag:s20], $0xC8  }
0x16d: {  	[sflag:s20] =	ssyncset.done $0x0  }
0x16e: {  	[sflag:s20] =	ssyncadd.s32 $0xFFFFFF38  }
0x16f: {  	_ =	swait.ge [sflag:s20], $0xC8  }
0x170: {  	[sflag:s20] =	ssyncset.done $0x0  }
0x171: {  	[sflag:s20] =	ssyncadd.s32 $0xFFFFFF38  }
0x172: {  	_ =	swait.ge [sflag:s20], $0xC8  }
0x173: {  	[sflag:s20] =	ssyncset.done $0x0  }
0x174: {  	[sflag:s20] =	ssyncadd.s32 $0xFFFFFF38  }
0x175: {  	_ =	swait.ge [sflag:s20], $0xC8  }
0x176: {  	[sflag:s20] =	ssyncset.done $0x0  }
0x177: {  	s15 =	simm.s32 $0x7D0;
	[sflag:s20] =	ssyncadd.s32 $0xFFFFFF38  }
0x178: {  	[tilespmem:s21], [sflag:$0x4] =	stream.indirect.gather.add.f32 [hbm:s14], $0x40, s15, s24, $0xb8;
	[tilespmem:$0x73A0] =	vst v63  }
0x179: {  	_ = 	snop  }
0x17a: {  	[tilespmem:s21], [sflag:$0x4] =	stream.indirect.gather.add.f32 [hbm:s25], $0x40, s16, s24, $0xb8;
	[tilespmem:$0x73A0] =	vst v63  }
0x17b: {  	s16 =	simm.s32 $0x960  }
0x17c: {  	[tilespmem:s21], [sflag:$0x4] =	stream.indirect.gather.add.f32 [hbm:s25], $0x40, s16, s24, $0xb8;
	[tilespmem:$0x73A0] =	vst v63  }
0x17d: {  	_ = 	snop  }
0x17e: {  	[tilespmem:s21], [sflag:$0x4] =	stream.indirect.gather.add.f32 [hbm:s25], $0x40, s17, s24, $0xb8;
	[tilespmem:$0x73A0] =	vst v63  }
0x17f: {  	s17 =	simm.s32 $0xAF0  }
0x180: {  	[tilespmem:s21], [sflag:$0x4] =	stream.indirect.gather.add.f32 [hbm:s25], $0x40, s17, s24, $0xb8;
	[tilespmem:$0x73A0] =	vst v63  }
0x181: {  	_ = 	snop  }
0x182: {  	[tilespmem:s21], [sflag:$0x4] =	stream.indirect.gather.add.f32 [hbm:s25], $0x40, s18, s24, $0xb8;
	[tilespmem:$0x73A0] =	vst v63  }
0x183: {  	s18 =	simm.s32 $0xC80  }
0x184: {  	[tilespmem:s21], [sflag:$0x4] =	stream.indirect.gather.add.f32 [hbm:s25], $0x40, s18, s24, $0xb8;
	[tilespmem:$0x73A0] =	vst v63  }
0x185: {  	_ = 	snop  }
0x186: {  	[tilespmem:s21], [sflag:$0x4] =	stream.indirect.gather.add.f32 [hbm:s25], $0x40, s19, s24, $0xb8;
	[tilespmem:$0x73A0] =	vst v63  }
0x187: {  	s19 =	simm.s32 $0xE10  }
0x188: {  	[tilespmem:s21], [sflag:$0x4] =	stream.indirect.gather.add.f32 [hbm:s25], $0x40, s19, s24, $0xb8;
	[tilespmem:$0x73A0] =	vst v63  }
0x189: {  	s4 =	simm.s32 $0xED8  }
0x18a: {  	[tilespmem:s21], [sflag:$0x4] =	stream.indirect.gather.add.f32 [hbm:s25], $0x40, s4, s24, $0xb8;
	[tilespmem:$0x73A0] =	vst v63  }
0x18b: {  	s15 =	simm.s32 $0x850  }
0x18c: {  	[tilespmem:s22], [sflag:$0x4] =	stream.indirect.gather.add.f32 [hbm:s14], $0x40, s15, s31, $0xb8;
	[tilespmem:$0x73A0] =	vst v63  }
0x18d: {  	s16 =	simm.s32 $0x918  }
0x18e: {  	[tilespmem:s22], [sflag:$0x4] =	stream.indirect.gather.add.f32 [hbm:s25], $0x40, s16, s31, $0xb8;
	[tilespmem:$0x73A0] =	vst v63  }
0x18f: {  	s17 =	simm.s32 $0x9E0  }
0x190: {  	[tilespmem:s22], [sflag:$0x4] =	stream.indirect.gather.add.f32 [hbm:s25], $0x40, s17, s31, $0xb8;
	[tilespmem:$0x73A0] =	vst v63  }
0x191: {  	s18 =	simm.s32 $0xAA8  }
0x192: {  	[tilespmem:s22], [sflag:$0x4] =	stream.indirect.gather.add.f32 [hbm:s25], $0x40, s18, s31, $0xb8;
	[tilespmem:$0x73A0] =	vst v63  }
0x193: {  	s19 =	simm.s32 $0xB70  }
0x194: {  	[tilespmem:s22], [sflag:$0x4] =	stream.indirect.gather.add.f32 [hbm:s25], $0x40, s19, s31, $0xb8;
	[tilespmem:$0x73A0] =	vst v63  }
0x195: {  	s4 =	simm.s32 $0xC38  }
0x196: {  	[tilespmem:s22], [sflag:$0x4] =	stream.indirect.gather.add.f32 [hbm:s25], $0x40, s4, s31, $0xb8;
	[tilespmem:$0x73A0] =	vst v63  }
0x197: {  	s15 =	simm.s32 $0xD00  }
0x198: {  	[tilespmem:s22], [sflag:$0x4] =	stream.indirect.gather.add.f32 [hbm:s25], $0x40, s15, s31, $0xb8;
	[tilespmem:$0x73A0] =	vst v63  }
0x199: {  	s16 =	simm.s32 $0xDC8  }
0x19a: {  	[tilespmem:s22], [sflag:$0x4] =	stream.indirect.gather.add.f32 [hbm:s25], $0x40, s16, s31, $0xb8;
	[tilespmem:$0x73A0] =	vst v63  }
0x19b: {  	s17 =	simm.s32 $0xE90  }
0x19c: {  	[tilespmem:s22], [sflag:$0x4] =	stream.indirect.gather.add.f32 [hbm:s25], $0x40, s17, s31, $0xb8;
	[tilespmem:$0x73A0] =	vst v63  }
0x19d: {  	s18 =	simm.s32 $0xF58  }
0x19e: {  	[tilespmem:s22], [sflag:$0x4] =	stream.indirect.gather.add.f32 [hbm:s25], $0x40, s18, s31, $0xb8;
	[tilespmem:$0x73A0] =	vst v63  }
0x19f: {  	_ =	swait.ge [sflag:s1], $0x2000  }
0x1a0: {  	[sflag:s1] =	ssyncset.done $0x0  }
0x1a1: {  	[sflag:s1] =	ssyncadd.s32 $0xFFFFE000  }
0x1a2: {  	_ =	swait.ge [sflag:s1], $0x2000  }
0x1a3: {  	[sflag:s1] =	ssyncset.done $0x0  }
0x1a4: {  	[sflag:s1] =	ssyncadd.s32 $0xFFFFE000  }
0x1a5: {  	_ =	swait.ge [sflag:s1], $0x2000  }
0x1a6: {  	[sflag:s1] =	ssyncset.done $0x0  }
0x1a7: {  	[sflag:s1] =	ssyncadd.s32 $0xFFFFE000  }
0x1a8: {  	_ =	swait.ge [sflag:s1], $0x2000  }
0x1a9: {  	[sflag:s1] =	ssyncset.done $0x0  }
0x1aa: {  	[sflag:s1] =	ssyncadd.s32 $0xFFFFE000  }
0x1ab: {  	_ =	swait.ge [sflag:s1], $0x2000  }
0x1ac: {  	[sflag:s1] =	ssyncset.done $0x0  }
0x1ad: {  	[sflag:s1] =	ssyncadd.s32 $0xFFFFE000  }
0x1ae: {  	_ =	swait.ge [sflag:s1], $0x2000  }
0x1af: {  	[sflag:s1] =	ssyncset.done $0x0  }
0x1b0: {  	[sflag:s1] =	ssyncadd.s32 $0xFFFFE000  }
0x1b1: {  	_ =	swait.ge [sflag:s1], $0x2000  }
0x1b2: {  	[sflag:s1] =	ssyncset.done $0x0  }
0x1b3: {  	[sflag:s1] =	ssyncadd.s32 $0xFFFFE000  }
0x1b4: {  	_ =	swait.ge [sflag:s1], $0x2000  }
0x1b5: {  	[sflag:s1] =	ssyncset.done $0x0  }
0x1b6: {  	[sflag:s1] =	ssyncadd.s32 $0xFFFFE000  }
0x1b7: {  	_ =	swait.ge [sflag:s1], $0x2000  }
0x1b8: {  	[sflag:s1] =	ssyncset.done $0x0  }
0x1b9: {  	[sflag:s1] =	ssyncadd.s32 $0xFFFFE000  }
0x1ba: {  	_ =	swait.ge [sflag:s1], $0x2000  }
0x1bb: {  	[sflag:s1] =	ssyncset.done $0x0  }
0x1bc: {  	[sflag:s1] =	ssyncadd.s32 $0xFFFFE000  }
0x1bd: {  	_ =	swait.ge [sflag:s1], $0x1200  }
0x1be: {  	[sflag:s1] =	ssyncset.done $0x0  }
0x1bf: {  	[sflag:s1] =	ssyncadd.s32 $0xFFFFEE00  }
0x1c0: {  	_ =	swait.ge [sflag:s1], $0x1200  }
0x1c1: {  	[sflag:s1] =	ssyncset.done $0x0  }
0x1c2: {  	[sflag:s1] =	ssyncadd.s32 $0xFFFFEE00  }
0x1c3: {  	_ =	swait.ge [sflag:s1], $0x1200  }
0x1c4: {  	[sflag:s1] =	ssyncset.done $0x0  }
0x1c5: {  	[sflag:s1] =	ssyncadd.s32 $0xFFFFEE00  }
0x1c6: {  	_ =	swait.ge [sflag:s1], $0x1200  }
0x1c7: {  	[sflag:s1] =	ssyncset.done $0x0  }
0x1c8: {  	[sflag:s1] =	ssyncadd.s32 $0xFFFFEE00  }
0x1c9: {  	_ =	swait.ge [sflag:s1], $0x1200  }
0x1ca: {  	[sflag:s1] =	ssyncset.done $0x0  }
0x1cb: {  	[sflag:s1] =	ssyncadd.s32 $0xFFFFEE00  }
0x1cc: {  	_ =	swait.ge [sflag:s1], $0x1200  }
0x1cd: {  	[sflag:s1] =	ssyncset.done $0x0  }
0x1ce: {  	[sflag:s1] =	ssyncadd.s32 $0xFFFFEE00  }
0x1cf: {  	_ =	swait.ge [sflag:s1], $0x1200  }
0x1d0: {  	[sflag:s1] =	ssyncset.done $0x0  }
0x1d1: {  	[sflag:s1] =	ssyncadd.s32 $0xFFFFEE00  }
0x1d2: {  	_ =	swait.ge [sflag:s1], $0x1200  }
0x1d3: {  	[sflag:s1] =	ssyncset.done $0x0  }
0x1d4: {  	[sflag:s1] =	ssyncadd.s32 $0xFFFFEE00  }
0x1d5: {  	_ =	swait.ge [sflag:s1], $0x1200  }
0x1d6: {  	[sflag:s1] =	ssyncset.done $0x0  }
0x1d7: {  	[sflag:s1] =	ssyncadd.s32 $0xFFFFEE00  }
0x1d8: {  	s19 =	rddreg [dreg:$0xd];
	_ =	swait.ge [sflag:s1], $0x1200  }
0x1d9: {  	s3 =	sadd.s32 s19, s29;
	[sflag:s1] =	ssyncset.done $0x0  }
0x1da: {  	s3 =	smul.u32 $0x640, s3;
	[sflag:s1] =	ssyncadd.s32 $0xFFFFEE00  }
0x1db: {  	s15 =	smin.u32 s29, $0x1D;
	s4 =	rddreg [dreg:$0x1]  }
0x1dc: {  	s15 =	smul.u32 $0xC8, s15;
	s16 =	rddreg [dreg:$0xf];
	s3 =	sadd.s32 s4, s3  }
0x1dd: {  	[hbm4b:s3+s2] =	stream.linear.scatter [tilespmem:s30], [sflag:$0x5], $0x3200, $0x38;
	[tilespmem:$0x73A0] =	vst v63  }
0x1de: {  	s3 =	sadd.s32 s15, s16  }
0x1df: {  	s3 =	sshrl.u32 s3, $0x3  }
0x1e0: {  	s18 =	rddreg [dreg:$0x13];
	s17 =	sadd.s32 s5, s3  }
0x1e1: {  	[tilespmem:s2], [sflag:$0x1] =	stream.linear.gather [hbm4b:s17+s2], $0xC8, $0x38;
	[tilespmem:$0x73A0] =	vst v63  }
0x1e2: {  	s4 =	smov.u32 s5;
	s19 =	sadd.s32 s18, s3;
	s5 =	simm.s32 $0xC8  }
0x1e3: {  	[tilespmem:s5], [sflag:$0x1] =	stream.linear.gather [hbm4b:s19+s2], $0xC8, $0x38;
	[tilespmem:$0x73A0] =	vst v63  }
0x1e4: {  	s16 =	sadd.s32 s7, s3;
	s17 =	simm.s32 $0x190  }
0x1e5: {  	[tilespmem:s17], [sflag:$0x1] =	stream.linear.gather [hbm4b:s16+s2], $0xC8, $0x38;
	[tilespmem:$0x73A0] =	vst v63  }
0x1e6: {  	s18 =	sadd.s32 s8, s3;
	s19 =	simm.s32 $0x258  }
0x1e7: {  	[tilespmem:s19], [sflag:$0x1] =	stream.linear.gather [hbm4b:s18+s2], $0xC8, $0x38;
	[tilespmem:$0x73A0] =	vst v63  }
0x1e8: {  	s5 =	sadd.s32 s9, s3;
	s16 =	simm.s32 $0x320  }
0x1e9: {  	[tilespmem:s16], [sflag:$0x1] =	stream.linear.gather [hbm4b:s5+s2], $0xC8, $0x38;
	[tilespmem:$0x73A0] =	vst v63  }
0x1ea: {  	s17 =	sadd.s32 s10, s3;
	s18 =	simm.s32 $0x3E8  }
0x1eb: {  	[tilespmem:s18], [sflag:$0x1] =	stream.linear.gather [hbm4b:s17+s2], $0xC8, $0x38;
	[tilespmem:$0x73A0] =	vst v63  }
0x1ec: {  	s28 =	sadd.s32 $0x1, s28;
	s19 =	sadd.s32 s11, s3;
	s5 =	simm.s32 $0x4B0  }
0x1ed: {  	[tilespmem:s5], [sflag:$0x1] =	stream.linear.gather [hbm4b:s19+s2], $0xC8, $0x38;
	[tilespmem:$0x73A0] =	vst v63  }
0x1ee: {  	p0 =	sne.s32 s28, $0x10;
	s16 =	sadd.s32 s12, s3;
	s17 =	simm.s32 $0x578  }
0x1ef: {  	[tilespmem:s17], [sflag:$0x1] =	stream.linear.gather [hbm4b:s16+s2], $0xC8, $0x38;
	[tilespmem:$0x73A0] =	vst v63  }
.Ltmp3:
0x1f0: {  	_ = 	snop;
	(pc) =	sbr.rel @p0 .LBB2_2-.Ltmp3, $4  }
0x1f1: {  	s18 =	sadd.s32 s13, s3;
	s19 =	simm.s32 $0x640  }
0x1f2: {  	[tilespmem:s19], [sflag:$0x1] =	stream.linear.gather [hbm4b:s18+s2], $0xC8, $0x38;
	[tilespmem:$0x73A0] =	vst v63  }
0x1f3: {  	s29 =	simm.s32 $0x708;
	s3 =	sadd.s32 s6, s3  }
0x1f4: {  	[tilespmem:s29], [sflag:$0x1] =	stream.linear.gather [hbm4b:s3+s2], $0xC8, $0x38;
	[tilespmem:$0x73A0] =	vst v63  }
0x1f5: {  	_ =	swait.ge [sflag:s26], $0x2000  }
0x1f6: {  	[sflag:s26] =	ssyncset.done $0x0  }
0x1f7: {  	[sflag:s26] =	ssyncadd.s32 $0xFFFFE000  }
0x1f8: {  	_ =	swait.ge [sflag:s26], $0x2000  }
0x1f9: {  	[sflag:s26] =	ssyncset.done $0x0  }
0x1fa: {  	[sflag:s26] =	ssyncadd.s32 $0xFFFFE000  }
0x1fb: {  	_ =	swait.ge [sflag:s26], $0x2000  }
0x1fc: {  	[sflag:s26] =	ssyncset.done $0x0  }
0x1fd: {  	[sflag:s26] =	ssyncadd.s32 $0xFFFFE000  }
0x1fe: {  	_ =	swait.ge [sflag:s26], $0x2000  }
0x1ff: {  	[sflag:s26] =	ssyncset.done $0x0  }
0x200: {  	[sflag:s26] =	ssyncadd.s32 $0xFFFFE000  }
0x201: {  	_ =	swait.ge [sflag:s26], $0x2000  }
0x202: {  	[sflag:s26] =	ssyncset.done $0x0  }
0x203: {  	[sflag:s26] =	ssyncadd.s32 $0xFFFFE000  }
0x204: {  	_ =	swait.ge [sflag:s26], $0x2000  }
0x205: {  	[sflag:s26] =	ssyncset.done $0x0  }
0x206: {  	[sflag:s26] =	ssyncadd.s32 $0xFFFFE000  }
0x207: {  	_ =	swait.ge [sflag:s26], $0x2000  }
0x208: {  	[sflag:s26] =	ssyncset.done $0x0  }
0x209: {  	[sflag:s26] =	ssyncadd.s32 $0xFFFFE000  }
0x20a: {  	_ =	swait.ge [sflag:s26], $0x2000  }
0x20b: {  	[sflag:s26] =	ssyncset.done $0x0  }
0x20c: {  	[sflag:s26] =	ssyncadd.s32 $0xFFFFE000  }
0x20d: {  	_ =	swait.ge [sflag:s26], $0x2000  }
0x20e: {  	[sflag:s26] =	ssyncset.done $0x0  }
0x20f: {  	[sflag:s26] =	ssyncadd.s32 $0xFFFFE000  }
0x210: {  	_ =	swait.ge [sflag:s26], $0x2000  }
0x211: {  	[sflag:s26] =	ssyncset.done $0x0  }
0x212: {  	[sflag:s26] =	ssyncadd.s32 $0xFFFFE000  }
0x213: {  	_ =	swait.ge [sflag:s26], $0x1200  }
0x214: {  	[sflag:s26] =	ssyncset.done $0x0  }
0x215: {  	[sflag:s26] =	ssyncadd.s32 $0xFFFFEE00  }
0x216: {  	_ =	swait.ge [sflag:s26], $0x1200  }
0x217: {  	[sflag:s26] =	ssyncset.done $0x0  }
0x218: {  	[sflag:s26] =	ssyncadd.s32 $0xFFFFEE00  }
0x219: {  	_ =	swait.ge [sflag:s26], $0x1200  }
0x21a: {  	[sflag:s26] =	ssyncset.done $0x0  }
0x21b: {  	[sflag:s26] =	ssyncadd.s32 $0xFFFFEE00  }
0x21c: {  	_ =	swait.ge [sflag:s26], $0x1200  }
0x21d: {  	[sflag:s26] =	ssyncset.done $0x0  }
0x21e: {  	[sflag:s26] =	ssyncadd.s32 $0xFFFFEE00  }
0x21f: {  	_ =	swait.ge [sflag:s26], $0x1200  }
0x220: {  	[sflag:s26] =	ssyncset.done $0x0  }
0x221: {  	[sflag:s26] =	ssyncadd.s32 $0xFFFFEE00  }
0x222: {  	_ =	swait.ge [sflag:s26], $0x1200  }
0x223: {  	[sflag:s26] =	ssyncset.done $0x0  }
0x224: {  	[sflag:s26] =	ssyncadd.s32 $0xFFFFEE00  }
0x225: {  	_ =	swait.ge [sflag:s26], $0x1200  }
0x226: {  	[sflag:s26] =	ssyncset.done $0x0  }
0x227: {  	[sflag:s26] =	ssyncadd.s32 $0xFFFFEE00  }
0x228: {  	_ =	swait.ge [sflag:s26], $0x1200  }
0x229: {  	[sflag:s26] =	ssyncset.done $0x0  }
0x22a: {  	[sflag:s26] =	ssyncadd.s32 $0xFFFFEE00  }
0x22b: {  	_ =	swait.ge [sflag:s26], $0x1200  }
0x22c: {  	[sflag:s26] =	ssyncset.done $0x0  }
0x22d: {  	[sflag:s26] =	ssyncadd.s32 $0xFFFFEE00  }
0x22e: {  	_ =	swait.ge [sflag:s26], $0x1200  }
0x22f: {  	[sflag:s26] =	ssyncset.done $0x0  }
0x230: {  	s3 =	rddreg [dreg:$0x10];
	[sflag:s26] =	ssyncadd.s32 $0xFFFFEE00  }
0x231: {  	[hbm4b:s3+s2] =	stream.linear.scatter [tilespmem:s21], [sflag:$0x6], $0x3200, $0x38;
	[tilespmem:$0x73A0] =	vst v63  }
0x232: {  	_ =	swait.ge [sflag:s23], $0xC8  }
0x233: {  	[sflag:s23] =	ssyncset.done $0x0  }
0x234: {  	[sflag:s23] =	ssyncadd.s32 $0xFFFFFF38  }
0x235: {  	_ =	swait.ge [sflag:s23], $0xC8  }
0x236: {  	[sflag:s23] =	ssyncset.done $0x0  }
0x237: {  	[sflag:s23] =	ssyncadd.s32 $0xFFFFFF38  }
0x238: {  	_ =	swait.ge [sflag:s23], $0xC8  }
0x239: {  	[sflag:s23] =	ssyncset.done $0x0  }
0x23a: {  	[sflag:s23] =	ssyncadd.s32 $0xFFFFFF38  }
0x23b: {  	_ =	swait.ge [sflag:s23], $0xC8  }
0x23c: {  	[sflag:s23] =	ssyncset.done $0x0  }
0x23d: {  	[sflag:s23] =	ssyncadd.s32 $0xFFFFFF38  }
0x23e: {  	_ =	swait.ge [sflag:s23], $0xC8  }
0x23f: {  	[sflag:s23] =	ssyncset.done $0x0  }
0x240: {  	[sflag:s23] =	ssyncadd.s32 $0xFFFFFF38  }
0x241: {  	_ =	swait.ge [sflag:s23], $0xC8  }
0x242: {  	[sflag:s23] =	ssyncset.done $0x0  }
0x243: {  	[sflag:s23] =	ssyncadd.s32 $0xFFFFFF38  }
0x244: {  	_ =	swait.ge [sflag:s23], $0xC8  }
0x245: {  	[sflag:s23] =	ssyncset.done $0x0  }
0x246: {  	[sflag:s23] =	ssyncadd.s32 $0xFFFFFF38  }
0x247: {  	_ =	swait.ge [sflag:s23], $0xC8  }
0x248: {  	[sflag:s23] =	ssyncset.done $0x0  }
0x249: {  	[sflag:s23] =	ssyncadd.s32 $0xFFFFFF38  }
0x24a: {  	_ =	swait.ge [sflag:s23], $0xC8  }
0x24b: {  	[sflag:s23] =	ssyncset.done $0x0  }
0x24c: {  	[sflag:s23] =	ssyncadd.s32 $0xFFFFFF38  }
0x24d: {  	_ =	swait.ge [sflag:s23], $0xC8  }
0x24e: {  	[sflag:s23] =	ssyncset.done $0x0  }
0x24f: {  	s28 =	simm.s32 $0x5;
	[sflag:s23] =	ssyncadd.s32 $0xFFFFFF38  }
0x250: {  	_ =	swait.ge [sflag:s28], $0x3200  }
0x251: {  	[sflag:s28] =	ssyncset.done $0x0  }
0x252: {  	s5 =	simm.s32 $0x6;
	[sflag:s28] =	ssyncadd.s32 $0xFFFFCE00  }
0x253: {  	_ =	swait.ge [sflag:s5], $0x3200  }
0x254: {  	s15 =	rddreg [dreg:$0x14]  }
0x255: {  	s29 =	rddreg [dreg:$0x11];
	s15 =	sadd.s32 $0x1, s15  }
0x256: {  	p0 =	sne.s32 s15, s29  }
.Ltmp4:
0x257: {  	_ = 	snop;
	(pc) =	sbr.rel @p0 .LBB2_1-.Ltmp4, $3  }
0x258: {  	_ =	sdelay $0x1  }
0x259: {  	[sflag:s5] =	ssyncset.done $0x0  }
0x25a: {  	[sflag:s5] =	ssyncadd.s32 $0xFFFFCE00  }
0x25b: {  	_ =	sfence.sel $0x180000  }
0x25c: {  	[bflag:$0x0] =	sbarrier.arrive $0xFFFF  }
0x25d: {  	_ =	strace $0x90000047  }
0x25e: {  	s0 =	stileid.u32;
	[bflag:$0x2] =	sbarrier.arrive $0xFFFF  }
0x25f: {  	p0 =	sne.s32 s0, $0x0;
	s0 =	rddreg [dreg:$0x2]  }
0x260: {  	s0 =	sadd.s32 @!p0 $0x100000, s0  }
0x261: {  	[sflag:s0] =	ssyncadd.tile.s32 @!p0 $0x1;
	_ =	shalt  }
.Lfunc_end2:
_tile_overlayer_lowered:
.L_overlay_start_2:
0x262: {  	(tag) =	ssettag $0x2  }
0x263: {  	s0 =	rddreg [dreg:$0x0];
	s2 =	stileid.u32  }
0x264: {  	s1 =	rddreg [dreg:$0x1];
	p0 =	sne.s32 s2, $0x0  }
0x265: {  	s3 =	rddreg [dreg:$0x2];
	[bflag:$0x3] =	sbarrier.arrive $0xFFFF;
	s2 =	simm.s32 @!p0 $0x1C07  }
0x266: {  	[timem:s3], [sflag:s2] =	dma.local @!p0 [hbm:s0], s1  }
0x267: {  	s0 =	simm.s32 @!p0 $0x7  }
0x268: {  	_ =	swait.ge @!p0 [sflag:s0], s1  }
0x269: {  	s1 =	ssub.s32 @!p0 $0x0, s1;
	[sflag:s0] =	ssyncset.done @!p0 $0x0  }
0x26a: {  	[sflag:s0] =	ssyncadd.s32 @!p0 s1  }
0x26b: {  	[bflag:$0x3] =	sbarrier.arrive $0xFFFF  }
0x26c: {  	_ =	shalt  }

// kernel: sparse-core-data-format-call.cloned.1.call-start
scs
called_computation_lowered:
.L_overlay_start_0:
0x0: {  	s2 =	sld [smem:$0x3FD9]  }
0x1: {  	s3 =	sld [smem:$0x3FFE];
	_ =	sdelay $0x1  }
0x2: {  	s1 =	srdreg.scid  }
0x3: {  	s0 =	sand.u32 $0x1, s1  }
0x4: {  	s18 =	sshll.u32 s0, $0xA;
	s2 =	sadd.s32 s3, s2  }
0x5: {  	s2 =	sadd.s32 s2, s18  }
0x6: {  	[smem:$0x3FB2] =	sst s2  }
0x7: {  	_ = 	snop  }
0x8: {  	s2 =	sld [smem:$0x3FD0];
	(tm) =	ssettm $0x1  }
0x9: {  	s19 =	sld [smem:$0x3FFB];
	_ =	sdelay $0x3  }
0xa: {  	_ =	strace s19  }
0xb: {  	s3 =	sld [smem:$0x3FFC];
	_ =	sdelay $0x3  }
0xc: {  	_ =	strace s3  }
0xd: {  	s3 =	sld [smem:$0x3FFD];
	_ =	sdelay $0x3  }
0xe: {  	_ =	strace s3  }
0xf: {  	_ =	strace $0x8FFFFFFF  }
0x10: {  	s20 =	sld [smem:$0x3FDB];
	_ =	sdelay $0x1  }
0x11: {  	s4 =	simm.s32 $_scs_section_size  }
0x12: {  	s5 =	simm.s32 $_size__tile_overlayer_lowered;
	s6 =	simm.s32 $_tile_overlayer_lowered  }
0x13: {  	s23 =	simm.s32 $0x1BFF;
	s22 =	sshll.u32 s6, $0x1;
	s3 =	sadd.s32 s4, s20  }
0x14: {  	s7 =	simm.s32 $0x0;
	s21 =	sshll.u32 s5, $0x1;
	s5 =	sadd.s32 s22, s3  }
0x15: {  	[timem:s7], [sflag:s23] =	dma.local [hbm:s5], s21  }
0x16: {  	_ =	swait.ge [sflag:s23], s21  }
0x17: {  	s4 =	ssub.s32 $0x0, s21;
	[sflag:s23] =	ssyncset.done $0x0  }
0x18: {  	[sflag:s23] =	ssyncadd.s32 s4;
	_ =	sdelay $0x1  }
0x19: {  	s24 =	simm.s32 $0x1B8B  }
0x1a: {  	_ =	swait.ge [sflag:s24], $0x1  }
0x1b: {  	[sflag:s24] =	ssyncset.done $0x0  }
0x1c: {  	s26 =	simm.s32 $0x1B8E;
	s25 =	sld [smem:$0x3FFE];
	[sflag:s24] =	ssyncadd.s32 $0xFFFFFFFF  }
0x1d: {  	s27 =	simm.s32 $execute0_lowered;
	[smem:$0x3FD2] =	sst s26  }
0x1e: {  	s5 =	sshll.u32 s27, $0x1;
	_ =	strace $0x80000049;
	[dreg:$0x1] =	wrdreg $0xFFFFFFFF  }
0x1f: {  	s28 =	simm.s32 $_size_execute0_lowered;
	s3 =	sadd.s32 s3, s5;
	[dreg:$0x0] =	wrdreg $0x0  }
0x20: {  	s5 =	sshll.u32 s28, $0x1;
	[dreg:$0x2] =	wrdreg s3  }
0x21: {  	[dreg:$0x3] =	wrdreg s5  }
0x22: {  	[dreg:$0x4] =	wrdreg $0xC0  }
0x23: {  	_ =	task [dreg:s7], $0x5FFFF  }
0x24: {  	[dreg:$0x1] =	wrdreg $0xFFFFFFFF  }
0x25: {  	[dreg:$0x0] =	wrdreg $0x60  }
0x26: {  	[dreg:$0x2] =	wrdreg s25  }
0x27: {  	[dreg:$0x3] =	wrdreg s2  }
0x28: {  	[dreg:$0x4] =	wrdreg $0x9  }
0x29: {  	_ =	task.clear_ibuf [dreg:s7], $0x5FFFF;
	_ =	strace $0x90000049  }
0x2a: {  	s29 =	simm.s32 $0x9;
	_ =	strace $0x8000004B  }
0x2b: {  	_ =	swait.ge [sflag:s29], $0x1  }
0x2c: {  	[sflag:s29] =	ssyncadd.s32 $0xFFFFFFFF  }
0x2d: {  	_ =	strace $0x9000004B  }
0x2e: {  	_ =	sfence  }
0x2f: {  	s30 =	sld [smem:$0x0];
	_ =	sdelay $0x2  }
0x30: {  	s31 =	sshll.u32 s1, $0xD;
	s1 =	sshrl.u32 s1, $0x2  }
0x31: {  	s3 =	sand.u32 $0x4000, s31;
	s1 =	sadd.s32 s1, s30  }
0x32: {  	s0 =	sor.u32 s3, s0;
	s1 =	sshll.u32 s1, $0x11  }
0x33: {  	s0 =	sor.u32 s1, s0  }
0x34: {  	s0 =	sadd.s32 $0x8F2B, s0  }
0x35: {  	[sflag:s0] =	ssyncadd.remote.s32 $0x1  }
0x36: {  	_ =	sfence.sel $0xFFFF  }
0x37: {  	[dreg:$0x0] =	wrdreg $0xFFFFFFFF;
	(pc) =	sbr.abs _section_cstart, $3  }
0x38: {  	[dreg:$0x1] =	wrdreg $0xFFFFFFFF  }
0x39: {  	_ =	task.clear_ibuf [dreg:s7], $0x2FFFF;
	_ =	strace $0x9FFFFFFF  }
0x3a: {  	(tm) =	ssettm $0x7FFFFFFF  }
0x3b: {  	_ =	shalt  }
tec
execute0_lowered:
.L_overlay_start_1:
0x0: {  	(tag) =	ssettag $0x1  }
0x1: {  	s0 =	stileid.u32;
	s6 =	rddreg [dreg:$0x0]  }
0x2: {  	s2 =	rddreg [dreg:$0x1];
	s5 =	srdreg.scid  }
0x3: {  	s31 =	simm.s32 $0x2;
	s13 =	simm.s32 $0x0;
	s1 =	sshll.u32 s0, $0x7  }
0x4: {  	s14 =	simm.s32 $0x0;
	s12 =	simm.s32 $0x0;
	s3 =	sand.u32 $0x380, s1  }
0x5: {  	s5 =	sshll.u32 s5, $0x4;
	s6 =	sadd.s32 $0x2C00, s6;
	s4 =	ssub.s32 $0x400, s3  }
0x6: {  	s1 =	rddreg [dreg:$0x2];
	_ =	strace $0x8000004A;
	s7 =	sand.u32 $0x380, s4  }
0x7: {  	s5 =	sand.u32 $0x10, s5;
	p0 =	sne.s32 s7, $0x0;
	s7 =	simm.s32 $0x1  }
.Ltmp0:
0x8: {  	s8 =	sshrl.u32 s4, $0xA;
	s7 =	simm.s32 @!p0 $0x0;
	(pc) =	sbr.rel .LBB1_1-.Ltmp0, $4  }
0x9: {  	s9 =	sor.u32 s0, s5;
	s4 =	simm.s32 $0x1;
	s30 =	sadd.s32 s7, s8  }
0xa: {  	s11 =	smov.u32 s3;
	[sflag:s4] =	ssyncpa.u1 $0x0;
	s5 =	smul.u32 $0x32, s30  }
0xb: {  	[sflag:s31] =	ssyncpa.u1 $0x0;
	p0 =	por $0x0, $0x0;
	s7 =	sshrl.u32 s9, $0x3  }
0xc: {  	s9 =	simm.s32 $0x2000;
	s10 =	smov.u32 s7;
	s8 =	sor.u32 $0x1, s5  }
.LBB1_4:
0xd: {  	s17 =	sand.u32 $0x1F80, s14;
	s13 =	sshll.u32 s13, $0xD  }
0xe: {  	[tilespmem:s16+$0x810 ss:$0x81] =	vst.msk $0xffff, v2;
	s18 =	sshrl.u32 s14, $0x3;
	s31 =	sand.u32 $0x7, s14;
	s17 =	sadd.s32 s2, s17  }
0xf: {  	[tilespmem:s16+$0x1020 ss:$0x81] =	vst.msk $0xffff, v0;
	s18 =	sand.u32 $0xF, s18;
	s14 =	sshll.u32 s31, $0x12;
	s13 =	sadd.s32 s13, s17  }
0x10: {  	[tilespmem:s16+$0x0 ss:$0x81] =	vst.msk $0xffff, v1;
	s14 =	sor.u32 $0x400, s14;
	s13 =	sadd.s32 s18, s13  }
0x11: {  	[hbm4b:s13+s14] =	stream.strided.scatter [tilespmem:s15], [sflag:$0x2], $0x2000, s9, s14, $0x20;
	[tilespmem:$0x8080] =	vst v63  }
.LBB1_5:
0x12: {  	s15 =	sadd.s32 $0x4, s10  }
0x13: {  	s13 =	sadd.s32 $0x400, s11;
	s17 =	smov.u32 s11;
	p2 =	sgt.s32 s15, $0xC7  }
0x14: {  	s17 =	smov.u32 @p2 s13  }
0x15: {  	s15 =	smov.u32 @p2 s7;
	p2 =	sgt.s32 s17, $0x3FF  }
0x16: {  	s17 =	smov.u32 @p2 s3;
	p2 =	sne.s32 s12, s8  }
.Ltmp1:
0x17: {  	p1 =	slt.u32 s12, $0x2;
	(pc) =	sbr.rel @!p2 .LBB1_6-.Ltmp1, $4  }
0x18: {  	s16 =	simm.s32 @!p1 $0x2  }
0x19: {  	s14 =	smov.u32 s11;
	p0 =	por !p0, !p0;
	_ =	swait.ge @!p1 [sflag:s16], $0x2000  }
0x1a: {  	s13 =	smov.u32 s10;
	[sflag:s16] =	ssyncset.done @!p1 $0x0;
	s10 =	smov.u32 s15  }
0x1b: {  	s12 =	sadd.s32 $0x1, s12;
	[sflag:s16] =	ssyncadd.s32 @!p1 $0xFFFFE000;
	s11 =	smov.u32 s17  }
.LBB1_1:
0x1c: {  	p1 =	sge.u32 s12, s5  }
0x1d: {  	s15 =	sand.u32 @!p1 $0x1FFFFFF, s10  }
0x1e: {  	s16 =	smulhi.u32 @!p1 $0x147AE15, s15;
	_ =	sdelay $0x1  }
0x1f: {  	s16 =	smul.u32 @!p1 $0xC8, s16  }
0x20: {  	s17 =	sxor.u32 @!p1 $0xFFFFFFFF, s12;
	s18 =	smul.u32 @!p1 $0xC80, s11  }
0x21: {  	s31 =	sadd.s32 $0xFFFFFFFF, s12;
	s17 =	sshll.u32 @!p1 s17, $0xD;
	s15 =	ssub.s32 @!p1 s15, s16  }
0x22: {  	s16 =	sand.u32 @!p1 $0x2000, s17;
	s17 =	sadd.s32 @!p1 s6, s18;
	s15 =	sshll.u32 @!p1 s15, $0x4  }
0x23: {  	s18 =	simm.s32 @!p1 $0x6400;
	s15 =	sadd.s32 @!p1 s15, s17;
	s17 =	simm.s32 @!p1 $0x40  }
0x24: {  	[tilespmem:s16], [sflag:$0x1] =	stream.strided.gather @!p1 [hbm4b:s15+s17], $0x2000, s18, s17, $0x38;
	[tilespmem:$0x8080] =	vst v63  }
0x25: {  	p1 =	sge.u32 s31, s5  }
.Ltmp2:
0x26: {  	_ = 	snop;
	(pc) =	sbr.rel @p1 .LBB1_5-.Ltmp2, $1  }
0x27: {  	_ =	sdelay $0x3  }
0x28: {  	s15 =	simm.s32 $0x1  }
0x29: {  	_ =	swait.ge [sflag:s4], $0x2000;
	s15 =	simm.s32 @!p0 $0x0  }
0x2a: {  	[sflag:s4] =	ssyncset.done $0x0;
	s16 =	sshll.u32 s15, $0xD  }
0x2b: {  	[sflag:s4] =	ssyncadd.s32 $0xFFFFE000;
	s19 =	sor.u32 $0x20, s16  }
0x2c: {  	s15 =	smul.u32 $0x8100, s15;
	v3 =	vld [tilespmem:s19+$0x10]  }
0x2d: {  	s30 =	sand.u32 $0x1, s12;
	v2 =	vld [tilespmem:s19+$0xFFFFFFF0]  }
0x2e: {  	s16 =	smul.u32 $0x8100, s30;
	s15 =	sshrl.u32 s15, $0x2;
	v0 =	vld [tilespmem:s19+$0x0]  }
0x2f: {  	v1 =	vld [tilespmem:s19+$0xFFFFFFE0];
	s17 =	sor.u32 $0x4000, s15  }
0x30: {  	s31 =	sshrl.u32 s16, $0x2;
	s16 =	sadd.s32 $0x0, s17  }
0x31: {  	s18 =	simm.s32 $0x4;
	s19 =	sadd.s32 $0x40, s19;
	s15 =	sor.u32 $0x4000, s31;
	[tilespmem:s16+$0x1830 ss:$0x81] =	vst.msk $0xffff, v3  }
.LBB1_3:
0x32: {  	v3 =	vld [tilespmem:s19+$0x10];
	p1 =	sne.s32 s18, $0x1FC;
	[tilespmem:s16+$0x810 ss:$0x81] =	vst.msk $0xffff, v2;
	s20 =	smov.u32 s18;
	s18 =	sadd.s32 $0x4, s18  }
.Ltmp3:
0x33: {  	v2 =	vld [tilespmem:s19+$0xFFFFFFF0];
	[tilespmem:s16+$0x1020 ss:$0x81] =	vst.msk $0xffff, v0;
	(pc) =	sbr.rel @p1 .LBB1_3-.Ltmp3, $4  }
0x34: {  	v0 =	vld [tilespmem:s19+$0x0];
	[tilespmem:s16+$0x0 ss:$0x81] =	vst.msk $0xffff, v1  }
0x35: {  	s16 =	sshra.s32 s20, $0x2;
	v1 =	vld [tilespmem:s19+$0xFFFFFFE0]  }
0x36: {  	s16 =	sadd.s32 s16, s17  }
0x37: {  	s19 =	sadd.s32 $0x40, s19;
	[tilespmem:s16+$0x1830 ss:$0x81] =	vst.msk $0xffff, v3  }
.Ltmp4:
0x38: {  	_ = 	snop;
	(pc) =	sbr.rel .LBB1_4-.Ltmp4, $1  }
0x39: {  	_ =	sdelay $0x3  }
.LBB1_6:
0x3a: {  	_ =	sfence.sel $0x180000  }
0x3b: {  	s2 =	simm.s32 $0x1;
	[bflag:$0x0] =	sbarrier.arrive $0xFFFF  }
0x3c: {  	s31 =	simm.s32 $0x2;
	[sflag:s2] =	ssyncpa.u1 $0x1  }
0x3d: {  	[sflag:s31] =	ssyncpa.u1 $0x1  }
0x3e: {  	p0 =	sne.s32 s0, $0x0;
	_ =	strace $0x9000004A  }
0x3f: {  	s0 =	sadd.s32 @!p0 $0x100000, s1;
	[bflag:$0x2] =	sbarrier.arrive $0xFFFF  }
0x40: {  	[sflag:s0] =	ssyncadd.tile.s32 @!p0 $0x1;
	_ =	shalt  }
.Lfunc_end1:
_tile_overlayer_lowered:
.L_overlay_start_2:
0x41: {  	(tag) =	ssettag $0x2  }
0x42: {  	s0 =	rddreg [dreg:$0x0];
	s2 =	stileid.u32  }
0x43: {  	s1 =	rddreg [dreg:$0x1];
	p0 =	sne.s32 s2, $0x0  }
0x44: {  	s3 =	rddreg [dreg:$0x2];
	[bflag:$0x3] =	sbarrier.arrive $0xFFFF;
	s2 =	simm.s32 @!p0 $0x1C01  }
0x45: {  	[timem:s3], [sflag:s2] =	dma.local @!p0 [hbm:s0], s1  }
0x46: {  	s0 =	simm.s32 @!p0 $0x1  }
0x47: {  	_ =	swait.ge @!p0 [sflag:s0], s1  }
0x48: {  	s1 =	ssub.s32 @!p0 $0x0, s1;
	[sflag:s0] =	ssyncset.done @!p0 $0x0  }
0x49: {  	[sflag:s0] =	ssyncadd.s32 @!p0 s1  }
0x4a: {  	[bflag:$0x3] =	sbarrier.arrive $0xFFFF  }
0x4b: {  	_ =	shalt  }

</sc_bundles>
